<compile_context>
chip_gen: v7x
topology: tpu7x:2x2x1
jax: 0.10.2.dev20260603
libtpu: 0.0.44.dev20260713+nightly
codegen_flags: <defaults>
</compile_context>

<pallas_src>
import functools

import jax
import jax.numpy as jnp
from jax import lax
from jax.experimental import pallas as pl
from jax.experimental.pallas import tpu as pltpu
from jax.experimental.pallas import tpu_sc as plsc

NC = 2
NS = 16
NW = NC * NS
LANES = 16
VSIZE = 32768


def _mesh():
    return plsc.VectorSubcoreMesh(
        core_axis_name="c", subcore_axis_name="s",
        num_cores=NC, num_subcores=NS)


def _make_fused_kernel(L, D, P):
    nchunk = L // LANES
    b_per_w = L // NW
    K = 8
    nsub = b_per_w // K
    NR = 6
    NE = 4

    @functools.partial(
        pl.kernel,
        out_type=jax.ShapeDtypeStruct((L, D), jnp.float32),
        mesh=_mesh(),
        scratch_types=[
            pltpu.VMEM((VSIZE,), jnp.int32),
            pltpu.VMEM((L,), jnp.int32),
            pltpu.VMEM((L,), jnp.int32),
            pltpu.VMEM((L,), jnp.int32),
            pltpu.VMEM((L // NS,), jnp.int32),
            pltpu.VMEM((LANES,), jnp.int32),
            pltpu.VMEM((b_per_w,), jnp.int32),
            pltpu.VMEM((NR, K, D), jnp.float32),
            pltpu.VMEM((NE, K, D), jnp.float32),
            pltpu.VMEM_SHARED((L,), jnp.int32),
            pltpu.VMEM_SHARED((L,), jnp.int32),
            pltpu.SemaphoreType.DMA,
            pltpu.SemaphoreType.DMA,
            pltpu.SemaphoreType.DMA,
        ],
        compiler_params=pltpu.CompilerParams(needs_layout_passes=False),
    )
    def fused(tok_hbm, emb_hbm, pe_hbm, out_hbm,
              table, tok_v, pos_v, firstv_v, fbuf, shuf, idx_v,
              rows_v, emb_v, firstv_sh, pos_sh, gsem, esem, osem):
        sid = lax.axis_index("s")
        cid = lax.axis_index("c")
        wid = sid * NC + cid
        base = wid * b_per_w
        CPT = nchunk // NS
        TPT = CPT * LANES

        ce = [None] * nsub

        def issue_emb(j):
            ce[j] = pltpu.async_copy(
                emb_hbm.at[pl.ds(base + j * K, K)], emb_v.at[j % NE], esem)

        for j in range(min(NE, nsub)):
            issue_emb(j)

        lane = lax.iota(jnp.int32, LANES)
        prev = jnp.maximum(lane - 1, 0)
        tstart = sid * TPT

        @pl.when(sid == 0)
        def _():
            pltpu.sync_copy(tok_hbm, tok_v)

        @pl.when(sid != 0)
        def _():
            pltpu.sync_copy(tok_hbm.at[pl.ds(tstart, TPT)],
                            tok_v.at[pl.ds(tstart, TPT)])

        def dedup_body(k, _):
            t = tok_v[pl.ds(tstart + k * LANES, LANES)]
            sk, sv = plsc.sort_key_val(t * LANES + lane, lane)
            shuf[...] = sk
            sp = plsc.load_gather(shuf, [prev])
            bound = ((sk >> 4) != (sp >> 4)) | (lane == 0)
            plsc.store_scatter(fbuf, [k * LANES + sv], bound.astype(jnp.int32))
            return 0

        with jax.named_scope("p1a_dedup"):
            lax.fori_loop(0, CPT, dedup_body, 0)
            pltpu.sync_copy(fbuf, firstv_sh.at[pl.ds(tstart, TPT)])

        @pl.when(sid == 0)
        def _():
            neg1 = jnp.full((LANES,), -1, jnp.int32)

            def init_body(i, _):
                table[pl.ds(i * LANES, LANES)] = neg1
                return 0

            lax.fori_loop(0, VSIZE // LANES, init_body, 0, unroll=8)

        plsc.subcore_barrier()

        @pl.when(sid == 0)
        def _():
          with jax.named_scope("p1b_rank"):
            pltpu.sync_copy(firstv_sh, firstv_v)

            def chunk_body(ci, counter):
                t = tok_v[pl.ds(ci * LANES, LANES)]
                g = plsc.load_gather(table, [t])
                firstv = firstv_v[pl.ds(ci * LANES, LANES)]
                new = (g < 0) & (firstv > 0)
                newi = new.astype(jnp.int32)
                inc = plsc.cumsum(newi)
                rank_new = counter + inc - newi
                plsc.store_scatter(table, [t], rank_new, mask=new)
                g2 = plsc.load_gather(table, [t])
                pos_v[pl.ds(ci * LANES, LANES)] = g2
                return counter + plsc.all_reduce_population_count(new)

            lax.fori_loop(0, nchunk, chunk_body, jnp.zeros((LANES,), jnp.int32))
            pltpu.sync_copy(pos_v, pos_sh)

        plsc.subcore_barrier()

        scope2 = jax.named_scope("p2_gather_add")
        scope2.__enter__()
        pltpu.sync_copy(pos_sh.at[pl.ds(base, b_per_w)], idx_v)
        cg = [None] * nsub
        co = [None] * nsub

        def issue_gather(j):
            cg[j] = pltpu.async_copy(
                pe_hbm.at[idx_v.at[pl.ds(j * K, K)]], rows_v.at[j % NR], gsem)

        for j in range(min(3, nsub)):
            issue_gather(j)
        for j in range(nsub):
            if j + 2 < nsub and j >= NE - 2:
                issue_emb(j + 2)
            if j + 3 < nsub:
                if j + 3 >= NR:
                    co[j + 3 - NR].wait()
                issue_gather(j + 3)
            cg[j].wait()
            ce[j].wait()
            rs, es = j % NR, j % NE

            def add_body(cc, _):
                sl = pl.ds(cc * LANES, LANES)
                for r in range(K):
                    plsc.addupdate(rows_v.at[rs, r, sl], emb_v[es, r, sl])
                return 0

            lax.fori_loop(0, D // LANES, add_body, 0)
            co[j] = pltpu.async_copy(
                rows_v.at[rs], out_hbm.at[pl.ds(base + j * K, K)], osem)
        for j in range(max(nsub - NR, 0), nsub):
            co[j].wait()
        scope2.__exit__(None, None, None)

    return fused


def kernel(src_token_ids, embedded_x, pe):
    B, L = src_token_ids.shape
    _, _, D = embedded_x.shape
    P = pe.shape[1]
    tokens = src_token_ids.reshape(L).astype(jnp.int32)
    emb2 = embedded_x.reshape(L, D)
    pe2 = pe.reshape(P, D)
    out2 = _make_fused_kernel(L, D, P)(tokens, emb2, pe2)
    return out2.reshape(B, L, D)

# --- scband reference (transcript-rebuilt; emitter-appended) ---
"""Pipeline reference for scband-type-positional-encoding-77446850281785 (READ-ONLY COPY).

The authoritative reference and input builder live on the scoring server;
editing this copy changes nothing except your own understanding.
"""

import jax, jax.numpy as jnp
import numpy as np
import math

D_MODEL = 1024
MAX_LEN = 5000
B = 1
L = 4096
VOCAB = 32000


def _build_pe():
    position = np.arange(MAX_LEN, dtype=np.float32)[:, None]
    div_term = np.exp(np.arange(0, D_MODEL, 2).astype(np.float32) * (-math.log(10000.0) / D_MODEL))
    pe = np.zeros((MAX_LEN, D_MODEL), dtype=np.float32)
    pe[:, 0::2] = np.sin(position * div_term)
    pe[:, 1::2] = np.cos(position * div_term)
    return jnp.asarray(pe)[None, :, :]  # [1, MAX_LEN, D]


def setup_inputs(seed: int = 0) -> dict:
    key = jax.random.key(seed)
    k1, k2 = jax.random.split(key)
    src_token_ids = jax.random.randint(k1, (B, L), 0, VOCAB, dtype=jnp.int32)
    embedded_x = jax.random.normal(k2, (B, L, D_MODEL), dtype=jnp.float32)
    pe = _build_pe()
    return {"src_token_ids": src_token_ids, "embedded_x": embedded_x, "pe": pe}


def reference(src_token_ids, embedded_x, pe):
    # Type-based positional encoding (B == 1 path of TypePositionalEncoding).
    # Each token id is assigned a fixed PE index equal to the order in which
    # that token id was first encountered in the sequence.
    tokens = src_token_ids[0]
    Lx = tokens.shape[0]
    # first occurrence position of each token id (O(L^2) pairwise compare)
    eq = tokens[:, None] == tokens[None, :]
    first_occ = jnp.argmax(eq, axis=1)  # index of first j with tokens[j]==tokens[i]
    # rank of each distinct token by first appearance order
    is_first = (first_occ == jnp.arange(Lx)).astype(jnp.int32)
    rank = jnp.cumsum(is_first) - 1
    pos_index = rank[first_occ]
    # overflow tokens (beyond max_len distinct types) pinned to last PE row
    pos_index = jnp.minimum(pos_index, pe.shape[1] - 1)
    type_pe = jnp.take(pe[0], pos_index, axis=0)  # gather [L, D]
    out = embedded_x + type_pe[None, :, :]
    # dropout is identity in eval mode
    return out

if __name__ == "__main__":
    import jax
    _d = setup_inputs()
    print(jax.jit(kernel)(*tuple(_d.values())))

</pallas_src>

<mosaic_0001>
#map = affine_map<(d0, d1) -> (0)>
#map1 = affine_map<(d0, d1) -> (0, 0)>
module attributes {stable_mosaic.version = 14 : i64} {
  func.func @fused(%arg0: i32, %arg1: i32, %arg2: memref<4096xi32, #tpu.memory_space<hbm>>, %arg3: memref<4096x1024xf32, #tpu.memory_space<hbm>>, %arg4: memref<5000x1024xf32, #tpu.memory_space<hbm>>, %arg5: memref<4096x1024xf32, #tpu.memory_space<hbm>>, %arg6: memref<32768xi32, #tpu.memory_space<vmem>>, %arg7: memref<4096xi32, #tpu.memory_space<vmem>>, %arg8: memref<4096xi32, #tpu.memory_space<vmem>>, %arg9: memref<4096xi32, #tpu.memory_space<vmem>>, %arg10: memref<256xi32, #tpu.memory_space<vmem>>, %arg11: memref<16xi32, #tpu.memory_space<vmem>>, %arg12: memref<128xi32, #tpu.memory_space<vmem>>, %arg13: memref<6x8x1024xf32, #tpu.memory_space<vmem>>, %arg14: memref<4x8x1024xf32, #tpu.memory_space<vmem>>, %arg15: memref<4096xi32, #tpu.memory_space<vmem_shared>>, %arg16: memref<4096xi32, #tpu.memory_space<vmem_shared>>, %arg17: memref<!tpu.dma_semaphore, #tpu.memory_space<semaphore_mem>>, %arg18: memref<!tpu.dma_semaphore, #tpu.memory_space<semaphore_mem>>, %arg19: memref<!tpu.dma_semaphore, #tpu.memory_space<semaphore_mem>>) attributes {dimension_semantics = [#tpu.dimension_semantics<core_parallel>, #tpu.dimension_semantics<subcore_parallel>], iteration_bounds = array<i64: 2, 16>, scalar_prefetch = 0 : i64, scratch_operands = 14 : i64, tpu.core_type = #tpu.core_type<sc_vector_subcore>, window_params = [{transform_indices = #map}, {transform_indices = #map1}, {transform_indices = #map1}, {transform_indices = #map1}]} {
    %mul3A = arith.constant 2 : i32
    %mul3A_0 = arith.muli %arg1, %mul3A : i32
    %add3A = arith.addi %mul3A_0, %arg0 : i32
    %mul3A_1 = arith.constant 128 : i32
    %mul3A_2 = arith.muli %add3A, %mul3A_1 : i32
    %add3A_3 = arith.constant 0 : i32
    %add3A_4 = arith.addi %mul3A_2, %add3A_3 : i32
    %dma_start3A = arith.constant 0 : i32
    %dma_start3A_5 = arith.constant 0 : i32
    %dma_start3A_6 = arith.constant 0 : i32
    %dma_start3A_7 = tpu.memref_slice %arg14[%dma_start3A, %dma_start3A_5, %dma_start3A_6] : memref<4x8x1024xf32, #tpu.memory_space<vmem>> -> memref<1x8x1024xf32, #tpu.memory_space<vmem>>
    %dma_start3A_8 = tpu.memref_squeeze %dma_start3A_7 : memref<1x8x1024xf32, #tpu.memory_space<vmem>> -> memref<8x1024xf32, #tpu.memory_space<vmem>>
    %dma_start3A_9 = arith.constant 0 : i32
    %dma_start3A_10 = tpu.memref_slice %arg3[%add3A_4, %dma_start3A_9] : memref<4096x1024xf32, #tpu.memory_space<hbm>> -> memref<8x1024xf32, #tpu.memory_space<hbm>>
    %dma_start3A_11 = arith.constant 0 : i32
    %dma_start3A_12 = arith.constant 0 : i32
    %dma_start3A_13 = tpu.memref_slice %arg14[%dma_start3A, %dma_start3A_11, %dma_start3A_12] : memref<4x8x1024xf32, #tpu.memory_space<vmem>> -> memref<1x8x1024xf32, #tpu.memory_space<vmem>>
    %dma_start3A_14 = tpu.memref_squeeze %dma_start3A_13 : memref<1x8x1024xf32, #tpu.memory_space<vmem>> -> memref<8x1024xf32, #tpu.memory_space<vmem>>
    %dma_start3A_15 = arith.constant 0 : i32
    %dma_start3A_16 = tpu.memref_slice %arg3[%add3A_4, %dma_start3A_15] : memref<4096x1024xf32, #tpu.memory_space<hbm>> -> memref<8x1024xf32, #tpu.memory_space<hbm>>
    tpu.enqueue_dma source(%dma_start3A_16 : memref<8x1024xf32, #tpu.memory_space<hbm>>) target(%dma_start3A_14 : memref<8x1024xf32, #tpu.memory_space<vmem>>) target_semaphore(%arg18 : memref<!tpu.dma_semaphore, #tpu.memory_space<semaphore_mem>>)
    %add3A_17 = arith.constant 8 : i32
    %add3A_18 = arith.addi %mul3A_2, %add3A_17 : i32
    %dma_start3A_19 = arith.constant 1 : i32
    %dma_start3A_20 = arith.constant 0 : i32
    %dma_start3A_21 = arith.constant 0 : i32
    %dma_start3A_22 = tpu.memref_slice %arg14[%dma_start3A_19, %dma_start3A_20, %dma_start3A_21] : memref<4x8x1024xf32, #tpu.memory_space<vmem>> -> memref<1x8x1024xf32, #tpu.memory_space<vmem>>
    %dma_start3A_23 = tpu.memref_squeeze %dma_start3A_22 : memref<1x8x1024xf32, #tpu.memory_space<vmem>> -> memref<8x1024xf32, #tpu.memory_space<vmem>>
    %dma_start3A_24 = arith.constant 0 : i32
    %dma_start3A_25 = tpu.memref_slice %arg3[%add3A_18, %dma_start3A_24] : memref<4096x1024xf32, #tpu.memory_space<hbm>> -> memref<8x1024xf32, #tpu.memory_space<hbm>>
    %dma_start3A_26 = arith.constant 0 : i32
    %dma_start3A_27 = arith.constant 0 : i32
    %dma_start3A_28 = tpu.memref_slice %arg14[%dma_start3A_19, %dma_start3A_26, %dma_start3A_27] : memref<4x8x1024xf32, #tpu.memory_space<vmem>> -> memref<1x8x1024xf32, #tpu.memory_space<vmem>>
    %dma_start3A_29 = tpu.memref_squeeze %dma_start3A_28 : memref<1x8x1024xf32, #tpu.memory_space<vmem>> -> memref<8x1024xf32, #tpu.memory_space<vmem>>
    %dma_start3A_30 = arith.constant 0 : i32
    %dma_start3A_31 = tpu.memref_slice %arg3[%add3A_18, %dma_start3A_30] : memref<4096x1024xf32, #tpu.memory_space<hbm>> -> memref<8x1024xf32, #tpu.memory_space<hbm>>
    tpu.enqueue_dma source(%dma_start3A_31 : memref<8x1024xf32, #tpu.memory_space<hbm>>) target(%dma_start3A_29 : memref<8x1024xf32, #tpu.memory_space<vmem>>) target_semaphore(%arg18 : memref<!tpu.dma_semaphore, #tpu.memory_space<semaphore_mem>>)
    %add3A_32 = arith.constant 16 : i32
    %add3A_33 = arith.addi %mul3A_2, %add3A_32 : i32
    %dma_start3A_34 = arith.constant 2 : i32
    %dma_start3A_35 = arith.constant 0 : i32
    %dma_start3A_36 = arith.constant 0 : i32
    %dma_start3A_37 = tpu.memref_slice %arg14[%dma_start3A_34, %dma_start3A_35, %dma_start3A_36] : memref<4x8x1024xf32, #tpu.memory_space<vmem>> -> memref<1x8x1024xf32, #tpu.memory_space<vmem>>
    %dma_start3A_38 = tpu.memref_squeeze %dma_start3A_37 : memref<1x8x1024xf32, #tpu.memory_space<vmem>> -> memref<8x1024xf32, #tpu.memory_space<vmem>>
    %dma_start3A_39 = arith.constant 0 : i32
    %dma_start3A_40 = tpu.memref_slice %arg3[%add3A_33, %dma_start3A_39] : memref<4096x1024xf32, #tpu.memory_space<hbm>> -> memref<8x1024xf32, #tpu.memory_space<hbm>>
    %dma_start3A_41 = arith.constant 0 : i32
    %dma_start3A_42 = arith.constant 0 : i32
    %dma_start3A_43 = tpu.memref_slice %arg14[%dma_start3A_34, %dma_start3A_41, %dma_start3A_42] : memref<4x8x1024xf32, #tpu.memory_space<vmem>> -> memref<1x8x1024xf32, #tpu.memory_space<vmem>>
    %dma_start3A_44 = tpu.memref_squeeze %dma_start3A_43 : memref<1x8x1024xf32, #tpu.memory_space<vmem>> -> memref<8x1024xf32, #tpu.memory_space<vmem>>
    %dma_start3A_45 = arith.constant 0 : i32
    %dma_start3A_46 = tpu.memref_slice %arg3[%add3A_33, %dma_start3A_45] : memref<4096x1024xf32, #tpu.memory_space<hbm>> -> memref<8x1024xf32, #tpu.memory_space<hbm>>
    tpu.enqueue_dma source(%dma_start3A_46 : memref<8x1024xf32, #tpu.memory_space<hbm>>) target(%dma_start3A_44 : memref<8x1024xf32, #tpu.memory_space<vmem>>) target_semaphore(%arg18 : memref<!tpu.dma_semaphore, #tpu.memory_space<semaphore_mem>>)
    %add3A_47 = arith.constant 24 : i32
    %add3A_48 = arith.addi %mul3A_2, %add3A_47 : i32
    %dma_start3A_49 = arith.constant 3 : i32
    %dma_start3A_50 = arith.constant 0 : i32
    %dma_start3A_51 = arith.constant 0 : i32
    %dma_start3A_52 = tpu.memref_slice %arg14[%dma_start3A_49, %dma_start3A_50, %dma_start3A_51] : memref<4x8x1024xf32, #tpu.memory_space<vmem>> -> memref<1x8x1024xf32, #tpu.memory_space<vmem>>
    %dma_start3A_53 = tpu.memref_squeeze %dma_start3A_52 : memref<1x8x1024xf32, #tpu.memory_space<vmem>> -> memref<8x1024xf32, #tpu.memory_space<vmem>>
    %dma_start3A_54 = arith.constant 0 : i32
    %dma_start3A_55 = tpu.memref_slice %arg3[%add3A_48, %dma_start3A_54] : memref<4096x1024xf32, #tpu.memory_space<hbm>> -> memref<8x1024xf32, #tpu.memory_space<hbm>>
    %dma_start3A_56 = arith.constant 0 : i32
    %dma_start3A_57 = arith.constant 0 : i32
    %dma_start3A_58 = tpu.memref_slice %arg14[%dma_start3A_49, %dma_start3A_56, %dma_start3A_57] : memref<4x8x1024xf32, #tpu.memory_space<vmem>> -> memref<1x8x1024xf32, #tpu.memory_space<vmem>>
    %dma_start3A_59 = tpu.memref_squeeze %dma_start3A_58 : memref<1x8x1024xf32, #tpu.memory_space<vmem>> -> memref<8x1024xf32, #tpu.memory_space<vmem>>
    %dma_start3A_60 = arith.constant 0 : i32
    %dma_start3A_61 = tpu.memref_slice %arg3[%add3A_48, %dma_start3A_60] : memref<4096x1024xf32, #tpu.memory_space<hbm>> -> memref<8x1024xf32, #tpu.memory_space<hbm>>
    tpu.enqueue_dma source(%dma_start3A_61 : memref<8x1024xf32, #tpu.memory_space<hbm>>) target(%dma_start3A_59 : memref<8x1024xf32, #tpu.memory_space<vmem>>) target_semaphore(%arg18 : memref<!tpu.dma_semaphore, #tpu.memory_space<semaphore_mem>>)
    %iota3A = tpu.iota {dimensions = array<i32: 0>} : vector<16xi32>
    %sub3A = arith.constant 1 : i32
    %sub3A_62 = vector.broadcast %sub3A : i32 to vector<16xi32>
    %sub3A_63 = arith.subi %iota3A, %sub3A_62 : vector<16xi32>
    %max3A = arith.constant 0 : i32
    %max3A_64 = vector.broadcast %max3A : i32 to vector<16xi32>
    %max3A_65 = arith.maxsi %sub3A_63, %max3A_64 : vector<16xi32>
    %mul3A_66 = arith.constant 256 : i32
    %mul3A_67 = arith.muli %arg1, %mul3A_66 : i32
    %eq3A = arith.constant 0 : i32
    %eq3A_68 = arith.cmpi eq, %arg1, %eq3A : i32
    %convert_element_type3A = arith.extui %eq3A_68 : i1 to i32
    %cond3A = arith.constant 0 : i32
    %cond3A_69 = arith.cmpi ne, %convert_element_type3A, %cond3A : i32
    scf.if %cond3A_69 {
      "tpu.region"() ({
        %run_scoped3A = tpu.sem_alloc : memref<!tpu.dma_semaphore, #tpu.memory_space<semaphore_mem>>
        tpu.enqueue_dma source(%arg2 : memref<4096xi32, #tpu.memory_space<hbm>>) target(%arg7 : memref<4096xi32, #tpu.memory_space<vmem>>) target_semaphore(%run_scoped3A : memref<!tpu.dma_semaphore, #tpu.memory_space<semaphore_mem>>)
        tpu.wait_dma2 semaphore(%run_scoped3A : memref<!tpu.dma_semaphore, #tpu.memory_space<semaphore_mem>>) src(%arg2 : memref<4096xi32, #tpu.memory_space<hbm>>) dst(%arg7 : memref<4096xi32, #tpu.memory_space<vmem>>)
        tpu.yield
      }) : () -> ()
    } else {
    }
    %ne3A = arith.constant 0 : i32
    %ne3A_70 = arith.cmpi ne, %arg1, %ne3A : i32
    %convert_element_type3A_71 = arith.extui %ne3A_70 : i1 to i32
    %cond3A_72 = arith.constant 0 : i32
    %cond3A_73 = arith.cmpi ne, %convert_element_type3A_71, %cond3A_72 : i32
    scf.if %cond3A_73 {
      "tpu.region"() ({
        %run_scoped3A = tpu.sem_alloc : memref<!tpu.dma_semaphore, #tpu.memory_space<semaphore_mem>>
        %dma_start3A_1358 = tpu.memref_slice %arg7[%mul3A_67] : memref<4096xi32, #tpu.memory_space<vmem>> -> memref<256xi32, #tpu.memory_space<vmem>>
        %dma_start3A_1359 = tpu.memref_slice %arg2[%mul3A_67] : memref<4096xi32, #tpu.memory_space<hbm>> -> memref<256xi32, #tpu.memory_space<hbm>>
        %dma_start3A_1360 = tpu.memref_slice %arg7[%mul3A_67] : memref<4096xi32, #tpu.memory_space<vmem>> -> memref<256xi32, #tpu.memory_space<vmem>>
        %dma_start3A_1361 = tpu.memref_slice %arg2[%mul3A_67] : memref<4096xi32, #tpu.memory_space<hbm>> -> memref<256xi32, #tpu.memory_space<hbm>>
        tpu.enqueue_dma source(%dma_start3A_1361 : memref<256xi32, #tpu.memory_space<hbm>>) target(%dma_start3A_1360 : memref<256xi32, #tpu.memory_space<vmem>>) target_semaphore(%run_scoped3A : memref<!tpu.dma_semaphore, #tpu.memory_space<semaphore_mem>>)
        %dma_wait3A_1362 = tpu.memref_slice %arg7[%mul3A_67] : memref<4096xi32, #tpu.memory_space<vmem>> -> memref<256xi32, #tpu.memory_space<vmem>>
        %dma_wait3A_1363 = tpu.memref_slice %arg2[%mul3A_67] : memref<4096xi32, #tpu.memory_space<hbm>> -> memref<256xi32, #tpu.memory_space<hbm>>
        %dma_wait3A_1364 = tpu.memref_slice %arg7[%mul3A_67] : memref<4096xi32, #tpu.memory_space<vmem>> -> memref<256xi32, #tpu.memory_space<vmem>>
        %dma_wait3A_1365 = tpu.memref_slice %arg2[%mul3A_67] : memref<4096xi32, #tpu.memory_space<hbm>> -> memref<256xi32, #tpu.memory_space<hbm>>
        tpu.wait_dma2 semaphore(%run_scoped3A : memref<!tpu.dma_semaphore, #tpu.memory_space<semaphore_mem>>) src(%dma_wait3A_1365 : memref<256xi32, #tpu.memory_space<hbm>>) dst(%dma_wait3A_1364 : memref<256xi32, #tpu.memory_space<vmem>>)
        tpu.yield
      }) : () -> ()
    } else {
    }
    "tpu.trace_start"() <{level = 10 : i32, message = "p1a_dedup"}> : () -> ()
    %scan3A = arith.constant 0 : i32
    %scan3A_74 = arith.constant 0 : i32
    %scan3A_75 = arith.constant 16 : i32
    %scan3A_76 = arith.addi %scan3A_74, %scan3A_75 : i32
    %scan3A_77 = arith.constant 1 : i32
    %scan3A_78 = scf.for %scan3A_1358 = %scan3A_74 to %scan3A_76 step %scan3A_77 iter_args(%scan3A_1359 = %scan3A) -> (i32)  : i32 {
      %mul3A_1360 = arith.constant 16 : i32
      %mul3A_1361 = arith.muli %scan3A_1358, %mul3A_1360 : i32
      %add3A_1362 = arith.addi %mul3A_67, %mul3A_1361 : i32
      %get3A = arith.index_cast %add3A_1362 : i32 to index
      %get3A_1363 = tpu.vector_load %arg7[%get3A] {strides = array<i32>} : memref<4096xi32, #tpu.memory_space<vmem>>, vector<16xi32>,
      %mul3A_1364 = arith.constant 16 : i32
      %mul3A_1365 = vector.broadcast %mul3A_1364 : i32 to vector<16xi32>
      %mul3A_1366 = arith.muli %get3A_1363, %mul3A_1365 : vector<16xi32>
      %add3A_1367 = arith.addi %mul3A_1366, %iota3A : vector<16xi32>
      %masked_sort3A = arith.constant dense<true> : vector<16xi1>
      %masked_sort3A_1368 = arith.constant -2147483648 : i32
      %masked_sort3A_1369 = vector.broadcast %masked_sort3A_1368 : i32 to vector<16xi32>
      %masked_sort3A_1370 = arith.xori %add3A_1367, %masked_sort3A_1369 : vector<16xi32>
      %masked_sort3A_1371, %masked_sort3A_1372, %masked_sort3A_1373 = tpu.sort %masked_sort3A_1370, %iota3A masked %masked_sort3A : (vector<16xi32>, vector<16xi32>, vector<16xi1>) -> (vector<16xi1>, vector<16xi32>, vector<16xi32>)
      %masked_sort3A_1374 = arith.xori %masked_sort3A_1372, %masked_sort3A_1369 : vector<16xi32>
      %swap3A = arith.constant 0 : index
      %swap3A_1375 = tpu.vector_load %arg11[%swap3A] {strides = array<i32>} : memref<16xi32, #tpu.memory_space<vmem>>, vector<16xi32>,
      tpu.vector_store %arg11[%swap3A], %masked_sort3A_1374 {strides = array<i32>} : memref<16xi32, #tpu.memory_space<vmem>>, vector<16xi32>,
      %gather3A = tpu.vector_load_idx %arg11[%max3A_65] : memref<16xi32, #tpu.memory_space<vmem>>[vector<16xi32>], vector<16xi32>,
      %shift_right_arithmetic3A = arith.constant 4 : i32
      %shift_right_arithmetic3A_1376 = vector.broadcast %shift_right_arithmetic3A : i32 to vector<16xi32>
      %shift_right_arithmetic3A_1377 = arith.shrsi %masked_sort3A_1374, %shift_right_arithmetic3A_1376 : vector<16xi32>
      %shift_right_arithmetic3A_1378 = arith.constant 4 : i32
      %shift_right_arithmetic3A_1379 = vector.broadcast %shift_right_arithmetic3A_1378 : i32 to vector<16xi32>
      %shift_right_arithmetic3A_1380 = arith.shrsi %gather3A, %shift_right_arithmetic3A_1379 : vector<16xi32>
      %ne3A_1381 = arith.cmpi ne, %shift_right_arithmetic3A_1377, %shift_right_arithmetic3A_1380 : vector<16xi32>
      %eq3A_1382 = arith.constant 0 : i32
      %eq3A_1383 = vector.broadcast %eq3A_1382 : i32 to vector<16xi32>
      %eq3A_1384 = arith.cmpi eq, %iota3A, %eq3A_1383 : vector<16xi32>
      %or3A = arith.ori %ne3A_1381, %eq3A_1384 : vector<16xi1>
      %mul3A_1385 = arith.constant 16 : i32
      %mul3A_1386 = arith.muli %scan3A_1358, %mul3A_1385 : i32
      %add3A_1387 = vector.broadcast %mul3A_1386 : i32 to vector<16xi32>
      %add3A_1388 = arith.addi %add3A_1387, %masked_sort3A_1373 : vector<16xi32>
      %convert_element_type3A_1389 = arith.extui %or3A : vector<16xi1> to vector<16xi32>
      tpu.vector_store_idx %arg10[%add3A_1388], %convert_element_type3A_1389 : memref<256xi32, #tpu.memory_space<vmem>>[vector<16xi32>], vector<16xi32>,
      %scan3A_1390 = arith.constant 0 : i32
      scf.yield %scan3A_1390 : i32
    }
    %scan3A_79 = arith.constant 16 : i32
    "tpu.region"() ({
      %run_scoped3A = tpu.sem_alloc : memref<!tpu.dma_semaphore, #tpu.memory_space<semaphore_mem>>
      %dma_start3A_1358 = tpu.memref_slice %arg15[%mul3A_67] : memref<4096xi32, #tpu.memory_space<vmem_shared>> -> memref<256xi32, #tpu.memory_space<vmem_shared>>
      %dma_start3A_1359 = tpu.memref_slice %arg15[%mul3A_67] : memref<4096xi32, #tpu.memory_space<vmem_shared>> -> memref<256xi32, #tpu.memory_space<vmem_shared>>
      tpu.enqueue_dma source(%arg10 : memref<256xi32, #tpu.memory_space<vmem>>) target(%dma_start3A_1359 : memref<256xi32, #tpu.memory_space<vmem_shared>>) target_semaphore(%run_scoped3A : memref<!tpu.dma_semaphore, #tpu.memory_space<semaphore_mem>>)
      %dma_wait3A_1360 = tpu.memref_slice %arg15[%mul3A_67] : memref<4096xi32, #tpu.memory_space<vmem_shared>> -> memref<256xi32, #tpu.memory_space<vmem_shared>>
      %dma_wait3A_1361 = tpu.memref_slice %arg15[%mul3A_67] : memref<4096xi32, #tpu.memory_space<vmem_shared>> -> memref<256xi32, #tpu.memory_space<vmem_shared>>
      tpu.wait_dma2 semaphore(%run_scoped3A : memref<!tpu.dma_semaphore, #tpu.memory_space<semaphore_mem>>) src(%arg10 : memref<256xi32, #tpu.memory_space<vmem>>) dst(%dma_wait3A_1361 : memref<256xi32, #tpu.memory_space<vmem_shared>>)
      tpu.yield
    }) : () -> ()
    %eq3A_80 = arith.constant 0 : i32
    "tpu.trace_stop"() : () -> ()
    %eq3A_81 = arith.cmpi eq, %arg1, %eq3A_80 : i32
    %convert_element_type3A_82 = arith.extui %eq3A_81 : i1 to i32
    %cond3A_83 = arith.constant 0 : i32
    %cond3A_84 = arith.cmpi ne, %convert_element_type3A_82, %cond3A_83 : i32
    scf.if %cond3A_84 {
      %broadcast_in_dim3A = arith.constant -1 : i32
      %broadcast_in_dim3A_1358 = vector.broadcast %broadcast_in_dim3A : i32 to vector<16xi32>
      %scan3A_1359 = arith.constant 0 : i32
      %scan3A_1360 = arith.constant 0 : i32
      %scan3A_1361 = arith.constant 2048 : i32
      %scan3A_1362 = arith.addi %scan3A_1360, %scan3A_1361 : i32
      %scan3A_1363 = arith.constant 8 : i32
      %scan3A_1364 = scf.for %scan3A_1366 = %scan3A_1360 to %scan3A_1362 step %scan3A_1363 iter_args(%scan3A_1367 = %scan3A_1359) -> (i32)  : i32 {
        %mul3A_1368 = arith.constant 16 : i32
        %mul3A_1369 = arith.muli %scan3A_1366, %mul3A_1368 : i32
        %swap3A = arith.index_cast %mul3A_1369 : i32 to index
        %swap3A_1370 = tpu.vector_load %arg6[%swap3A] {strides = array<i32>} : memref<32768xi32, #tpu.memory_space<vmem>>, vector<16xi32>,
        tpu.vector_store %arg6[%swap3A], %broadcast_in_dim3A_1358 {strides = array<i32>} : memref<32768xi32, #tpu.memory_space<vmem>>, vector<16xi32>,
        %scan3A_1371 = arith.constant 0 : i32
        %scan3A_1372 = arith.constant 1 : i32
        %scan3A_1373 = arith.addi %scan3A_1366, %scan3A_1372 : i32
        %mul3A_1374 = arith.constant 16 : i32
        %mul3A_1375 = arith.muli %scan3A_1373, %mul3A_1374 : i32
        %swap3A_1376 = arith.index_cast %mul3A_1375 : i32 to index
        %swap3A_1377 = tpu.vector_load %arg6[%swap3A_1376] {strides = array<i32>} : memref<32768xi32, #tpu.memory_space<vmem>>, vector<16xi32>,
        tpu.vector_store %arg6[%swap3A_1376], %broadcast_in_dim3A_1358 {strides = array<i32>} : memref<32768xi32, #tpu.memory_space<vmem>>, vector<16xi32>,
        %scan3A_1378 = arith.constant 0 : i32
        %scan3A_1379 = arith.constant 2 : i32
        %scan3A_1380 = arith.addi %scan3A_1366, %scan3A_1379 : i32
        %mul3A_1381 = arith.constant 16 : i32
        %mul3A_1382 = arith.muli %scan3A_1380, %mul3A_1381 : i32
        %swap3A_1383 = arith.index_cast %mul3A_1382 : i32 to index
        %swap3A_1384 = tpu.vector_load %arg6[%swap3A_1383] {strides = array<i32>} : memref<32768xi32, #tpu.memory_space<vmem>>, vector<16xi32>,
        tpu.vector_store %arg6[%swap3A_1383], %broadcast_in_dim3A_1358 {strides = array<i32>} : memref<32768xi32, #tpu.memory_space<vmem>>, vector<16xi32>,
        %scan3A_1385 = arith.constant 0 : i32
        %scan3A_1386 = arith.constant 3 : i32
        %scan3A_1387 = arith.addi %scan3A_1366, %scan3A_1386 : i32
        %mul3A_1388 = arith.constant 16 : i32
        %mul3A_1389 = arith.muli %scan3A_1387, %mul3A_1388 : i32
        %swap3A_1390 = arith.index_cast %mul3A_1389 : i32 to index
        %swap3A_1391 = tpu.vector_load %arg6[%swap3A_1390] {strides = array<i32>} : memref<32768xi32, #tpu.memory_space<vmem>>, vector<16xi32>,
        tpu.vector_store %arg6[%swap3A_1390], %broadcast_in_dim3A_1358 {strides = array<i32>} : memref<32768xi32, #tpu.memory_space<vmem>>, vector<16xi32>,
        %scan3A_1392 = arith.constant 0 : i32
        %scan3A_1393 = arith.constant 4 : i32
        %scan3A_1394 = arith.addi %scan3A_1366, %scan3A_1393 : i32
        %mul3A_1395 = arith.constant 16 : i32
        %mul3A_1396 = arith.muli %scan3A_1394, %mul3A_1395 : i32
        %swap3A_1397 = arith.index_cast %mul3A_1396 : i32 to index
        %swap3A_1398 = tpu.vector_load %arg6[%swap3A_1397] {strides = array<i32>} : memref<32768xi32, #tpu.memory_space<vmem>>, vector<16xi32>,
        tpu.vector_store %arg6[%swap3A_1397], %broadcast_in_dim3A_1358 {strides = array<i32>} : memref<32768xi32, #tpu.memory_space<vmem>>, vector<16xi32>,
        %scan3A_1399 = arith.constant 0 : i32
        %scan3A_1400 = arith.constant 5 : i32
        %scan3A_1401 = arith.addi %scan3A_1366, %scan3A_1400 : i32
        %mul3A_1402 = arith.constant 16 : i32
        %mul3A_1403 = arith.muli %scan3A_1401, %mul3A_1402 : i32
        %swap3A_1404 = arith.index_cast %mul3A_1403 : i32 to index
        %swap3A_1405 = tpu.vector_load %arg6[%swap3A_1404] {strides = array<i32>} : memref<32768xi32, #tpu.memory_space<vmem>>, vector<16xi32>,
        tpu.vector_store %arg6[%swap3A_1404], %broadcast_in_dim3A_1358 {strides = array<i32>} : memref<32768xi32, #tpu.memory_space<vmem>>, vector<16xi32>,
        %scan3A_1406 = arith.constant 0 : i32
        %scan3A_1407 = arith.constant 6 : i32
        %scan3A_1408 = arith.addi %scan3A_1366, %scan3A_1407 : i32
        %mul3A_1409 = arith.constant 16 : i32
        %mul3A_1410 = arith.muli %scan3A_1408, %mul3A_1409 : i32
        %swap3A_1411 = arith.index_cast %mul3A_1410 : i32 to index
        %swap3A_1412 = tpu.vector_load %arg6[%swap3A_1411] {strides = array<i32>} : memref<32768xi32, #tpu.memory_space<vmem>>, vector<16xi32>,
        tpu.vector_store %arg6[%swap3A_1411], %broadcast_in_dim3A_1358 {strides = array<i32>} : memref<32768xi32, #tpu.memory_space<vmem>>, vector<16xi32>,
        %scan3A_1413 = arith.constant 0 : i32
        %scan3A_1414 = arith.constant 7 : i32
        %scan3A_1415 = arith.addi %scan3A_1366, %scan3A_1414 : i32
        %mul3A_1416 = arith.constant 16 : i32
        %mul3A_1417 = arith.muli %scan3A_1415, %mul3A_1416 : i32
        %swap3A_1418 = arith.index_cast %mul3A_1417 : i32 to index
        %swap3A_1419 = tpu.vector_load %arg6[%swap3A_1418] {strides = array<i32>} : memref<32768xi32, #tpu.memory_space<vmem>>, vector<16xi32>,
        tpu.vector_store %arg6[%swap3A_1418], %broadcast_in_dim3A_1358 {strides = array<i32>} : memref<32768xi32, #tpu.memory_space<vmem>>, vector<16xi32>,
        %scan3A_1420 = arith.constant 0 : i32
        scf.yield %scan3A_1420 : i32
      }
      %scan3A_1365 = arith.constant 2048 : i32
    } else {
    }
    %barrier3A = arith.constant 0 : index
    tpu.barrier barrier_id(%barrier3A)
    %eq3A_85 = arith.constant 0 : i32
    %eq3A_86 = arith.cmpi eq, %arg1, %eq3A_85 : i32
    %convert_element_type3A_87 = arith.extui %eq3A_86 : i1 to i32
    %cond3A_88 = arith.constant 0 : i32
    %cond3A_89 = arith.cmpi ne, %convert_element_type3A_87, %cond3A_88 : i32
    scf.if %cond3A_89 {
      "tpu.trace_start"() <{level = 10 : i32, message = "p1b_rank"}> : () -> ()
      "tpu.region"() ({
        %run_scoped3A = tpu.sem_alloc : memref<!tpu.dma_semaphore, #tpu.memory_space<semaphore_mem>>
        tpu.enqueue_dma source(%arg15 : memref<4096xi32, #tpu.memory_space<vmem_shared>>) target(%arg9 : memref<4096xi32, #tpu.memory_space<vmem>>) target_semaphore(%run_scoped3A : memref<!tpu.dma_semaphore, #tpu.memory_space<semaphore_mem>>)
        tpu.wait_dma2 semaphore(%run_scoped3A : memref<!tpu.dma_semaphore, #tpu.memory_space<semaphore_mem>>) src(%arg15 : memref<4096xi32, #tpu.memory_space<vmem_shared>>) dst(%arg9 : memref<4096xi32, #tpu.memory_space<vmem>>)
        tpu.yield
      }) : () -> ()
      %broadcast_in_dim3A = arith.constant 0 : i32
      %broadcast_in_dim3A_1358 = vector.broadcast %broadcast_in_dim3A : i32 to vector<16xi32>
      %scan3A_1359 = arith.constant 0 : i32
      %scan3A_1360 = arith.constant 256 : i32
      %scan3A_1361 = arith.addi %scan3A_1359, %scan3A_1360 : i32
      %scan3A_1362 = arith.constant 1 : i32
      %scan3A_1363 = scf.for %scan3A_1365 = %scan3A_1359 to %scan3A_1361 step %scan3A_1362 iter_args(%scan3A_1366 = %broadcast_in_dim3A_1358) -> (vector<16xi32>)  : i32 {
        %mul3A_1367 = arith.constant 16 : i32
        %mul3A_1368 = arith.muli %scan3A_1365, %mul3A_1367 : i32
        %get3A = arith.index_cast %mul3A_1368 : i32 to index
        %get3A_1369 = tpu.vector_load %arg7[%get3A] {strides = array<i32>} : memref<4096xi32, #tpu.memory_space<vmem>>, vector<16xi32>,
        %gather3A = tpu.vector_load_idx %arg6[%get3A_1369] : memref<32768xi32, #tpu.memory_space<vmem>>[vector<16xi32>], vector<16xi32>,
        %mul3A_1370 = arith.constant 16 : i32
        %mul3A_1371 = arith.muli %scan3A_1365, %mul3A_1370 : i32
        %get3A_1372 = arith.index_cast %mul3A_1371 : i32 to index
        %get3A_1373 = tpu.vector_load %arg9[%get3A_1372] {strides = array<i32>} : memref<4096xi32, #tpu.memory_space<vmem>>, vector<16xi32>,
        %lt3A = arith.constant 0 : i32
        %lt3A_1374 = vector.broadcast %lt3A : i32 to vector<16xi32>
        %lt3A_1375 = arith.cmpi slt, %gather3A, %lt3A_1374 : vector<16xi32>
        %gt3A = arith.constant 0 : i32
        %gt3A_1376 = vector.broadcast %gt3A : i32 to vector<16xi32>
        %gt3A_1377 = arith.cmpi sgt, %get3A_1373, %gt3A_1376 : vector<16xi32>
        %and3A = arith.andi %lt3A_1375, %gt3A_1377 : vector<16xi1>
        %convert_element_type3A_1378 = arith.extui %and3A : vector<16xi1> to vector<16xi32>
        %broadcast_in_dim3A_1379 = arith.constant true
        %broadcast_in_dim3A_1380 = vector.broadcast %broadcast_in_dim3A_1379 : i1 to vector<16xi1>
        %masked_cumsum3A = tpu.scan <sum>, %convert_element_type3A_1378 masked %broadcast_in_dim3A_1380 : vector<16xi32>, vector<16xi1> -> vector<16xi32>
        %add3A_1381 = arith.addi %scan3A_1366, %masked_cumsum3A : vector<16xi32>
        %sub3A_1382 = arith.subi %add3A_1381, %convert_element_type3A_1378 : vector<16xi32>
        tpu.vector_store_idx %arg6[%get3A_1369], %sub3A_1382 masked %and3A : memref<32768xi32, #tpu.memory_space<vmem>>[vector<16xi32>], vector<16xi32>, vector<16xi1>
        %gather3A_1383 = tpu.vector_load_idx %arg6[%get3A_1369] : memref<32768xi32, #tpu.memory_space<vmem>>[vector<16xi32>], vector<16xi32>,
        %mul3A_1384 = arith.constant 16 : i32
        %mul3A_1385 = arith.muli %scan3A_1365, %mul3A_1384 : i32
        %swap3A = arith.index_cast %mul3A_1385 : i32 to index
        %swap3A_1386 = tpu.vector_load %arg8[%swap3A] {strides = array<i32>} : memref<4096xi32, #tpu.memory_space<vmem>>, vector<16xi32>,
        tpu.vector_store %arg8[%swap3A], %gather3A_1383 {strides = array<i32>} : memref<4096xi32, #tpu.memory_space<vmem>>, vector<16xi32>,
        %all_reduce_population_count3A = tpu.all_reduce %and3A {dim = 0 : i64, kind = #tpu.reduction_kind<sum>} : vector<16xi1> -> vector<16xi32>
        %add3A_1387 = arith.addi %scan3A_1366, %all_reduce_population_count3A : vector<16xi32>
        scf.yield %add3A_1387 : vector<16xi32>
      }
      %scan3A_1364 = arith.constant 256 : i32
      "tpu.region"() ({
        %run_scoped3A = tpu.sem_alloc : memref<!tpu.dma_semaphore, #tpu.memory_space<semaphore_mem>>
        tpu.enqueue_dma source(%arg8 : memref<4096xi32, #tpu.memory_space<vmem>>) target(%arg16 : memref<4096xi32, #tpu.memory_space<vmem_shared>>) target_semaphore(%run_scoped3A : memref<!tpu.dma_semaphore, #tpu.memory_space<semaphore_mem>>)
        tpu.wait_dma2 semaphore(%run_scoped3A : memref<!tpu.dma_semaphore, #tpu.memory_space<semaphore_mem>>) src(%arg8 : memref<4096xi32, #tpu.memory_space<vmem>>) dst(%arg16 : memref<4096xi32, #tpu.memory_space<vmem_shared>>)
        tpu.yield
      }) : () -> ()
      "tpu.trace_stop"() : () -> ()
    } else {
    }
    %barrier3A_90 = arith.constant 0 : index
    tpu.barrier barrier_id(%barrier3A_90)
    "tpu.trace_start"() <{level = 10 : i32, message = "p2_gather_add"}> : () -> ()
    "tpu.region"() ({
      %run_scoped3A = tpu.sem_alloc : memref<!tpu.dma_semaphore, #tpu.memory_space<semaphore_mem>>
      %dma_start3A_1358 = tpu.memref_slice %arg16[%mul3A_2] : memref<4096xi32, #tpu.memory_space<vmem_shared>> -> memref<128xi32, #tpu.memory_space<vmem_shared>>
      %dma_start3A_1359 = tpu.memref_slice %arg16[%mul3A_2] : memref<4096xi32, #tpu.memory_space<vmem_shared>> -> memref<128xi32, #tpu.memory_space<vmem_shared>>
      tpu.enqueue_dma source(%dma_start3A_1359 : memref<128xi32, #tpu.memory_space<vmem_shared>>) target(%arg12 : memref<128xi32, #tpu.memory_space<vmem>>) target_semaphore(%run_scoped3A : memref<!tpu.dma_semaphore, #tpu.memory_space<semaphore_mem>>)
      %dma_wait3A_1360 = tpu.memref_slice %arg16[%mul3A_2] : memref<4096xi32, #tpu.memory_space<vmem_shared>> -> memref<128xi32, #tpu.memory_space<vmem_shared>>
      %dma_wait3A_1361 = tpu.memref_slice %arg16[%mul3A_2] : memref<4096xi32, #tpu.memory_space<vmem_shared>> -> memref<128xi32, #tpu.memory_space<vmem_shared>>
      tpu.wait_dma2 semaphore(%run_scoped3A : memref<!tpu.dma_semaphore, #tpu.memory_space<semaphore_mem>>) src(%dma_wait3A_1361 : memref<128xi32, #tpu.memory_space<vmem_shared>>) dst(%arg12 : memref<128xi32, #tpu.memory_space<vmem>>)
      tpu.yield
    }) : () -> ()
    %dma_start3A_91 = arith.constant 0 : i32
    %dma_start3A_92 = arith.constant 0 : i32
    %dma_start3A_93 = arith.constant 0 : i32
    %dma_start3A_94 = tpu.memref_slice %arg13[%dma_start3A_91, %dma_start3A_92, %dma_start3A_93] : memref<6x8x1024xf32, #tpu.memory_space<vmem>> -> memref<1x8x1024xf32, #tpu.memory_space<vmem>>
    %dma_start3A_95 = tpu.memref_squeeze %dma_start3A_94 : memref<1x8x1024xf32, #tpu.memory_space<vmem>> -> memref<8x1024xf32, #tpu.memory_space<vmem>>
    %dma_start3A_96 = arith.constant 0 : i32
    %dma_start3A_97 = tpu.memref_slice %arg12[%dma_start3A_96] : memref<128xi32, #tpu.memory_space<vmem>> -> memref<8xi32, #tpu.memory_space<vmem>>
    %dma_start3A_98 = arith.constant 0 : i32
    %dma_start3A_99 = arith.constant 0 : i32
    %dma_start3A_100 = tpu.memref_slice %arg4[%dma_start3A_98, %dma_start3A_99] : memref<5000x1024xf32, #tpu.memory_space<hbm>> -> memref<5000x1024xf32, #tpu.memory_space<hbm>>
    tpu.enqueue_indirect_dma source(%dma_start3A_100 : memref<5000x1024xf32, #tpu.memory_space<hbm>>) target(%dma_start3A_95 : memref<8x1024xf32, #tpu.memory_space<vmem>>) offsets(%dma_start3A_97 : memref<8xi32, #tpu.memory_space<vmem>>) semaphore(%arg17 : memref<!tpu.dma_semaphore, #tpu.memory_space<semaphore_mem>>)
    %dma_start3A_101 = arith.constant 1 : i32
    %dma_start3A_102 = arith.constant 0 : i32
    %dma_start3A_103 = arith.constant 0 : i32
    %dma_start3A_104 = tpu.memref_slice %arg13[%dma_start3A_101, %dma_start3A_102, %dma_start3A_103] : memref<6x8x1024xf32, #tpu.memory_space<vmem>> -> memref<1x8x1024xf32, #tpu.memory_space<vmem>>
    %dma_start3A_105 = tpu.memref_squeeze %dma_start3A_104 : memref<1x8x1024xf32, #tpu.memory_space<vmem>> -> memref<8x1024xf32, #tpu.memory_space<vmem>>
    %dma_start3A_106 = arith.constant 8 : i32
    %dma_start3A_107 = tpu.memref_slice %arg12[%dma_start3A_106] : memref<128xi32, #tpu.memory_space<vmem>> -> memref<8xi32, #tpu.memory_space<vmem>>
    %dma_start3A_108 = arith.constant 0 : i32
    %dma_start3A_109 = arith.constant 0 : i32
    %dma_start3A_110 = tpu.memref_slice %arg4[%dma_start3A_108, %dma_start3A_109] : memref<5000x1024xf32, #tpu.memory_space<hbm>> -> memref<5000x1024xf32, #tpu.memory_space<hbm>>
    tpu.enqueue_indirect_dma source(%dma_start3A_110 : memref<5000x1024xf32, #tpu.memory_space<hbm>>) target(%dma_start3A_105 : memref<8x1024xf32, #tpu.memory_space<vmem>>) offsets(%dma_start3A_107 : memref<8xi32, #tpu.memory_space<vmem>>) semaphore(%arg17 : memref<!tpu.dma_semaphore, #tpu.memory_space<semaphore_mem>>)
    %dma_start3A_111 = arith.constant 2 : i32
    %dma_start3A_112 = arith.constant 0 : i32
    %dma_start3A_113 = arith.constant 0 : i32
    %dma_start3A_114 = tpu.memref_slice %arg13[%dma_start3A_111, %dma_start3A_112, %dma_start3A_113] : memref<6x8x1024xf32, #tpu.memory_space<vmem>> -> memref<1x8x1024xf32, #tpu.memory_space<vmem>>
    %dma_start3A_115 = tpu.memref_squeeze %dma_start3A_114 : memref<1x8x1024xf32, #tpu.memory_space<vmem>> -> memref<8x1024xf32, #tpu.memory_space<vmem>>
    %dma_start3A_116 = arith.constant 16 : i32
    %dma_start3A_117 = tpu.memref_slice %arg12[%dma_start3A_116] : memref<128xi32, #tpu.memory_space<vmem>> -> memref<8xi32, #tpu.memory_space<vmem>>
    %dma_start3A_118 = arith.constant 0 : i32
    %dma_start3A_119 = arith.constant 0 : i32
    %dma_start3A_120 = tpu.memref_slice %arg4[%dma_start3A_118, %dma_start3A_119] : memref<5000x1024xf32, #tpu.memory_space<hbm>> -> memref<5000x1024xf32, #tpu.memory_space<hbm>>
    tpu.enqueue_indirect_dma source(%dma_start3A_120 : memref<5000x1024xf32, #tpu.memory_space<hbm>>) target(%dma_start3A_115 : memref<8x1024xf32, #tpu.memory_space<vmem>>) offsets(%dma_start3A_117 : memref<8xi32, #tpu.memory_space<vmem>>) semaphore(%arg17 : memref<!tpu.dma_semaphore, #tpu.memory_space<semaphore_mem>>)
    %dma_start3A_121 = arith.constant 3 : i32
    %dma_start3A_122 = arith.constant 0 : i32
    %dma_start3A_123 = arith.constant 0 : i32
    %dma_start3A_124 = tpu.memref_slice %arg13[%dma_start3A_121, %dma_start3A_122, %dma_start3A_123] : memref<6x8x1024xf32, #tpu.memory_space<vmem>> -> memref<1x8x1024xf32, #tpu.memory_space<vmem>>
    %dma_start3A_125 = tpu.memref_squeeze %dma_start3A_124 : memref<1x8x1024xf32, #tpu.memory_space<vmem>> -> memref<8x1024xf32, #tpu.memory_space<vmem>>
    %dma_start3A_126 = arith.constant 24 : i32
    %dma_start3A_127 = tpu.memref_slice %arg12[%dma_start3A_126] : memref<128xi32, #tpu.memory_space<vmem>> -> memref<8xi32, #tpu.memory_space<vmem>>
    %dma_start3A_128 = arith.constant 0 : i32
    %dma_start3A_129 = arith.constant 0 : i32
    %dma_start3A_130 = tpu.memref_slice %arg4[%dma_start3A_128, %dma_start3A_129] : memref<5000x1024xf32, #tpu.memory_space<hbm>> -> memref<5000x1024xf32, #tpu.memory_space<hbm>>
    tpu.enqueue_indirect_dma source(%dma_start3A_130 : memref<5000x1024xf32, #tpu.memory_space<hbm>>) target(%dma_start3A_125 : memref<8x1024xf32, #tpu.memory_space<vmem>>) offsets(%dma_start3A_127 : memref<8xi32, #tpu.memory_space<vmem>>) semaphore(%arg17 : memref<!tpu.dma_semaphore, #tpu.memory_space<semaphore_mem>>)
    %dma_wait3A = arith.constant 0 : i32
    %dma_wait3A_131 = arith.constant 0 : i32
    %dma_wait3A_132 = arith.constant 0 : i32
    %dma_wait3A_133 = tpu.memref_slice %arg13[%dma_wait3A, %dma_wait3A_131, %dma_wait3A_132] : memref<6x8x1024xf32, #tpu.memory_space<vmem>> -> memref<1x8x1024xf32, #tpu.memory_space<vmem>>
    %dma_wait3A_134 = tpu.memref_squeeze %dma_wait3A_133 : memref<1x8x1024xf32, #tpu.memory_space<vmem>> -> memref<8x1024xf32, #tpu.memory_space<vmem>>
    %dma_wait3A_135 = arith.constant 0 : i32
    %dma_wait3A_136 = tpu.memref_slice %arg12[%dma_wait3A_135] : memref<128xi32, #tpu.memory_space<vmem>> -> memref<8xi32, #tpu.memory_space<vmem>>
    %dma_wait3A_137 = arith.constant 0 : i32
    %dma_wait3A_138 = arith.constant 0 : i32
    %dma_wait3A_139 = tpu.memref_slice %arg4[%dma_wait3A_137, %dma_wait3A_138] : memref<5000x1024xf32, #tpu.memory_space<hbm>> -> memref<5000x1024xf32, #tpu.memory_space<hbm>>
    tpu.wait_indirect_dma semaphore(%arg17 : memref<!tpu.dma_semaphore, #tpu.memory_space<semaphore_mem>>) src(%dma_wait3A_139 : memref<5000x1024xf32, #tpu.memory_space<hbm>>) dst(%dma_wait3A_134 : memref<8x1024xf32, #tpu.memory_space<vmem>>)
    %dma_wait3A_140 = arith.constant 0 : i32
    %dma_wait3A_141 = arith.constant 0 : i32
    %dma_wait3A_142 = arith.constant 0 : i32
    %dma_wait3A_143 = tpu.memref_slice %arg14[%dma_wait3A_140, %dma_wait3A_141, %dma_wait3A_142] : memref<4x8x1024xf32, #tpu.memory_space<vmem>> -> memref<1x8x1024xf32, #tpu.memory_space<vmem>>
    %dma_wait3A_144 = tpu.memref_squeeze %dma_wait3A_143 : memref<1x8x1024xf32, #tpu.memory_space<vmem>> -> memref<8x1024xf32, #tpu.memory_space<vmem>>
    %dma_wait3A_145 = arith.constant 0 : i32
    %dma_wait3A_146 = tpu.memref_slice %arg3[%add3A_4, %dma_wait3A_145] : memref<4096x1024xf32, #tpu.memory_space<hbm>> -> memref<8x1024xf32, #tpu.memory_space<hbm>>
    %dma_wait3A_147 = arith.constant 0 : i32
    %dma_wait3A_148 = arith.constant 0 : i32
    %dma_wait3A_149 = tpu.memref_slice %arg14[%dma_wait3A_140, %dma_wait3A_147, %dma_wait3A_148] : memref<4x8x1024xf32, #tpu.memory_space<vmem>> -> memref<1x8x1024xf32, #tpu.memory_space<vmem>>
    %dma_wait3A_150 = tpu.memref_squeeze %dma_wait3A_149 : memref<1x8x1024xf32, #tpu.memory_space<vmem>> -> memref<8x1024xf32, #tpu.memory_space<vmem>>
    %dma_wait3A_151 = arith.constant 0 : i32
    %dma_wait3A_152 = tpu.memref_slice %arg3[%add3A_4, %dma_wait3A_151] : memref<4096x1024xf32, #tpu.memory_space<hbm>> -> memref<8x1024xf32, #tpu.memory_space<hbm>>
    tpu.wait_dma2 semaphore(%arg18 : memref<!tpu.dma_semaphore, #tpu.memory_space<semaphore_mem>>) src(%dma_wait3A_152 : memref<8x1024xf32, #tpu.memory_space<hbm>>) dst(%dma_wait3A_150 : memref<8x1024xf32, #tpu.memory_space<vmem>>)
    %scan3A_153 = arith.constant 0 : i32
    %scan3A_154 = arith.constant 0 : i32
    %scan3A_155 = arith.constant 64 : i32
    %scan3A_156 = arith.addi %scan3A_154, %scan3A_155 : i32
    %scan3A_157 = arith.constant 1 : i32
    %scan3A_158 = scf.for %scan3A_1358 = %scan3A_154 to %scan3A_156 step %scan3A_157 iter_args(%scan3A_1359 = %scan3A_153) -> (i32)  : i32 {
      %mul3A_1360 = arith.constant 16 : i32
      %mul3A_1361 = arith.muli %scan3A_1358, %mul3A_1360 : i32
      %get3A = arith.constant 0 : i32
      %get3A_1362 = arith.constant 0 : i32
      %get3A_1363 = arith.index_cast %get3A : i32 to index
      %get3A_1364 = arith.index_cast %get3A_1362 : i32 to index
      %get3A_1365 = arith.index_cast %mul3A_1361 : i32 to index
      %get3A_1366 = tpu.vector_load %arg14[%get3A_1363, %get3A_1364, %get3A_1365] {strides = array<i32>} : memref<4x8x1024xf32, #tpu.memory_space<vmem>>, vector<16xf32>,
      %swap3A = arith.constant 0 : i32
      %swap3A_1367 = arith.constant 0 : i32
      %swap3A_1368 = arith.index_cast %swap3A : i32 to index
      %swap3A_1369 = arith.index_cast %swap3A_1367 : i32 to index
      %swap3A_1370 = arith.index_cast %mul3A_1361 : i32 to index
      %swap3A_1371 = tpu.vector_load %arg13[%swap3A_1368, %swap3A_1369, %swap3A_1370] {strides = array<i32>} : memref<6x8x1024xf32, #tpu.memory_space<vmem>>, vector<16xf32>,
      tpu.vector_store %arg13[%swap3A_1368, %swap3A_1369, %swap3A_1370], %get3A_1366 {add = true, strides = array<i32>} : memref<6x8x1024xf32, #tpu.memory_space<vmem>>, vector<16xf32>,
      %get3A_1372 = arith.constant 0 : i32
      %get3A_1373 = arith.constant 1 : i32
      %get3A_1374 = arith.index_cast %get3A_1372 : i32 to index
      %get3A_1375 = arith.index_cast %get3A_1373 : i32 to index
      %get3A_1376 = arith.index_cast %mul3A_1361 : i32 to index
      %get3A_1377 = tpu.vector_load %arg14[%get3A_1374, %get3A_1375, %get3A_1376] {strides = array<i32>} : memref<4x8x1024xf32, #tpu.memory_space<vmem>>, vector<16xf32>,
      %swap3A_1378 = arith.constant 0 : i32
      %swap3A_1379 = arith.constant 1 : i32
      %swap3A_1380 = arith.index_cast %swap3A_1378 : i32 to index
      %swap3A_1381 = arith.index_cast %swap3A_1379 : i32 to index
      %swap3A_1382 = arith.index_cast %mul3A_1361 : i32 to index
      %swap3A_1383 = tpu.vector_load %arg13[%swap3A_1380, %swap3A_1381, %swap3A_1382] {strides = array<i32>} : memref<6x8x1024xf32, #tpu.memory_space<vmem>>, vector<16xf32>,
      tpu.vector_store %arg13[%swap3A_1380, %swap3A_1381, %swap3A_1382], %get3A_1377 {add = true, strides = array<i32>} : memref<6x8x1024xf32, #tpu.memory_space<vmem>>, vector<16xf32>,
      %get3A_1384 = arith.constant 0 : i32
      %get3A_1385 = arith.constant 2 : i32
      %get3A_1386 = arith.index_cast %get3A_1384 : i32 to index
      %get3A_1387 = arith.index_cast %get3A_1385 : i32 to index
      %get3A_1388 = arith.index_cast %mul3A_1361 : i32 to index
      %get3A_1389 = tpu.vector_load %arg14[%get3A_1386, %get3A_1387, %get3A_1388] {strides = array<i32>} : memref<4x8x1024xf32, #tpu.memory_space<vmem>>, vector<16xf32>,
      %swap3A_1390 = arith.constant 0 : i32
      %swap3A_1391 = arith.constant 2 : i32
      %swap3A_1392 = arith.index_cast %swap3A_1390 : i32 to index
      %swap3A_1393 = arith.index_cast %swap3A_1391 : i32 to index
      %swap3A_1394 = arith.index_cast %mul3A_1361 : i32 to index
      %swap3A_1395 = tpu.vector_load %arg13[%swap3A_1392, %swap3A_1393, %swap3A_1394] {strides = array<i32>} : memref<6x8x1024xf32, #tpu.memory_space<vmem>>, vector<16xf32>,
      tpu.vector_store %arg13[%swap3A_1392, %swap3A_1393, %swap3A_1394], %get3A_1389 {add = true, strides = array<i32>} : memref<6x8x1024xf32, #tpu.memory_space<vmem>>, vector<16xf32>,
      %get3A_1396 = arith.constant 0 : i32
      %get3A_1397 = arith.constant 3 : i32
      %get3A_1398 = arith.index_cast %get3A_1396 : i32 to index
      %get3A_1399 = arith.index_cast %get3A_1397 : i32 to index
      %get3A_1400 = arith.index_cast %mul3A_1361 : i32 to index
      %get3A_1401 = tpu.vector_load %arg14[%get3A_1398, %get3A_1399, %get3A_1400] {strides = array<i32>} : memref<4x8x1024xf32, #tpu.memory_space<vmem>>, vector<16xf32>,
      %swap3A_1402 = arith.constant 0 : i32
      %swap3A_1403 = arith.constant 3 : i32
      %swap3A_1404 = arith.index_cast %swap3A_1402 : i32 to index
      %swap3A_1405 = arith.index_cast %swap3A_1403 : i32 to index
      %swap3A_1406 = arith.index_cast %mul3A_1361 : i32 to index
      %swap3A_1407 = tpu.vector_load %arg13[%swap3A_1404, %swap3A_1405, %swap3A_1406] {strides = array<i32>} : memref<6x8x1024xf32, #tpu.memory_space<vmem>>, vector<16xf32>,
      tpu.vector_store %arg13[%swap3A_1404, %swap3A_1405, %swap3A_1406], %get3A_1401 {add = true, strides = array<i32>} : memref<6x8x1024xf32, #tpu.memory_space<vmem>>, vector<16xf32>,
      %get3A_1408 = arith.constant 0 : i32
      %get3A_1409 = arith.constant 4 : i32
      %get3A_1410 = arith.index_cast %get3A_1408 : i32 to index
      %get3A_1411 = arith.index_cast %get3A_1409 : i32 to index
      %get3A_1412 = arith.index_cast %mul3A_1361 : i32 to index
      %get3A_1413 = tpu.vector_load %arg14[%get3A_1410, %get3A_1411, %get3A_1412] {strides = array<i32>} : memref<4x8x1024xf32, #tpu.memory_space<vmem>>, vector<16xf32>,
      %swap3A_1414 = arith.constant 0 : i32
      %swap3A_1415 = arith.constant 4 : i32
      %swap3A_1416 = arith.index_cast %swap3A_1414 : i32 to index
      %swap3A_1417 = arith.index_cast %swap3A_1415 : i32 to index
      %swap3A_1418 = arith.index_cast %mul3A_1361 : i32 to index
      %swap3A_1419 = tpu.vector_load %arg13[%swap3A_1416, %swap3A_1417, %swap3A_1418] {strides = array<i32>} : memref<6x8x1024xf32, #tpu.memory_space<vmem>>, vector<16xf32>,
      tpu.vector_store %arg13[%swap3A_1416, %swap3A_1417, %swap3A_1418], %get3A_1413 {add = true, strides = array<i32>} : memref<6x8x1024xf32, #tpu.memory_space<vmem>>, vector<16xf32>,
      %get3A_1420 = arith.constant 0 : i32
      %get3A_1421 = arith.constant 5 : i32
      %get3A_1422 = arith.index_cast %get3A_1420 : i32 to index
      %get3A_1423 = arith.index_cast %get3A_1421 : i32 to index
      %get3A_1424 = arith.index_cast %mul3A_1361 : i32 to index
      %get3A_1425 = tpu.vector_load %arg14[%get3A_1422, %get3A_1423, %get3A_1424] {strides = array<i32>} : memref<4x8x1024xf32, #tpu.memory_space<vmem>>, vector<16xf32>,
      %swap3A_1426 = arith.constant 0 : i32
      %swap3A_1427 = arith.constant 5 : i32
      %swap3A_1428 = arith.index_cast %swap3A_1426 : i32 to index
      %swap3A_1429 = arith.index_cast %swap3A_1427 : i32 to index
      %swap3A_1430 = arith.index_cast %mul3A_1361 : i32 to index
      %swap3A_1431 = tpu.vector_load %arg13[%swap3A_1428, %swap3A_1429, %swap3A_1430] {strides = array<i32>} : memref<6x8x1024xf32, #tpu.memory_space<vmem>>, vector<16xf32>,
      tpu.vector_store %arg13[%swap3A_1428, %swap3A_1429, %swap3A_1430], %get3A_1425 {add = true, strides = array<i32>} : memref<6x8x1024xf32, #tpu.memory_space<vmem>>, vector<16xf32>,
      %get3A_1432 = arith.constant 0 : i32
      %get3A_1433 = arith.constant 6 : i32
      %get3A_1434 = arith.index_cast %get3A_1432 : i32 to index
      %get3A_1435 = arith.index_cast %get3A_1433 : i32 to index
      %get3A_1436 = arith.index_cast %mul3A_1361 : i32 to index
      %get3A_1437 = tpu.vector_load %arg14[%get3A_1434, %get3A_1435, %get3A_1436] {strides = array<i32>} : memref<4x8x1024xf32, #tpu.memory_space<vmem>>, vector<16xf32>,
      %swap3A_1438 = arith.constant 0 : i32
      %swap3A_1439 = arith.constant 6 : i32
      %swap3A_1440 = arith.index_cast %swap3A_1438 : i32 to index
      %swap3A_1441 = arith.index_cast %swap3A_1439 : i32 to index
      %swap3A_1442 = arith.index_cast %mul3A_1361 : i32 to index
      %swap3A_1443 = tpu.vector_load %arg13[%swap3A_1440, %swap3A_1441, %swap3A_1442] {strides = array<i32>} : memref<6x8x1024xf32, #tpu.memory_space<vmem>>, vector<16xf32>,
      tpu.vector_store %arg13[%swap3A_1440, %swap3A_1441, %swap3A_1442], %get3A_1437 {add = true, strides = array<i32>} : memref<6x8x1024xf32, #tpu.memory_space<vmem>>, vector<16xf32>,
      %get3A_1444 = arith.constant 0 : i32
      %get3A_1445 = arith.constant 7 : i32
      %get3A_1446 = arith.index_cast %get3A_1444 : i32 to index
      %get3A_1447 = arith.index_cast %get3A_1445 : i32 to index
      %get3A_1448 = arith.index_cast %mul3A_1361 : i32 to index
      %get3A_1449 = tpu.vector_load %arg14[%get3A_1446, %get3A_1447, %get3A_1448] {strides = array<i32>} : memref<4x8x1024xf32, #tpu.memory_space<vmem>>, vector<16xf32>,
      %swap3A_1450 = arith.constant 0 : i32
      %swap3A_1451 = arith.constant 7 : i32
      %swap3A_1452 = arith.index_cast %swap3A_1450 : i32 to index
      %swap3A_1453 = arith.index_cast %swap3A_1451 : i32 to index
      %swap3A_1454 = arith.index_cast %mul3A_1361 : i32 to index
      %swap3A_1455 = tpu.vector_load %arg13[%swap3A_1452, %swap3A_1453, %swap3A_1454] {strides = array<i32>} : memref<6x8x1024xf32, #tpu.memory_space<vmem>>, vector<16xf32>,
      tpu.vector_store %arg13[%swap3A_1452, %swap3A_1453, %swap3A_1454], %get3A_1449 {add = true, strides = array<i32>} : memref<6x8x1024xf32, #tpu.memory_space<vmem>>, vector<16xf32>,
      %scan3A_1456 = arith.constant 0 : i32
      scf.yield %scan3A_1456 : i32
    }
    %scan3A_159 = arith.constant 64 : i32
    %add3A_160 = arith.constant 0 : i32
    %add3A_161 = arith.addi %mul3A_2, %add3A_160 : i32
    %dma_start3A_162 = arith.constant 0 : i32
    %dma_start3A_163 = arith.constant 0 : i32
    %dma_start3A_164 = arith.constant 0 : i32
    %dma_start3A_165 = tpu.memref_slice %arg13[%dma_start3A_162, %dma_start3A_163, %dma_start3A_164] : memref<6x8x1024xf32, #tpu.memory_space<vmem>> -> memref<1x8x1024xf32, #tpu.memory_space<vmem>>
    %dma_start3A_166 = tpu.memref_squeeze %dma_start3A_165 : memref<1x8x1024xf32, #tpu.memory_space<vmem>> -> memref<8x1024xf32, #tpu.memory_space<vmem>>
    %dma_start3A_167 = arith.constant 0 : i32
    %dma_start3A_168 = tpu.memref_slice %arg5[%add3A_161, %dma_start3A_167] : memref<4096x1024xf32, #tpu.memory_space<hbm>> -> memref<8x1024xf32, #tpu.memory_space<hbm>>
    %dma_start3A_169 = arith.constant 0 : i32
    %dma_start3A_170 = tpu.memref_slice %arg5[%add3A_161, %dma_start3A_169] : memref<4096x1024xf32, #tpu.memory_space<hbm>> -> memref<8x1024xf32, #tpu.memory_space<hbm>>
    %dma_start3A_171 = arith.constant 0 : i32
    %dma_start3A_172 = arith.constant 0 : i32
    %dma_start3A_173 = tpu.memref_slice %arg13[%dma_start3A_162, %dma_start3A_171, %dma_start3A_172] : memref<6x8x1024xf32, #tpu.memory_space<vmem>> -> memref<1x8x1024xf32, #tpu.memory_space<vmem>>
    %dma_start3A_174 = tpu.memref_squeeze %dma_start3A_173 : memref<1x8x1024xf32, #tpu.memory_space<vmem>> -> memref<8x1024xf32, #tpu.memory_space<vmem>>
    tpu.enqueue_dma source(%dma_start3A_174 : memref<8x1024xf32, #tpu.memory_space<vmem>>) target(%dma_start3A_170 : memref<8x1024xf32, #tpu.memory_space<hbm>>) target_semaphore(%arg19 : memref<!tpu.dma_semaphore, #tpu.memory_space<semaphore_mem>>)
    %dma_start3A_175 = arith.constant 4 : i32
    %dma_start3A_176 = arith.constant 0 : i32
    %dma_start3A_177 = arith.constant 0 : i32
    %dma_start3A_178 = tpu.memref_slice %arg13[%dma_start3A_175, %dma_start3A_176, %dma_start3A_177] : memref<6x8x1024xf32, #tpu.memory_space<vmem>> -> memref<1x8x1024xf32, #tpu.memory_space<vmem>>
    %dma_start3A_179 = tpu.memref_squeeze %dma_start3A_178 : memref<1x8x1024xf32, #tpu.memory_space<vmem>> -> memref<8x1024xf32, #tpu.memory_space<vmem>>
    %dma_start3A_180 = arith.constant 32 : i32
    %dma_start3A_181 = tpu.memref_slice %arg12[%dma_start3A_180] : memref<128xi32, #tpu.memory_space<vmem>> -> memref<8xi32, #tpu.memory_space<vmem>>
    %dma_start3A_182 = arith.constant 0 : i32
    %dma_start3A_183 = arith.constant 0 : i32
    %dma_start3A_184 = tpu.memref_slice %arg4[%dma_start3A_182, %dma_start3A_183] : memref<5000x1024xf32, #tpu.memory_space<hbm>> -> memref<5000x1024xf32, #tpu.memory_space<hbm>>
    tpu.enqueue_indirect_dma source(%dma_start3A_184 : memref<5000x1024xf32, #tpu.memory_space<hbm>>) target(%dma_start3A_179 : memref<8x1024xf32, #tpu.memory_space<vmem>>) offsets(%dma_start3A_181 : memref<8xi32, #tpu.memory_space<vmem>>) semaphore(%arg17 : memref<!tpu.dma_semaphore, #tpu.memory_space<semaphore_mem>>)
    %dma_wait3A_185 = arith.constant 1 : i32
    %dma_wait3A_186 = arith.constant 0 : i32
    %dma_wait3A_187 = arith.constant 0 : i32
    %dma_wait3A_188 = tpu.memref_slice %arg13[%dma_wait3A_185, %dma_wait3A_186, %dma_wait3A_187] : memref<6x8x1024xf32, #tpu.memory_space<vmem>> -> memref<1x8x1024xf32, #tpu.memory_space<vmem>>
    %dma_wait3A_189 = tpu.memref_squeeze %dma_wait3A_188 : memref<1x8x1024xf32, #tpu.memory_space<vmem>> -> memref<8x1024xf32, #tpu.memory_space<vmem>>
    %dma_wait3A_190 = arith.constant 8 : i32
    %dma_wait3A_191 = tpu.memref_slice %arg12[%dma_wait3A_190] : memref<128xi32, #tpu.memory_space<vmem>> -> memref<8xi32, #tpu.memory_space<vmem>>
    %dma_wait3A_192 = arith.constant 0 : i32
    %dma_wait3A_193 = arith.constant 0 : i32
    %dma_wait3A_194 = tpu.memref_slice %arg4[%dma_wait3A_192, %dma_wait3A_193] : memref<5000x1024xf32, #tpu.memory_space<hbm>> -> memref<5000x1024xf32, #tpu.memory_space<hbm>>
    tpu.wait_indirect_dma semaphore(%arg17 : memref<!tpu.dma_semaphore, #tpu.memory_space<semaphore_mem>>) src(%dma_wait3A_194 : memref<5000x1024xf32, #tpu.memory_space<hbm>>) dst(%dma_wait3A_189 : memref<8x1024xf32, #tpu.memory_space<vmem>>)
    %dma_wait3A_195 = arith.constant 1 : i32
    %dma_wait3A_196 = arith.constant 0 : i32
    %dma_wait3A_197 = arith.constant 0 : i32
    %dma_wait3A_198 = tpu.memref_slice %arg14[%dma_wait3A_195, %dma_wait3A_196, %dma_wait3A_197] : memref<4x8x1024xf32, #tpu.memory_space<vmem>> -> memref<1x8x1024xf32, #tpu.memory_space<vmem>>
    %dma_wait3A_199 = tpu.memref_squeeze %dma_wait3A_198 : memref<1x8x1024xf32, #tpu.memory_space<vmem>> -> memref<8x1024xf32, #tpu.memory_space<vmem>>
    %dma_wait3A_200 = arith.constant 0 : i32
    %dma_wait3A_201 = tpu.memref_slice %arg3[%add3A_18, %dma_wait3A_200] : memref<4096x1024xf32, #tpu.memory_space<hbm>> -> memref<8x1024xf32, #tpu.memory_space<hbm>>
    %dma_wait3A_202 = arith.constant 0 : i32
    %dma_wait3A_203 = arith.constant 0 : i32
    %dma_wait3A_204 = tpu.memref_slice %arg14[%dma_wait3A_195, %dma_wait3A_202, %dma_wait3A_203] : memref<4x8x1024xf32, #tpu.memory_space<vmem>> -> memref<1x8x1024xf32, #tpu.memory_space<vmem>>
    %dma_wait3A_205 = tpu.memref_squeeze %dma_wait3A_204 : memref<1x8x1024xf32, #tpu.memory_space<vmem>> -> memref<8x1024xf32, #tpu.memory_space<vmem>>
    %dma_wait3A_206 = arith.constant 0 : i32
    %dma_wait3A_207 = tpu.memref_slice %arg3[%add3A_18, %dma_wait3A_206] : memref<4096x1024xf32, #tpu.memory_space<hbm>> -> memref<8x1024xf32, #tpu.memory_space<hbm>>
    tpu.wait_dma2 semaphore(%arg18 : memref<!tpu.dma_semaphore, #tpu.memory_space<semaphore_mem>>) src(%dma_wait3A_207 : memref<8x1024xf32, #tpu.memory_space<hbm>>) dst(%dma_wait3A_205 : memref<8x1024xf32, #tpu.memory_space<vmem>>)
    %scan3A_208 = arith.constant 0 : i32
    %scan3A_209 = arith.constant 0 : i32
    %scan3A_210 = arith.constant 64 : i32
    %scan3A_211 = arith.addi %scan3A_209, %scan3A_210 : i32
    %scan3A_212 = arith.constant 1 : i32
    %scan3A_213 = scf.for %scan3A_1358 = %scan3A_209 to %scan3A_211 step %scan3A_212 iter_args(%scan3A_1359 = %scan3A_208) -> (i32)  : i32 {
      %mul3A_1360 = arith.constant 16 : i32
      %mul3A_1361 = arith.muli %scan3A_1358, %mul3A_1360 : i32
      %get3A = arith.constant 1 : i32
      %get3A_1362 = arith.constant 0 : i32
      %get3A_1363 = arith.index_cast %get3A : i32 to index
      %get3A_1364 = arith.index_cast %get3A_1362 : i32 to index
      %get3A_1365 = arith.index_cast %mul3A_1361 : i32 to index
      %get3A_1366 = tpu.vector_load %arg14[%get3A_1363, %get3A_1364, %get3A_1365] {strides = array<i32>} : memref<4x8x1024xf32, #tpu.memory_space<vmem>>, vector<16xf32>,
      %swap3A = arith.constant 1 : i32
      %swap3A_1367 = arith.constant 0 : i32
      %swap3A_1368 = arith.index_cast %swap3A : i32 to index
      %swap3A_1369 = arith.index_cast %swap3A_1367 : i32 to index
      %swap3A_1370 = arith.index_cast %mul3A_1361 : i32 to index
      %swap3A_1371 = tpu.vector_load %arg13[%swap3A_1368, %swap3A_1369, %swap3A_1370] {strides = array<i32>} : memref<6x8x1024xf32, #tpu.memory_space<vmem>>, vector<16xf32>,
      tpu.vector_store %arg13[%swap3A_1368, %swap3A_1369, %swap3A_1370], %get3A_1366 {add = true, strides = array<i32>} : memref<6x8x1024xf32, #tpu.memory_space<vmem>>, vector<16xf32>,
      %get3A_1372 = arith.constant 1 : i32
      %get3A_1373 = arith.constant 1 : i32
      %get3A_1374 = arith.index_cast %get3A_1372 : i32 to index
      %get3A_1375 = arith.index_cast %get3A_1373 : i32 to index
      %get3A_1376 = arith.index_cast %mul3A_1361 : i32 to index
      %get3A_1377 = tpu.vector_load %arg14[%get3A_1374, %get3A_1375, %get3A_1376] {strides = array<i32>} : memref<4x8x1024xf32, #tpu.memory_space<vmem>>, vector<16xf32>,
      %swap3A_1378 = arith.constant 1 : i32
      %swap3A_1379 = arith.constant 1 : i32
      %swap3A_1380 = arith.index_cast %swap3A_1378 : i32 to index
      %swap3A_1381 = arith.index_cast %swap3A_1379 : i32 to index
      %swap3A_1382 = arith.index_cast %mul3A_1361 : i32 to index
      %swap3A_1383 = tpu.vector_load %arg13[%swap3A_1380, %swap3A_1381, %swap3A_1382] {strides = array<i32>} : memref<6x8x1024xf32, #tpu.memory_space<vmem>>, vector<16xf32>,
      tpu.vector_store %arg13[%swap3A_1380, %swap3A_1381, %swap3A_1382], %get3A_1377 {add = true, strides = array<i32>} : memref<6x8x1024xf32, #tpu.memory_space<vmem>>, vector<16xf32>,
      %get3A_1384 = arith.constant 1 : i32
      %get3A_1385 = arith.constant 2 : i32
      %get3A_1386 = arith.index_cast %get3A_1384 : i32 to index
      %get3A_1387 = arith.index_cast %get3A_1385 : i32 to index
      %get3A_1388 = arith.index_cast %mul3A_1361 : i32 to index
      %get3A_1389 = tpu.vector_load %arg14[%get3A_1386, %get3A_1387, %get3A_1388] {strides = array<i32>} : memref<4x8x1024xf32, #tpu.memory_space<vmem>>, vector<16xf32>,
      %swap3A_1390 = arith.constant 1 : i32
      %swap3A_1391 = arith.constant 2 : i32
      %swap3A_1392 = arith.index_cast %swap3A_1390 : i32 to index
      %swap3A_1393 = arith.index_cast %swap3A_1391 : i32 to index
      %swap3A_1394 = arith.index_cast %mul3A_1361 : i32 to index
      %swap3A_1395 = tpu.vector_load %arg13[%swap3A_1392, %swap3A_1393, %swap3A_1394] {strides = array<i32>} : memref<6x8x1024xf32, #tpu.memory_space<vmem>>, vector<16xf32>,
      tpu.vector_store %arg13[%swap3A_1392, %swap3A_1393, %swap3A_1394], %get3A_1389 {add = true, strides = array<i32>} : memref<6x8x1024xf32, #tpu.memory_space<vmem>>, vector<16xf32>,
      %get3A_1396 = arith.constant 1 : i32
      %get3A_1397 = arith.constant 3 : i32
      %get3A_1398 = arith.index_cast %get3A_1396 : i32 to index
      %get3A_1399 = arith.index_cast %get3A_1397 : i32 to index
      %get3A_1400 = arith.index_cast %mul3A_1361 : i32 to index
      %get3A_1401 = tpu.vector_load %arg14[%get3A_1398, %get3A_1399, %get3A_1400] {strides = array<i32>} : memref<4x8x1024xf32, #tpu.memory_space<vmem>>, vector<16xf32>,
      %swap3A_1402 = arith.constant 1 : i32
      %swap3A_1403 = arith.constant 3 : i32
      %swap3A_1404 = arith.index_cast %swap3A_1402 : i32 to index
      %swap3A_1405 = arith.index_cast %swap3A_1403 : i32 to index
      %swap3A_1406 = arith.index_cast %mul3A_1361 : i32 to index
      %swap3A_1407 = tpu.vector_load %arg13[%swap3A_1404, %swap3A_1405, %swap3A_1406] {strides = array<i32>} : memref<6x8x1024xf32, #tpu.memory_space<vmem>>, vector<16xf32>,
      tpu.vector_store %arg13[%swap3A_1404, %swap3A_1405, %swap3A_1406], %get3A_1401 {add = true, strides = array<i32>} : memref<6x8x1024xf32, #tpu.memory_space<vmem>>, vector<16xf32>,
      %get3A_1408 = arith.constant 1 : i32
      %get3A_1409 = arith.constant 4 : i32
      %get3A_1410 = arith.index_cast %get3A_1408 : i32 to index
      %get3A_1411 = arith.index_cast %get3A_1409 : i32 to index
      %get3A_1412 = arith.index_cast %mul3A_1361 : i32 to index
      %get3A_1413 = tpu.vector_load %arg14[%get3A_1410, %get3A_1411, %get3A_1412] {strides = array<i32>} : memref<4x8x1024xf32, #tpu.memory_space<vmem>>, vector<16xf32>,
      %swap3A_1414 = arith.constant 1 : i32
      %swap3A_1415 = arith.constant 4 : i32
      %swap3A_1416 = arith.index_cast %swap3A_1414 : i32 to index
      %swap3A_1417 = arith.index_cast %swap3A_1415 : i32 to index
      %swap3A_1418 = arith.index_cast %mul3A_1361 : i32 to index
      %swap3A_1419 = tpu.vector_load %arg13[%swap3A_1416, %swap3A_1417, %swap3A_1418] {strides = array<i32>} : memref<6x8x1024xf32, #tpu.memory_space<vmem>>, vector<16xf32>,
      tpu.vector_store %arg13[%swap3A_1416, %swap3A_1417, %swap3A_1418], %get3A_1413 {add = true, strides = array<i32>} : memref<6x8x1024xf32, #tpu.memory_space<vmem>>, vector<16xf32>,
      %get3A_1420 = arith.constant 1 : i32
      %get3A_1421 = arith.constant 5 : i32
      %get3A_1422 = arith.index_cast %get3A_1420 : i32 to index
      %get3A_1423 = arith.index_cast %get3A_1421 : i32 to index
      %get3A_1424 = arith.index_cast %mul3A_1361 : i32 to index
      %get3A_1425 = tpu.vector_load %arg14[%get3A_1422, %get3A_1423, %get3A_1424] {strides = array<i32>} : memref<4x8x1024xf32, #tpu.memory_space<vmem>>, vector<16xf32>,
      %swap3A_1426 = arith.constant 1 : i32
      %swap3A_1427 = arith.constant 5 : i32
      %swap3A_1428 = arith.index_cast %swap3A_1426 : i32 to index
      %swap3A_1429 = arith.index_cast %swap3A_1427 : i32 to index
      %swap3A_1430 = arith.index_cast %mul3A_1361 : i32 to index
      %swap3A_1431 = tpu.vector_load %arg13[%swap3A_1428, %swap3A_1429, %swap3A_1430] {strides = array<i32>} : memref<6x8x1024xf32, #tpu.memory_space<vmem>>, vector<16xf32>,
      tpu.vector_store %arg13[%swap3A_1428, %swap3A_1429, %swap3A_1430], %get3A_1425 {add = true, strides = array<i32>} : memref<6x8x1024xf32, #tpu.memory_space<vmem>>, vector<16xf32>,
      %get3A_1432 = arith.constant 1 : i32
      %get3A_1433 = arith.constant 6 : i32
      %get3A_1434 = arith.index_cast %get3A_1432 : i32 to index
      %get3A_1435 = arith.index_cast %get3A_1433 : i32 to index
      %get3A_1436 = arith.index_cast %mul3A_1361 : i32 to index
      %get3A_1437 = tpu.vector_load %arg14[%get3A_1434, %get3A_1435, %get3A_1436] {strides = array<i32>} : memref<4x8x1024xf32, #tpu.memory_space<vmem>>, vector<16xf32>,
      %swap3A_1438 = arith.constant 1 : i32
      %swap3A_1439 = arith.constant 6 : i32
      %swap3A_1440 = arith.index_cast %swap3A_1438 : i32 to index
      %swap3A_1441 = arith.index_cast %swap3A_1439 : i32 to index
      %swap3A_1442 = arith.index_cast %mul3A_1361 : i32 to index
      %swap3A_1443 = tpu.vector_load %arg13[%swap3A_1440, %swap3A_1441, %swap3A_1442] {strides = array<i32>} : memref<6x8x1024xf32, #tpu.memory_space<vmem>>, vector<16xf32>,
      tpu.vector_store %arg13[%swap3A_1440, %swap3A_1441, %swap3A_1442], %get3A_1437 {add = true, strides = array<i32>} : memref<6x8x1024xf32, #tpu.memory_space<vmem>>, vector<16xf32>,
      %get3A_1444 = arith.constant 1 : i32
      %get3A_1445 = arith.constant 7 : i32
      %get3A_1446 = arith.index_cast %get3A_1444 : i32 to index
      %get3A_1447 = arith.index_cast %get3A_1445 : i32 to index
      %get3A_1448 = arith.index_cast %mul3A_1361 : i32 to index
      %get3A_1449 = tpu.vector_load %arg14[%get3A_1446, %get3A_1447, %get3A_1448] {strides = array<i32>} : memref<4x8x1024xf32, #tpu.memory_space<vmem>>, vector<16xf32>,
      %swap3A_1450 = arith.constant 1 : i32
      %swap3A_1451 = arith.constant 7 : i32
      %swap3A_1452 = arith.index_cast %swap3A_1450 : i32 to index
      %swap3A_1453 = arith.index_cast %swap3A_1451 : i32 to index
      %swap3A_1454 = arith.index_cast %mul3A_1361 : i32 to index
      %swap3A_1455 = tpu.vector_load %arg13[%swap3A_1452, %swap3A_1453, %swap3A_1454] {strides = array<i32>} : memref<6x8x1024xf32, #tpu.memory_space<vmem>>, vector<16xf32>,
      tpu.vector_store %arg13[%swap3A_1452, %swap3A_1453, %swap3A_1454], %get3A_1449 {add = true, strides = array<i32>} : memref<6x8x1024xf32, #tpu.memory_space<vmem>>, vector<16xf32>,
      %scan3A_1456 = arith.constant 0 : i32
      scf.yield %scan3A_1456 : i32
    }
    %scan3A_214 = arith.constant 64 : i32
    %add3A_215 = arith.constant 8 : i32
    %add3A_216 = arith.addi %mul3A_2, %add3A_215 : i32
    %dma_start3A_217 = arith.constant 1 : i32
    %dma_start3A_218 = arith.constant 0 : i32
    %dma_start3A_219 = arith.constant 0 : i32
    %dma_start3A_220 = tpu.memref_slice %arg13[%dma_start3A_217, %dma_start3A_218, %dma_start3A_219] : memref<6x8x1024xf32, #tpu.memory_space<vmem>> -> memref<1x8x1024xf32, #tpu.memory_space<vmem>>
    %dma_start3A_221 = tpu.memref_squeeze %dma_start3A_220 : memref<1x8x1024xf32, #tpu.memory_space<vmem>> -> memref<8x1024xf32, #tpu.memory_space<vmem>>
    %dma_start3A_222 = arith.constant 0 : i32
    %dma_start3A_223 = tpu.memref_slice %arg5[%add3A_216, %dma_start3A_222] : memref<4096x1024xf32, #tpu.memory_space<hbm>> -> memref<8x1024xf32, #tpu.memory_space<hbm>>
    %dma_start3A_224 = arith.constant 0 : i32
    %dma_start3A_225 = tpu.memref_slice %arg5[%add3A_216, %dma_start3A_224] : memref<4096x1024xf32, #tpu.memory_space<hbm>> -> memref<8x1024xf32, #tpu.memory_space<hbm>>
    %dma_start3A_226 = arith.constant 0 : i32
    %dma_start3A_227 = arith.constant 0 : i32
    %dma_start3A_228 = tpu.memref_slice %arg13[%dma_start3A_217, %dma_start3A_226, %dma_start3A_227] : memref<6x8x1024xf32, #tpu.memory_space<vmem>> -> memref<1x8x1024xf32, #tpu.memory_space<vmem>>
    %dma_start3A_229 = tpu.memref_squeeze %dma_start3A_228 : memref<1x8x1024xf32, #tpu.memory_space<vmem>> -> memref<8x1024xf32, #tpu.memory_space<vmem>>
    tpu.enqueue_dma source(%dma_start3A_229 : memref<8x1024xf32, #tpu.memory_space<vmem>>) target(%dma_start3A_225 : memref<8x1024xf32, #tpu.memory_space<hbm>>) target_semaphore(%arg19 : memref<!tpu.dma_semaphore, #tpu.memory_space<semaphore_mem>>)
    %add3A_230 = arith.constant 32 : i32
    %add3A_231 = arith.addi %mul3A_2, %add3A_230 : i32
    %dma_start3A_232 = arith.constant 0 : i32
    %dma_start3A_233 = arith.constant 0 : i32
    %dma_start3A_234 = arith.constant 0 : i32
    %dma_start3A_235 = tpu.memref_slice %arg14[%dma_start3A_232, %dma_start3A_233, %dma_start3A_234] : memref<4x8x1024xf32, #tpu.memory_space<vmem>> -> memref<1x8x1024xf32, #tpu.memory_space<vmem>>
    %dma_start3A_236 = tpu.memref_squeeze %dma_start3A_235 : memref<1x8x1024xf32, #tpu.memory_space<vmem>> -> memref<8x1024xf32, #tpu.memory_space<vmem>>
    %dma_start3A_237 = arith.constant 0 : i32
    %dma_start3A_238 = tpu.memref_slice %arg3[%add3A_231, %dma_start3A_237] : memref<4096x1024xf32, #tpu.memory_space<hbm>> -> memref<8x1024xf32, #tpu.memory_space<hbm>>
    %dma_start3A_239 = arith.constant 0 : i32
    %dma_start3A_240 = arith.constant 0 : i32
    %dma_start3A_241 = tpu.memref_slice %arg14[%dma_start3A_232, %dma_start3A_239, %dma_start3A_240] : memref<4x8x1024xf32, #tpu.memory_space<vmem>> -> memref<1x8x1024xf32, #tpu.memory_space<vmem>>
    %dma_start3A_242 = tpu.memref_squeeze %dma_start3A_241 : memref<1x8x1024xf32, #tpu.memory_space<vmem>> -> memref<8x1024xf32, #tpu.memory_space<vmem>>
    %dma_start3A_243 = arith.constant 0 : i32
    %dma_start3A_244 = tpu.memref_slice %arg3[%add3A_231, %dma_start3A_243] : memref<4096x1024xf32, #tpu.memory_space<hbm>> -> memref<8x1024xf32, #tpu.memory_space<hbm>>
    tpu.enqueue_dma source(%dma_start3A_244 : memref<8x1024xf32, #tpu.memory_space<hbm>>) target(%dma_start3A_242 : memref<8x1024xf32, #tpu.memory_space<vmem>>) target_semaphore(%arg18 : memref<!tpu.dma_semaphore, #tpu.memory_space<semaphore_mem>>)
    %dma_start3A_245 = arith.constant 5 : i32
    %dma_start3A_246 = arith.constant 0 : i32
    %dma_start3A_247 = arith.constant 0 : i32
    %dma_start3A_248 = tpu.memref_slice %arg13[%dma_start3A_245, %dma_start3A_246, %dma_start3A_247] : memref<6x8x1024xf32, #tpu.memory_space<vmem>> -> memref<1x8x1024xf32, #tpu.memory_space<vmem>>
    %dma_start3A_249 = tpu.memref_squeeze %dma_start3A_248 : memref<1x8x1024xf32, #tpu.memory_space<vmem>> -> memref<8x1024xf32, #tpu.memory_space<vmem>>
    %dma_start3A_250 = arith.constant 40 : i32
    %dma_start3A_251 = tpu.memref_slice %arg12[%dma_start3A_250] : memref<128xi32, #tpu.memory_space<vmem>> -> memref<8xi32, #tpu.memory_space<vmem>>
    %dma_start3A_252 = arith.constant 0 : i32
    %dma_start3A_253 = arith.constant 0 : i32
    %dma_start3A_254 = tpu.memref_slice %arg4[%dma_start3A_252, %dma_start3A_253] : memref<5000x1024xf32, #tpu.memory_space<hbm>> -> memref<5000x1024xf32, #tpu.memory_space<hbm>>
    tpu.enqueue_indirect_dma source(%dma_start3A_254 : memref<5000x1024xf32, #tpu.memory_space<hbm>>) target(%dma_start3A_249 : memref<8x1024xf32, #tpu.memory_space<vmem>>) offsets(%dma_start3A_251 : memref<8xi32, #tpu.memory_space<vmem>>) semaphore(%arg17 : memref<!tpu.dma_semaphore, #tpu.memory_space<semaphore_mem>>)
    %dma_wait3A_255 = arith.constant 2 : i32
    %dma_wait3A_256 = arith.constant 0 : i32
    %dma_wait3A_257 = arith.constant 0 : i32
    %dma_wait3A_258 = tpu.memref_slice %arg13[%dma_wait3A_255, %dma_wait3A_256, %dma_wait3A_257] : memref<6x8x1024xf32, #tpu.memory_space<vmem>> -> memref<1x8x1024xf32, #tpu.memory_space<vmem>>
    %dma_wait3A_259 = tpu.memref_squeeze %dma_wait3A_258 : memref<1x8x1024xf32, #tpu.memory_space<vmem>> -> memref<8x1024xf32, #tpu.memory_space<vmem>>
    %dma_wait3A_260 = arith.constant 16 : i32
    %dma_wait3A_261 = tpu.memref_slice %arg12[%dma_wait3A_260] : memref<128xi32, #tpu.memory_space<vmem>> -> memref<8xi32, #tpu.memory_space<vmem>>
    %dma_wait3A_262 = arith.constant 0 : i32
    %dma_wait3A_263 = arith.constant 0 : i32
    %dma_wait3A_264 = tpu.memref_slice %arg4[%dma_wait3A_262, %dma_wait3A_263] : memref<5000x1024xf32, #tpu.memory_space<hbm>> -> memref<5000x1024xf32, #tpu.memory_space<hbm>>
    tpu.wait_indirect_dma semaphore(%arg17 : memref<!tpu.dma_semaphore, #tpu.memory_space<semaphore_mem>>) src(%dma_wait3A_264 : memref<5000x1024xf32, #tpu.memory_space<hbm>>) dst(%dma_wait3A_259 : memref<8x1024xf32, #tpu.memory_space<vmem>>)
    %dma_wait3A_265 = arith.constant 2 : i32
    %dma_wait3A_266 = arith.constant 0 : i32
    %dma_wait3A_267 = arith.constant 0 : i32
    %dma_wait3A_268 = tpu.memref_slice %arg14[%dma_wait3A_265, %dma_wait3A_266, %dma_wait3A_267] : memref<4x8x1024xf32, #tpu.memory_space<vmem>> -> memref<1x8x1024xf32, #tpu.memory_space<vmem>>
    %dma_wait3A_269 = tpu.memref_squeeze %dma_wait3A_268 : memref<1x8x1024xf32, #tpu.memory_space<vmem>> -> memref<8x1024xf32, #tpu.memory_space<vmem>>
    %dma_wait3A_270 = arith.constant 0 : i32
    %dma_wait3A_271 = tpu.memref_slice %arg3[%add3A_33, %dma_wait3A_270] : memref<4096x1024xf32, #tpu.memory_space<hbm>> -> memref<8x1024xf32, #tpu.memory_space<hbm>>
    %dma_wait3A_272 = arith.constant 0 : i32
    %dma_wait3A_273 = arith.constant 0 : i32
    %dma_wait3A_274 = tpu.memref_slice %arg14[%dma_wait3A_265, %dma_wait3A_272, %dma_wait3A_273] : memref<4x8x1024xf32, #tpu.memory_space<vmem>> -> memref<1x8x1024xf32, #tpu.memory_space<vmem>>
    %dma_wait3A_275 = tpu.memref_squeeze %dma_wait3A_274 : memref<1x8x1024xf32, #tpu.memory_space<vmem>> -> memref<8x1024xf32, #tpu.memory_space<vmem>>
    %dma_wait3A_276 = arith.constant 0 : i32
    %dma_wait3A_277 = tpu.memref_slice %arg3[%add3A_33, %dma_wait3A_276] : memref<4096x1024xf32, #tpu.memory_space<hbm>> -> memref<8x1024xf32, #tpu.memory_space<hbm>>
    tpu.wait_dma2 semaphore(%arg18 : memref<!tpu.dma_semaphore, #tpu.memory_space<semaphore_mem>>) src(%dma_wait3A_277 : memref<8x1024xf32, #tpu.memory_space<hbm>>) dst(%dma_wait3A_275 : memref<8x1024xf32, #tpu.memory_space<vmem>>)
    %scan3A_278 = arith.constant 0 : i32
    %scan3A_279 = arith.constant 0 : i32
    %scan3A_280 = arith.constant 64 : i32
    %scan3A_281 = arith.addi %scan3A_279, %scan3A_280 : i32
    %scan3A_282 = arith.constant 1 : i32
    %scan3A_283 = scf.for %scan3A_1358 = %scan3A_279 to %scan3A_281 step %scan3A_282 iter_args(%scan3A_1359 = %scan3A_278) -> (i32)  : i32 {
      %mul3A_1360 = arith.constant 16 : i32
      %mul3A_1361 = arith.muli %scan3A_1358, %mul3A_1360 : i32
      %get3A = arith.constant 2 : i32
      %get3A_1362 = arith.constant 0 : i32
      %get3A_1363 = arith.index_cast %get3A : i32 to index
      %get3A_1364 = arith.index_cast %get3A_1362 : i32 to index
      %get3A_1365 = arith.index_cast %mul3A_1361 : i32 to index
      %get3A_1366 = tpu.vector_load %arg14[%get3A_1363, %get3A_1364, %get3A_1365] {strides = array<i32>} : memref<4x8x1024xf32, #tpu.memory_space<vmem>>, vector<16xf32>,
      %swap3A = arith.constant 2 : i32
      %swap3A_1367 = arith.constant 0 : i32
      %swap3A_1368 = arith.index_cast %swap3A : i32 to index
      %swap3A_1369 = arith.index_cast %swap3A_1367 : i32 to index
      %swap3A_1370 = arith.index_cast %mul3A_1361 : i32 to index
      %swap3A_1371 = tpu.vector_load %arg13[%swap3A_1368, %swap3A_1369, %swap3A_1370] {strides = array<i32>} : memref<6x8x1024xf32, #tpu.memory_space<vmem>>, vector<16xf32>,
      tpu.vector_store %arg13[%swap3A_1368, %swap3A_1369, %swap3A_1370], %get3A_1366 {add = true, strides = array<i32>} : memref<6x8x1024xf32, #tpu.memory_space<vmem>>, vector<16xf32>,
      %get3A_1372 = arith.constant 2 : i32
      %get3A_1373 = arith.constant 1 : i32
      %get3A_1374 = arith.index_cast %get3A_1372 : i32 to index
      %get3A_1375 = arith.index_cast %get3A_1373 : i32 to index
      %get3A_1376 = arith.index_cast %mul3A_1361 : i32 to index
      %get3A_1377 = tpu.vector_load %arg14[%get3A_1374, %get3A_1375, %get3A_1376] {strides = array<i32>} : memref<4x8x1024xf32, #tpu.memory_space<vmem>>, vector<16xf32>,
      %swap3A_1378 = arith.constant 2 : i32
      %swap3A_1379 = arith.constant 1 : i32
      %swap3A_1380 = arith.index_cast %swap3A_1378 : i32 to index
      %swap3A_1381 = arith.index_cast %swap3A_1379 : i32 to index
      %swap3A_1382 = arith.index_cast %mul3A_1361 : i32 to index
      %swap3A_1383 = tpu.vector_load %arg13[%swap3A_1380, %swap3A_1381, %swap3A_1382] {strides = array<i32>} : memref<6x8x1024xf32, #tpu.memory_space<vmem>>, vector<16xf32>,
      tpu.vector_store %arg13[%swap3A_1380, %swap3A_1381, %swap3A_1382], %get3A_1377 {add = true, strides = array<i32>} : memref<6x8x1024xf32, #tpu.memory_space<vmem>>, vector<16xf32>,
      %get3A_1384 = arith.constant 2 : i32
      %get3A_1385 = arith.constant 2 : i32
      %get3A_1386 = arith.index_cast %get3A_1384 : i32 to index
      %get3A_1387 = arith.index_cast %get3A_1385 : i32 to index
      %get3A_1388 = arith.index_cast %mul3A_1361 : i32 to index
      %get3A_1389 = tpu.vector_load %arg14[%get3A_1386, %get3A_1387, %get3A_1388] {strides = array<i32>} : memref<4x8x1024xf32, #tpu.memory_space<vmem>>, vector<16xf32>,
      %swap3A_1390 = arith.constant 2 : i32
      %swap3A_1391 = arith.constant 2 : i32
      %swap3A_1392 = arith.index_cast %swap3A_1390 : i32 to index
      %swap3A_1393 = arith.index_cast %swap3A_1391 : i32 to index
      %swap3A_1394 = arith.index_cast %mul3A_1361 : i32 to index
      %swap3A_1395 = tpu.vector_load %arg13[%swap3A_1392, %swap3A_1393, %swap3A_1394] {strides = array<i32>} : memref<6x8x1024xf32, #tpu.memory_space<vmem>>, vector<16xf32>,
      tpu.vector_store %arg13[%swap3A_1392, %swap3A_1393, %swap3A_1394], %get3A_1389 {add = true, strides = array<i32>} : memref<6x8x1024xf32, #tpu.memory_space<vmem>>, vector<16xf32>,
      %get3A_1396 = arith.constant 2 : i32
      %get3A_1397 = arith.constant 3 : i32
      %get3A_1398 = arith.index_cast %get3A_1396 : i32 to index
      %get3A_1399 = arith.index_cast %get3A_1397 : i32 to index
      %get3A_1400 = arith.index_cast %mul3A_1361 : i32 to index
      %get3A_1401 = tpu.vector_load %arg14[%get3A_1398, %get3A_1399, %get3A_1400] {strides = array<i32>} : memref<4x8x1024xf32, #tpu.memory_space<vmem>>, vector<16xf32>,
      %swap3A_1402 = arith.constant 2 : i32
      %swap3A_1403 = arith.constant 3 : i32
      %swap3A_1404 = arith.index_cast %swap3A_1402 : i32 to index
      %swap3A_1405 = arith.index_cast %swap3A_1403 : i32 to index
      %swap3A_1406 = arith.index_cast %mul3A_1361 : i32 to index
      %swap3A_1407 = tpu.vector_load %arg13[%swap3A_1404, %swap3A_1405, %swap3A_1406] {strides = array<i32>} : memref<6x8x1024xf32, #tpu.memory_space<vmem>>, vector<16xf32>,
      tpu.vector_store %arg13[%swap3A_1404, %swap3A_1405, %swap3A_1406], %get3A_1401 {add = true, strides = array<i32>} : memref<6x8x1024xf32, #tpu.memory_space<vmem>>, vector<16xf32>,
      %get3A_1408 = arith.constant 2 : i32
      %get3A_1409 = arith.constant 4 : i32
      %get3A_1410 = arith.index_cast %get3A_1408 : i32 to index
      %get3A_1411 = arith.index_cast %get3A_1409 : i32 to index
      %get3A_1412 = arith.index_cast %mul3A_1361 : i32 to index
      %get3A_1413 = tpu.vector_load %arg14[%get3A_1410, %get3A_1411, %get3A_1412] {strides = array<i32>} : memref<4x8x1024xf32, #tpu.memory_space<vmem>>, vector<16xf32>,
      %swap3A_1414 = arith.constant 2 : i32
      %swap3A_1415 = arith.constant 4 : i32
      %swap3A_1416 = arith.index_cast %swap3A_1414 : i32 to index
      %swap3A_1417 = arith.index_cast %swap3A_1415 : i32 to index
      %swap3A_1418 = arith.index_cast %mul3A_1361 : i32 to index
      %swap3A_1419 = tpu.vector_load %arg13[%swap3A_1416, %swap3A_1417, %swap3A_1418] {strides = array<i32>} : memref<6x8x1024xf32, #tpu.memory_space<vmem>>, vector<16xf32>,
      tpu.vector_store %arg13[%swap3A_1416, %swap3A_1417, %swap3A_1418], %get3A_1413 {add = true, strides = array<i32>} : memref<6x8x1024xf32, #tpu.memory_space<vmem>>, vector<16xf32>,
      %get3A_1420 = arith.constant 2 : i32
      %get3A_1421 = arith.constant 5 : i32
      %get3A_1422 = arith.index_cast %get3A_1420 : i32 to index
      %get3A_1423 = arith.index_cast %get3A_1421 : i32 to index
      %get3A_1424 = arith.index_cast %mul3A_1361 : i32 to index
      %get3A_1425 = tpu.vector_load %arg14[%get3A_1422, %get3A_1423, %get3A_1424] {strides = array<i32>} : memref<4x8x1024xf32, #tpu.memory_space<vmem>>, vector<16xf32>,
      %swap3A_1426 = arith.constant 2 : i32
      %swap3A_1427 = arith.constant 5 : i32
      %swap3A_1428 = arith.index_cast %swap3A_1426 : i32 to index
      %swap3A_1429 = arith.index_cast %swap3A_1427 : i32 to index
      %swap3A_1430 = arith.index_cast %mul3A_1361 : i32 to index
      %swap3A_1431 = tpu.vector_load %arg13[%swap3A_1428, %swap3A_1429, %swap3A_1430] {strides = array<i32>} : memref<6x8x1024xf32, #tpu.memory_space<vmem>>, vector<16xf32>,
      tpu.vector_store %arg13[%swap3A_1428, %swap3A_1429, %swap3A_1430], %get3A_1425 {add = true, strides = array<i32>} : memref<6x8x1024xf32, #tpu.memory_space<vmem>>, vector<16xf32>,
      %get3A_1432 = arith.constant 2 : i32
      %get3A_1433 = arith.constant 6 : i32
      %get3A_1434 = arith.index_cast %get3A_1432 : i32 to index
      %get3A_1435 = arith.index_cast %get3A_1433 : i32 to index
      %get3A_1436 = arith.index_cast %mul3A_1361 : i32 to index
      %get3A_1437 = tpu.vector_load %arg14[%get3A_1434, %get3A_1435, %get3A_1436] {strides = array<i32>} : memref<4x8x1024xf32, #tpu.memory_space<vmem>>, vector<16xf32>,
      %swap3A_1438 = arith.constant 2 : i32
      %swap3A_1439 = arith.constant 6 : i32
      %swap3A_1440 = arith.index_cast %swap3A_1438 : i32 to index
      %swap3A_1441 = arith.index_cast %swap3A_1439 : i32 to index
      %swap3A_1442 = arith.index_cast %mul3A_1361 : i32 to index
      %swap3A_1443 = tpu.vector_load %arg13[%swap3A_1440, %swap3A_1441, %swap3A_1442] {strides = array<i32>} : memref<6x8x1024xf32, #tpu.memory_space<vmem>>, vector<16xf32>,
      tpu.vector_store %arg13[%swap3A_1440, %swap3A_1441, %swap3A_1442], %get3A_1437 {add = true, strides = array<i32>} : memref<6x8x1024xf32, #tpu.memory_space<vmem>>, vector<16xf32>,
      %get3A_1444 = arith.constant 2 : i32
      %get3A_1445 = arith.constant 7 : i32
      %get3A_1446 = arith.index_cast %get3A_1444 : i32 to index
      %get3A_1447 = arith.index_cast %get3A_1445 : i32 to index
      %get3A_1448 = arith.index_cast %mul3A_1361 : i32 to index
      %get3A_1449 = tpu.vector_load %arg14[%get3A_1446, %get3A_1447, %get3A_1448] {strides = array<i32>} : memref<4x8x1024xf32, #tpu.memory_space<vmem>>, vector<16xf32>,
      %swap3A_1450 = arith.constant 2 : i32
      %swap3A_1451 = arith.constant 7 : i32
      %swap3A_1452 = arith.index_cast %swap3A_1450 : i32 to index
      %swap3A_1453 = arith.index_cast %swap3A_1451 : i32 to index
      %swap3A_1454 = arith.index_cast %mul3A_1361 : i32 to index
      %swap3A_1455 = tpu.vector_load %arg13[%swap3A_1452, %swap3A_1453, %swap3A_1454] {strides = array<i32>} : memref<6x8x1024xf32, #tpu.memory_space<vmem>>, vector<16xf32>,
      tpu.vector_store %arg13[%swap3A_1452, %swap3A_1453, %swap3A_1454], %get3A_1449 {add = true, strides = array<i32>} : memref<6x8x1024xf32, #tpu.memory_space<vmem>>, vector<16xf32>,
      %scan3A_1456 = arith.constant 0 : i32
      scf.yield %scan3A_1456 : i32
    }
    %scan3A_284 = arith.constant 64 : i32
    %add3A_285 = arith.constant 16 : i32
    %add3A_286 = arith.addi %mul3A_2, %add3A_285 : i32
    %dma_start3A_287 = arith.constant 2 : i32
    %dma_start3A_288 = arith.constant 0 : i32
    %dma_start3A_289 = arith.constant 0 : i32
    %dma_start3A_290 = tpu.memref_slice %arg13[%dma_start3A_287, %dma_start3A_288, %dma_start3A_289] : memref<6x8x1024xf32, #tpu.memory_space<vmem>> -> memref<1x8x1024xf32, #tpu.memory_space<vmem>>
    %dma_start3A_291 = tpu.memref_squeeze %dma_start3A_290 : memref<1x8x1024xf32, #tpu.memory_space<vmem>> -> memref<8x1024xf32, #tpu.memory_space<vmem>>
    %dma_start3A_292 = arith.constant 0 : i32
    %dma_start3A_293 = tpu.memref_slice %arg5[%add3A_286, %dma_start3A_292] : memref<4096x1024xf32, #tpu.memory_space<hbm>> -> memref<8x1024xf32, #tpu.memory_space<hbm>>
    %dma_start3A_294 = arith.constant 0 : i32
    %dma_start3A_295 = tpu.memref_slice %arg5[%add3A_286, %dma_start3A_294] : memref<4096x1024xf32, #tpu.memory_space<hbm>> -> memref<8x1024xf32, #tpu.memory_space<hbm>>
    %dma_start3A_296 = arith.constant 0 : i32
    %dma_start3A_297 = arith.constant 0 : i32
    %dma_start3A_298 = tpu.memref_slice %arg13[%dma_start3A_287, %dma_start3A_296, %dma_start3A_297] : memref<6x8x1024xf32, #tpu.memory_space<vmem>> -> memref<1x8x1024xf32, #tpu.memory_space<vmem>>
    %dma_start3A_299 = tpu.memref_squeeze %dma_start3A_298 : memref<1x8x1024xf32, #tpu.memory_space<vmem>> -> memref<8x1024xf32, #tpu.memory_space<vmem>>
    tpu.enqueue_dma source(%dma_start3A_299 : memref<8x1024xf32, #tpu.memory_space<vmem>>) target(%dma_start3A_295 : memref<8x1024xf32, #tpu.memory_space<hbm>>) target_semaphore(%arg19 : memref<!tpu.dma_semaphore, #tpu.memory_space<semaphore_mem>>)
    %add3A_300 = arith.constant 40 : i32
    %add3A_301 = arith.addi %mul3A_2, %add3A_300 : i32
    %dma_start3A_302 = arith.constant 1 : i32
    %dma_start3A_303 = arith.constant 0 : i32
    %dma_start3A_304 = arith.constant 0 : i32
    %dma_start3A_305 = tpu.memref_slice %arg14[%dma_start3A_302, %dma_start3A_303, %dma_start3A_304] : memref<4x8x1024xf32, #tpu.memory_space<vmem>> -> memref<1x8x1024xf32, #tpu.memory_space<vmem>>
    %dma_start3A_306 = tpu.memref_squeeze %dma_start3A_305 : memref<1x8x1024xf32, #tpu.memory_space<vmem>> -> memref<8x1024xf32, #tpu.memory_space<vmem>>
    %dma_start3A_307 = arith.constant 0 : i32
    %dma_start3A_308 = tpu.memref_slice %arg3[%add3A_301, %dma_start3A_307] : memref<4096x1024xf32, #tpu.memory_space<hbm>> -> memref<8x1024xf32, #tpu.memory_space<hbm>>
    %dma_start3A_309 = arith.constant 0 : i32
    %dma_start3A_310 = arith.constant 0 : i32
    %dma_start3A_311 = tpu.memref_slice %arg14[%dma_start3A_302, %dma_start3A_309, %dma_start3A_310] : memref<4x8x1024xf32, #tpu.memory_space<vmem>> -> memref<1x8x1024xf32, #tpu.memory_space<vmem>>
    %dma_start3A_312 = tpu.memref_squeeze %dma_start3A_311 : memref<1x8x1024xf32, #tpu.memory_space<vmem>> -> memref<8x1024xf32, #tpu.memory_space<vmem>>
    %dma_start3A_313 = arith.constant 0 : i32
    %dma_start3A_314 = tpu.memref_slice %arg3[%add3A_301, %dma_start3A_313] : memref<4096x1024xf32, #tpu.memory_space<hbm>> -> memref<8x1024xf32, #tpu.memory_space<hbm>>
    tpu.enqueue_dma source(%dma_start3A_314 : memref<8x1024xf32, #tpu.memory_space<hbm>>) target(%dma_start3A_312 : memref<8x1024xf32, #tpu.memory_space<vmem>>) target_semaphore(%arg18 : memref<!tpu.dma_semaphore, #tpu.memory_space<semaphore_mem>>)
    %dma_wait3A_315 = arith.constant 0 : i32
    %dma_wait3A_316 = arith.constant 0 : i32
    %dma_wait3A_317 = arith.constant 0 : i32
    %dma_wait3A_318 = tpu.memref_slice %arg13[%dma_wait3A_315, %dma_wait3A_316, %dma_wait3A_317] : memref<6x8x1024xf32, #tpu.memory_space<vmem>> -> memref<1x8x1024xf32, #tpu.memory_space<vmem>>
    %dma_wait3A_319 = tpu.memref_squeeze %dma_wait3A_318 : memref<1x8x1024xf32, #tpu.memory_space<vmem>> -> memref<8x1024xf32, #tpu.memory_space<vmem>>
    %dma_wait3A_320 = arith.constant 0 : i32
    %dma_wait3A_321 = tpu.memref_slice %arg5[%add3A_161, %dma_wait3A_320] : memref<4096x1024xf32, #tpu.memory_space<hbm>> -> memref<8x1024xf32, #tpu.memory_space<hbm>>
    %dma_wait3A_322 = arith.constant 0 : i32
    %dma_wait3A_323 = tpu.memref_slice %arg5[%add3A_161, %dma_wait3A_322] : memref<4096x1024xf32, #tpu.memory_space<hbm>> -> memref<8x1024xf32, #tpu.memory_space<hbm>>
    %dma_wait3A_324 = arith.constant 0 : i32
    %dma_wait3A_325 = arith.constant 0 : i32
    %dma_wait3A_326 = tpu.memref_slice %arg13[%dma_wait3A_315, %dma_wait3A_324, %dma_wait3A_325] : memref<6x8x1024xf32, #tpu.memory_space<vmem>> -> memref<1x8x1024xf32, #tpu.memory_space<vmem>>
    %dma_wait3A_327 = tpu.memref_squeeze %dma_wait3A_326 : memref<1x8x1024xf32, #tpu.memory_space<vmem>> -> memref<8x1024xf32, #tpu.memory_space<vmem>>
    tpu.wait_dma2 semaphore(%arg19 : memref<!tpu.dma_semaphore, #tpu.memory_space<semaphore_mem>>) src(%dma_wait3A_327 : memref<8x1024xf32, #tpu.memory_space<vmem>>) dst(%dma_wait3A_323 : memref<8x1024xf32, #tpu.memory_space<hbm>>)
    %dma_start3A_328 = arith.constant 0 : i32
    %dma_start3A_329 = arith.constant 0 : i32
    %dma_start3A_330 = arith.constant 0 : i32
    %dma_start3A_331 = tpu.memref_slice %arg13[%dma_start3A_328, %dma_start3A_329, %dma_start3A_330] : memref<6x8x1024xf32, #tpu.memory_space<vmem>> -> memref<1x8x1024xf32, #tpu.memory_space<vmem>>
    %dma_start3A_332 = tpu.memref_squeeze %dma_start3A_331 : memref<1x8x1024xf32, #tpu.memory_space<vmem>> -> memref<8x1024xf32, #tpu.memory_space<vmem>>
    %dma_start3A_333 = arith.constant 48 : i32
    %dma_start3A_334 = tpu.memref_slice %arg12[%dma_start3A_333] : memref<128xi32, #tpu.memory_space<vmem>> -> memref<8xi32, #tpu.memory_space<vmem>>
    %dma_start3A_335 = arith.constant 0 : i32
    %dma_start3A_336 = arith.constant 0 : i32
    %dma_start3A_337 = tpu.memref_slice %arg4[%dma_start3A_335, %dma_start3A_336] : memref<5000x1024xf32, #tpu.memory_space<hbm>> -> memref<5000x1024xf32, #tpu.memory_space<hbm>>
    tpu.enqueue_indirect_dma source(%dma_start3A_337 : memref<5000x1024xf32, #tpu.memory_space<hbm>>) target(%dma_start3A_332 : memref<8x1024xf32, #tpu.memory_space<vmem>>) offsets(%dma_start3A_334 : memref<8xi32, #tpu.memory_space<vmem>>) semaphore(%arg17 : memref<!tpu.dma_semaphore, #tpu.memory_space<semaphore_mem>>)
    %dma_wait3A_338 = arith.constant 3 : i32
    %dma_wait3A_339 = arith.constant 0 : i32
    %dma_wait3A_340 = arith.constant 0 : i32
    %dma_wait3A_341 = tpu.memref_slice %arg13[%dma_wait3A_338, %dma_wait3A_339, %dma_wait3A_340] : memref<6x8x1024xf32, #tpu.memory_space<vmem>> -> memref<1x8x1024xf32, #tpu.memory_space<vmem>>
    %dma_wait3A_342 = tpu.memref_squeeze %dma_wait3A_341 : memref<1x8x1024xf32, #tpu.memory_space<vmem>> -> memref<8x1024xf32, #tpu.memory_space<vmem>>
    %dma_wait3A_343 = arith.constant 24 : i32
    %dma_wait3A_344 = tpu.memref_slice %arg12[%dma_wait3A_343] : memref<128xi32, #tpu.memory_space<vmem>> -> memref<8xi32, #tpu.memory_space<vmem>>
    %dma_wait3A_345 = arith.constant 0 : i32
    %dma_wait3A_346 = arith.constant 0 : i32
    %dma_wait3A_347 = tpu.memref_slice %arg4[%dma_wait3A_345, %dma_wait3A_346] : memref<5000x1024xf32, #tpu.memory_space<hbm>> -> memref<5000x1024xf32, #tpu.memory_space<hbm>>
    tpu.wait_indirect_dma semaphore(%arg17 : memref<!tpu.dma_semaphore, #tpu.memory_space<semaphore_mem>>) src(%dma_wait3A_347 : memref<5000x1024xf32, #tpu.memory_space<hbm>>) dst(%dma_wait3A_342 : memref<8x1024xf32, #tpu.memory_space<vmem>>)
    %dma_wait3A_348 = arith.constant 3 : i32
    %dma_wait3A_349 = arith.constant 0 : i32
    %dma_wait3A_350 = arith.constant 0 : i32
    %dma_wait3A_351 = tpu.memref_slice %arg14[%dma_wait3A_348, %dma_wait3A_349, %dma_wait3A_350] : memref<4x8x1024xf32, #tpu.memory_space<vmem>> -> memref<1x8x1024xf32, #tpu.memory_space<vmem>>
    %dma_wait3A_352 = tpu.memref_squeeze %dma_wait3A_351 : memref<1x8x1024xf32, #tpu.memory_space<vmem>> -> memref<8x1024xf32, #tpu.memory_space<vmem>>
    %dma_wait3A_353 = arith.constant 0 : i32
    %dma_wait3A_354 = tpu.memref_slice %arg3[%add3A_48, %dma_wait3A_353] : memref<4096x1024xf32, #tpu.memory_space<hbm>> -> memref<8x1024xf32, #tpu.memory_space<hbm>>
    %dma_wait3A_355 = arith.constant 0 : i32
    %dma_wait3A_356 = arith.constant 0 : i32
    %dma_wait3A_357 = tpu.memref_slice %arg14[%dma_wait3A_348, %dma_wait3A_355, %dma_wait3A_356] : memref<4x8x1024xf32, #tpu.memory_space<vmem>> -> memref<1x8x1024xf32, #tpu.memory_space<vmem>>
    %dma_wait3A_358 = tpu.memref_squeeze %dma_wait3A_357 : memref<1x8x1024xf32, #tpu.memory_space<vmem>> -> memref<8x1024xf32, #tpu.memory_space<vmem>>
    %dma_wait3A_359 = arith.constant 0 : i32
    %dma_wait3A_360 = tpu.memref_slice %arg3[%add3A_48, %dma_wait3A_359] : memref<4096x1024xf32, #tpu.memory_space<hbm>> -> memref<8x1024xf32, #tpu.memory_space<hbm>>
    tpu.wait_dma2 semaphore(%arg18 : memref<!tpu.dma_semaphore, #tpu.memory_space<semaphore_mem>>) src(%dma_wait3A_360 : memref<8x1024xf32, #tpu.memory_space<hbm>>) dst(%dma_wait3A_358 : memref<8x1024xf32, #tpu.memory_space<vmem>>)
    %scan3A_361 = arith.constant 0 : i32
    %scan3A_362 = arith.constant 0 : i32
    %scan3A_363 = arith.constant 64 : i32
    %scan3A_364 = arith.addi %scan3A_362, %scan3A_363 : i32
    %scan3A_365 = arith.constant 1 : i32
    %scan3A_366 = scf.for %scan3A_1358 = %scan3A_362 to %scan3A_364 step %scan3A_365 iter_args(%scan3A_1359 = %scan3A_361) -> (i32)  : i32 {
      %mul3A_1360 = arith.constant 16 : i32
      %mul3A_1361 = arith.muli %scan3A_1358, %mul3A_1360 : i32
      %get3A = arith.constant 3 : i32
      %get3A_1362 = arith.constant 0 : i32
      %get3A_1363 = arith.index_cast %get3A : i32 to index
      %get3A_1364 = arith.index_cast %get3A_1362 : i32 to index
      %get3A_1365 = arith.index_cast %mul3A_1361 : i32 to index
      %get3A_1366 = tpu.vector_load %arg14[%get3A_1363, %get3A_1364, %get3A_1365] {strides = array<i32>} : memref<4x8x1024xf32, #tpu.memory_space<vmem>>, vector<16xf32>,
      %swap3A = arith.constant 3 : i32
      %swap3A_1367 = arith.constant 0 : i32
      %swap3A_1368 = arith.index_cast %swap3A : i32 to index
      %swap3A_1369 = arith.index_cast %swap3A_1367 : i32 to index
      %swap3A_1370 = arith.index_cast %mul3A_1361 : i32 to index
      %swap3A_1371 = tpu.vector_load %arg13[%swap3A_1368, %swap3A_1369, %swap3A_1370] {strides = array<i32>} : memref<6x8x1024xf32, #tpu.memory_space<vmem>>, vector<16xf32>,
      tpu.vector_store %arg13[%swap3A_1368, %swap3A_1369, %swap3A_1370], %get3A_1366 {add = true, strides = array<i32>} : memref<6x8x1024xf32, #tpu.memory_space<vmem>>, vector<16xf32>,
      %get3A_1372 = arith.constant 3 : i32
      %get3A_1373 = arith.constant 1 : i32
      %get3A_1374 = arith.index_cast %get3A_1372 : i32 to index
      %get3A_1375 = arith.index_cast %get3A_1373 : i32 to index
      %get3A_1376 = arith.index_cast %mul3A_1361 : i32 to index
      %get3A_1377 = tpu.vector_load %arg14[%get3A_1374, %get3A_1375, %get3A_1376] {strides = array<i32>} : memref<4x8x1024xf32, #tpu.memory_space<vmem>>, vector<16xf32>,
      %swap3A_1378 = arith.constant 3 : i32
      %swap3A_1379 = arith.constant 1 : i32
      %swap3A_1380 = arith.index_cast %swap3A_1378 : i32 to index
      %swap3A_1381 = arith.index_cast %swap3A_1379 : i32 to index
      %swap3A_1382 = arith.index_cast %mul3A_1361 : i32 to index
      %swap3A_1383 = tpu.vector_load %arg13[%swap3A_1380, %swap3A_1381, %swap3A_1382] {strides = array<i32>} : memref<6x8x1024xf32, #tpu.memory_space<vmem>>, vector<16xf32>,
      tpu.vector_store %arg13[%swap3A_1380, %swap3A_1381, %swap3A_1382], %get3A_1377 {add = true, strides = array<i32>} : memref<6x8x1024xf32, #tpu.memory_space<vmem>>, vector<16xf32>,
      %get3A_1384 = arith.constant 3 : i32
      %get3A_1385 = arith.constant 2 : i32
      %get3A_1386 = arith.index_cast %get3A_1384 : i32 to index
      %get3A_1387 = arith.index_cast %get3A_1385 : i32 to index
      %get3A_1388 = arith.index_cast %mul3A_1361 : i32 to index
      %get3A_1389 = tpu.vector_load %arg14[%get3A_1386, %get3A_1387, %get3A_1388] {strides = array<i32>} : memref<4x8x1024xf32, #tpu.memory_space<vmem>>, vector<16xf32>,
      %swap3A_1390 = arith.constant 3 : i32
      %swap3A_1391 = arith.constant 2 : i32
      %swap3A_1392 = arith.index_cast %swap3A_1390 : i32 to index
      %swap3A_1393 = arith.index_cast %swap3A_1391 : i32 to index
      %swap3A_1394 = arith.index_cast %mul3A_1361 : i32 to index
      %swap3A_1395 = tpu.vector_load %arg13[%swap3A_1392, %swap3A_1393, %swap3A_1394] {strides = array<i32>} : memref<6x8x1024xf32, #tpu.memory_space<vmem>>, vector<16xf32>,
      tpu.vector_store %arg13[%swap3A_1392, %swap3A_1393, %swap3A_1394], %get3A_1389 {add = true, strides = array<i32>} : memref<6x8x1024xf32, #tpu.memory_space<vmem>>, vector<16xf32>,
      %get3A_1396 = arith.constant 3 : i32
      %get3A_1397 = arith.constant 3 : i32
      %get3A_1398 = arith.index_cast %get3A_1396 : i32 to index
      %get3A_1399 = arith.index_cast %get3A_1397 : i32 to index
      %get3A_1400 = arith.index_cast %mul3A_1361 : i32 to index
      %get3A_1401 = tpu.vector_load %arg14[%get3A_1398, %get3A_1399, %get3A_1400] {strides = array<i32>} : memref<4x8x1024xf32, #tpu.memory_space<vmem>>, vector<16xf32>,
      %swap3A_1402 = arith.constant 3 : i32
      %swap3A_1403 = arith.constant 3 : i32
      %swap3A_1404 = arith.index_cast %swap3A_1402 : i32 to index
      %swap3A_1405 = arith.index_cast %swap3A_1403 : i32 to index
      %swap3A_1406 = arith.index_cast %mul3A_1361 : i32 to index
      %swap3A_1407 = tpu.vector_load %arg13[%swap3A_1404, %swap3A_1405, %swap3A_1406] {strides = array<i32>} : memref<6x8x1024xf32, #tpu.memory_space<vmem>>, vector<16xf32>,
      tpu.vector_store %arg13[%swap3A_1404, %swap3A_1405, %swap3A_1406], %get3A_1401 {add = true, strides = array<i32>} : memref<6x8x1024xf32, #tpu.memory_space<vmem>>, vector<16xf32>,
      %get3A_1408 = arith.constant 3 : i32
      %get3A_1409 = arith.constant 4 : i32
      %get3A_1410 = arith.index_cast %get3A_1408 : i32 to index
      %get3A_1411 = arith.index_cast %get3A_1409 : i32 to index
      %get3A_1412 = arith.index_cast %mul3A_1361 : i32 to index
      %get3A_1413 = tpu.vector_load %arg14[%get3A_1410, %get3A_1411, %get3A_1412] {strides = array<i32>} : memref<4x8x1024xf32, #tpu.memory_space<vmem>>, vector<16xf32>,
      %swap3A_1414 = arith.constant 3 : i32
      %swap3A_1415 = arith.constant 4 : i32
      %swap3A_1416 = arith.index_cast %swap3A_1414 : i32 to index
      %swap3A_1417 = arith.index_cast %swap3A_1415 : i32 to index
      %swap3A_1418 = arith.index_cast %mul3A_1361 : i32 to index
      %swap3A_1419 = tpu.vector_load %arg13[%swap3A_1416, %swap3A_1417, %swap3A_1418] {strides = array<i32>} : memref<6x8x1024xf32, #tpu.memory_space<vmem>>, vector<16xf32>,
      tpu.vector_store %arg13[%swap3A_1416, %swap3A_1417, %swap3A_1418], %get3A_1413 {add = true, strides = array<i32>} : memref<6x8x1024xf32, #tpu.memory_space<vmem>>, vector<16xf32>,
      %get3A_1420 = arith.constant 3 : i32
      %get3A_1421 = arith.constant 5 : i32
      %get3A_1422 = arith.index_cast %get3A_1420 : i32 to index
      %get3A_1423 = arith.index_cast %get3A_1421 : i32 to index
      %get3A_1424 = arith.index_cast %mul3A_1361 : i32 to index
      %get3A_1425 = tpu.vector_load %arg14[%get3A_1422, %get3A_1423, %get3A_1424] {strides = array<i32>} : memref<4x8x1024xf32, #tpu.memory_space<vmem>>, vector<16xf32>,
      %swap3A_1426 = arith.constant 3 : i32
      %swap3A_1427 = arith.constant 5 : i32
      %swap3A_1428 = arith.index_cast %swap3A_1426 : i32 to index
      %swap3A_1429 = arith.index_cast %swap3A_1427 : i32 to index
      %swap3A_1430 = arith.index_cast %mul3A_1361 : i32 to index
      %swap3A_1431 = tpu.vector_load %arg13[%swap3A_1428, %swap3A_1429, %swap3A_1430] {strides = array<i32>} : memref<6x8x1024xf32, #tpu.memory_space<vmem>>, vector<16xf32>,
      tpu.vector_store %arg13[%swap3A_1428, %swap3A_1429, %swap3A_1430], %get3A_1425 {add = true, strides = array<i32>} : memref<6x8x1024xf32, #tpu.memory_space<vmem>>, vector<16xf32>,
      %get3A_1432 = arith.constant 3 : i32
      %get3A_1433 = arith.constant 6 : i32
      %get3A_1434 = arith.index_cast %get3A_1432 : i32 to index
      %get3A_1435 = arith.index_cast %get3A_1433 : i32 to index
      %get3A_1436 = arith.index_cast %mul3A_1361 : i32 to index
      %get3A_1437 = tpu.vector_load %arg14[%get3A_1434, %get3A_1435, %get3A_1436] {strides = array<i32>} : memref<4x8x1024xf32, #tpu.memory_space<vmem>>, vector<16xf32>,
      %swap3A_1438 = arith.constant 3 : i32
      %swap3A_1439 = arith.constant 6 : i32
      %swap3A_1440 = arith.index_cast %swap3A_1438 : i32 to index
      %swap3A_1441 = arith.index_cast %swap3A_1439 : i32 to index
      %swap3A_1442 = arith.index_cast %mul3A_1361 : i32 to index
      %swap3A_1443 = tpu.vector_load %arg13[%swap3A_1440, %swap3A_1441, %swap3A_1442] {strides = array<i32>} : memref<6x8x1024xf32, #tpu.memory_space<vmem>>, vector<16xf32>,
      tpu.vector_store %arg13[%swap3A_1440, %swap3A_1441, %swap3A_1442], %get3A_1437 {add = true, strides = array<i32>} : memref<6x8x1024xf32, #tpu.memory_space<vmem>>, vector<16xf32>,
      %get3A_1444 = arith.constant 3 : i32
      %get3A_1445 = arith.constant 7 : i32
      %get3A_1446 = arith.index_cast %get3A_1444 : i32 to index
      %get3A_1447 = arith.index_cast %get3A_1445 : i32 to index
      %get3A_1448 = arith.index_cast %mul3A_1361 : i32 to index
      %get3A_1449 = tpu.vector_load %arg14[%get3A_1446, %get3A_1447, %get3A_1448] {strides = array<i32>} : memref<4x8x1024xf32, #tpu.memory_space<vmem>>, vector<16xf32>,
      %swap3A_1450 = arith.constant 3 : i32
      %swap3A_1451 = arith.constant 7 : i32
      %swap3A_1452 = arith.index_cast %swap3A_1450 : i32 to index
      %swap3A_1453 = arith.index_cast %swap3A_1451 : i32 to index
      %swap3A_1454 = arith.index_cast %mul3A_1361 : i32 to index
      %swap3A_1455 = tpu.vector_load %arg13[%swap3A_1452, %swap3A_1453, %swap3A_1454] {strides = array<i32>} : memref<6x8x1024xf32, #tpu.memory_space<vmem>>, vector<16xf32>,
      tpu.vector_store %arg13[%swap3A_1452, %swap3A_1453, %swap3A_1454], %get3A_1449 {add = true, strides = array<i32>} : memref<6x8x1024xf32, #tpu.memory_space<vmem>>, vector<16xf32>,
      %scan3A_1456 = arith.constant 0 : i32
      scf.yield %scan3A_1456 : i32
    }
    %scan3A_367 = arith.constant 64 : i32
    %add3A_368 = arith.constant 24 : i32
    %add3A_369 = arith.addi %mul3A_2, %add3A_368 : i32
    %dma_start3A_370 = arith.constant 3 : i32
    %dma_start3A_371 = arith.constant 0 : i32
    %dma_start3A_372 = arith.constant 0 : i32
    %dma_start3A_373 = tpu.memref_slice %arg13[%dma_start3A_370, %dma_start3A_371, %dma_start3A_372] : memref<6x8x1024xf32, #tpu.memory_space<vmem>> -> memref<1x8x1024xf32, #tpu.memory_space<vmem>>
    %dma_start3A_374 = tpu.memref_squeeze %dma_start3A_373 : memref<1x8x1024xf32, #tpu.memory_space<vmem>> -> memref<8x1024xf32, #tpu.memory_space<vmem>>
    %dma_start3A_375 = arith.constant 0 : i32
    %dma_start3A_376 = tpu.memref_slice %arg5[%add3A_369, %dma_start3A_375] : memref<4096x1024xf32, #tpu.memory_space<hbm>> -> memref<8x1024xf32, #tpu.memory_space<hbm>>
    %dma_start3A_377 = arith.constant 0 : i32
    %dma_start3A_378 = tpu.memref_slice %arg5[%add3A_369, %dma_start3A_377] : memref<4096x1024xf32, #tpu.memory_space<hbm>> -> memref<8x1024xf32, #tpu.memory_space<hbm>>
    %dma_start3A_379 = arith.constant 0 : i32
    %dma_start3A_380 = arith.constant 0 : i32
    %dma_start3A_381 = tpu.memref_slice %arg13[%dma_start3A_370, %dma_start3A_379, %dma_start3A_380] : memref<6x8x1024xf32, #tpu.memory_space<vmem>> -> memref<1x8x1024xf32, #tpu.memory_space<vmem>>
    %dma_start3A_382 = tpu.memref_squeeze %dma_start3A_381 : memref<1x8x1024xf32, #tpu.memory_space<vmem>> -> memref<8x1024xf32, #tpu.memory_space<vmem>>
    tpu.enqueue_dma source(%dma_start3A_382 : memref<8x1024xf32, #tpu.memory_space<vmem>>) target(%dma_start3A_378 : memref<8x1024xf32, #tpu.memory_space<hbm>>) target_semaphore(%arg19 : memref<!tpu.dma_semaphore, #tpu.memory_space<semaphore_mem>>)
    %add3A_383 = arith.constant 48 : i32
    %add3A_384 = arith.addi %mul3A_2, %add3A_383 : i32
    %dma_start3A_385 = arith.constant 2 : i32
    %dma_start3A_386 = arith.constant 0 : i32
    %dma_start3A_387 = arith.constant 0 : i32
    %dma_start3A_388 = tpu.memref_slice %arg14[%dma_start3A_385, %dma_start3A_386, %dma_start3A_387] : memref<4x8x1024xf32, #tpu.memory_space<vmem>> -> memref<1x8x1024xf32, #tpu.memory_space<vmem>>
    %dma_start3A_389 = tpu.memref_squeeze %dma_start3A_388 : memref<1x8x1024xf32, #tpu.memory_space<vmem>> -> memref<8x1024xf32, #tpu.memory_space<vmem>>
    %dma_start3A_390 = arith.constant 0 : i32
    %dma_start3A_391 = tpu.memref_slice %arg3[%add3A_384, %dma_start3A_390] : memref<4096x1024xf32, #tpu.memory_space<hbm>> -> memref<8x1024xf32, #tpu.memory_space<hbm>>
    %dma_start3A_392 = arith.constant 0 : i32
    %dma_start3A_393 = arith.constant 0 : i32
    %dma_start3A_394 = tpu.memref_slice %arg14[%dma_start3A_385, %dma_start3A_392, %dma_start3A_393] : memref<4x8x1024xf32, #tpu.memory_space<vmem>> -> memref<1x8x1024xf32, #tpu.memory_space<vmem>>
    %dma_start3A_395 = tpu.memref_squeeze %dma_start3A_394 : memref<1x8x1024xf32, #tpu.memory_space<vmem>> -> memref<8x1024xf32, #tpu.memory_space<vmem>>
    %dma_start3A_396 = arith.constant 0 : i32
    %dma_start3A_397 = tpu.memref_slice %arg3[%add3A_384, %dma_start3A_396] : memref<4096x1024xf32, #tpu.memory_space<hbm>> -> memref<8x1024xf32, #tpu.memory_space<hbm>>
    tpu.enqueue_dma source(%dma_start3A_397 : memref<8x1024xf32, #tpu.memory_space<hbm>>) target(%dma_start3A_395 : memref<8x1024xf32, #tpu.memory_space<vmem>>) target_semaphore(%arg18 : memref<!tpu.dma_semaphore, #tpu.memory_space<semaphore_mem>>)
    %dma_wait3A_398 = arith.constant 1 : i32
    %dma_wait3A_399 = arith.constant 0 : i32
    %dma_wait3A_400 = arith.constant 0 : i32
    %dma_wait3A_401 = tpu.memref_slice %arg13[%dma_wait3A_398, %dma_wait3A_399, %dma_wait3A_400] : memref<6x8x1024xf32, #tpu.memory_space<vmem>> -> memref<1x8x1024xf32, #tpu.memory_space<vmem>>
    %dma_wait3A_402 = tpu.memref_squeeze %dma_wait3A_401 : memref<1x8x1024xf32, #tpu.memory_space<vmem>> -> memref<8x1024xf32, #tpu.memory_space<vmem>>
    %dma_wait3A_403 = arith.constant 0 : i32
    %dma_wait3A_404 = tpu.memref_slice %arg5[%add3A_216, %dma_wait3A_403] : memref<4096x1024xf32, #tpu.memory_space<hbm>> -> memref<8x1024xf32, #tpu.memory_space<hbm>>
    %dma_wait3A_405 = arith.constant 0 : i32
    %dma_wait3A_406 = tpu.memref_slice %arg5[%add3A_216, %dma_wait3A_405] : memref<4096x1024xf32, #tpu.memory_space<hbm>> -> memref<8x1024xf32, #tpu.memory_space<hbm>>
    %dma_wait3A_407 = arith.constant 0 : i32
    %dma_wait3A_408 = arith.constant 0 : i32
    %dma_wait3A_409 = tpu.memref_slice %arg13[%dma_wait3A_398, %dma_wait3A_407, %dma_wait3A_408] : memref<6x8x1024xf32, #tpu.memory_space<vmem>> -> memref<1x8x1024xf32, #tpu.memory_space<vmem>>
    %dma_wait3A_410 = tpu.memref_squeeze %dma_wait3A_409 : memref<1x8x1024xf32, #tpu.memory_space<vmem>> -> memref<8x1024xf32, #tpu.memory_space<vmem>>
    tpu.wait_dma2 semaphore(%arg19 : memref<!tpu.dma_semaphore, #tpu.memory_space<semaphore_mem>>) src(%dma_wait3A_410 : memref<8x1024xf32, #tpu.memory_space<vmem>>) dst(%dma_wait3A_406 : memref<8x1024xf32, #tpu.memory_space<hbm>>)
    %dma_start3A_411 = arith.constant 1 : i32
    %dma_start3A_412 = arith.constant 0 : i32
    %dma_start3A_413 = arith.constant 0 : i32
    %dma_start3A_414 = tpu.memref_slice %arg13[%dma_start3A_411, %dma_start3A_412, %dma_start3A_413] : memref<6x8x1024xf32, #tpu.memory_space<vmem>> -> memref<1x8x1024xf32, #tpu.memory_space<vmem>>
    %dma_start3A_415 = tpu.memref_squeeze %dma_start3A_414 : memref<1x8x1024xf32, #tpu.memory_space<vmem>> -> memref<8x1024xf32, #tpu.memory_space<vmem>>
    %dma_start3A_416 = arith.constant 56 : i32
    %dma_start3A_417 = tpu.memref_slice %arg12[%dma_start3A_416] : memref<128xi32, #tpu.memory_space<vmem>> -> memref<8xi32, #tpu.memory_space<vmem>>
    %dma_start3A_418 = arith.constant 0 : i32
    %dma_start3A_419 = arith.constant 0 : i32
    %dma_start3A_420 = tpu.memref_slice %arg4[%dma_start3A_418, %dma_start3A_419] : memref<5000x1024xf32, #tpu.memory_space<hbm>> -> memref<5000x1024xf32, #tpu.memory_space<hbm>>
    tpu.enqueue_indirect_dma source(%dma_start3A_420 : memref<5000x1024xf32, #tpu.memory_space<hbm>>) target(%dma_start3A_415 : memref<8x1024xf32, #tpu.memory_space<vmem>>) offsets(%dma_start3A_417 : memref<8xi32, #tpu.memory_space<vmem>>) semaphore(%arg17 : memref<!tpu.dma_semaphore, #tpu.memory_space<semaphore_mem>>)
    %dma_wait3A_421 = arith.constant 4 : i32
    %dma_wait3A_422 = arith.constant 0 : i32
    %dma_wait3A_423 = arith.constant 0 : i32
    %dma_wait3A_424 = tpu.memref_slice %arg13[%dma_wait3A_421, %dma_wait3A_422, %dma_wait3A_423] : memref<6x8x1024xf32, #tpu.memory_space<vmem>> -> memref<1x8x1024xf32, #tpu.memory_space<vmem>>
    %dma_wait3A_425 = tpu.memref_squeeze %dma_wait3A_424 : memref<1x8x1024xf32, #tpu.memory_space<vmem>> -> memref<8x1024xf32, #tpu.memory_space<vmem>>
    %dma_wait3A_426 = arith.constant 32 : i32
    %dma_wait3A_427 = tpu.memref_slice %arg12[%dma_wait3A_426] : memref<128xi32, #tpu.memory_space<vmem>> -> memref<8xi32, #tpu.memory_space<vmem>>
    %dma_wait3A_428 = arith.constant 0 : i32
    %dma_wait3A_429 = arith.constant 0 : i32
    %dma_wait3A_430 = tpu.memref_slice %arg4[%dma_wait3A_428, %dma_wait3A_429] : memref<5000x1024xf32, #tpu.memory_space<hbm>> -> memref<5000x1024xf32, #tpu.memory_space<hbm>>
    tpu.wait_indirect_dma semaphore(%arg17 : memref<!tpu.dma_semaphore, #tpu.memory_space<semaphore_mem>>) src(%dma_wait3A_430 : memref<5000x1024xf32, #tpu.memory_space<hbm>>) dst(%dma_wait3A_425 : memref<8x1024xf32, #tpu.memory_space<vmem>>)
    %dma_wait3A_431 = arith.constant 0 : i32
    %dma_wait3A_432 = arith.constant 0 : i32
    %dma_wait3A_433 = arith.constant 0 : i32
    %dma_wait3A_434 = tpu.memref_slice %arg14[%dma_wait3A_431, %dma_wait3A_432, %dma_wait3A_433] : memref<4x8x1024xf32, #tpu.memory_space<vmem>> -> memref<1x8x1024xf32, #tpu.memory_space<vmem>>
    %dma_wait3A_435 = tpu.memref_squeeze %dma_wait3A_434 : memref<1x8x1024xf32, #tpu.memory_space<vmem>> -> memref<8x1024xf32, #tpu.memory_space<vmem>>
    %dma_wait3A_436 = arith.constant 0 : i32
    %dma_wait3A_437 = tpu.memref_slice %arg3[%add3A_231, %dma_wait3A_436] : memref<4096x1024xf32, #tpu.memory_space<hbm>> -> memref<8x1024xf32, #tpu.memory_space<hbm>>
    %dma_wait3A_438 = arith.constant 0 : i32
    %dma_wait3A_439 = arith.constant 0 : i32
    %dma_wait3A_440 = tpu.memref_slice %arg14[%dma_wait3A_431, %dma_wait3A_438, %dma_wait3A_439] : memref<4x8x1024xf32, #tpu.memory_space<vmem>> -> memref<1x8x1024xf32, #tpu.memory_space<vmem>>
    %dma_wait3A_441 = tpu.memref_squeeze %dma_wait3A_440 : memref<1x8x1024xf32, #tpu.memory_space<vmem>> -> memref<8x1024xf32, #tpu.memory_space<vmem>>
    %dma_wait3A_442 = arith.constant 0 : i32
    %dma_wait3A_443 = tpu.memref_slice %arg3[%add3A_231, %dma_wait3A_442] : memref<4096x1024xf32, #tpu.memory_space<hbm>> -> memref<8x1024xf32, #tpu.memory_space<hbm>>
    tpu.wait_dma2 semaphore(%arg18 : memref<!tpu.dma_semaphore, #tpu.memory_space<semaphore_mem>>) src(%dma_wait3A_443 : memref<8x1024xf32, #tpu.memory_space<hbm>>) dst(%dma_wait3A_441 : memref<8x1024xf32, #tpu.memory_space<vmem>>)
    %scan3A_444 = arith.constant 0 : i32
    %scan3A_445 = arith.constant 0 : i32
    %scan3A_446 = arith.constant 64 : i32
    %scan3A_447 = arith.addi %scan3A_445, %scan3A_446 : i32
    %scan3A_448 = arith.constant 1 : i32
    %scan3A_449 = scf.for %scan3A_1358 = %scan3A_445 to %scan3A_447 step %scan3A_448 iter_args(%scan3A_1359 = %scan3A_444) -> (i32)  : i32 {
      %mul3A_1360 = arith.constant 16 : i32
      %mul3A_1361 = arith.muli %scan3A_1358, %mul3A_1360 : i32
      %get3A = arith.constant 0 : i32
      %get3A_1362 = arith.constant 0 : i32
      %get3A_1363 = arith.index_cast %get3A : i32 to index
      %get3A_1364 = arith.index_cast %get3A_1362 : i32 to index
      %get3A_1365 = arith.index_cast %mul3A_1361 : i32 to index
      %get3A_1366 = tpu.vector_load %arg14[%get3A_1363, %get3A_1364, %get3A_1365] {strides = array<i32>} : memref<4x8x1024xf32, #tpu.memory_space<vmem>>, vector<16xf32>,
      %swap3A = arith.constant 4 : i32
      %swap3A_1367 = arith.constant 0 : i32
      %swap3A_1368 = arith.index_cast %swap3A : i32 to index
      %swap3A_1369 = arith.index_cast %swap3A_1367 : i32 to index
      %swap3A_1370 = arith.index_cast %mul3A_1361 : i32 to index
      %swap3A_1371 = tpu.vector_load %arg13[%swap3A_1368, %swap3A_1369, %swap3A_1370] {strides = array<i32>} : memref<6x8x1024xf32, #tpu.memory_space<vmem>>, vector<16xf32>,
      tpu.vector_store %arg13[%swap3A_1368, %swap3A_1369, %swap3A_1370], %get3A_1366 {add = true, strides = array<i32>} : memref<6x8x1024xf32, #tpu.memory_space<vmem>>, vector<16xf32>,
      %get3A_1372 = arith.constant 0 : i32
      %get3A_1373 = arith.constant 1 : i32
      %get3A_1374 = arith.index_cast %get3A_1372 : i32 to index
      %get3A_1375 = arith.index_cast %get3A_1373 : i32 to index
      %get3A_1376 = arith.index_cast %mul3A_1361 : i32 to index
      %get3A_1377 = tpu.vector_load %arg14[%get3A_1374, %get3A_1375, %get3A_1376] {strides = array<i32>} : memref<4x8x1024xf32, #tpu.memory_space<vmem>>, vector<16xf32>,
      %swap3A_1378 = arith.constant 4 : i32
      %swap3A_1379 = arith.constant 1 : i32
      %swap3A_1380 = arith.index_cast %swap3A_1378 : i32 to index
      %swap3A_1381 = arith.index_cast %swap3A_1379 : i32 to index
      %swap3A_1382 = arith.index_cast %mul3A_1361 : i32 to index
      %swap3A_1383 = tpu.vector_load %arg13[%swap3A_1380, %swap3A_1381, %swap3A_1382] {strides = array<i32>} : memref<6x8x1024xf32, #tpu.memory_space<vmem>>, vector<16xf32>,
      tpu.vector_store %arg13[%swap3A_1380, %swap3A_1381, %swap3A_1382], %get3A_1377 {add = true, strides = array<i32>} : memref<6x8x1024xf32, #tpu.memory_space<vmem>>, vector<16xf32>,
      %get3A_1384 = arith.constant 0 : i32
      %get3A_1385 = arith.constant 2 : i32
      %get3A_1386 = arith.index_cast %get3A_1384 : i32 to index
      %get3A_1387 = arith.index_cast %get3A_1385 : i32 to index
      %get3A_1388 = arith.index_cast %mul3A_1361 : i32 to index
      %get3A_1389 = tpu.vector_load %arg14[%get3A_1386, %get3A_1387, %get3A_1388] {strides = array<i32>} : memref<4x8x1024xf32, #tpu.memory_space<vmem>>, vector<16xf32>,
      %swap3A_1390 = arith.constant 4 : i32
      %swap3A_1391 = arith.constant 2 : i32
      %swap3A_1392 = arith.index_cast %swap3A_1390 : i32 to index
      %swap3A_1393 = arith.index_cast %swap3A_1391 : i32 to index
      %swap3A_1394 = arith.index_cast %mul3A_1361 : i32 to index
      %swap3A_1395 = tpu.vector_load %arg13[%swap3A_1392, %swap3A_1393, %swap3A_1394] {strides = array<i32>} : memref<6x8x1024xf32, #tpu.memory_space<vmem>>, vector<16xf32>,
      tpu.vector_store %arg13[%swap3A_1392, %swap3A_1393, %swap3A_1394], %get3A_1389 {add = true, strides = array<i32>} : memref<6x8x1024xf32, #tpu.memory_space<vmem>>, vector<16xf32>,
      %get3A_1396 = arith.constant 0 : i32
      %get3A_1397 = arith.constant 3 : i32
      %get3A_1398 = arith.index_cast %get3A_1396 : i32 to index
      %get3A_1399 = arith.index_cast %get3A_1397 : i32 to index
      %get3A_1400 = arith.index_cast %mul3A_1361 : i32 to index
      %get3A_1401 = tpu.vector_load %arg14[%get3A_1398, %get3A_1399, %get3A_1400] {strides = array<i32>} : memref<4x8x1024xf32, #tpu.memory_space<vmem>>, vector<16xf32>,
      %swap3A_1402 = arith.constant 4 : i32
      %swap3A_1403 = arith.constant 3 : i32
      %swap3A_1404 = arith.index_cast %swap3A_1402 : i32 to index
      %swap3A_1405 = arith.index_cast %swap3A_1403 : i32 to index
      %swap3A_1406 = arith.index_cast %mul3A_1361 : i32 to index
      %swap3A_1407 = tpu.vector_load %arg13[%swap3A_1404, %swap3A_1405, %swap3A_1406] {strides = array<i32>} : memref<6x8x1024xf32, #tpu.memory_space<vmem>>, vector<16xf32>,
      tpu.vector_store %arg13[%swap3A_1404, %swap3A_1405, %swap3A_1406], %get3A_1401 {add = true, strides = array<i32>} : memref<6x8x1024xf32, #tpu.memory_space<vmem>>, vector<16xf32>,
      %get3A_1408 = arith.constant 0 : i32
      %get3A_1409 = arith.constant 4 : i32
      %get3A_1410 = arith.index_cast %get3A_1408 : i32 to index
      %get3A_1411 = arith.index_cast %get3A_1409 : i32 to index
      %get3A_1412 = arith.index_cast %mul3A_1361 : i32 to index
      %get3A_1413 = tpu.vector_load %arg14[%get3A_1410, %get3A_1411, %get3A_1412] {strides = array<i32>} : memref<4x8x1024xf32, #tpu.memory_space<vmem>>, vector<16xf32>,
      %swap3A_1414 = arith.constant 4 : i32
      %swap3A_1415 = arith.constant 4 : i32
      %swap3A_1416 = arith.index_cast %swap3A_1414 : i32 to index
      %swap3A_1417 = arith.index_cast %swap3A_1415 : i32 to index
      %swap3A_1418 = arith.index_cast %mul3A_1361 : i32 to index
      %swap3A_1419 = tpu.vector_load %arg13[%swap3A_1416, %swap3A_1417, %swap3A_1418] {strides = array<i32>} : memref<6x8x1024xf32, #tpu.memory_space<vmem>>, vector<16xf32>,
      tpu.vector_store %arg13[%swap3A_1416, %swap3A_1417, %swap3A_1418], %get3A_1413 {add = true, strides = array<i32>} : memref<6x8x1024xf32, #tpu.memory_space<vmem>>, vector<16xf32>,
      %get3A_1420 = arith.constant 0 : i32
      %get3A_1421 = arith.constant 5 : i32
      %get3A_1422 = arith.index_cast %get3A_1420 : i32 to index
      %get3A_1423 = arith.index_cast %get3A_1421 : i32 to index
      %get3A_1424 = arith.index_cast %mul3A_1361 : i32 to index
      %get3A_1425 = tpu.vector_load %arg14[%get3A_1422, %get3A_1423, %get3A_1424] {strides = array<i32>} : memref<4x8x1024xf32, #tpu.memory_space<vmem>>, vector<16xf32>,
      %swap3A_1426 = arith.constant 4 : i32
      %swap3A_1427 = arith.constant 5 : i32
      %swap3A_1428 = arith.index_cast %swap3A_1426 : i32 to index
      %swap3A_1429 = arith.index_cast %swap3A_1427 : i32 to index
      %swap3A_1430 = arith.index_cast %mul3A_1361 : i32 to index
      %swap3A_1431 = tpu.vector_load %arg13[%swap3A_1428, %swap3A_1429, %swap3A_1430] {strides = array<i32>} : memref<6x8x1024xf32, #tpu.memory_space<vmem>>, vector<16xf32>,
      tpu.vector_store %arg13[%swap3A_1428, %swap3A_1429, %swap3A_1430], %get3A_1425 {add = true, strides = array<i32>} : memref<6x8x1024xf32, #tpu.memory_space<vmem>>, vector<16xf32>,
      %get3A_1432 = arith.constant 0 : i32
      %get3A_1433 = arith.constant 6 : i32
      %get3A_1434 = arith.index_cast %get3A_1432 : i32 to index
      %get3A_1435 = arith.index_cast %get3A_1433 : i32 to index
      %get3A_1436 = arith.index_cast %mul3A_1361 : i32 to index
      %get3A_1437 = tpu.vector_load %arg14[%get3A_1434, %get3A_1435, %get3A_1436] {strides = array<i32>} : memref<4x8x1024xf32, #tpu.memory_space<vmem>>, vector<16xf32>,
      %swap3A_1438 = arith.constant 4 : i32
      %swap3A_1439 = arith.constant 6 : i32
      %swap3A_1440 = arith.index_cast %swap3A_1438 : i32 to index
      %swap3A_1441 = arith.index_cast %swap3A_1439 : i32 to index
      %swap3A_1442 = arith.index_cast %mul3A_1361 : i32 to index
      %swap3A_1443 = tpu.vector_load %arg13[%swap3A_1440, %swap3A_1441, %swap3A_1442] {strides = array<i32>} : memref<6x8x1024xf32, #tpu.memory_space<vmem>>, vector<16xf32>,
      tpu.vector_store %arg13[%swap3A_1440, %swap3A_1441, %swap3A_1442], %get3A_1437 {add = true, strides = array<i32>} : memref<6x8x1024xf32, #tpu.memory_space<vmem>>, vector<16xf32>,
      %get3A_1444 = arith.constant 0 : i32
      %get3A_1445 = arith.constant 7 : i32
      %get3A_1446 = arith.index_cast %get3A_1444 : i32 to index
      %get3A_1447 = arith.index_cast %get3A_1445 : i32 to index
      %get3A_1448 = arith.index_cast %mul3A_1361 : i32 to index
      %get3A_1449 = tpu.vector_load %arg14[%get3A_1446, %get3A_1447, %get3A_1448] {strides = array<i32>} : memref<4x8x1024xf32, #tpu.memory_space<vmem>>, vector<16xf32>,
      %swap3A_1450 = arith.constant 4 : i32
      %swap3A_1451 = arith.constant 7 : i32
      %swap3A_1452 = arith.index_cast %swap3A_1450 : i32 to index
      %swap3A_1453 = arith.index_cast %swap3A_1451 : i32 to index
      %swap3A_1454 = arith.index_cast %mul3A_1361 : i32 to index
      %swap3A_1455 = tpu.vector_load %arg13[%swap3A_1452, %swap3A_1453, %swap3A_1454] {strides = array<i32>} : memref<6x8x1024xf32, #tpu.memory_space<vmem>>, vector<16xf32>,
      tpu.vector_store %arg13[%swap3A_1452, %swap3A_1453, %swap3A_1454], %get3A_1449 {add = true, strides = array<i32>} : memref<6x8x1024xf32, #tpu.memory_space<vmem>>, vector<16xf32>,
      %scan3A_1456 = arith.constant 0 : i32
      scf.yield %scan3A_1456 : i32
    }
    %scan3A_450 = arith.constant 64 : i32
    %add3A_451 = arith.constant 32 : i32
    %add3A_452 = arith.addi %mul3A_2, %add3A_451 : i32
    %dma_start3A_453 = arith.constant 4 : i32
    %dma_start3A_454 = arith.constant 0 : i32
    %dma_start3A_455 = arith.constant 0 : i32
    %dma_start3A_456 = tpu.memref_slice %arg13[%dma_start3A_453, %dma_start3A_454, %dma_start3A_455] : memref<6x8x1024xf32, #tpu.memory_space<vmem>> -> memref<1x8x1024xf32, #tpu.memory_space<vmem>>
    %dma_start3A_457 = tpu.memref_squeeze %dma_start3A_456 : memref<1x8x1024xf32, #tpu.memory_space<vmem>> -> memref<8x1024xf32, #tpu.memory_space<vmem>>
    %dma_start3A_458 = arith.constant 0 : i32
    %dma_start3A_459 = tpu.memref_slice %arg5[%add3A_452, %dma_start3A_458] : memref<4096x1024xf32, #tpu.memory_space<hbm>> -> memref<8x1024xf32, #tpu.memory_space<hbm>>
    %dma_start3A_460 = arith.constant 0 : i32
    %dma_start3A_461 = tpu.memref_slice %arg5[%add3A_452, %dma_start3A_460] : memref<4096x1024xf32, #tpu.memory_space<hbm>> -> memref<8x1024xf32, #tpu.memory_space<hbm>>
    %dma_start3A_462 = arith.constant 0 : i32
    %dma_start3A_463 = arith.constant 0 : i32
    %dma_start3A_464 = tpu.memref_slice %arg13[%dma_start3A_453, %dma_start3A_462, %dma_start3A_463] : memref<6x8x1024xf32, #tpu.memory_space<vmem>> -> memref<1x8x1024xf32, #tpu.memory_space<vmem>>
    %dma_start3A_465 = tpu.memref_squeeze %dma_start3A_464 : memref<1x8x1024xf32, #tpu.memory_space<vmem>> -> memref<8x1024xf32, #tpu.memory_space<vmem>>
    tpu.enqueue_dma source(%dma_start3A_465 : memref<8x1024xf32, #tpu.memory_space<vmem>>) target(%dma_start3A_461 : memref<8x1024xf32, #tpu.memory_space<hbm>>) target_semaphore(%arg19 : memref<!tpu.dma_semaphore, #tpu.memory_space<semaphore_mem>>)
    %add3A_466 = arith.constant 56 : i32
    %add3A_467 = arith.addi %mul3A_2, %add3A_466 : i32
    %dma_start3A_468 = arith.constant 3 : i32
    %dma_start3A_469 = arith.constant 0 : i32
    %dma_start3A_470 = arith.constant 0 : i32
    %dma_start3A_471 = tpu.memref_slice %arg14[%dma_start3A_468, %dma_start3A_469, %dma_start3A_470] : memref<4x8x1024xf32, #tpu.memory_space<vmem>> -> memref<1x8x1024xf32, #tpu.memory_space<vmem>>
    %dma_start3A_472 = tpu.memref_squeeze %dma_start3A_471 : memref<1x8x1024xf32, #tpu.memory_space<vmem>> -> memref<8x1024xf32, #tpu.memory_space<vmem>>
    %dma_start3A_473 = arith.constant 0 : i32
    %dma_start3A_474 = tpu.memref_slice %arg3[%add3A_467, %dma_start3A_473] : memref<4096x1024xf32, #tpu.memory_space<hbm>> -> memref<8x1024xf32, #tpu.memory_space<hbm>>
    %dma_start3A_475 = arith.constant 0 : i32
    %dma_start3A_476 = arith.constant 0 : i32
    %dma_start3A_477 = tpu.memref_slice %arg14[%dma_start3A_468, %dma_start3A_475, %dma_start3A_476] : memref<4x8x1024xf32, #tpu.memory_space<vmem>> -> memref<1x8x1024xf32, #tpu.memory_space<vmem>>
    %dma_start3A_478 = tpu.memref_squeeze %dma_start3A_477 : memref<1x8x1024xf32, #tpu.memory_space<vmem>> -> memref<8x1024xf32, #tpu.memory_space<vmem>>
    %dma_start3A_479 = arith.constant 0 : i32
    %dma_start3A_480 = tpu.memref_slice %arg3[%add3A_467, %dma_start3A_479] : memref<4096x1024xf32, #tpu.memory_space<hbm>> -> memref<8x1024xf32, #tpu.memory_space<hbm>>
    tpu.enqueue_dma source(%dma_start3A_480 : memref<8x1024xf32, #tpu.memory_space<hbm>>) target(%dma_start3A_478 : memref<8x1024xf32, #tpu.memory_space<vmem>>) target_semaphore(%arg18 : memref<!tpu.dma_semaphore, #tpu.memory_space<semaphore_mem>>)
    %dma_wait3A_481 = arith.constant 2 : i32
    %dma_wait3A_482 = arith.constant 0 : i32
    %dma_wait3A_483 = arith.constant 0 : i32
    %dma_wait3A_484 = tpu.memref_slice %arg13[%dma_wait3A_481, %dma_wait3A_482, %dma_wait3A_483] : memref<6x8x1024xf32, #tpu.memory_space<vmem>> -> memref<1x8x1024xf32, #tpu.memory_space<vmem>>
    %dma_wait3A_485 = tpu.memref_squeeze %dma_wait3A_484 : memref<1x8x1024xf32, #tpu.memory_space<vmem>> -> memref<8x1024xf32, #tpu.memory_space<vmem>>
    %dma_wait3A_486 = arith.constant 0 : i32
    %dma_wait3A_487 = tpu.memref_slice %arg5[%add3A_286, %dma_wait3A_486] : memref<4096x1024xf32, #tpu.memory_space<hbm>> -> memref<8x1024xf32, #tpu.memory_space<hbm>>
    %dma_wait3A_488 = arith.constant 0 : i32
    %dma_wait3A_489 = tpu.memref_slice %arg5[%add3A_286, %dma_wait3A_488] : memref<4096x1024xf32, #tpu.memory_space<hbm>> -> memref<8x1024xf32, #tpu.memory_space<hbm>>
    %dma_wait3A_490 = arith.constant 0 : i32
    %dma_wait3A_491 = arith.constant 0 : i32
    %dma_wait3A_492 = tpu.memref_slice %arg13[%dma_wait3A_481, %dma_wait3A_490, %dma_wait3A_491] : memref<6x8x1024xf32, #tpu.memory_space<vmem>> -> memref<1x8x1024xf32, #tpu.memory_space<vmem>>
    %dma_wait3A_493 = tpu.memref_squeeze %dma_wait3A_492 : memref<1x8x1024xf32, #tpu.memory_space<vmem>> -> memref<8x1024xf32, #tpu.memory_space<vmem>>
    tpu.wait_dma2 semaphore(%arg19 : memref<!tpu.dma_semaphore, #tpu.memory_space<semaphore_mem>>) src(%dma_wait3A_493 : memref<8x1024xf32, #tpu.memory_space<vmem>>) dst(%dma_wait3A_489 : memref<8x1024xf32, #tpu.memory_space<hbm>>)
    %dma_start3A_494 = arith.constant 2 : i32
    %dma_start3A_495 = arith.constant 0 : i32
    %dma_start3A_496 = arith.constant 0 : i32
    %dma_start3A_497 = tpu.memref_slice %arg13[%dma_start3A_494, %dma_start3A_495, %dma_start3A_496] : memref<6x8x1024xf32, #tpu.memory_space<vmem>> -> memref<1x8x1024xf32, #tpu.memory_space<vmem>>
    %dma_start3A_498 = tpu.memref_squeeze %dma_start3A_497 : memref<1x8x1024xf32, #tpu.memory_space<vmem>> -> memref<8x1024xf32, #tpu.memory_space<vmem>>
    %dma_start3A_499 = arith.constant 64 : i32
    %dma_start3A_500 = tpu.memref_slice %arg12[%dma_start3A_499] : memref<128xi32, #tpu.memory_space<vmem>> -> memref<8xi32, #tpu.memory_space<vmem>>
    %dma_start3A_501 = arith.constant 0 : i32
    %dma_start3A_502 = arith.constant 0 : i32
    %dma_start3A_503 = tpu.memref_slice %arg4[%dma_start3A_501, %dma_start3A_502] : memref<5000x1024xf32, #tpu.memory_space<hbm>> -> memref<5000x1024xf32, #tpu.memory_space<hbm>>
    tpu.enqueue_indirect_dma source(%dma_start3A_503 : memref<5000x1024xf32, #tpu.memory_space<hbm>>) target(%dma_start3A_498 : memref<8x1024xf32, #tpu.memory_space<vmem>>) offsets(%dma_start3A_500 : memref<8xi32, #tpu.memory_space<vmem>>) semaphore(%arg17 : memref<!tpu.dma_semaphore, #tpu.memory_space<semaphore_mem>>)
    %dma_wait3A_504 = arith.constant 5 : i32
    %dma_wait3A_505 = arith.constant 0 : i32
    %dma_wait3A_506 = arith.constant 0 : i32
    %dma_wait3A_507 = tpu.memref_slice %arg13[%dma_wait3A_504, %dma_wait3A_505, %dma_wait3A_506] : memref<6x8x1024xf32, #tpu.memory_space<vmem>> -> memref<1x8x1024xf32, #tpu.memory_space<vmem>>
    %dma_wait3A_508 = tpu.memref_squeeze %dma_wait3A_507 : memref<1x8x1024xf32, #tpu.memory_space<vmem>> -> memref<8x1024xf32, #tpu.memory_space<vmem>>
    %dma_wait3A_509 = arith.constant 40 : i32
    %dma_wait3A_510 = tpu.memref_slice %arg12[%dma_wait3A_509] : memref<128xi32, #tpu.memory_space<vmem>> -> memref<8xi32, #tpu.memory_space<vmem>>
    %dma_wait3A_511 = arith.constant 0 : i32
    %dma_wait3A_512 = arith.constant 0 : i32
    %dma_wait3A_513 = tpu.memref_slice %arg4[%dma_wait3A_511, %dma_wait3A_512] : memref<5000x1024xf32, #tpu.memory_space<hbm>> -> memref<5000x1024xf32, #tpu.memory_space<hbm>>
    tpu.wait_indirect_dma semaphore(%arg17 : memref<!tpu.dma_semaphore, #tpu.memory_space<semaphore_mem>>) src(%dma_wait3A_513 : memref<5000x1024xf32, #tpu.memory_space<hbm>>) dst(%dma_wait3A_508 : memref<8x1024xf32, #tpu.memory_space<vmem>>)
    %dma_wait3A_514 = arith.constant 1 : i32
    %dma_wait3A_515 = arith.constant 0 : i32
    %dma_wait3A_516 = arith.constant 0 : i32
    %dma_wait3A_517 = tpu.memref_slice %arg14[%dma_wait3A_514, %dma_wait3A_515, %dma_wait3A_516] : memref<4x8x1024xf32, #tpu.memory_space<vmem>> -> memref<1x8x1024xf32, #tpu.memory_space<vmem>>
    %dma_wait3A_518 = tpu.memref_squeeze %dma_wait3A_517 : memref<1x8x1024xf32, #tpu.memory_space<vmem>> -> memref<8x1024xf32, #tpu.memory_space<vmem>>
    %dma_wait3A_519 = arith.constant 0 : i32
    %dma_wait3A_520 = tpu.memref_slice %arg3[%add3A_301, %dma_wait3A_519] : memref<4096x1024xf32, #tpu.memory_space<hbm>> -> memref<8x1024xf32, #tpu.memory_space<hbm>>
    %dma_wait3A_521 = arith.constant 0 : i32
    %dma_wait3A_522 = arith.constant 0 : i32
    %dma_wait3A_523 = tpu.memref_slice %arg14[%dma_wait3A_514, %dma_wait3A_521, %dma_wait3A_522] : memref<4x8x1024xf32, #tpu.memory_space<vmem>> -> memref<1x8x1024xf32, #tpu.memory_space<vmem>>
    %dma_wait3A_524 = tpu.memref_squeeze %dma_wait3A_523 : memref<1x8x1024xf32, #tpu.memory_space<vmem>> -> memref<8x1024xf32, #tpu.memory_space<vmem>>
    %dma_wait3A_525 = arith.constant 0 : i32
    %dma_wait3A_526 = tpu.memref_slice %arg3[%add3A_301, %dma_wait3A_525] : memref<4096x1024xf32, #tpu.memory_space<hbm>> -> memref<8x1024xf32, #tpu.memory_space<hbm>>
    tpu.wait_dma2 semaphore(%arg18 : memref<!tpu.dma_semaphore, #tpu.memory_space<semaphore_mem>>) src(%dma_wait3A_526 : memref<8x1024xf32, #tpu.memory_space<hbm>>) dst(%dma_wait3A_524 : memref<8x1024xf32, #tpu.memory_space<vmem>>)
    %scan3A_527 = arith.constant 0 : i32
    %scan3A_528 = arith.constant 0 : i32
    %scan3A_529 = arith.constant 64 : i32
    %scan3A_530 = arith.addi %scan3A_528, %scan3A_529 : i32
    %scan3A_531 = arith.constant 1 : i32
    %scan3A_532 = scf.for %scan3A_1358 = %scan3A_528 to %scan3A_530 step %scan3A_531 iter_args(%scan3A_1359 = %scan3A_527) -> (i32)  : i32 {
      %mul3A_1360 = arith.constant 16 : i32
      %mul3A_1361 = arith.muli %scan3A_1358, %mul3A_1360 : i32
      %get3A = arith.constant 1 : i32
      %get3A_1362 = arith.constant 0 : i32
      %get3A_1363 = arith.index_cast %get3A : i32 to index
      %get3A_1364 = arith.index_cast %get3A_1362 : i32 to index
      %get3A_1365 = arith.index_cast %mul3A_1361 : i32 to index
      %get3A_1366 = tpu.vector_load %arg14[%get3A_1363, %get3A_1364, %get3A_1365] {strides = array<i32>} : memref<4x8x1024xf32, #tpu.memory_space<vmem>>, vector<16xf32>,
      %swap3A = arith.constant 5 : i32
      %swap3A_1367 = arith.constant 0 : i32
      %swap3A_1368 = arith.index_cast %swap3A : i32 to index
      %swap3A_1369 = arith.index_cast %swap3A_1367 : i32 to index
      %swap3A_1370 = arith.index_cast %mul3A_1361 : i32 to index
      %swap3A_1371 = tpu.vector_load %arg13[%swap3A_1368, %swap3A_1369, %swap3A_1370] {strides = array<i32>} : memref<6x8x1024xf32, #tpu.memory_space<vmem>>, vector<16xf32>,
      tpu.vector_store %arg13[%swap3A_1368, %swap3A_1369, %swap3A_1370], %get3A_1366 {add = true, strides = array<i32>} : memref<6x8x1024xf32, #tpu.memory_space<vmem>>, vector<16xf32>,
      %get3A_1372 = arith.constant 1 : i32
      %get3A_1373 = arith.constant 1 : i32
      %get3A_1374 = arith.index_cast %get3A_1372 : i32 to index
      %get3A_1375 = arith.index_cast %get3A_1373 : i32 to index
      %get3A_1376 = arith.index_cast %mul3A_1361 : i32 to index
      %get3A_1377 = tpu.vector_load %arg14[%get3A_1374, %get3A_1375, %get3A_1376] {strides = array<i32>} : memref<4x8x1024xf32, #tpu.memory_space<vmem>>, vector<16xf32>,
      %swap3A_1378 = arith.constant 5 : i32
      %swap3A_1379 = arith.constant 1 : i32
      %swap3A_1380 = arith.index_cast %swap3A_1378 : i32 to index
      %swap3A_1381 = arith.index_cast %swap3A_1379 : i32 to index
      %swap3A_1382 = arith.index_cast %mul3A_1361 : i32 to index
      %swap3A_1383 = tpu.vector_load %arg13[%swap3A_1380, %swap3A_1381, %swap3A_1382] {strides = array<i32>} : memref<6x8x1024xf32, #tpu.memory_space<vmem>>, vector<16xf32>,
      tpu.vector_store %arg13[%swap3A_1380, %swap3A_1381, %swap3A_1382], %get3A_1377 {add = true, strides = array<i32>} : memref<6x8x1024xf32, #tpu.memory_space<vmem>>, vector<16xf32>,
      %get3A_1384 = arith.constant 1 : i32
      %get3A_1385 = arith.constant 2 : i32
      %get3A_1386 = arith.index_cast %get3A_1384 : i32 to index
      %get3A_1387 = arith.index_cast %get3A_1385 : i32 to index
      %get3A_1388 = arith.index_cast %mul3A_1361 : i32 to index
      %get3A_1389 = tpu.vector_load %arg14[%get3A_1386, %get3A_1387, %get3A_1388] {strides = array<i32>} : memref<4x8x1024xf32, #tpu.memory_space<vmem>>, vector<16xf32>,
      %swap3A_1390 = arith.constant 5 : i32
      %swap3A_1391 = arith.constant 2 : i32
      %swap3A_1392 = arith.index_cast %swap3A_1390 : i32 to index
      %swap3A_1393 = arith.index_cast %swap3A_1391 : i32 to index
      %swap3A_1394 = arith.index_cast %mul3A_1361 : i32 to index
      %swap3A_1395 = tpu.vector_load %arg13[%swap3A_1392, %swap3A_1393, %swap3A_1394] {strides = array<i32>} : memref<6x8x1024xf32, #tpu.memory_space<vmem>>, vector<16xf32>,
      tpu.vector_store %arg13[%swap3A_1392, %swap3A_1393, %swap3A_1394], %get3A_1389 {add = true, strides = array<i32>} : memref<6x8x1024xf32, #tpu.memory_space<vmem>>, vector<16xf32>,
      %get3A_1396 = arith.constant 1 : i32
      %get3A_1397 = arith.constant 3 : i32
      %get3A_1398 = arith.index_cast %get3A_1396 : i32 to index
      %get3A_1399 = arith.index_cast %get3A_1397 : i32 to index
      %get3A_1400 = arith.index_cast %mul3A_1361 : i32 to index
      %get3A_1401 = tpu.vector_load %arg14[%get3A_1398, %get3A_1399, %get3A_1400] {strides = array<i32>} : memref<4x8x1024xf32, #tpu.memory_space<vmem>>, vector<16xf32>,
      %swap3A_1402 = arith.constant 5 : i32
      %swap3A_1403 = arith.constant 3 : i32
      %swap3A_1404 = arith.index_cast %swap3A_1402 : i32 to index
      %swap3A_1405 = arith.index_cast %swap3A_1403 : i32 to index
      %swap3A_1406 = arith.index_cast %mul3A_1361 : i32 to index
      %swap3A_1407 = tpu.vector_load %arg13[%swap3A_1404, %swap3A_1405, %swap3A_1406] {strides = array<i32>} : memref<6x8x1024xf32, #tpu.memory_space<vmem>>, vector<16xf32>,
      tpu.vector_store %arg13[%swap3A_1404, %swap3A_1405, %swap3A_1406], %get3A_1401 {add = true, strides = array<i32>} : memref<6x8x1024xf32, #tpu.memory_space<vmem>>, vector<16xf32>,
      %get3A_1408 = arith.constant 1 : i32
      %get3A_1409 = arith.constant 4 : i32
      %get3A_1410 = arith.index_cast %get3A_1408 : i32 to index
      %get3A_1411 = arith.index_cast %get3A_1409 : i32 to index
      %get3A_1412 = arith.index_cast %mul3A_1361 : i32 to index
      %get3A_1413 = tpu.vector_load %arg14[%get3A_1410, %get3A_1411, %get3A_1412] {strides = array<i32>} : memref<4x8x1024xf32, #tpu.memory_space<vmem>>, vector<16xf32>,
      %swap3A_1414 = arith.constant 5 : i32
      %swap3A_1415 = arith.constant 4 : i32
      %swap3A_1416 = arith.index_cast %swap3A_1414 : i32 to index
      %swap3A_1417 = arith.index_cast %swap3A_1415 : i32 to index
      %swap3A_1418 = arith.index_cast %mul3A_1361 : i32 to index
      %swap3A_1419 = tpu.vector_load %arg13[%swap3A_1416, %swap3A_1417, %swap3A_1418] {strides = array<i32>} : memref<6x8x1024xf32, #tpu.memory_space<vmem>>, vector<16xf32>,
      tpu.vector_store %arg13[%swap3A_1416, %swap3A_1417, %swap3A_1418], %get3A_1413 {add = true, strides = array<i32>} : memref<6x8x1024xf32, #tpu.memory_space<vmem>>, vector<16xf32>,
      %get3A_1420 = arith.constant 1 : i32
      %get3A_1421 = arith.constant 5 : i32
      %get3A_1422 = arith.index_cast %get3A_1420 : i32 to index
      %get3A_1423 = arith.index_cast %get3A_1421 : i32 to index
      %get3A_1424 = arith.index_cast %mul3A_1361 : i32 to index
      %get3A_1425 = tpu.vector_load %arg14[%get3A_1422, %get3A_1423, %get3A_1424] {strides = array<i32>} : memref<4x8x1024xf32, #tpu.memory_space<vmem>>, vector<16xf32>,
      %swap3A_1426 = arith.constant 5 : i32
      %swap3A_1427 = arith.constant 5 : i32
      %swap3A_1428 = arith.index_cast %swap3A_1426 : i32 to index
      %swap3A_1429 = arith.index_cast %swap3A_1427 : i32 to index
      %swap3A_1430 = arith.index_cast %mul3A_1361 : i32 to index
      %swap3A_1431 = tpu.vector_load %arg13[%swap3A_1428, %swap3A_1429, %swap3A_1430] {strides = array<i32>} : memref<6x8x1024xf32, #tpu.memory_space<vmem>>, vector<16xf32>,
      tpu.vector_store %arg13[%swap3A_1428, %swap3A_1429, %swap3A_1430], %get3A_1425 {add = true, strides = array<i32>} : memref<6x8x1024xf32, #tpu.memory_space<vmem>>, vector<16xf32>,
      %get3A_1432 = arith.constant 1 : i32
      %get3A_1433 = arith.constant 6 : i32
      %get3A_1434 = arith.index_cast %get3A_1432 : i32 to index
      %get3A_1435 = arith.index_cast %get3A_1433 : i32 to index
      %get3A_1436 = arith.index_cast %mul3A_1361 : i32 to index
      %get3A_1437 = tpu.vector_load %arg14[%get3A_1434, %get3A_1435, %get3A_1436] {strides = array<i32>} : memref<4x8x1024xf32, #tpu.memory_space<vmem>>, vector<16xf32>,
      %swap3A_1438 = arith.constant 5 : i32
      %swap3A_1439 = arith.constant 6 : i32
      %swap3A_1440 = arith.index_cast %swap3A_1438 : i32 to index
      %swap3A_1441 = arith.index_cast %swap3A_1439 : i32 to index
      %swap3A_1442 = arith.index_cast %mul3A_1361 : i32 to index
      %swap3A_1443 = tpu.vector_load %arg13[%swap3A_1440, %swap3A_1441, %swap3A_1442] {strides = array<i32>} : memref<6x8x1024xf32, #tpu.memory_space<vmem>>, vector<16xf32>,
      tpu.vector_store %arg13[%swap3A_1440, %swap3A_1441, %swap3A_1442], %get3A_1437 {add = true, strides = array<i32>} : memref<6x8x1024xf32, #tpu.memory_space<vmem>>, vector<16xf32>,
      %get3A_1444 = arith.constant 1 : i32
      %get3A_1445 = arith.constant 7 : i32
      %get3A_1446 = arith.index_cast %get3A_1444 : i32 to index
      %get3A_1447 = arith.index_cast %get3A_1445 : i32 to index
      %get3A_1448 = arith.index_cast %mul3A_1361 : i32 to index
      %get3A_1449 = tpu.vector_load %arg14[%get3A_1446, %get3A_1447, %get3A_1448] {strides = array<i32>} : memref<4x8x1024xf32, #tpu.memory_space<vmem>>, vector<16xf32>,
      %swap3A_1450 = arith.constant 5 : i32
      %swap3A_1451 = arith.constant 7 : i32
      %swap3A_1452 = arith.index_cast %swap3A_1450 : i32 to index
      %swap3A_1453 = arith.index_cast %swap3A_1451 : i32 to index
      %swap3A_1454 = arith.index_cast %mul3A_1361 : i32 to index
      %swap3A_1455 = tpu.vector_load %arg13[%swap3A_1452, %swap3A_1453, %swap3A_1454] {strides = array<i32>} : memref<6x8x1024xf32, #tpu.memory_space<vmem>>, vector<16xf32>,
      tpu.vector_store %arg13[%swap3A_1452, %swap3A_1453, %swap3A_1454], %get3A_1449 {add = true, strides = array<i32>} : memref<6x8x1024xf32, #tpu.memory_space<vmem>>, vector<16xf32>,
      %scan3A_1456 = arith.constant 0 : i32
      scf.yield %scan3A_1456 : i32
    }
    %scan3A_533 = arith.constant 64 : i32
    %add3A_534 = arith.constant 40 : i32
    %add3A_535 = arith.addi %mul3A_2, %add3A_534 : i32
    %dma_start3A_536 = arith.constant 5 : i32
    %dma_start3A_537 = arith.constant 0 : i32
    %dma_start3A_538 = arith.constant 0 : i32
    %dma_start3A_539 = tpu.memref_slice %arg13[%dma_start3A_536, %dma_start3A_537, %dma_start3A_538] : memref<6x8x1024xf32, #tpu.memory_space<vmem>> -> memref<1x8x1024xf32, #tpu.memory_space<vmem>>
    %dma_start3A_540 = tpu.memref_squeeze %dma_start3A_539 : memref<1x8x1024xf32, #tpu.memory_space<vmem>> -> memref<8x1024xf32, #tpu.memory_space<vmem>>
    %dma_start3A_541 = arith.constant 0 : i32
    %dma_start3A_542 = tpu.memref_slice %arg5[%add3A_535, %dma_start3A_541] : memref<4096x1024xf32, #tpu.memory_space<hbm>> -> memref<8x1024xf32, #tpu.memory_space<hbm>>
    %dma_start3A_543 = arith.constant 0 : i32
    %dma_start3A_544 = tpu.memref_slice %arg5[%add3A_535, %dma_start3A_543] : memref<4096x1024xf32, #tpu.memory_space<hbm>> -> memref<8x1024xf32, #tpu.memory_space<hbm>>
    %dma_start3A_545 = arith.constant 0 : i32
    %dma_start3A_546 = arith.constant 0 : i32
    %dma_start3A_547 = tpu.memref_slice %arg13[%dma_start3A_536, %dma_start3A_545, %dma_start3A_546] : memref<6x8x1024xf32, #tpu.memory_space<vmem>> -> memref<1x8x1024xf32, #tpu.memory_space<vmem>>
    %dma_start3A_548 = tpu.memref_squeeze %dma_start3A_547 : memref<1x8x1024xf32, #tpu.memory_space<vmem>> -> memref<8x1024xf32, #tpu.memory_space<vmem>>
    tpu.enqueue_dma source(%dma_start3A_548 : memref<8x1024xf32, #tpu.memory_space<vmem>>) target(%dma_start3A_544 : memref<8x1024xf32, #tpu.memory_space<hbm>>) target_semaphore(%arg19 : memref<!tpu.dma_semaphore, #tpu.memory_space<semaphore_mem>>)
    %add3A_549 = arith.constant 64 : i32
    %add3A_550 = arith.addi %mul3A_2, %add3A_549 : i32
    %dma_start3A_551 = arith.constant 0 : i32
    %dma_start3A_552 = arith.constant 0 : i32
    %dma_start3A_553 = arith.constant 0 : i32
    %dma_start3A_554 = tpu.memref_slice %arg14[%dma_start3A_551, %dma_start3A_552, %dma_start3A_553] : memref<4x8x1024xf32, #tpu.memory_space<vmem>> -> memref<1x8x1024xf32, #tpu.memory_space<vmem>>
    %dma_start3A_555 = tpu.memref_squeeze %dma_start3A_554 : memref<1x8x1024xf32, #tpu.memory_space<vmem>> -> memref<8x1024xf32, #tpu.memory_space<vmem>>
    %dma_start3A_556 = arith.constant 0 : i32
    %dma_start3A_557 = tpu.memref_slice %arg3[%add3A_550, %dma_start3A_556] : memref<4096x1024xf32, #tpu.memory_space<hbm>> -> memref<8x1024xf32, #tpu.memory_space<hbm>>
    %dma_start3A_558 = arith.constant 0 : i32
    %dma_start3A_559 = arith.constant 0 : i32
    %dma_start3A_560 = tpu.memref_slice %arg14[%dma_start3A_551, %dma_start3A_558, %dma_start3A_559] : memref<4x8x1024xf32, #tpu.memory_space<vmem>> -> memref<1x8x1024xf32, #tpu.memory_space<vmem>>
    %dma_start3A_561 = tpu.memref_squeeze %dma_start3A_560 : memref<1x8x1024xf32, #tpu.memory_space<vmem>> -> memref<8x1024xf32, #tpu.memory_space<vmem>>
    %dma_start3A_562 = arith.constant 0 : i32
    %dma_start3A_563 = tpu.memref_slice %arg3[%add3A_550, %dma_start3A_562] : memref<4096x1024xf32, #tpu.memory_space<hbm>> -> memref<8x1024xf32, #tpu.memory_space<hbm>>
    tpu.enqueue_dma source(%dma_start3A_563 : memref<8x1024xf32, #tpu.memory_space<hbm>>) target(%dma_start3A_561 : memref<8x1024xf32, #tpu.memory_space<vmem>>) target_semaphore(%arg18 : memref<!tpu.dma_semaphore, #tpu.memory_space<semaphore_mem>>)
    %dma_wait3A_564 = arith.constant 3 : i32
    %dma_wait3A_565 = arith.constant 0 : i32
    %dma_wait3A_566 = arith.constant 0 : i32
    %dma_wait3A_567 = tpu.memref_slice %arg13[%dma_wait3A_564, %dma_wait3A_565, %dma_wait3A_566] : memref<6x8x1024xf32, #tpu.memory_space<vmem>> -> memref<1x8x1024xf32, #tpu.memory_space<vmem>>
    %dma_wait3A_568 = tpu.memref_squeeze %dma_wait3A_567 : memref<1x8x1024xf32, #tpu.memory_space<vmem>> -> memref<8x1024xf32, #tpu.memory_space<vmem>>
    %dma_wait3A_569 = arith.constant 0 : i32
    %dma_wait3A_570 = tpu.memref_slice %arg5[%add3A_369, %dma_wait3A_569] : memref<4096x1024xf32, #tpu.memory_space<hbm>> -> memref<8x1024xf32, #tpu.memory_space<hbm>>
    %dma_wait3A_571 = arith.constant 0 : i32
    %dma_wait3A_572 = tpu.memref_slice %arg5[%add3A_369, %dma_wait3A_571] : memref<4096x1024xf32, #tpu.memory_space<hbm>> -> memref<8x1024xf32, #tpu.memory_space<hbm>>
    %dma_wait3A_573 = arith.constant 0 : i32
    %dma_wait3A_574 = arith.constant 0 : i32
    %dma_wait3A_575 = tpu.memref_slice %arg13[%dma_wait3A_564, %dma_wait3A_573, %dma_wait3A_574] : memref<6x8x1024xf32, #tpu.memory_space<vmem>> -> memref<1x8x1024xf32, #tpu.memory_space<vmem>>
    %dma_wait3A_576 = tpu.memref_squeeze %dma_wait3A_575 : memref<1x8x1024xf32, #tpu.memory_space<vmem>> -> memref<8x1024xf32, #tpu.memory_space<vmem>>
    tpu.wait_dma2 semaphore(%arg19 : memref<!tpu.dma_semaphore, #tpu.memory_space<semaphore_mem>>) src(%dma_wait3A_576 : memref<8x1024xf32, #tpu.memory_space<vmem>>) dst(%dma_wait3A_572 : memref<8x1024xf32, #tpu.memory_space<hbm>>)
    %dma_start3A_577 = arith.constant 3 : i32
    %dma_start3A_578 = arith.constant 0 : i32
    %dma_start3A_579 = arith.constant 0 : i32
    %dma_start3A_580 = tpu.memref_slice %arg13[%dma_start3A_577, %dma_start3A_578, %dma_start3A_579] : memref<6x8x1024xf32, #tpu.memory_space<vmem>> -> memref<1x8x1024xf32, #tpu.memory_space<vmem>>
    %dma_start3A_581 = tpu.memref_squeeze %dma_start3A_580 : memref<1x8x1024xf32, #tpu.memory_space<vmem>> -> memref<8x1024xf32, #tpu.memory_space<vmem>>
    %dma_start3A_582 = arith.constant 72 : i32
    %dma_start3A_583 = tpu.memref_slice %arg12[%dma_start3A_582] : memref<128xi32, #tpu.memory_space<vmem>> -> memref<8xi32, #tpu.memory_space<vmem>>
    %dma_start3A_584 = arith.constant 0 : i32
    %dma_start3A_585 = arith.constant 0 : i32
    %dma_start3A_586 = tpu.memref_slice %arg4[%dma_start3A_584, %dma_start3A_585] : memref<5000x1024xf32, #tpu.memory_space<hbm>> -> memref<5000x1024xf32, #tpu.memory_space<hbm>>
    tpu.enqueue_indirect_dma source(%dma_start3A_586 : memref<5000x1024xf32, #tpu.memory_space<hbm>>) target(%dma_start3A_581 : memref<8x1024xf32, #tpu.memory_space<vmem>>) offsets(%dma_start3A_583 : memref<8xi32, #tpu.memory_space<vmem>>) semaphore(%arg17 : memref<!tpu.dma_semaphore, #tpu.memory_space<semaphore_mem>>)
    %dma_wait3A_587 = arith.constant 0 : i32
    %dma_wait3A_588 = arith.constant 0 : i32
    %dma_wait3A_589 = arith.constant 0 : i32
    %dma_wait3A_590 = tpu.memref_slice %arg13[%dma_wait3A_587, %dma_wait3A_588, %dma_wait3A_589] : memref<6x8x1024xf32, #tpu.memory_space<vmem>> -> memref<1x8x1024xf32, #tpu.memory_space<vmem>>
    %dma_wait3A_591 = tpu.memref_squeeze %dma_wait3A_590 : memref<1x8x1024xf32, #tpu.memory_space<vmem>> -> memref<8x1024xf32, #tpu.memory_space<vmem>>
    %dma_wait3A_592 = arith.constant 48 : i32
    %dma_wait3A_593 = tpu.memref_slice %arg12[%dma_wait3A_592] : memref<128xi32, #tpu.memory_space<vmem>> -> memref<8xi32, #tpu.memory_space<vmem>>
    %dma_wait3A_594 = arith.constant 0 : i32
    %dma_wait3A_595 = arith.constant 0 : i32
    %dma_wait3A_596 = tpu.memref_slice %arg4[%dma_wait3A_594, %dma_wait3A_595] : memref<5000x1024xf32, #tpu.memory_space<hbm>> -> memref<5000x1024xf32, #tpu.memory_space<hbm>>
    tpu.wait_indirect_dma semaphore(%arg17 : memref<!tpu.dma_semaphore, #tpu.memory_space<semaphore_mem>>) src(%dma_wait3A_596 : memref<5000x1024xf32, #tpu.memory_space<hbm>>) dst(%dma_wait3A_591 : memref<8x1024xf32, #tpu.memory_space<vmem>>)
    %dma_wait3A_597 = arith.constant 2 : i32
    %dma_wait3A_598 = arith.constant 0 : i32
    %dma_wait3A_599 = arith.constant 0 : i32
    %dma_wait3A_600 = tpu.memref_slice %arg14[%dma_wait3A_597, %dma_wait3A_598, %dma_wait3A_599] : memref<4x8x1024xf32, #tpu.memory_space<vmem>> -> memref<1x8x1024xf32, #tpu.memory_space<vmem>>
    %dma_wait3A_601 = tpu.memref_squeeze %dma_wait3A_600 : memref<1x8x1024xf32, #tpu.memory_space<vmem>> -> memref<8x1024xf32, #tpu.memory_space<vmem>>
    %dma_wait3A_602 = arith.constant 0 : i32
    %dma_wait3A_603 = tpu.memref_slice %arg3[%add3A_384, %dma_wait3A_602] : memref<4096x1024xf32, #tpu.memory_space<hbm>> -> memref<8x1024xf32, #tpu.memory_space<hbm>>
    %dma_wait3A_604 = arith.constant 0 : i32
    %dma_wait3A_605 = arith.constant 0 : i32
    %dma_wait3A_606 = tpu.memref_slice %arg14[%dma_wait3A_597, %dma_wait3A_604, %dma_wait3A_605] : memref<4x8x1024xf32, #tpu.memory_space<vmem>> -> memref<1x8x1024xf32, #tpu.memory_space<vmem>>
    %dma_wait3A_607 = tpu.memref_squeeze %dma_wait3A_606 : memref<1x8x1024xf32, #tpu.memory_space<vmem>> -> memref<8x1024xf32, #tpu.memory_space<vmem>>
    %dma_wait3A_608 = arith.constant 0 : i32
    %dma_wait3A_609 = tpu.memref_slice %arg3[%add3A_384, %dma_wait3A_608] : memref<4096x1024xf32, #tpu.memory_space<hbm>> -> memref<8x1024xf32, #tpu.memory_space<hbm>>
    tpu.wait_dma2 semaphore(%arg18 : memref<!tpu.dma_semaphore, #tpu.memory_space<semaphore_mem>>) src(%dma_wait3A_609 : memref<8x1024xf32, #tpu.memory_space<hbm>>) dst(%dma_wait3A_607 : memref<8x1024xf32, #tpu.memory_space<vmem>>)
    %scan3A_610 = arith.constant 0 : i32
    %scan3A_611 = arith.constant 0 : i32
    %scan3A_612 = arith.constant 64 : i32
    %scan3A_613 = arith.addi %scan3A_611, %scan3A_612 : i32
    %scan3A_614 = arith.constant 1 : i32
    %scan3A_615 = scf.for %scan3A_1358 = %scan3A_611 to %scan3A_613 step %scan3A_614 iter_args(%scan3A_1359 = %scan3A_610) -> (i32)  : i32 {
      %mul3A_1360 = arith.constant 16 : i32
      %mul3A_1361 = arith.muli %scan3A_1358, %mul3A_1360 : i32
      %get3A = arith.constant 2 : i32
      %get3A_1362 = arith.constant 0 : i32
      %get3A_1363 = arith.index_cast %get3A : i32 to index
      %get3A_1364 = arith.index_cast %get3A_1362 : i32 to index
      %get3A_1365 = arith.index_cast %mul3A_1361 : i32 to index
      %get3A_1366 = tpu.vector_load %arg14[%get3A_1363, %get3A_1364, %get3A_1365] {strides = array<i32>} : memref<4x8x1024xf32, #tpu.memory_space<vmem>>, vector<16xf32>,
      %swap3A = arith.constant 0 : i32
      %swap3A_1367 = arith.constant 0 : i32
      %swap3A_1368 = arith.index_cast %swap3A : i32 to index
      %swap3A_1369 = arith.index_cast %swap3A_1367 : i32 to index
      %swap3A_1370 = arith.index_cast %mul3A_1361 : i32 to index
      %swap3A_1371 = tpu.vector_load %arg13[%swap3A_1368, %swap3A_1369, %swap3A_1370] {strides = array<i32>} : memref<6x8x1024xf32, #tpu.memory_space<vmem>>, vector<16xf32>,
      tpu.vector_store %arg13[%swap3A_1368, %swap3A_1369, %swap3A_1370], %get3A_1366 {add = true, strides = array<i32>} : memref<6x8x1024xf32, #tpu.memory_space<vmem>>, vector<16xf32>,
      %get3A_1372 = arith.constant 2 : i32
      %get3A_1373 = arith.constant 1 : i32
      %get3A_1374 = arith.index_cast %get3A_1372 : i32 to index
      %get3A_1375 = arith.index_cast %get3A_1373 : i32 to index
      %get3A_1376 = arith.index_cast %mul3A_1361 : i32 to index
      %get3A_1377 = tpu.vector_load %arg14[%get3A_1374, %get3A_1375, %get3A_1376] {strides = array<i32>} : memref<4x8x1024xf32, #tpu.memory_space<vmem>>, vector<16xf32>,
      %swap3A_1378 = arith.constant 0 : i32
      %swap3A_1379 = arith.constant 1 : i32
      %swap3A_1380 = arith.index_cast %swap3A_1378 : i32 to index
      %swap3A_1381 = arith.index_cast %swap3A_1379 : i32 to index
      %swap3A_1382 = arith.index_cast %mul3A_1361 : i32 to index
      %swap3A_1383 = tpu.vector_load %arg13[%swap3A_1380, %swap3A_1381, %swap3A_1382] {strides = array<i32>} : memref<6x8x1024xf32, #tpu.memory_space<vmem>>, vector<16xf32>,
      tpu.vector_store %arg13[%swap3A_1380, %swap3A_1381, %swap3A_1382], %get3A_1377 {add = true, strides = array<i32>} : memref<6x8x1024xf32, #tpu.memory_space<vmem>>, vector<16xf32>,
      %get3A_1384 = arith.constant 2 : i32
      %get3A_1385 = arith.constant 2 : i32
      %get3A_1386 = arith.index_cast %get3A_1384 : i32 to index
      %get3A_1387 = arith.index_cast %get3A_1385 : i32 to index
      %get3A_1388 = arith.index_cast %mul3A_1361 : i32 to index
      %get3A_1389 = tpu.vector_load %arg14[%get3A_1386, %get3A_1387, %get3A_1388] {strides = array<i32>} : memref<4x8x1024xf32, #tpu.memory_space<vmem>>, vector<16xf32>,
      %swap3A_1390 = arith.constant 0 : i32
      %swap3A_1391 = arith.constant 2 : i32
      %swap3A_1392 = arith.index_cast %swap3A_1390 : i32 to index
      %swap3A_1393 = arith.index_cast %swap3A_1391 : i32 to index
      %swap3A_1394 = arith.index_cast %mul3A_1361 : i32 to index
      %swap3A_1395 = tpu.vector_load %arg13[%swap3A_1392, %swap3A_1393, %swap3A_1394] {strides = array<i32>} : memref<6x8x1024xf32, #tpu.memory_space<vmem>>, vector<16xf32>,
      tpu.vector_store %arg13[%swap3A_1392, %swap3A_1393, %swap3A_1394], %get3A_1389 {add = true, strides = array<i32>} : memref<6x8x1024xf32, #tpu.memory_space<vmem>>, vector<16xf32>,
      %get3A_1396 = arith.constant 2 : i32
      %get3A_1397 = arith.constant 3 : i32
      %get3A_1398 = arith.index_cast %get3A_1396 : i32 to index
      %get3A_1399 = arith.index_cast %get3A_1397 : i32 to index
      %get3A_1400 = arith.index_cast %mul3A_1361 : i32 to index
      %get3A_1401 = tpu.vector_load %arg14[%get3A_1398, %get3A_1399, %get3A_1400] {strides = array<i32>} : memref<4x8x1024xf32, #tpu.memory_space<vmem>>, vector<16xf32>,
      %swap3A_1402 = arith.constant 0 : i32
      %swap3A_1403 = arith.constant 3 : i32
      %swap3A_1404 = arith.index_cast %swap3A_1402 : i32 to index
      %swap3A_1405 = arith.index_cast %swap3A_1403 : i32 to index
      %swap3A_1406 = arith.index_cast %mul3A_1361 : i32 to index
      %swap3A_1407 = tpu.vector_load %arg13[%swap3A_1404, %swap3A_1405, %swap3A_1406] {strides = array<i32>} : memref<6x8x1024xf32, #tpu.memory_space<vmem>>, vector<16xf32>,
      tpu.vector_store %arg13[%swap3A_1404, %swap3A_1405, %swap3A_1406], %get3A_1401 {add = true, strides = array<i32>} : memref<6x8x1024xf32, #tpu.memory_space<vmem>>, vector<16xf32>,
      %get3A_1408 = arith.constant 2 : i32
      %get3A_1409 = arith.constant 4 : i32
      %get3A_1410 = arith.index_cast %get3A_1408 : i32 to index
      %get3A_1411 = arith.index_cast %get3A_1409 : i32 to index
      %get3A_1412 = arith.index_cast %mul3A_1361 : i32 to index
      %get3A_1413 = tpu.vector_load %arg14[%get3A_1410, %get3A_1411, %get3A_1412] {strides = array<i32>} : memref<4x8x1024xf32, #tpu.memory_space<vmem>>, vector<16xf32>,
      %swap3A_1414 = arith.constant 0 : i32
      %swap3A_1415 = arith.constant 4 : i32
      %swap3A_1416 = arith.index_cast %swap3A_1414 : i32 to index
      %swap3A_1417 = arith.index_cast %swap3A_1415 : i32 to index
      %swap3A_1418 = arith.index_cast %mul3A_1361 : i32 to index
      %swap3A_1419 = tpu.vector_load %arg13[%swap3A_1416, %swap3A_1417, %swap3A_1418] {strides = array<i32>} : memref<6x8x1024xf32, #tpu.memory_space<vmem>>, vector<16xf32>,
      tpu.vector_store %arg13[%swap3A_1416, %swap3A_1417, %swap3A_1418], %get3A_1413 {add = true, strides = array<i32>} : memref<6x8x1024xf32, #tpu.memory_space<vmem>>, vector<16xf32>,
      %get3A_1420 = arith.constant 2 : i32
      %get3A_1421 = arith.constant 5 : i32
      %get3A_1422 = arith.index_cast %get3A_1420 : i32 to index
      %get3A_1423 = arith.index_cast %get3A_1421 : i32 to index
      %get3A_1424 = arith.index_cast %mul3A_1361 : i32 to index
      %get3A_1425 = tpu.vector_load %arg14[%get3A_1422, %get3A_1423, %get3A_1424] {strides = array<i32>} : memref<4x8x1024xf32, #tpu.memory_space<vmem>>, vector<16xf32>,
      %swap3A_1426 = arith.constant 0 : i32
      %swap3A_1427 = arith.constant 5 : i32
      %swap3A_1428 = arith.index_cast %swap3A_1426 : i32 to index
      %swap3A_1429 = arith.index_cast %swap3A_1427 : i32 to index
      %swap3A_1430 = arith.index_cast %mul3A_1361 : i32 to index
      %swap3A_1431 = tpu.vector_load %arg13[%swap3A_1428, %swap3A_1429, %swap3A_1430] {strides = array<i32>} : memref<6x8x1024xf32, #tpu.memory_space<vmem>>, vector<16xf32>,
      tpu.vector_store %arg13[%swap3A_1428, %swap3A_1429, %swap3A_1430], %get3A_1425 {add = true, strides = array<i32>} : memref<6x8x1024xf32, #tpu.memory_space<vmem>>, vector<16xf32>,
      %get3A_1432 = arith.constant 2 : i32
      %get3A_1433 = arith.constant 6 : i32
      %get3A_1434 = arith.index_cast %get3A_1432 : i32 to index
      %get3A_1435 = arith.index_cast %get3A_1433 : i32 to index
      %get3A_1436 = arith.index_cast %mul3A_1361 : i32 to index
      %get3A_1437 = tpu.vector_load %arg14[%get3A_1434, %get3A_1435, %get3A_1436] {strides = array<i32>} : memref<4x8x1024xf32, #tpu.memory_space<vmem>>, vector<16xf32>,
      %swap3A_1438 = arith.constant 0 : i32
      %swap3A_1439 = arith.constant 6 : i32
      %swap3A_1440 = arith.index_cast %swap3A_1438 : i32 to index
      %swap3A_1441 = arith.index_cast %swap3A_1439 : i32 to index
      %swap3A_1442 = arith.index_cast %mul3A_1361 : i32 to index
      %swap3A_1443 = tpu.vector_load %arg13[%swap3A_1440, %swap3A_1441, %swap3A_1442] {strides = array<i32>} : memref<6x8x1024xf32, #tpu.memory_space<vmem>>, vector<16xf32>,
      tpu.vector_store %arg13[%swap3A_1440, %swap3A_1441, %swap3A_1442], %get3A_1437 {add = true, strides = array<i32>} : memref<6x8x1024xf32, #tpu.memory_space<vmem>>, vector<16xf32>,
      %get3A_1444 = arith.constant 2 : i32
      %get3A_1445 = arith.constant 7 : i32
      %get3A_1446 = arith.index_cast %get3A_1444 : i32 to index
      %get3A_1447 = arith.index_cast %get3A_1445 : i32 to index
      %get3A_1448 = arith.index_cast %mul3A_1361 : i32 to index
      %get3A_1449 = tpu.vector_load %arg14[%get3A_1446, %get3A_1447, %get3A_1448] {strides = array<i32>} : memref<4x8x1024xf32, #tpu.memory_space<vmem>>, vector<16xf32>,
      %swap3A_1450 = arith.constant 0 : i32
      %swap3A_1451 = arith.constant 7 : i32
      %swap3A_1452 = arith.index_cast %swap3A_1450 : i32 to index
      %swap3A_1453 = arith.index_cast %swap3A_1451 : i32 to index
      %swap3A_1454 = arith.index_cast %mul3A_1361 : i32 to index
      %swap3A_1455 = tpu.vector_load %arg13[%swap3A_1452, %swap3A_1453, %swap3A_1454] {strides = array<i32>} : memref<6x8x1024xf32, #tpu.memory_space<vmem>>, vector<16xf32>,
      tpu.vector_store %arg13[%swap3A_1452, %swap3A_1453, %swap3A_1454], %get3A_1449 {add = true, strides = array<i32>} : memref<6x8x1024xf32, #tpu.memory_space<vmem>>, vector<16xf32>,
      %scan3A_1456 = arith.constant 0 : i32
      scf.yield %scan3A_1456 : i32
    }
    %scan3A_616 = arith.constant 64 : i32
    %add3A_617 = arith.constant 48 : i32
    %add3A_618 = arith.addi %mul3A_2, %add3A_617 : i32
    %dma_start3A_619 = arith.constant 0 : i32
    %dma_start3A_620 = arith.constant 0 : i32
    %dma_start3A_621 = arith.constant 0 : i32
    %dma_start3A_622 = tpu.memref_slice %arg13[%dma_start3A_619, %dma_start3A_620, %dma_start3A_621] : memref<6x8x1024xf32, #tpu.memory_space<vmem>> -> memref<1x8x1024xf32, #tpu.memory_space<vmem>>
    %dma_start3A_623 = tpu.memref_squeeze %dma_start3A_622 : memref<1x8x1024xf32, #tpu.memory_space<vmem>> -> memref<8x1024xf32, #tpu.memory_space<vmem>>
    %dma_start3A_624 = arith.constant 0 : i32
    %dma_start3A_625 = tpu.memref_slice %arg5[%add3A_618, %dma_start3A_624] : memref<4096x1024xf32, #tpu.memory_space<hbm>> -> memref<8x1024xf32, #tpu.memory_space<hbm>>
    %dma_start3A_626 = arith.constant 0 : i32
    %dma_start3A_627 = tpu.memref_slice %arg5[%add3A_618, %dma_start3A_626] : memref<4096x1024xf32, #tpu.memory_space<hbm>> -> memref<8x1024xf32, #tpu.memory_space<hbm>>
    %dma_start3A_628 = arith.constant 0 : i32
    %dma_start3A_629 = arith.constant 0 : i32
    %dma_start3A_630 = tpu.memref_slice %arg13[%dma_start3A_619, %dma_start3A_628, %dma_start3A_629] : memref<6x8x1024xf32, #tpu.memory_space<vmem>> -> memref<1x8x1024xf32, #tpu.memory_space<vmem>>
    %dma_start3A_631 = tpu.memref_squeeze %dma_start3A_630 : memref<1x8x1024xf32, #tpu.memory_space<vmem>> -> memref<8x1024xf32, #tpu.memory_space<vmem>>
    tpu.enqueue_dma source(%dma_start3A_631 : memref<8x1024xf32, #tpu.memory_space<vmem>>) target(%dma_start3A_627 : memref<8x1024xf32, #tpu.memory_space<hbm>>) target_semaphore(%arg19 : memref<!tpu.dma_semaphore, #tpu.memory_space<semaphore_mem>>)
    %add3A_632 = arith.constant 72 : i32
    %add3A_633 = arith.addi %mul3A_2, %add3A_632 : i32
    %dma_start3A_634 = arith.constant 1 : i32
    %dma_start3A_635 = arith.constant 0 : i32
    %dma_start3A_636 = arith.constant 0 : i32
    %dma_start3A_637 = tpu.memref_slice %arg14[%dma_start3A_634, %dma_start3A_635, %dma_start3A_636] : memref<4x8x1024xf32, #tpu.memory_space<vmem>> -> memref<1x8x1024xf32, #tpu.memory_space<vmem>>
    %dma_start3A_638 = tpu.memref_squeeze %dma_start3A_637 : memref<1x8x1024xf32, #tpu.memory_space<vmem>> -> memref<8x1024xf32, #tpu.memory_space<vmem>>
    %dma_start3A_639 = arith.constant 0 : i32
    %dma_start3A_640 = tpu.memref_slice %arg3[%add3A_633, %dma_start3A_639] : memref<4096x1024xf32, #tpu.memory_space<hbm>> -> memref<8x1024xf32, #tpu.memory_space<hbm>>
    %dma_start3A_641 = arith.constant 0 : i32
    %dma_start3A_642 = arith.constant 0 : i32
    %dma_start3A_643 = tpu.memref_slice %arg14[%dma_start3A_634, %dma_start3A_641, %dma_start3A_642] : memref<4x8x1024xf32, #tpu.memory_space<vmem>> -> memref<1x8x1024xf32, #tpu.memory_space<vmem>>
    %dma_start3A_644 = tpu.memref_squeeze %dma_start3A_643 : memref<1x8x1024xf32, #tpu.memory_space<vmem>> -> memref<8x1024xf32, #tpu.memory_space<vmem>>
    %dma_start3A_645 = arith.constant 0 : i32
    %dma_start3A_646 = tpu.memref_slice %arg3[%add3A_633, %dma_start3A_645] : memref<4096x1024xf32, #tpu.memory_space<hbm>> -> memref<8x1024xf32, #tpu.memory_space<hbm>>
    tpu.enqueue_dma source(%dma_start3A_646 : memref<8x1024xf32, #tpu.memory_space<hbm>>) target(%dma_start3A_644 : memref<8x1024xf32, #tpu.memory_space<vmem>>) target_semaphore(%arg18 : memref<!tpu.dma_semaphore, #tpu.memory_space<semaphore_mem>>)
    %dma_wait3A_647 = arith.constant 4 : i32
    %dma_wait3A_648 = arith.constant 0 : i32
    %dma_wait3A_649 = arith.constant 0 : i32
    %dma_wait3A_650 = tpu.memref_slice %arg13[%dma_wait3A_647, %dma_wait3A_648, %dma_wait3A_649] : memref<6x8x1024xf32, #tpu.memory_space<vmem>> -> memref<1x8x1024xf32, #tpu.memory_space<vmem>>
    %dma_wait3A_651 = tpu.memref_squeeze %dma_wait3A_650 : memref<1x8x1024xf32, #tpu.memory_space<vmem>> -> memref<8x1024xf32, #tpu.memory_space<vmem>>
    %dma_wait3A_652 = arith.constant 0 : i32
    %dma_wait3A_653 = tpu.memref_slice %arg5[%add3A_452, %dma_wait3A_652] : memref<4096x1024xf32, #tpu.memory_space<hbm>> -> memref<8x1024xf32, #tpu.memory_space<hbm>>
    %dma_wait3A_654 = arith.constant 0 : i32
    %dma_wait3A_655 = tpu.memref_slice %arg5[%add3A_452, %dma_wait3A_654] : memref<4096x1024xf32, #tpu.memory_space<hbm>> -> memref<8x1024xf32, #tpu.memory_space<hbm>>
    %dma_wait3A_656 = arith.constant 0 : i32
    %dma_wait3A_657 = arith.constant 0 : i32
    %dma_wait3A_658 = tpu.memref_slice %arg13[%dma_wait3A_647, %dma_wait3A_656, %dma_wait3A_657] : memref<6x8x1024xf32, #tpu.memory_space<vmem>> -> memref<1x8x1024xf32, #tpu.memory_space<vmem>>
    %dma_wait3A_659 = tpu.memref_squeeze %dma_wait3A_658 : memref<1x8x1024xf32, #tpu.memory_space<vmem>> -> memref<8x1024xf32, #tpu.memory_space<vmem>>
    tpu.wait_dma2 semaphore(%arg19 : memref<!tpu.dma_semaphore, #tpu.memory_space<semaphore_mem>>) src(%dma_wait3A_659 : memref<8x1024xf32, #tpu.memory_space<vmem>>) dst(%dma_wait3A_655 : memref<8x1024xf32, #tpu.memory_space<hbm>>)
    %dma_start3A_660 = arith.constant 4 : i32
    %dma_start3A_661 = arith.constant 0 : i32
    %dma_start3A_662 = arith.constant 0 : i32
    %dma_start3A_663 = tpu.memref_slice %arg13[%dma_start3A_660, %dma_start3A_661, %dma_start3A_662] : memref<6x8x1024xf32, #tpu.memory_space<vmem>> -> memref<1x8x1024xf32, #tpu.memory_space<vmem>>
    %dma_start3A_664 = tpu.memref_squeeze %dma_start3A_663 : memref<1x8x1024xf32, #tpu.memory_space<vmem>> -> memref<8x1024xf32, #tpu.memory_space<vmem>>
    %dma_start3A_665 = arith.constant 80 : i32
    %dma_start3A_666 = tpu.memref_slice %arg12[%dma_start3A_665] : memref<128xi32, #tpu.memory_space<vmem>> -> memref<8xi32, #tpu.memory_space<vmem>>
    %dma_start3A_667 = arith.constant 0 : i32
    %dma_start3A_668 = arith.constant 0 : i32
    %dma_start3A_669 = tpu.memref_slice %arg4[%dma_start3A_667, %dma_start3A_668] : memref<5000x1024xf32, #tpu.memory_space<hbm>> -> memref<5000x1024xf32, #tpu.memory_space<hbm>>
    tpu.enqueue_indirect_dma source(%dma_start3A_669 : memref<5000x1024xf32, #tpu.memory_space<hbm>>) target(%dma_start3A_664 : memref<8x1024xf32, #tpu.memory_space<vmem>>) offsets(%dma_start3A_666 : memref<8xi32, #tpu.memory_space<vmem>>) semaphore(%arg17 : memref<!tpu.dma_semaphore, #tpu.memory_space<semaphore_mem>>)
    %dma_wait3A_670 = arith.constant 1 : i32
    %dma_wait3A_671 = arith.constant 0 : i32
    %dma_wait3A_672 = arith.constant 0 : i32
    %dma_wait3A_673 = tpu.memref_slice %arg13[%dma_wait3A_670, %dma_wait3A_671, %dma_wait3A_672] : memref<6x8x1024xf32, #tpu.memory_space<vmem>> -> memref<1x8x1024xf32, #tpu.memory_space<vmem>>
    %dma_wait3A_674 = tpu.memref_squeeze %dma_wait3A_673 : memref<1x8x1024xf32, #tpu.memory_space<vmem>> -> memref<8x1024xf32, #tpu.memory_space<vmem>>
    %dma_wait3A_675 = arith.constant 56 : i32
    %dma_wait3A_676 = tpu.memref_slice %arg12[%dma_wait3A_675] : memref<128xi32, #tpu.memory_space<vmem>> -> memref<8xi32, #tpu.memory_space<vmem>>
    %dma_wait3A_677 = arith.constant 0 : i32
    %dma_wait3A_678 = arith.constant 0 : i32
    %dma_wait3A_679 = tpu.memref_slice %arg4[%dma_wait3A_677, %dma_wait3A_678] : memref<5000x1024xf32, #tpu.memory_space<hbm>> -> memref<5000x1024xf32, #tpu.memory_space<hbm>>
    tpu.wait_indirect_dma semaphore(%arg17 : memref<!tpu.dma_semaphore, #tpu.memory_space<semaphore_mem>>) src(%dma_wait3A_679 : memref<5000x1024xf32, #tpu.memory_space<hbm>>) dst(%dma_wait3A_674 : memref<8x1024xf32, #tpu.memory_space<vmem>>)
    %dma_wait3A_680 = arith.constant 3 : i32
    %dma_wait3A_681 = arith.constant 0 : i32
    %dma_wait3A_682 = arith.constant 0 : i32
    %dma_wait3A_683 = tpu.memref_slice %arg14[%dma_wait3A_680, %dma_wait3A_681, %dma_wait3A_682] : memref<4x8x1024xf32, #tpu.memory_space<vmem>> -> memref<1x8x1024xf32, #tpu.memory_space<vmem>>
    %dma_wait3A_684 = tpu.memref_squeeze %dma_wait3A_683 : memref<1x8x1024xf32, #tpu.memory_space<vmem>> -> memref<8x1024xf32, #tpu.memory_space<vmem>>
    %dma_wait3A_685 = arith.constant 0 : i32
    %dma_wait3A_686 = tpu.memref_slice %arg3[%add3A_467, %dma_wait3A_685] : memref<4096x1024xf32, #tpu.memory_space<hbm>> -> memref<8x1024xf32, #tpu.memory_space<hbm>>
    %dma_wait3A_687 = arith.constant 0 : i32
    %dma_wait3A_688 = arith.constant 0 : i32
    %dma_wait3A_689 = tpu.memref_slice %arg14[%dma_wait3A_680, %dma_wait3A_687, %dma_wait3A_688] : memref<4x8x1024xf32, #tpu.memory_space<vmem>> -> memref<1x8x1024xf32, #tpu.memory_space<vmem>>
    %dma_wait3A_690 = tpu.memref_squeeze %dma_wait3A_689 : memref<1x8x1024xf32, #tpu.memory_space<vmem>> -> memref<8x1024xf32, #tpu.memory_space<vmem>>
    %dma_wait3A_691 = arith.constant 0 : i32
    %dma_wait3A_692 = tpu.memref_slice %arg3[%add3A_467, %dma_wait3A_691] : memref<4096x1024xf32, #tpu.memory_space<hbm>> -> memref<8x1024xf32, #tpu.memory_space<hbm>>
    tpu.wait_dma2 semaphore(%arg18 : memref<!tpu.dma_semaphore, #tpu.memory_space<semaphore_mem>>) src(%dma_wait3A_692 : memref<8x1024xf32, #tpu.memory_space<hbm>>) dst(%dma_wait3A_690 : memref<8x1024xf32, #tpu.memory_space<vmem>>)
    %scan3A_693 = arith.constant 0 : i32
    %scan3A_694 = arith.constant 0 : i32
    %scan3A_695 = arith.constant 64 : i32
    %scan3A_696 = arith.addi %scan3A_694, %scan3A_695 : i32
    %scan3A_697 = arith.constant 1 : i32
    %scan3A_698 = scf.for %scan3A_1358 = %scan3A_694 to %scan3A_696 step %scan3A_697 iter_args(%scan3A_1359 = %scan3A_693) -> (i32)  : i32 {
      %mul3A_1360 = arith.constant 16 : i32
      %mul3A_1361 = arith.muli %scan3A_1358, %mul3A_1360 : i32
      %get3A = arith.constant 3 : i32
      %get3A_1362 = arith.constant 0 : i32
      %get3A_1363 = arith.index_cast %get3A : i32 to index
      %get3A_1364 = arith.index_cast %get3A_1362 : i32 to index
      %get3A_1365 = arith.index_cast %mul3A_1361 : i32 to index
      %get3A_1366 = tpu.vector_load %arg14[%get3A_1363, %get3A_1364, %get3A_1365] {strides = array<i32>} : memref<4x8x1024xf32, #tpu.memory_space<vmem>>, vector<16xf32>,
      %swap3A = arith.constant 1 : i32
      %swap3A_1367 = arith.constant 0 : i32
      %swap3A_1368 = arith.index_cast %swap3A : i32 to index
      %swap3A_1369 = arith.index_cast %swap3A_1367 : i32 to index
      %swap3A_1370 = arith.index_cast %mul3A_1361 : i32 to index
      %swap3A_1371 = tpu.vector_load %arg13[%swap3A_1368, %swap3A_1369, %swap3A_1370] {strides = array<i32>} : memref<6x8x1024xf32, #tpu.memory_space<vmem>>, vector<16xf32>,
      tpu.vector_store %arg13[%swap3A_1368, %swap3A_1369, %swap3A_1370], %get3A_1366 {add = true, strides = array<i32>} : memref<6x8x1024xf32, #tpu.memory_space<vmem>>, vector<16xf32>,
      %get3A_1372 = arith.constant 3 : i32
      %get3A_1373 = arith.constant 1 : i32
      %get3A_1374 = arith.index_cast %get3A_1372 : i32 to index
      %get3A_1375 = arith.index_cast %get3A_1373 : i32 to index
      %get3A_1376 = arith.index_cast %mul3A_1361 : i32 to index
      %get3A_1377 = tpu.vector_load %arg14[%get3A_1374, %get3A_1375, %get3A_1376] {strides = array<i32>} : memref<4x8x1024xf32, #tpu.memory_space<vmem>>, vector<16xf32>,
      %swap3A_1378 = arith.constant 1 : i32
      %swap3A_1379 = arith.constant 1 : i32
      %swap3A_1380 = arith.index_cast %swap3A_1378 : i32 to index
      %swap3A_1381 = arith.index_cast %swap3A_1379 : i32 to index
      %swap3A_1382 = arith.index_cast %mul3A_1361 : i32 to index
      %swap3A_1383 = tpu.vector_load %arg13[%swap3A_1380, %swap3A_1381, %swap3A_1382] {strides = array<i32>} : memref<6x8x1024xf32, #tpu.memory_space<vmem>>, vector<16xf32>,
      tpu.vector_store %arg13[%swap3A_1380, %swap3A_1381, %swap3A_1382], %get3A_1377 {add = true, strides = array<i32>} : memref<6x8x1024xf32, #tpu.memory_space<vmem>>, vector<16xf32>,
      %get3A_1384 = arith.constant 3 : i32
      %get3A_1385 = arith.constant 2 : i32
      %get3A_1386 = arith.index_cast %get3A_1384 : i32 to index
      %get3A_1387 = arith.index_cast %get3A_1385 : i32 to index
      %get3A_1388 = arith.index_cast %mul3A_1361 : i32 to index
      %get3A_1389 = tpu.vector_load %arg14[%get3A_1386, %get3A_1387, %get3A_1388] {strides = array<i32>} : memref<4x8x1024xf32, #tpu.memory_space<vmem>>, vector<16xf32>,
      %swap3A_1390 = arith.constant 1 : i32
      %swap3A_1391 = arith.constant 2 : i32
      %swap3A_1392 = arith.index_cast %swap3A_1390 : i32 to index
      %swap3A_1393 = arith.index_cast %swap3A_1391 : i32 to index
      %swap3A_1394 = arith.index_cast %mul3A_1361 : i32 to index
      %swap3A_1395 = tpu.vector_load %arg13[%swap3A_1392, %swap3A_1393, %swap3A_1394] {strides = array<i32>} : memref<6x8x1024xf32, #tpu.memory_space<vmem>>, vector<16xf32>,
      tpu.vector_store %arg13[%swap3A_1392, %swap3A_1393, %swap3A_1394], %get3A_1389 {add = true, strides = array<i32>} : memref<6x8x1024xf32, #tpu.memory_space<vmem>>, vector<16xf32>,
      %get3A_1396 = arith.constant 3 : i32
      %get3A_1397 = arith.constant 3 : i32
      %get3A_1398 = arith.index_cast %get3A_1396 : i32 to index
      %get3A_1399 = arith.index_cast %get3A_1397 : i32 to index
      %get3A_1400 = arith.index_cast %mul3A_1361 : i32 to index
      %get3A_1401 = tpu.vector_load %arg14[%get3A_1398, %get3A_1399, %get3A_1400] {strides = array<i32>} : memref<4x8x1024xf32, #tpu.memory_space<vmem>>, vector<16xf32>,
      %swap3A_1402 = arith.constant 1 : i32
      %swap3A_1403 = arith.constant 3 : i32
      %swap3A_1404 = arith.index_cast %swap3A_1402 : i32 to index
      %swap3A_1405 = arith.index_cast %swap3A_1403 : i32 to index
      %swap3A_1406 = arith.index_cast %mul3A_1361 : i32 to index
      %swap3A_1407 = tpu.vector_load %arg13[%swap3A_1404, %swap3A_1405, %swap3A_1406] {strides = array<i32>} : memref<6x8x1024xf32, #tpu.memory_space<vmem>>, vector<16xf32>,
      tpu.vector_store %arg13[%swap3A_1404, %swap3A_1405, %swap3A_1406], %get3A_1401 {add = true, strides = array<i32>} : memref<6x8x1024xf32, #tpu.memory_space<vmem>>, vector<16xf32>,
      %get3A_1408 = arith.constant 3 : i32
      %get3A_1409 = arith.constant 4 : i32
      %get3A_1410 = arith.index_cast %get3A_1408 : i32 to index
      %get3A_1411 = arith.index_cast %get3A_1409 : i32 to index
      %get3A_1412 = arith.index_cast %mul3A_1361 : i32 to index
      %get3A_1413 = tpu.vector_load %arg14[%get3A_1410, %get3A_1411, %get3A_1412] {strides = array<i32>} : memref<4x8x1024xf32, #tpu.memory_space<vmem>>, vector<16xf32>,
      %swap3A_1414 = arith.constant 1 : i32
      %swap3A_1415 = arith.constant 4 : i32
      %swap3A_1416 = arith.index_cast %swap3A_1414 : i32 to index
      %swap3A_1417 = arith.index_cast %swap3A_1415 : i32 to index
      %swap3A_1418 = arith.index_cast %mul3A_1361 : i32 to index
      %swap3A_1419 = tpu.vector_load %arg13[%swap3A_1416, %swap3A_1417, %swap3A_1418] {strides = array<i32>} : memref<6x8x1024xf32, #tpu.memory_space<vmem>>, vector<16xf32>,
      tpu.vector_store %arg13[%swap3A_1416, %swap3A_1417, %swap3A_1418], %get3A_1413 {add = true, strides = array<i32>} : memref<6x8x1024xf32, #tpu.memory_space<vmem>>, vector<16xf32>,
      %get3A_1420 = arith.constant 3 : i32
      %get3A_1421 = arith.constant 5 : i32
      %get3A_1422 = arith.index_cast %get3A_1420 : i32 to index
      %get3A_1423 = arith.index_cast %get3A_1421 : i32 to index
      %get3A_1424 = arith.index_cast %mul3A_1361 : i32 to index
      %get3A_1425 = tpu.vector_load %arg14[%get3A_1422, %get3A_1423, %get3A_1424] {strides = array<i32>} : memref<4x8x1024xf32, #tpu.memory_space<vmem>>, vector<16xf32>,
      %swap3A_1426 = arith.constant 1 : i32
      %swap3A_1427 = arith.constant 5 : i32
      %swap3A_1428 = arith.index_cast %swap3A_1426 : i32 to index
      %swap3A_1429 = arith.index_cast %swap3A_1427 : i32 to index
      %swap3A_1430 = arith.index_cast %mul3A_1361 : i32 to index
      %swap3A_1431 = tpu.vector_load %arg13[%swap3A_1428, %swap3A_1429, %swap3A_1430] {strides = array<i32>} : memref<6x8x1024xf32, #tpu.memory_space<vmem>>, vector<16xf32>,
      tpu.vector_store %arg13[%swap3A_1428, %swap3A_1429, %swap3A_1430], %get3A_1425 {add = true, strides = array<i32>} : memref<6x8x1024xf32, #tpu.memory_space<vmem>>, vector<16xf32>,
      %get3A_1432 = arith.constant 3 : i32
      %get3A_1433 = arith.constant 6 : i32
      %get3A_1434 = arith.index_cast %get3A_1432 : i32 to index
      %get3A_1435 = arith.index_cast %get3A_1433 : i32 to index
      %get3A_1436 = arith.index_cast %mul3A_1361 : i32 to index
      %get3A_1437 = tpu.vector_load %arg14[%get3A_1434, %get3A_1435, %get3A_1436] {strides = array<i32>} : memref<4x8x1024xf32, #tpu.memory_space<vmem>>, vector<16xf32>,
      %swap3A_1438 = arith.constant 1 : i32
      %swap3A_1439 = arith.constant 6 : i32
      %swap3A_1440 = arith.index_cast %swap3A_1438 : i32 to index
      %swap3A_1441 = arith.index_cast %swap3A_1439 : i32 to index
      %swap3A_1442 = arith.index_cast %mul3A_1361 : i32 to index
      %swap3A_1443 = tpu.vector_load %arg13[%swap3A_1440, %swap3A_1441, %swap3A_1442] {strides = array<i32>} : memref<6x8x1024xf32, #tpu.memory_space<vmem>>, vector<16xf32>,
      tpu.vector_store %arg13[%swap3A_1440, %swap3A_1441, %swap3A_1442], %get3A_1437 {add = true, strides = array<i32>} : memref<6x8x1024xf32, #tpu.memory_space<vmem>>, vector<16xf32>,
      %get3A_1444 = arith.constant 3 : i32
      %get3A_1445 = arith.constant 7 : i32
      %get3A_1446 = arith.index_cast %get3A_1444 : i32 to index
      %get3A_1447 = arith.index_cast %get3A_1445 : i32 to index
      %get3A_1448 = arith.index_cast %mul3A_1361 : i32 to index
      %get3A_1449 = tpu.vector_load %arg14[%get3A_1446, %get3A_1447, %get3A_1448] {strides = array<i32>} : memref<4x8x1024xf32, #tpu.memory_space<vmem>>, vector<16xf32>,
      %swap3A_1450 = arith.constant 1 : i32
      %swap3A_1451 = arith.constant 7 : i32
      %swap3A_1452 = arith.index_cast %swap3A_1450 : i32 to index
      %swap3A_1453 = arith.index_cast %swap3A_1451 : i32 to index
      %swap3A_1454 = arith.index_cast %mul3A_1361 : i32 to index
      %swap3A_1455 = tpu.vector_load %arg13[%swap3A_1452, %swap3A_1453, %swap3A_1454] {strides = array<i32>} : memref<6x8x1024xf32, #tpu.memory_space<vmem>>, vector<16xf32>,
      tpu.vector_store %arg13[%swap3A_1452, %swap3A_1453, %swap3A_1454], %get3A_1449 {add = true, strides = array<i32>} : memref<6x8x1024xf32, #tpu.memory_space<vmem>>, vector<16xf32>,
      %scan3A_1456 = arith.constant 0 : i32
      scf.yield %scan3A_1456 : i32
    }
    %scan3A_699 = arith.constant 64 : i32
    %add3A_700 = arith.constant 56 : i32
    %add3A_701 = arith.addi %mul3A_2, %add3A_700 : i32
    %dma_start3A_702 = arith.constant 1 : i32
    %dma_start3A_703 = arith.constant 0 : i32
    %dma_start3A_704 = arith.constant 0 : i32
    %dma_start3A_705 = tpu.memref_slice %arg13[%dma_start3A_702, %dma_start3A_703, %dma_start3A_704] : memref<6x8x1024xf32, #tpu.memory_space<vmem>> -> memref<1x8x1024xf32, #tpu.memory_space<vmem>>
    %dma_start3A_706 = tpu.memref_squeeze %dma_start3A_705 : memref<1x8x1024xf32, #tpu.memory_space<vmem>> -> memref<8x1024xf32, #tpu.memory_space<vmem>>
    %dma_start3A_707 = arith.constant 0 : i32
    %dma_start3A_708 = tpu.memref_slice %arg5[%add3A_701, %dma_start3A_707] : memref<4096x1024xf32, #tpu.memory_space<hbm>> -> memref<8x1024xf32, #tpu.memory_space<hbm>>
    %dma_start3A_709 = arith.constant 0 : i32
    %dma_start3A_710 = tpu.memref_slice %arg5[%add3A_701, %dma_start3A_709] : memref<4096x1024xf32, #tpu.memory_space<hbm>> -> memref<8x1024xf32, #tpu.memory_space<hbm>>
    %dma_start3A_711 = arith.constant 0 : i32
    %dma_start3A_712 = arith.constant 0 : i32
    %dma_start3A_713 = tpu.memref_slice %arg13[%dma_start3A_702, %dma_start3A_711, %dma_start3A_712] : memref<6x8x1024xf32, #tpu.memory_space<vmem>> -> memref<1x8x1024xf32, #tpu.memory_space<vmem>>
    %dma_start3A_714 = tpu.memref_squeeze %dma_start3A_713 : memref<1x8x1024xf32, #tpu.memory_space<vmem>> -> memref<8x1024xf32, #tpu.memory_space<vmem>>
    tpu.enqueue_dma source(%dma_start3A_714 : memref<8x1024xf32, #tpu.memory_space<vmem>>) target(%dma_start3A_710 : memref<8x1024xf32, #tpu.memory_space<hbm>>) target_semaphore(%arg19 : memref<!tpu.dma_semaphore, #tpu.memory_space<semaphore_mem>>)
    %add3A_715 = arith.constant 80 : i32
    %add3A_716 = arith.addi %mul3A_2, %add3A_715 : i32
    %dma_start3A_717 = arith.constant 2 : i32
    %dma_start3A_718 = arith.constant 0 : i32
    %dma_start3A_719 = arith.constant 0 : i32
    %dma_start3A_720 = tpu.memref_slice %arg14[%dma_start3A_717, %dma_start3A_718, %dma_start3A_719] : memref<4x8x1024xf32, #tpu.memory_space<vmem>> -> memref<1x8x1024xf32, #tpu.memory_space<vmem>>
    %dma_start3A_721 = tpu.memref_squeeze %dma_start3A_720 : memref<1x8x1024xf32, #tpu.memory_space<vmem>> -> memref<8x1024xf32, #tpu.memory_space<vmem>>
    %dma_start3A_722 = arith.constant 0 : i32
    %dma_start3A_723 = tpu.memref_slice %arg3[%add3A_716, %dma_start3A_722] : memref<4096x1024xf32, #tpu.memory_space<hbm>> -> memref<8x1024xf32, #tpu.memory_space<hbm>>
    %dma_start3A_724 = arith.constant 0 : i32
    %dma_start3A_725 = arith.constant 0 : i32
    %dma_start3A_726 = tpu.memref_slice %arg14[%dma_start3A_717, %dma_start3A_724, %dma_start3A_725] : memref<4x8x1024xf32, #tpu.memory_space<vmem>> -> memref<1x8x1024xf32, #tpu.memory_space<vmem>>
    %dma_start3A_727 = tpu.memref_squeeze %dma_start3A_726 : memref<1x8x1024xf32, #tpu.memory_space<vmem>> -> memref<8x1024xf32, #tpu.memory_space<vmem>>
    %dma_start3A_728 = arith.constant 0 : i32
    %dma_start3A_729 = tpu.memref_slice %arg3[%add3A_716, %dma_start3A_728] : memref<4096x1024xf32, #tpu.memory_space<hbm>> -> memref<8x1024xf32, #tpu.memory_space<hbm>>
    tpu.enqueue_dma source(%dma_start3A_729 : memref<8x1024xf32, #tpu.memory_space<hbm>>) target(%dma_start3A_727 : memref<8x1024xf32, #tpu.memory_space<vmem>>) target_semaphore(%arg18 : memref<!tpu.dma_semaphore, #tpu.memory_space<semaphore_mem>>)
    %dma_wait3A_730 = arith.constant 5 : i32
    %dma_wait3A_731 = arith.constant 0 : i32
    %dma_wait3A_732 = arith.constant 0 : i32
    %dma_wait3A_733 = tpu.memref_slice %arg13[%dma_wait3A_730, %dma_wait3A_731, %dma_wait3A_732] : memref<6x8x1024xf32, #tpu.memory_space<vmem>> -> memref<1x8x1024xf32, #tpu.memory_space<vmem>>
    %dma_wait3A_734 = tpu.memref_squeeze %dma_wait3A_733 : memref<1x8x1024xf32, #tpu.memory_space<vmem>> -> memref<8x1024xf32, #tpu.memory_space<vmem>>
    %dma_wait3A_735 = arith.constant 0 : i32
    %dma_wait3A_736 = tpu.memref_slice %arg5[%add3A_535, %dma_wait3A_735] : memref<4096x1024xf32, #tpu.memory_space<hbm>> -> memref<8x1024xf32, #tpu.memory_space<hbm>>
    %dma_wait3A_737 = arith.constant 0 : i32
    %dma_wait3A_738 = tpu.memref_slice %arg5[%add3A_535, %dma_wait3A_737] : memref<4096x1024xf32, #tpu.memory_space<hbm>> -> memref<8x1024xf32, #tpu.memory_space<hbm>>
    %dma_wait3A_739 = arith.constant 0 : i32
    %dma_wait3A_740 = arith.constant 0 : i32
    %dma_wait3A_741 = tpu.memref_slice %arg13[%dma_wait3A_730, %dma_wait3A_739, %dma_wait3A_740] : memref<6x8x1024xf32, #tpu.memory_space<vmem>> -> memref<1x8x1024xf32, #tpu.memory_space<vmem>>
    %dma_wait3A_742 = tpu.memref_squeeze %dma_wait3A_741 : memref<1x8x1024xf32, #tpu.memory_space<vmem>> -> memref<8x1024xf32, #tpu.memory_space<vmem>>
    tpu.wait_dma2 semaphore(%arg19 : memref<!tpu.dma_semaphore, #tpu.memory_space<semaphore_mem>>) src(%dma_wait3A_742 : memref<8x1024xf32, #tpu.memory_space<vmem>>) dst(%dma_wait3A_738 : memref<8x1024xf32, #tpu.memory_space<hbm>>)
    %dma_start3A_743 = arith.constant 5 : i32
    %dma_start3A_744 = arith.constant 0 : i32
    %dma_start3A_745 = arith.constant 0 : i32
    %dma_start3A_746 = tpu.memref_slice %arg13[%dma_start3A_743, %dma_start3A_744, %dma_start3A_745] : memref<6x8x1024xf32, #tpu.memory_space<vmem>> -> memref<1x8x1024xf32, #tpu.memory_space<vmem>>
    %dma_start3A_747 = tpu.memref_squeeze %dma_start3A_746 : memref<1x8x1024xf32, #tpu.memory_space<vmem>> -> memref<8x1024xf32, #tpu.memory_space<vmem>>
    %dma_start3A_748 = arith.constant 88 : i32
    %dma_start3A_749 = tpu.memref_slice %arg12[%dma_start3A_748] : memref<128xi32, #tpu.memory_space<vmem>> -> memref<8xi32, #tpu.memory_space<vmem>>
    %dma_start3A_750 = arith.constant 0 : i32
    %dma_start3A_751 = arith.constant 0 : i32
    %dma_start3A_752 = tpu.memref_slice %arg4[%dma_start3A_750, %dma_start3A_751] : memref<5000x1024xf32, #tpu.memory_space<hbm>> -> memref<5000x1024xf32, #tpu.memory_space<hbm>>
    tpu.enqueue_indirect_dma source(%dma_start3A_752 : memref<5000x1024xf32, #tpu.memory_space<hbm>>) target(%dma_start3A_747 : memref<8x1024xf32, #tpu.memory_space<vmem>>) offsets(%dma_start3A_749 : memref<8xi32, #tpu.memory_space<vmem>>) semaphore(%arg17 : memref<!tpu.dma_semaphore, #tpu.memory_space<semaphore_mem>>)
    %dma_wait3A_753 = arith.constant 2 : i32
    %dma_wait3A_754 = arith.constant 0 : i32
    %dma_wait3A_755 = arith.constant 0 : i32
    %dma_wait3A_756 = tpu.memref_slice %arg13[%dma_wait3A_753, %dma_wait3A_754, %dma_wait3A_755] : memref<6x8x1024xf32, #tpu.memory_space<vmem>> -> memref<1x8x1024xf32, #tpu.memory_space<vmem>>
    %dma_wait3A_757 = tpu.memref_squeeze %dma_wait3A_756 : memref<1x8x1024xf32, #tpu.memory_space<vmem>> -> memref<8x1024xf32, #tpu.memory_space<vmem>>
    %dma_wait3A_758 = arith.constant 64 : i32
    %dma_wait3A_759 = tpu.memref_slice %arg12[%dma_wait3A_758] : memref<128xi32, #tpu.memory_space<vmem>> -> memref<8xi32, #tpu.memory_space<vmem>>
    %dma_wait3A_760 = arith.constant 0 : i32
    %dma_wait3A_761 = arith.constant 0 : i32
    %dma_wait3A_762 = tpu.memref_slice %arg4[%dma_wait3A_760, %dma_wait3A_761] : memref<5000x1024xf32, #tpu.memory_space<hbm>> -> memref<5000x1024xf32, #tpu.memory_space<hbm>>
    tpu.wait_indirect_dma semaphore(%arg17 : memref<!tpu.dma_semaphore, #tpu.memory_space<semaphore_mem>>) src(%dma_wait3A_762 : memref<5000x1024xf32, #tpu.memory_space<hbm>>) dst(%dma_wait3A_757 : memref<8x1024xf32, #tpu.memory_space<vmem>>)
    %dma_wait3A_763 = arith.constant 0 : i32
    %dma_wait3A_764 = arith.constant 0 : i32
    %dma_wait3A_765 = arith.constant 0 : i32
    %dma_wait3A_766 = tpu.memref_slice %arg14[%dma_wait3A_763, %dma_wait3A_764, %dma_wait3A_765] : memref<4x8x1024xf32, #tpu.memory_space<vmem>> -> memref<1x8x1024xf32, #tpu.memory_space<vmem>>
    %dma_wait3A_767 = tpu.memref_squeeze %dma_wait3A_766 : memref<1x8x1024xf32, #tpu.memory_space<vmem>> -> memref<8x1024xf32, #tpu.memory_space<vmem>>
    %dma_wait3A_768 = arith.constant 0 : i32
    %dma_wait3A_769 = tpu.memref_slice %arg3[%add3A_550, %dma_wait3A_768] : memref<4096x1024xf32, #tpu.memory_space<hbm>> -> memref<8x1024xf32, #tpu.memory_space<hbm>>
    %dma_wait3A_770 = arith.constant 0 : i32
    %dma_wait3A_771 = arith.constant 0 : i32
    %dma_wait3A_772 = tpu.memref_slice %arg14[%dma_wait3A_763, %dma_wait3A_770, %dma_wait3A_771] : memref<4x8x1024xf32, #tpu.memory_space<vmem>> -> memref<1x8x1024xf32, #tpu.memory_space<vmem>>
    %dma_wait3A_773 = tpu.memref_squeeze %dma_wait3A_772 : memref<1x8x1024xf32, #tpu.memory_space<vmem>> -> memref<8x1024xf32, #tpu.memory_space<vmem>>
    %dma_wait3A_774 = arith.constant 0 : i32
    %dma_wait3A_775 = tpu.memref_slice %arg3[%add3A_550, %dma_wait3A_774] : memref<4096x1024xf32, #tpu.memory_space<hbm>> -> memref<8x1024xf32, #tpu.memory_space<hbm>>
    tpu.wait_dma2 semaphore(%arg18 : memref<!tpu.dma_semaphore, #tpu.memory_space<semaphore_mem>>) src(%dma_wait3A_775 : memref<8x1024xf32, #tpu.memory_space<hbm>>) dst(%dma_wait3A_773 : memref<8x1024xf32, #tpu.memory_space<vmem>>)
    %scan3A_776 = arith.constant 0 : i32
    %scan3A_777 = arith.constant 0 : i32
    %scan3A_778 = arith.constant 64 : i32
    %scan3A_779 = arith.addi %scan3A_777, %scan3A_778 : i32
    %scan3A_780 = arith.constant 1 : i32
    %scan3A_781 = scf.for %scan3A_1358 = %scan3A_777 to %scan3A_779 step %scan3A_780 iter_args(%scan3A_1359 = %scan3A_776) -> (i32)  : i32 {
      %mul3A_1360 = arith.constant 16 : i32
      %mul3A_1361 = arith.muli %scan3A_1358, %mul3A_1360 : i32
      %get3A = arith.constant 0 : i32
      %get3A_1362 = arith.constant 0 : i32
      %get3A_1363 = arith.index_cast %get3A : i32 to index
      %get3A_1364 = arith.index_cast %get3A_1362 : i32 to index
      %get3A_1365 = arith.index_cast %mul3A_1361 : i32 to index
      %get3A_1366 = tpu.vector_load %arg14[%get3A_1363, %get3A_1364, %get3A_1365] {strides = array<i32>} : memref<4x8x1024xf32, #tpu.memory_space<vmem>>, vector<16xf32>,
      %swap3A = arith.constant 2 : i32
      %swap3A_1367 = arith.constant 0 : i32
      %swap3A_1368 = arith.index_cast %swap3A : i32 to index
      %swap3A_1369 = arith.index_cast %swap3A_1367 : i32 to index
      %swap3A_1370 = arith.index_cast %mul3A_1361 : i32 to index
      %swap3A_1371 = tpu.vector_load %arg13[%swap3A_1368, %swap3A_1369, %swap3A_1370] {strides = array<i32>} : memref<6x8x1024xf32, #tpu.memory_space<vmem>>, vector<16xf32>,
      tpu.vector_store %arg13[%swap3A_1368, %swap3A_1369, %swap3A_1370], %get3A_1366 {add = true, strides = array<i32>} : memref<6x8x1024xf32, #tpu.memory_space<vmem>>, vector<16xf32>,
      %get3A_1372 = arith.constant 0 : i32
      %get3A_1373 = arith.constant 1 : i32
      %get3A_1374 = arith.index_cast %get3A_1372 : i32 to index
      %get3A_1375 = arith.index_cast %get3A_1373 : i32 to index
      %get3A_1376 = arith.index_cast %mul3A_1361 : i32 to index
      %get3A_1377 = tpu.vector_load %arg14[%get3A_1374, %get3A_1375, %get3A_1376] {strides = array<i32>} : memref<4x8x1024xf32, #tpu.memory_space<vmem>>, vector<16xf32>,
      %swap3A_1378 = arith.constant 2 : i32
      %swap3A_1379 = arith.constant 1 : i32
      %swap3A_1380 = arith.index_cast %swap3A_1378 : i32 to index
      %swap3A_1381 = arith.index_cast %swap3A_1379 : i32 to index
      %swap3A_1382 = arith.index_cast %mul3A_1361 : i32 to index
      %swap3A_1383 = tpu.vector_load %arg13[%swap3A_1380, %swap3A_1381, %swap3A_1382] {strides = array<i32>} : memref<6x8x1024xf32, #tpu.memory_space<vmem>>, vector<16xf32>,
      tpu.vector_store %arg13[%swap3A_1380, %swap3A_1381, %swap3A_1382], %get3A_1377 {add = true, strides = array<i32>} : memref<6x8x1024xf32, #tpu.memory_space<vmem>>, vector<16xf32>,
      %get3A_1384 = arith.constant 0 : i32
      %get3A_1385 = arith.constant 2 : i32
      %get3A_1386 = arith.index_cast %get3A_1384 : i32 to index
      %get3A_1387 = arith.index_cast %get3A_1385 : i32 to index
      %get3A_1388 = arith.index_cast %mul3A_1361 : i32 to index
      %get3A_1389 = tpu.vector_load %arg14[%get3A_1386, %get3A_1387, %get3A_1388] {strides = array<i32>} : memref<4x8x1024xf32, #tpu.memory_space<vmem>>, vector<16xf32>,
      %swap3A_1390 = arith.constant 2 : i32
      %swap3A_1391 = arith.constant 2 : i32
      %swap3A_1392 = arith.index_cast %swap3A_1390 : i32 to index
      %swap3A_1393 = arith.index_cast %swap3A_1391 : i32 to index
      %swap3A_1394 = arith.index_cast %mul3A_1361 : i32 to index
      %swap3A_1395 = tpu.vector_load %arg13[%swap3A_1392, %swap3A_1393, %swap3A_1394] {strides = array<i32>} : memref<6x8x1024xf32, #tpu.memory_space<vmem>>, vector<16xf32>,
      tpu.vector_store %arg13[%swap3A_1392, %swap3A_1393, %swap3A_1394], %get3A_1389 {add = true, strides = array<i32>} : memref<6x8x1024xf32, #tpu.memory_space<vmem>>, vector<16xf32>,
      %get3A_1396 = arith.constant 0 : i32
      %get3A_1397 = arith.constant 3 : i32
      %get3A_1398 = arith.index_cast %get3A_1396 : i32 to index
      %get3A_1399 = arith.index_cast %get3A_1397 : i32 to index
      %get3A_1400 = arith.index_cast %mul3A_1361 : i32 to index
      %get3A_1401 = tpu.vector_load %arg14[%get3A_1398, %get3A_1399, %get3A_1400] {strides = array<i32>} : memref<4x8x1024xf32, #tpu.memory_space<vmem>>, vector<16xf32>,
      %swap3A_1402 = arith.constant 2 : i32
      %swap3A_1403 = arith.constant 3 : i32
      %swap3A_1404 = arith.index_cast %swap3A_1402 : i32 to index
      %swap3A_1405 = arith.index_cast %swap3A_1403 : i32 to index
      %swap3A_1406 = arith.index_cast %mul3A_1361 : i32 to index
      %swap3A_1407 = tpu.vector_load %arg13[%swap3A_1404, %swap3A_1405, %swap3A_1406] {strides = array<i32>} : memref<6x8x1024xf32, #tpu.memory_space<vmem>>, vector<16xf32>,
      tpu.vector_store %arg13[%swap3A_1404, %swap3A_1405, %swap3A_1406], %get3A_1401 {add = true, strides = array<i32>} : memref<6x8x1024xf32, #tpu.memory_space<vmem>>, vector<16xf32>,
      %get3A_1408 = arith.constant 0 : i32
      %get3A_1409 = arith.constant 4 : i32
      %get3A_1410 = arith.index_cast %get3A_1408 : i32 to index
      %get3A_1411 = arith.index_cast %get3A_1409 : i32 to index
      %get3A_1412 = arith.index_cast %mul3A_1361 : i32 to index
      %get3A_1413 = tpu.vector_load %arg14[%get3A_1410, %get3A_1411, %get3A_1412] {strides = array<i32>} : memref<4x8x1024xf32, #tpu.memory_space<vmem>>, vector<16xf32>,
      %swap3A_1414 = arith.constant 2 : i32
      %swap3A_1415 = arith.constant 4 : i32
      %swap3A_1416 = arith.index_cast %swap3A_1414 : i32 to index
      %swap3A_1417 = arith.index_cast %swap3A_1415 : i32 to index
      %swap3A_1418 = arith.index_cast %mul3A_1361 : i32 to index
      %swap3A_1419 = tpu.vector_load %arg13[%swap3A_1416, %swap3A_1417, %swap3A_1418] {strides = array<i32>} : memref<6x8x1024xf32, #tpu.memory_space<vmem>>, vector<16xf32>,
      tpu.vector_store %arg13[%swap3A_1416, %swap3A_1417, %swap3A_1418], %get3A_1413 {add = true, strides = array<i32>} : memref<6x8x1024xf32, #tpu.memory_space<vmem>>, vector<16xf32>,
      %get3A_1420 = arith.constant 0 : i32
      %get3A_1421 = arith.constant 5 : i32
      %get3A_1422 = arith.index_cast %get3A_1420 : i32 to index
      %get3A_1423 = arith.index_cast %get3A_1421 : i32 to index
      %get3A_1424 = arith.index_cast %mul3A_1361 : i32 to index
      %get3A_1425 = tpu.vector_load %arg14[%get3A_1422, %get3A_1423, %get3A_1424] {strides = array<i32>} : memref<4x8x1024xf32, #tpu.memory_space<vmem>>, vector<16xf32>,
      %swap3A_1426 = arith.constant 2 : i32
      %swap3A_1427 = arith.constant 5 : i32
      %swap3A_1428 = arith.index_cast %swap3A_1426 : i32 to index
      %swap3A_1429 = arith.index_cast %swap3A_1427 : i32 to index
      %swap3A_1430 = arith.index_cast %mul3A_1361 : i32 to index
      %swap3A_1431 = tpu.vector_load %arg13[%swap3A_1428, %swap3A_1429, %swap3A_1430] {strides = array<i32>} : memref<6x8x1024xf32, #tpu.memory_space<vmem>>, vector<16xf32>,
      tpu.vector_store %arg13[%swap3A_1428, %swap3A_1429, %swap3A_1430], %get3A_1425 {add = true, strides = array<i32>} : memref<6x8x1024xf32, #tpu.memory_space<vmem>>, vector<16xf32>,
      %get3A_1432 = arith.constant 0 : i32
      %get3A_1433 = arith.constant 6 : i32
      %get3A_1434 = arith.index_cast %get3A_1432 : i32 to index
      %get3A_1435 = arith.index_cast %get3A_1433 : i32 to index
      %get3A_1436 = arith.index_cast %mul3A_1361 : i32 to index
      %get3A_1437 = tpu.vector_load %arg14[%get3A_1434, %get3A_1435, %get3A_1436] {strides = array<i32>} : memref<4x8x1024xf32, #tpu.memory_space<vmem>>, vector<16xf32>,
      %swap3A_1438 = arith.constant 2 : i32
      %swap3A_1439 = arith.constant 6 : i32
      %swap3A_1440 = arith.index_cast %swap3A_1438 : i32 to index
      %swap3A_1441 = arith.index_cast %swap3A_1439 : i32 to index
      %swap3A_1442 = arith.index_cast %mul3A_1361 : i32 to index
      %swap3A_1443 = tpu.vector_load %arg13[%swap3A_1440, %swap3A_1441, %swap3A_1442] {strides = array<i32>} : memref<6x8x1024xf32, #tpu.memory_space<vmem>>, vector<16xf32>,
      tpu.vector_store %arg13[%swap3A_1440, %swap3A_1441, %swap3A_1442], %get3A_1437 {add = true, strides = array<i32>} : memref<6x8x1024xf32, #tpu.memory_space<vmem>>, vector<16xf32>,
      %get3A_1444 = arith.constant 0 : i32
      %get3A_1445 = arith.constant 7 : i32
      %get3A_1446 = arith.index_cast %get3A_1444 : i32 to index
      %get3A_1447 = arith.index_cast %get3A_1445 : i32 to index
      %get3A_1448 = arith.index_cast %mul3A_1361 : i32 to index
      %get3A_1449 = tpu.vector_load %arg14[%get3A_1446, %get3A_1447, %get3A_1448] {strides = array<i32>} : memref<4x8x1024xf32, #tpu.memory_space<vmem>>, vector<16xf32>,
      %swap3A_1450 = arith.constant 2 : i32
      %swap3A_1451 = arith.constant 7 : i32
      %swap3A_1452 = arith.index_cast %swap3A_1450 : i32 to index
      %swap3A_1453 = arith.index_cast %swap3A_1451 : i32 to index
      %swap3A_1454 = arith.index_cast %mul3A_1361 : i32 to index
      %swap3A_1455 = tpu.vector_load %arg13[%swap3A_1452, %swap3A_1453, %swap3A_1454] {strides = array<i32>} : memref<6x8x1024xf32, #tpu.memory_space<vmem>>, vector<16xf32>,
      tpu.vector_store %arg13[%swap3A_1452, %swap3A_1453, %swap3A_1454], %get3A_1449 {add = true, strides = array<i32>} : memref<6x8x1024xf32, #tpu.memory_space<vmem>>, vector<16xf32>,
      %scan3A_1456 = arith.constant 0 : i32
      scf.yield %scan3A_1456 : i32
    }
    %scan3A_782 = arith.constant 64 : i32
    %add3A_783 = arith.constant 64 : i32
    %add3A_784 = arith.addi %mul3A_2, %add3A_783 : i32
    %dma_start3A_785 = arith.constant 2 : i32
    %dma_start3A_786 = arith.constant 0 : i32
    %dma_start3A_787 = arith.constant 0 : i32
    %dma_start3A_788 = tpu.memref_slice %arg13[%dma_start3A_785, %dma_start3A_786, %dma_start3A_787] : memref<6x8x1024xf32, #tpu.memory_space<vmem>> -> memref<1x8x1024xf32, #tpu.memory_space<vmem>>
    %dma_start3A_789 = tpu.memref_squeeze %dma_start3A_788 : memref<1x8x1024xf32, #tpu.memory_space<vmem>> -> memref<8x1024xf32, #tpu.memory_space<vmem>>
    %dma_start3A_790 = arith.constant 0 : i32
    %dma_start3A_791 = tpu.memref_slice %arg5[%add3A_784, %dma_start3A_790] : memref<4096x1024xf32, #tpu.memory_space<hbm>> -> memref<8x1024xf32, #tpu.memory_space<hbm>>
    %dma_start3A_792 = arith.constant 0 : i32
    %dma_start3A_793 = tpu.memref_slice %arg5[%add3A_784, %dma_start3A_792] : memref<4096x1024xf32, #tpu.memory_space<hbm>> -> memref<8x1024xf32, #tpu.memory_space<hbm>>
    %dma_start3A_794 = arith.constant 0 : i32
    %dma_start3A_795 = arith.constant 0 : i32
    %dma_start3A_796 = tpu.memref_slice %arg13[%dma_start3A_785, %dma_start3A_794, %dma_start3A_795] : memref<6x8x1024xf32, #tpu.memory_space<vmem>> -> memref<1x8x1024xf32, #tpu.memory_space<vmem>>
    %dma_start3A_797 = tpu.memref_squeeze %dma_start3A_796 : memref<1x8x1024xf32, #tpu.memory_space<vmem>> -> memref<8x1024xf32, #tpu.memory_space<vmem>>
    tpu.enqueue_dma source(%dma_start3A_797 : memref<8x1024xf32, #tpu.memory_space<vmem>>) target(%dma_start3A_793 : memref<8x1024xf32, #tpu.memory_space<hbm>>) target_semaphore(%arg19 : memref<!tpu.dma_semaphore, #tpu.memory_space<semaphore_mem>>)
    %add3A_798 = arith.constant 88 : i32
    %add3A_799 = arith.addi %mul3A_2, %add3A_798 : i32
    %dma_start3A_800 = arith.constant 3 : i32
    %dma_start3A_801 = arith.constant 0 : i32
    %dma_start3A_802 = arith.constant 0 : i32
    %dma_start3A_803 = tpu.memref_slice %arg14[%dma_start3A_800, %dma_start3A_801, %dma_start3A_802] : memref<4x8x1024xf32, #tpu.memory_space<vmem>> -> memref<1x8x1024xf32, #tpu.memory_space<vmem>>
    %dma_start3A_804 = tpu.memref_squeeze %dma_start3A_803 : memref<1x8x1024xf32, #tpu.memory_space<vmem>> -> memref<8x1024xf32, #tpu.memory_space<vmem>>
    %dma_start3A_805 = arith.constant 0 : i32
    %dma_start3A_806 = tpu.memref_slice %arg3[%add3A_799, %dma_start3A_805] : memref<4096x1024xf32, #tpu.memory_space<hbm>> -> memref<8x1024xf32, #tpu.memory_space<hbm>>
    %dma_start3A_807 = arith.constant 0 : i32
    %dma_start3A_808 = arith.constant 0 : i32
    %dma_start3A_809 = tpu.memref_slice %arg14[%dma_start3A_800, %dma_start3A_807, %dma_start3A_808] : memref<4x8x1024xf32, #tpu.memory_space<vmem>> -> memref<1x8x1024xf32, #tpu.memory_space<vmem>>
    %dma_start3A_810 = tpu.memref_squeeze %dma_start3A_809 : memref<1x8x1024xf32, #tpu.memory_space<vmem>> -> memref<8x1024xf32, #tpu.memory_space<vmem>>
    %dma_start3A_811 = arith.constant 0 : i32
    %dma_start3A_812 = tpu.memref_slice %arg3[%add3A_799, %dma_start3A_811] : memref<4096x1024xf32, #tpu.memory_space<hbm>> -> memref<8x1024xf32, #tpu.memory_space<hbm>>
    tpu.enqueue_dma source(%dma_start3A_812 : memref<8x1024xf32, #tpu.memory_space<hbm>>) target(%dma_start3A_810 : memref<8x1024xf32, #tpu.memory_space<vmem>>) target_semaphore(%arg18 : memref<!tpu.dma_semaphore, #tpu.memory_space<semaphore_mem>>)
    %dma_wait3A_813 = arith.constant 0 : i32
    %dma_wait3A_814 = arith.constant 0 : i32
    %dma_wait3A_815 = arith.constant 0 : i32
    %dma_wait3A_816 = tpu.memref_slice %arg13[%dma_wait3A_813, %dma_wait3A_814, %dma_wait3A_815] : memref<6x8x1024xf32, #tpu.memory_space<vmem>> -> memref<1x8x1024xf32, #tpu.memory_space<vmem>>
    %dma_wait3A_817 = tpu.memref_squeeze %dma_wait3A_816 : memref<1x8x1024xf32, #tpu.memory_space<vmem>> -> memref<8x1024xf32, #tpu.memory_space<vmem>>
    %dma_wait3A_818 = arith.constant 0 : i32
    %dma_wait3A_819 = tpu.memref_slice %arg5[%add3A_618, %dma_wait3A_818] : memref<4096x1024xf32, #tpu.memory_space<hbm>> -> memref<8x1024xf32, #tpu.memory_space<hbm>>
    %dma_wait3A_820 = arith.constant 0 : i32
    %dma_wait3A_821 = tpu.memref_slice %arg5[%add3A_618, %dma_wait3A_820] : memref<4096x1024xf32, #tpu.memory_space<hbm>> -> memref<8x1024xf32, #tpu.memory_space<hbm>>
    %dma_wait3A_822 = arith.constant 0 : i32
    %dma_wait3A_823 = arith.constant 0 : i32
    %dma_wait3A_824 = tpu.memref_slice %arg13[%dma_wait3A_813, %dma_wait3A_822, %dma_wait3A_823] : memref<6x8x1024xf32, #tpu.memory_space<vmem>> -> memref<1x8x1024xf32, #tpu.memory_space<vmem>>
    %dma_wait3A_825 = tpu.memref_squeeze %dma_wait3A_824 : memref<1x8x1024xf32, #tpu.memory_space<vmem>> -> memref<8x1024xf32, #tpu.memory_space<vmem>>
    tpu.wait_dma2 semaphore(%arg19 : memref<!tpu.dma_semaphore, #tpu.memory_space<semaphore_mem>>) src(%dma_wait3A_825 : memref<8x1024xf32, #tpu.memory_space<vmem>>) dst(%dma_wait3A_821 : memref<8x1024xf32, #tpu.memory_space<hbm>>)
    %dma_start3A_826 = arith.constant 0 : i32
    %dma_start3A_827 = arith.constant 0 : i32
    %dma_start3A_828 = arith.constant 0 : i32
    %dma_start3A_829 = tpu.memref_slice %arg13[%dma_start3A_826, %dma_start3A_827, %dma_start3A_828] : memref<6x8x1024xf32, #tpu.memory_space<vmem>> -> memref<1x8x1024xf32, #tpu.memory_space<vmem>>
    %dma_start3A_830 = tpu.memref_squeeze %dma_start3A_829 : memref<1x8x1024xf32, #tpu.memory_space<vmem>> -> memref<8x1024xf32, #tpu.memory_space<vmem>>
    %dma_start3A_831 = arith.constant 96 : i32
    %dma_start3A_832 = tpu.memref_slice %arg12[%dma_start3A_831] : memref<128xi32, #tpu.memory_space<vmem>> -> memref<8xi32, #tpu.memory_space<vmem>>
    %dma_start3A_833 = arith.constant 0 : i32
    %dma_start3A_834 = arith.constant 0 : i32
    %dma_start3A_835 = tpu.memref_slice %arg4[%dma_start3A_833, %dma_start3A_834] : memref<5000x1024xf32, #tpu.memory_space<hbm>> -> memref<5000x1024xf32, #tpu.memory_space<hbm>>
    tpu.enqueue_indirect_dma source(%dma_start3A_835 : memref<5000x1024xf32, #tpu.memory_space<hbm>>) target(%dma_start3A_830 : memref<8x1024xf32, #tpu.memory_space<vmem>>) offsets(%dma_start3A_832 : memref<8xi32, #tpu.memory_space<vmem>>) semaphore(%arg17 : memref<!tpu.dma_semaphore, #tpu.memory_space<semaphore_mem>>)
    %dma_wait3A_836 = arith.constant 3 : i32
    %dma_wait3A_837 = arith.constant 0 : i32
    %dma_wait3A_838 = arith.constant 0 : i32
    %dma_wait3A_839 = tpu.memref_slice %arg13[%dma_wait3A_836, %dma_wait3A_837, %dma_wait3A_838] : memref<6x8x1024xf32, #tpu.memory_space<vmem>> -> memref<1x8x1024xf32, #tpu.memory_space<vmem>>
    %dma_wait3A_840 = tpu.memref_squeeze %dma_wait3A_839 : memref<1x8x1024xf32, #tpu.memory_space<vmem>> -> memref<8x1024xf32, #tpu.memory_space<vmem>>
    %dma_wait3A_841 = arith.constant 72 : i32
    %dma_wait3A_842 = tpu.memref_slice %arg12[%dma_wait3A_841] : memref<128xi32, #tpu.memory_space<vmem>> -> memref<8xi32, #tpu.memory_space<vmem>>
    %dma_wait3A_843 = arith.constant 0 : i32
    %dma_wait3A_844 = arith.constant 0 : i32
    %dma_wait3A_845 = tpu.memref_slice %arg4[%dma_wait3A_843, %dma_wait3A_844] : memref<5000x1024xf32, #tpu.memory_space<hbm>> -> memref<5000x1024xf32, #tpu.memory_space<hbm>>
    tpu.wait_indirect_dma semaphore(%arg17 : memref<!tpu.dma_semaphore, #tpu.memory_space<semaphore_mem>>) src(%dma_wait3A_845 : memref<5000x1024xf32, #tpu.memory_space<hbm>>) dst(%dma_wait3A_840 : memref<8x1024xf32, #tpu.memory_space<vmem>>)
    %dma_wait3A_846 = arith.constant 1 : i32
    %dma_wait3A_847 = arith.constant 0 : i32
    %dma_wait3A_848 = arith.constant 0 : i32
    %dma_wait3A_849 = tpu.memref_slice %arg14[%dma_wait3A_846, %dma_wait3A_847, %dma_wait3A_848] : memref<4x8x1024xf32, #tpu.memory_space<vmem>> -> memref<1x8x1024xf32, #tpu.memory_space<vmem>>
    %dma_wait3A_850 = tpu.memref_squeeze %dma_wait3A_849 : memref<1x8x1024xf32, #tpu.memory_space<vmem>> -> memref<8x1024xf32, #tpu.memory_space<vmem>>
    %dma_wait3A_851 = arith.constant 0 : i32
    %dma_wait3A_852 = tpu.memref_slice %arg3[%add3A_633, %dma_wait3A_851] : memref<4096x1024xf32, #tpu.memory_space<hbm>> -> memref<8x1024xf32, #tpu.memory_space<hbm>>
    %dma_wait3A_853 = arith.constant 0 : i32
    %dma_wait3A_854 = arith.constant 0 : i32
    %dma_wait3A_855 = tpu.memref_slice %arg14[%dma_wait3A_846, %dma_wait3A_853, %dma_wait3A_854] : memref<4x8x1024xf32, #tpu.memory_space<vmem>> -> memref<1x8x1024xf32, #tpu.memory_space<vmem>>
    %dma_wait3A_856 = tpu.memref_squeeze %dma_wait3A_855 : memref<1x8x1024xf32, #tpu.memory_space<vmem>> -> memref<8x1024xf32, #tpu.memory_space<vmem>>
    %dma_wait3A_857 = arith.constant 0 : i32
    %dma_wait3A_858 = tpu.memref_slice %arg3[%add3A_633, %dma_wait3A_857] : memref<4096x1024xf32, #tpu.memory_space<hbm>> -> memref<8x1024xf32, #tpu.memory_space<hbm>>
    tpu.wait_dma2 semaphore(%arg18 : memref<!tpu.dma_semaphore, #tpu.memory_space<semaphore_mem>>) src(%dma_wait3A_858 : memref<8x1024xf32, #tpu.memory_space<hbm>>) dst(%dma_wait3A_856 : memref<8x1024xf32, #tpu.memory_space<vmem>>)
    %scan3A_859 = arith.constant 0 : i32
    %scan3A_860 = arith.constant 0 : i32
    %scan3A_861 = arith.constant 64 : i32
    %scan3A_862 = arith.addi %scan3A_860, %scan3A_861 : i32
    %scan3A_863 = arith.constant 1 : i32
    %scan3A_864 = scf.for %scan3A_1358 = %scan3A_860 to %scan3A_862 step %scan3A_863 iter_args(%scan3A_1359 = %scan3A_859) -> (i32)  : i32 {
      %mul3A_1360 = arith.constant 16 : i32
      %mul3A_1361 = arith.muli %scan3A_1358, %mul3A_1360 : i32
      %get3A = arith.constant 1 : i32
      %get3A_1362 = arith.constant 0 : i32
      %get3A_1363 = arith.index_cast %get3A : i32 to index
      %get3A_1364 = arith.index_cast %get3A_1362 : i32 to index
      %get3A_1365 = arith.index_cast %mul3A_1361 : i32 to index
      %get3A_1366 = tpu.vector_load %arg14[%get3A_1363, %get3A_1364, %get3A_1365] {strides = array<i32>} : memref<4x8x1024xf32, #tpu.memory_space<vmem>>, vector<16xf32>,
      %swap3A = arith.constant 3 : i32
      %swap3A_1367 = arith.constant 0 : i32
      %swap3A_1368 = arith.index_cast %swap3A : i32 to index
      %swap3A_1369 = arith.index_cast %swap3A_1367 : i32 to index
      %swap3A_1370 = arith.index_cast %mul3A_1361 : i32 to index
      %swap3A_1371 = tpu.vector_load %arg13[%swap3A_1368, %swap3A_1369, %swap3A_1370] {strides = array<i32>} : memref<6x8x1024xf32, #tpu.memory_space<vmem>>, vector<16xf32>,
      tpu.vector_store %arg13[%swap3A_1368, %swap3A_1369, %swap3A_1370], %get3A_1366 {add = true, strides = array<i32>} : memref<6x8x1024xf32, #tpu.memory_space<vmem>>, vector<16xf32>,
      %get3A_1372 = arith.constant 1 : i32
      %get3A_1373 = arith.constant 1 : i32
      %get3A_1374 = arith.index_cast %get3A_1372 : i32 to index
      %get3A_1375 = arith.index_cast %get3A_1373 : i32 to index
      %get3A_1376 = arith.index_cast %mul3A_1361 : i32 to index
      %get3A_1377 = tpu.vector_load %arg14[%get3A_1374, %get3A_1375, %get3A_1376] {strides = array<i32>} : memref<4x8x1024xf32, #tpu.memory_space<vmem>>, vector<16xf32>,
      %swap3A_1378 = arith.constant 3 : i32
      %swap3A_1379 = arith.constant 1 : i32
      %swap3A_1380 = arith.index_cast %swap3A_1378 : i32 to index
      %swap3A_1381 = arith.index_cast %swap3A_1379 : i32 to index
      %swap3A_1382 = arith.index_cast %mul3A_1361 : i32 to index
      %swap3A_1383 = tpu.vector_load %arg13[%swap3A_1380, %swap3A_1381, %swap3A_1382] {strides = array<i32>} : memref<6x8x1024xf32, #tpu.memory_space<vmem>>, vector<16xf32>,
      tpu.vector_store %arg13[%swap3A_1380, %swap3A_1381, %swap3A_1382], %get3A_1377 {add = true, strides = array<i32>} : memref<6x8x1024xf32, #tpu.memory_space<vmem>>, vector<16xf32>,
      %get3A_1384 = arith.constant 1 : i32
      %get3A_1385 = arith.constant 2 : i32
      %get3A_1386 = arith.index_cast %get3A_1384 : i32 to index
      %get3A_1387 = arith.index_cast %get3A_1385 : i32 to index
      %get3A_1388 = arith.index_cast %mul3A_1361 : i32 to index
      %get3A_1389 = tpu.vector_load %arg14[%get3A_1386, %get3A_1387, %get3A_1388] {strides = array<i32>} : memref<4x8x1024xf32, #tpu.memory_space<vmem>>, vector<16xf32>,
      %swap3A_1390 = arith.constant 3 : i32
      %swap3A_1391 = arith.constant 2 : i32
      %swap3A_1392 = arith.index_cast %swap3A_1390 : i32 to index
      %swap3A_1393 = arith.index_cast %swap3A_1391 : i32 to index
      %swap3A_1394 = arith.index_cast %mul3A_1361 : i32 to index
      %swap3A_1395 = tpu.vector_load %arg13[%swap3A_1392, %swap3A_1393, %swap3A_1394] {strides = array<i32>} : memref<6x8x1024xf32, #tpu.memory_space<vmem>>, vector<16xf32>,
      tpu.vector_store %arg13[%swap3A_1392, %swap3A_1393, %swap3A_1394], %get3A_1389 {add = true, strides = array<i32>} : memref<6x8x1024xf32, #tpu.memory_space<vmem>>, vector<16xf32>,
      %get3A_1396 = arith.constant 1 : i32
      %get3A_1397 = arith.constant 3 : i32
      %get3A_1398 = arith.index_cast %get3A_1396 : i32 to index
      %get3A_1399 = arith.index_cast %get3A_1397 : i32 to index
      %get3A_1400 = arith.index_cast %mul3A_1361 : i32 to index
      %get3A_1401 = tpu.vector_load %arg14[%get3A_1398, %get3A_1399, %get3A_1400] {strides = array<i32>} : memref<4x8x1024xf32, #tpu.memory_space<vmem>>, vector<16xf32>,
      %swap3A_1402 = arith.constant 3 : i32
      %swap3A_1403 = arith.constant 3 : i32
      %swap3A_1404 = arith.index_cast %swap3A_1402 : i32 to index
      %swap3A_1405 = arith.index_cast %swap3A_1403 : i32 to index
      %swap3A_1406 = arith.index_cast %mul3A_1361 : i32 to index
      %swap3A_1407 = tpu.vector_load %arg13[%swap3A_1404, %swap3A_1405, %swap3A_1406] {strides = array<i32>} : memref<6x8x1024xf32, #tpu.memory_space<vmem>>, vector<16xf32>,
      tpu.vector_store %arg13[%swap3A_1404, %swap3A_1405, %swap3A_1406], %get3A_1401 {add = true, strides = array<i32>} : memref<6x8x1024xf32, #tpu.memory_space<vmem>>, vector<16xf32>,
      %get3A_1408 = arith.constant 1 : i32
      %get3A_1409 = arith.constant 4 : i32
      %get3A_1410 = arith.index_cast %get3A_1408 : i32 to index
      %get3A_1411 = arith.index_cast %get3A_1409 : i32 to index
      %get3A_1412 = arith.index_cast %mul3A_1361 : i32 to index
      %get3A_1413 = tpu.vector_load %arg14[%get3A_1410, %get3A_1411, %get3A_1412] {strides = array<i32>} : memref<4x8x1024xf32, #tpu.memory_space<vmem>>, vector<16xf32>,
      %swap3A_1414 = arith.constant 3 : i32
      %swap3A_1415 = arith.constant 4 : i32
      %swap3A_1416 = arith.index_cast %swap3A_1414 : i32 to index
      %swap3A_1417 = arith.index_cast %swap3A_1415 : i32 to index
      %swap3A_1418 = arith.index_cast %mul3A_1361 : i32 to index
      %swap3A_1419 = tpu.vector_load %arg13[%swap3A_1416, %swap3A_1417, %swap3A_1418] {strides = array<i32>} : memref<6x8x1024xf32, #tpu.memory_space<vmem>>, vector<16xf32>,
      tpu.vector_store %arg13[%swap3A_1416, %swap3A_1417, %swap3A_1418], %get3A_1413 {add = true, strides = array<i32>} : memref<6x8x1024xf32, #tpu.memory_space<vmem>>, vector<16xf32>,
      %get3A_1420 = arith.constant 1 : i32
      %get3A_1421 = arith.constant 5 : i32
      %get3A_1422 = arith.index_cast %get3A_1420 : i32 to index
      %get3A_1423 = arith.index_cast %get3A_1421 : i32 to index
      %get3A_1424 = arith.index_cast %mul3A_1361 : i32 to index
      %get3A_1425 = tpu.vector_load %arg14[%get3A_1422, %get3A_1423, %get3A_1424] {strides = array<i32>} : memref<4x8x1024xf32, #tpu.memory_space<vmem>>, vector<16xf32>,
      %swap3A_1426 = arith.constant 3 : i32
      %swap3A_1427 = arith.constant 5 : i32
      %swap3A_1428 = arith.index_cast %swap3A_1426 : i32 to index
      %swap3A_1429 = arith.index_cast %swap3A_1427 : i32 to index
      %swap3A_1430 = arith.index_cast %mul3A_1361 : i32 to index
      %swap3A_1431 = tpu.vector_load %arg13[%swap3A_1428, %swap3A_1429, %swap3A_1430] {strides = array<i32>} : memref<6x8x1024xf32, #tpu.memory_space<vmem>>, vector<16xf32>,
      tpu.vector_store %arg13[%swap3A_1428, %swap3A_1429, %swap3A_1430], %get3A_1425 {add = true, strides = array<i32>} : memref<6x8x1024xf32, #tpu.memory_space<vmem>>, vector<16xf32>,
      %get3A_1432 = arith.constant 1 : i32
      %get3A_1433 = arith.constant 6 : i32
      %get3A_1434 = arith.index_cast %get3A_1432 : i32 to index
      %get3A_1435 = arith.index_cast %get3A_1433 : i32 to index
      %get3A_1436 = arith.index_cast %mul3A_1361 : i32 to index
      %get3A_1437 = tpu.vector_load %arg14[%get3A_1434, %get3A_1435, %get3A_1436] {strides = array<i32>} : memref<4x8x1024xf32, #tpu.memory_space<vmem>>, vector<16xf32>,
      %swap3A_1438 = arith.constant 3 : i32
      %swap3A_1439 = arith.constant 6 : i32
      %swap3A_1440 = arith.index_cast %swap3A_1438 : i32 to index
      %swap3A_1441 = arith.index_cast %swap3A_1439 : i32 to index
      %swap3A_1442 = arith.index_cast %mul3A_1361 : i32 to index
      %swap3A_1443 = tpu.vector_load %arg13[%swap3A_1440, %swap3A_1441, %swap3A_1442] {strides = array<i32>} : memref<6x8x1024xf32, #tpu.memory_space<vmem>>, vector<16xf32>,
      tpu.vector_store %arg13[%swap3A_1440, %swap3A_1441, %swap3A_1442], %get3A_1437 {add = true, strides = array<i32>} : memref<6x8x1024xf32, #tpu.memory_space<vmem>>, vector<16xf32>,
      %get3A_1444 = arith.constant 1 : i32
      %get3A_1445 = arith.constant 7 : i32
      %get3A_1446 = arith.index_cast %get3A_1444 : i32 to index
      %get3A_1447 = arith.index_cast %get3A_1445 : i32 to index
      %get3A_1448 = arith.index_cast %mul3A_1361 : i32 to index
      %get3A_1449 = tpu.vector_load %arg14[%get3A_1446, %get3A_1447, %get3A_1448] {strides = array<i32>} : memref<4x8x1024xf32, #tpu.memory_space<vmem>>, vector<16xf32>,
      %swap3A_1450 = arith.constant 3 : i32
      %swap3A_1451 = arith.constant 7 : i32
      %swap3A_1452 = arith.index_cast %swap3A_1450 : i32 to index
      %swap3A_1453 = arith.index_cast %swap3A_1451 : i32 to index
      %swap3A_1454 = arith.index_cast %mul3A_1361 : i32 to index
      %swap3A_1455 = tpu.vector_load %arg13[%swap3A_1452, %swap3A_1453, %swap3A_1454] {strides = array<i32>} : memref<6x8x1024xf32, #tpu.memory_space<vmem>>, vector<16xf32>,
      tpu.vector_store %arg13[%swap3A_1452, %swap3A_1453, %swap3A_1454], %get3A_1449 {add = true, strides = array<i32>} : memref<6x8x1024xf32, #tpu.memory_space<vmem>>, vector<16xf32>,
      %scan3A_1456 = arith.constant 0 : i32
      scf.yield %scan3A_1456 : i32
    }
    %scan3A_865 = arith.constant 64 : i32
    %add3A_866 = arith.constant 72 : i32
    %add3A_867 = arith.addi %mul3A_2, %add3A_866 : i32
    %dma_start3A_868 = arith.constant 3 : i32
    %dma_start3A_869 = arith.constant 0 : i32
    %dma_start3A_870 = arith.constant 0 : i32
    %dma_start3A_871 = tpu.memref_slice %arg13[%dma_start3A_868, %dma_start3A_869, %dma_start3A_870] : memref<6x8x1024xf32, #tpu.memory_space<vmem>> -> memref<1x8x1024xf32, #tpu.memory_space<vmem>>
    %dma_start3A_872 = tpu.memref_squeeze %dma_start3A_871 : memref<1x8x1024xf32, #tpu.memory_space<vmem>> -> memref<8x1024xf32, #tpu.memory_space<vmem>>
    %dma_start3A_873 = arith.constant 0 : i32
    %dma_start3A_874 = tpu.memref_slice %arg5[%add3A_867, %dma_start3A_873] : memref<4096x1024xf32, #tpu.memory_space<hbm>> -> memref<8x1024xf32, #tpu.memory_space<hbm>>
    %dma_start3A_875 = arith.constant 0 : i32
    %dma_start3A_876 = tpu.memref_slice %arg5[%add3A_867, %dma_start3A_875] : memref<4096x1024xf32, #tpu.memory_space<hbm>> -> memref<8x1024xf32, #tpu.memory_space<hbm>>
    %dma_start3A_877 = arith.constant 0 : i32
    %dma_start3A_878 = arith.constant 0 : i32
    %dma_start3A_879 = tpu.memref_slice %arg13[%dma_start3A_868, %dma_start3A_877, %dma_start3A_878] : memref<6x8x1024xf32, #tpu.memory_space<vmem>> -> memref<1x8x1024xf32, #tpu.memory_space<vmem>>
    %dma_start3A_880 = tpu.memref_squeeze %dma_start3A_879 : memref<1x8x1024xf32, #tpu.memory_space<vmem>> -> memref<8x1024xf32, #tpu.memory_space<vmem>>
    tpu.enqueue_dma source(%dma_start3A_880 : memref<8x1024xf32, #tpu.memory_space<vmem>>) target(%dma_start3A_876 : memref<8x1024xf32, #tpu.memory_space<hbm>>) target_semaphore(%arg19 : memref<!tpu.dma_semaphore, #tpu.memory_space<semaphore_mem>>)
    %add3A_881 = arith.constant 96 : i32
    %add3A_882 = arith.addi %mul3A_2, %add3A_881 : i32
    %dma_start3A_883 = arith.constant 0 : i32
    %dma_start3A_884 = arith.constant 0 : i32
    %dma_start3A_885 = arith.constant 0 : i32
    %dma_start3A_886 = tpu.memref_slice %arg14[%dma_start3A_883, %dma_start3A_884, %dma_start3A_885] : memref<4x8x1024xf32, #tpu.memory_space<vmem>> -> memref<1x8x1024xf32, #tpu.memory_space<vmem>>
    %dma_start3A_887 = tpu.memref_squeeze %dma_start3A_886 : memref<1x8x1024xf32, #tpu.memory_space<vmem>> -> memref<8x1024xf32, #tpu.memory_space<vmem>>
    %dma_start3A_888 = arith.constant 0 : i32
    %dma_start3A_889 = tpu.memref_slice %arg3[%add3A_882, %dma_start3A_888] : memref<4096x1024xf32, #tpu.memory_space<hbm>> -> memref<8x1024xf32, #tpu.memory_space<hbm>>
    %dma_start3A_890 = arith.constant 0 : i32
    %dma_start3A_891 = arith.constant 0 : i32
    %dma_start3A_892 = tpu.memref_slice %arg14[%dma_start3A_883, %dma_start3A_890, %dma_start3A_891] : memref<4x8x1024xf32, #tpu.memory_space<vmem>> -> memref<1x8x1024xf32, #tpu.memory_space<vmem>>
    %dma_start3A_893 = tpu.memref_squeeze %dma_start3A_892 : memref<1x8x1024xf32, #tpu.memory_space<vmem>> -> memref<8x1024xf32, #tpu.memory_space<vmem>>
    %dma_start3A_894 = arith.constant 0 : i32
    %dma_start3A_895 = tpu.memref_slice %arg3[%add3A_882, %dma_start3A_894] : memref<4096x1024xf32, #tpu.memory_space<hbm>> -> memref<8x1024xf32, #tpu.memory_space<hbm>>
    tpu.enqueue_dma source(%dma_start3A_895 : memref<8x1024xf32, #tpu.memory_space<hbm>>) target(%dma_start3A_893 : memref<8x1024xf32, #tpu.memory_space<vmem>>) target_semaphore(%arg18 : memref<!tpu.dma_semaphore, #tpu.memory_space<semaphore_mem>>)
    %dma_wait3A_896 = arith.constant 1 : i32
    %dma_wait3A_897 = arith.constant 0 : i32
    %dma_wait3A_898 = arith.constant 0 : i32
    %dma_wait3A_899 = tpu.memref_slice %arg13[%dma_wait3A_896, %dma_wait3A_897, %dma_wait3A_898] : memref<6x8x1024xf32, #tpu.memory_space<vmem>> -> memref<1x8x1024xf32, #tpu.memory_space<vmem>>
    %dma_wait3A_900 = tpu.memref_squeeze %dma_wait3A_899 : memref<1x8x1024xf32, #tpu.memory_space<vmem>> -> memref<8x1024xf32, #tpu.memory_space<vmem>>
    %dma_wait3A_901 = arith.constant 0 : i32
    %dma_wait3A_902 = tpu.memref_slice %arg5[%add3A_701, %dma_wait3A_901] : memref<4096x1024xf32, #tpu.memory_space<hbm>> -> memref<8x1024xf32, #tpu.memory_space<hbm>>
    %dma_wait3A_903 = arith.constant 0 : i32
    %dma_wait3A_904 = tpu.memref_slice %arg5[%add3A_701, %dma_wait3A_903] : memref<4096x1024xf32, #tpu.memory_space<hbm>> -> memref<8x1024xf32, #tpu.memory_space<hbm>>
    %dma_wait3A_905 = arith.constant 0 : i32
    %dma_wait3A_906 = arith.constant 0 : i32
    %dma_wait3A_907 = tpu.memref_slice %arg13[%dma_wait3A_896, %dma_wait3A_905, %dma_wait3A_906] : memref<6x8x1024xf32, #tpu.memory_space<vmem>> -> memref<1x8x1024xf32, #tpu.memory_space<vmem>>
    %dma_wait3A_908 = tpu.memref_squeeze %dma_wait3A_907 : memref<1x8x1024xf32, #tpu.memory_space<vmem>> -> memref<8x1024xf32, #tpu.memory_space<vmem>>
    tpu.wait_dma2 semaphore(%arg19 : memref<!tpu.dma_semaphore, #tpu.memory_space<semaphore_mem>>) src(%dma_wait3A_908 : memref<8x1024xf32, #tpu.memory_space<vmem>>) dst(%dma_wait3A_904 : memref<8x1024xf32, #tpu.memory_space<hbm>>)
    %dma_start3A_909 = arith.constant 1 : i32
    %dma_start3A_910 = arith.constant 0 : i32
    %dma_start3A_911 = arith.constant 0 : i32
    %dma_start3A_912 = tpu.memref_slice %arg13[%dma_start3A_909, %dma_start3A_910, %dma_start3A_911] : memref<6x8x1024xf32, #tpu.memory_space<vmem>> -> memref<1x8x1024xf32, #tpu.memory_space<vmem>>
    %dma_start3A_913 = tpu.memref_squeeze %dma_start3A_912 : memref<1x8x1024xf32, #tpu.memory_space<vmem>> -> memref<8x1024xf32, #tpu.memory_space<vmem>>
    %dma_start3A_914 = arith.constant 104 : i32
    %dma_start3A_915 = tpu.memref_slice %arg12[%dma_start3A_914] : memref<128xi32, #tpu.memory_space<vmem>> -> memref<8xi32, #tpu.memory_space<vmem>>
    %dma_start3A_916 = arith.constant 0 : i32
    %dma_start3A_917 = arith.constant 0 : i32
    %dma_start3A_918 = tpu.memref_slice %arg4[%dma_start3A_916, %dma_start3A_917] : memref<5000x1024xf32, #tpu.memory_space<hbm>> -> memref<5000x1024xf32, #tpu.memory_space<hbm>>
    tpu.enqueue_indirect_dma source(%dma_start3A_918 : memref<5000x1024xf32, #tpu.memory_space<hbm>>) target(%dma_start3A_913 : memref<8x1024xf32, #tpu.memory_space<vmem>>) offsets(%dma_start3A_915 : memref<8xi32, #tpu.memory_space<vmem>>) semaphore(%arg17 : memref<!tpu.dma_semaphore, #tpu.memory_space<semaphore_mem>>)
    %dma_wait3A_919 = arith.constant 4 : i32
    %dma_wait3A_920 = arith.constant 0 : i32
    %dma_wait3A_921 = arith.constant 0 : i32
    %dma_wait3A_922 = tpu.memref_slice %arg13[%dma_wait3A_919, %dma_wait3A_920, %dma_wait3A_921] : memref<6x8x1024xf32, #tpu.memory_space<vmem>> -> memref<1x8x1024xf32, #tpu.memory_space<vmem>>
    %dma_wait3A_923 = tpu.memref_squeeze %dma_wait3A_922 : memref<1x8x1024xf32, #tpu.memory_space<vmem>> -> memref<8x1024xf32, #tpu.memory_space<vmem>>
    %dma_wait3A_924 = arith.constant 80 : i32
    %dma_wait3A_925 = tpu.memref_slice %arg12[%dma_wait3A_924] : memref<128xi32, #tpu.memory_space<vmem>> -> memref<8xi32, #tpu.memory_space<vmem>>
    %dma_wait3A_926 = arith.constant 0 : i32
    %dma_wait3A_927 = arith.constant 0 : i32
    %dma_wait3A_928 = tpu.memref_slice %arg4[%dma_wait3A_926, %dma_wait3A_927] : memref<5000x1024xf32, #tpu.memory_space<hbm>> -> memref<5000x1024xf32, #tpu.memory_space<hbm>>
    tpu.wait_indirect_dma semaphore(%arg17 : memref<!tpu.dma_semaphore, #tpu.memory_space<semaphore_mem>>) src(%dma_wait3A_928 : memref<5000x1024xf32, #tpu.memory_space<hbm>>) dst(%dma_wait3A_923 : memref<8x1024xf32, #tpu.memory_space<vmem>>)
    %dma_wait3A_929 = arith.constant 2 : i32
    %dma_wait3A_930 = arith.constant 0 : i32
    %dma_wait3A_931 = arith.constant 0 : i32
    %dma_wait3A_932 = tpu.memref_slice %arg14[%dma_wait3A_929, %dma_wait3A_930, %dma_wait3A_931] : memref<4x8x1024xf32, #tpu.memory_space<vmem>> -> memref<1x8x1024xf32, #tpu.memory_space<vmem>>
    %dma_wait3A_933 = tpu.memref_squeeze %dma_wait3A_932 : memref<1x8x1024xf32, #tpu.memory_space<vmem>> -> memref<8x1024xf32, #tpu.memory_space<vmem>>
    %dma_wait3A_934 = arith.constant 0 : i32
    %dma_wait3A_935 = tpu.memref_slice %arg3[%add3A_716, %dma_wait3A_934] : memref<4096x1024xf32, #tpu.memory_space<hbm>> -> memref<8x1024xf32, #tpu.memory_space<hbm>>
    %dma_wait3A_936 = arith.constant 0 : i32
    %dma_wait3A_937 = arith.constant 0 : i32
    %dma_wait3A_938 = tpu.memref_slice %arg14[%dma_wait3A_929, %dma_wait3A_936, %dma_wait3A_937] : memref<4x8x1024xf32, #tpu.memory_space<vmem>> -> memref<1x8x1024xf32, #tpu.memory_space<vmem>>
    %dma_wait3A_939 = tpu.memref_squeeze %dma_wait3A_938 : memref<1x8x1024xf32, #tpu.memory_space<vmem>> -> memref<8x1024xf32, #tpu.memory_space<vmem>>
    %dma_wait3A_940 = arith.constant 0 : i32
    %dma_wait3A_941 = tpu.memref_slice %arg3[%add3A_716, %dma_wait3A_940] : memref<4096x1024xf32, #tpu.memory_space<hbm>> -> memref<8x1024xf32, #tpu.memory_space<hbm>>
    tpu.wait_dma2 semaphore(%arg18 : memref<!tpu.dma_semaphore, #tpu.memory_space<semaphore_mem>>) src(%dma_wait3A_941 : memref<8x1024xf32, #tpu.memory_space<hbm>>) dst(%dma_wait3A_939 : memref<8x1024xf32, #tpu.memory_space<vmem>>)
    %scan3A_942 = arith.constant 0 : i32
    %scan3A_943 = arith.constant 0 : i32
    %scan3A_944 = arith.constant 64 : i32
    %scan3A_945 = arith.addi %scan3A_943, %scan3A_944 : i32
    %scan3A_946 = arith.constant 1 : i32
    %scan3A_947 = scf.for %scan3A_1358 = %scan3A_943 to %scan3A_945 step %scan3A_946 iter_args(%scan3A_1359 = %scan3A_942) -> (i32)  : i32 {
      %mul3A_1360 = arith.constant 16 : i32
      %mul3A_1361 = arith.muli %scan3A_1358, %mul3A_1360 : i32
      %get3A = arith.constant 2 : i32
      %get3A_1362 = arith.constant 0 : i32
      %get3A_1363 = arith.index_cast %get3A : i32 to index
      %get3A_1364 = arith.index_cast %get3A_1362 : i32 to index
      %get3A_1365 = arith.index_cast %mul3A_1361 : i32 to index
      %get3A_1366 = tpu.vector_load %arg14[%get3A_1363, %get3A_1364, %get3A_1365] {strides = array<i32>} : memref<4x8x1024xf32, #tpu.memory_space<vmem>>, vector<16xf32>,
      %swap3A = arith.constant 4 : i32
      %swap3A_1367 = arith.constant 0 : i32
      %swap3A_1368 = arith.index_cast %swap3A : i32 to index
      %swap3A_1369 = arith.index_cast %swap3A_1367 : i32 to index
      %swap3A_1370 = arith.index_cast %mul3A_1361 : i32 to index
      %swap3A_1371 = tpu.vector_load %arg13[%swap3A_1368, %swap3A_1369, %swap3A_1370] {strides = array<i32>} : memref<6x8x1024xf32, #tpu.memory_space<vmem>>, vector<16xf32>,
      tpu.vector_store %arg13[%swap3A_1368, %swap3A_1369, %swap3A_1370], %get3A_1366 {add = true, strides = array<i32>} : memref<6x8x1024xf32, #tpu.memory_space<vmem>>, vector<16xf32>,
      %get3A_1372 = arith.constant 2 : i32
      %get3A_1373 = arith.constant 1 : i32
      %get3A_1374 = arith.index_cast %get3A_1372 : i32 to index
      %get3A_1375 = arith.index_cast %get3A_1373 : i32 to index
      %get3A_1376 = arith.index_cast %mul3A_1361 : i32 to index
      %get3A_1377 = tpu.vector_load %arg14[%get3A_1374, %get3A_1375, %get3A_1376] {strides = array<i32>} : memref<4x8x1024xf32, #tpu.memory_space<vmem>>, vector<16xf32>,
      %swap3A_1378 = arith.constant 4 : i32
      %swap3A_1379 = arith.constant 1 : i32
      %swap3A_1380 = arith.index_cast %swap3A_1378 : i32 to index
      %swap3A_1381 = arith.index_cast %swap3A_1379 : i32 to index
      %swap3A_1382 = arith.index_cast %mul3A_1361 : i32 to index
      %swap3A_1383 = tpu.vector_load %arg13[%swap3A_1380, %swap3A_1381, %swap3A_1382] {strides = array<i32>} : memref<6x8x1024xf32, #tpu.memory_space<vmem>>, vector<16xf32>,
      tpu.vector_store %arg13[%swap3A_1380, %swap3A_1381, %swap3A_1382], %get3A_1377 {add = true, strides = array<i32>} : memref<6x8x1024xf32, #tpu.memory_space<vmem>>, vector<16xf32>,
      %get3A_1384 = arith.constant 2 : i32
      %get3A_1385 = arith.constant 2 : i32
      %get3A_1386 = arith.index_cast %get3A_1384 : i32 to index
      %get3A_1387 = arith.index_cast %get3A_1385 : i32 to index
      %get3A_1388 = arith.index_cast %mul3A_1361 : i32 to index
      %get3A_1389 = tpu.vector_load %arg14[%get3A_1386, %get3A_1387, %get3A_1388] {strides = array<i32>} : memref<4x8x1024xf32, #tpu.memory_space<vmem>>, vector<16xf32>,
      %swap3A_1390 = arith.constant 4 : i32
      %swap3A_1391 = arith.constant 2 : i32
      %swap3A_1392 = arith.index_cast %swap3A_1390 : i32 to index
      %swap3A_1393 = arith.index_cast %swap3A_1391 : i32 to index
      %swap3A_1394 = arith.index_cast %mul3A_1361 : i32 to index
      %swap3A_1395 = tpu.vector_load %arg13[%swap3A_1392, %swap3A_1393, %swap3A_1394] {strides = array<i32>} : memref<6x8x1024xf32, #tpu.memory_space<vmem>>, vector<16xf32>,
      tpu.vector_store %arg13[%swap3A_1392, %swap3A_1393, %swap3A_1394], %get3A_1389 {add = true, strides = array<i32>} : memref<6x8x1024xf32, #tpu.memory_space<vmem>>, vector<16xf32>,
      %get3A_1396 = arith.constant 2 : i32
      %get3A_1397 = arith.constant 3 : i32
      %get3A_1398 = arith.index_cast %get3A_1396 : i32 to index
      %get3A_1399 = arith.index_cast %get3A_1397 : i32 to index
      %get3A_1400 = arith.index_cast %mul3A_1361 : i32 to index
      %get3A_1401 = tpu.vector_load %arg14[%get3A_1398, %get3A_1399, %get3A_1400] {strides = array<i32>} : memref<4x8x1024xf32, #tpu.memory_space<vmem>>, vector<16xf32>,
      %swap3A_1402 = arith.constant 4 : i32
      %swap3A_1403 = arith.constant 3 : i32
      %swap3A_1404 = arith.index_cast %swap3A_1402 : i32 to index
      %swap3A_1405 = arith.index_cast %swap3A_1403 : i32 to index
      %swap3A_1406 = arith.index_cast %mul3A_1361 : i32 to index
      %swap3A_1407 = tpu.vector_load %arg13[%swap3A_1404, %swap3A_1405, %swap3A_1406] {strides = array<i32>} : memref<6x8x1024xf32, #tpu.memory_space<vmem>>, vector<16xf32>,
      tpu.vector_store %arg13[%swap3A_1404, %swap3A_1405, %swap3A_1406], %get3A_1401 {add = true, strides = array<i32>} : memref<6x8x1024xf32, #tpu.memory_space<vmem>>, vector<16xf32>,
      %get3A_1408 = arith.constant 2 : i32
      %get3A_1409 = arith.constant 4 : i32
      %get3A_1410 = arith.index_cast %get3A_1408 : i32 to index
      %get3A_1411 = arith.index_cast %get3A_1409 : i32 to index
      %get3A_1412 = arith.index_cast %mul3A_1361 : i32 to index
      %get3A_1413 = tpu.vector_load %arg14[%get3A_1410, %get3A_1411, %get3A_1412] {strides = array<i32>} : memref<4x8x1024xf32, #tpu.memory_space<vmem>>, vector<16xf32>,
      %swap3A_1414 = arith.constant 4 : i32
      %swap3A_1415 = arith.constant 4 : i32
      %swap3A_1416 = arith.index_cast %swap3A_1414 : i32 to index
      %swap3A_1417 = arith.index_cast %swap3A_1415 : i32 to index
      %swap3A_1418 = arith.index_cast %mul3A_1361 : i32 to index
      %swap3A_1419 = tpu.vector_load %arg13[%swap3A_1416, %swap3A_1417, %swap3A_1418] {strides = array<i32>} : memref<6x8x1024xf32, #tpu.memory_space<vmem>>, vector<16xf32>,
      tpu.vector_store %arg13[%swap3A_1416, %swap3A_1417, %swap3A_1418], %get3A_1413 {add = true, strides = array<i32>} : memref<6x8x1024xf32, #tpu.memory_space<vmem>>, vector<16xf32>,
      %get3A_1420 = arith.constant 2 : i32
      %get3A_1421 = arith.constant 5 : i32
      %get3A_1422 = arith.index_cast %get3A_1420 : i32 to index
      %get3A_1423 = arith.index_cast %get3A_1421 : i32 to index
      %get3A_1424 = arith.index_cast %mul3A_1361 : i32 to index
      %get3A_1425 = tpu.vector_load %arg14[%get3A_1422, %get3A_1423, %get3A_1424] {strides = array<i32>} : memref<4x8x1024xf32, #tpu.memory_space<vmem>>, vector<16xf32>,
      %swap3A_1426 = arith.constant 4 : i32
      %swap3A_1427 = arith.constant 5 : i32
      %swap3A_1428 = arith.index_cast %swap3A_1426 : i32 to index
      %swap3A_1429 = arith.index_cast %swap3A_1427 : i32 to index
      %swap3A_1430 = arith.index_cast %mul3A_1361 : i32 to index
      %swap3A_1431 = tpu.vector_load %arg13[%swap3A_1428, %swap3A_1429, %swap3A_1430] {strides = array<i32>} : memref<6x8x1024xf32, #tpu.memory_space<vmem>>, vector<16xf32>,
      tpu.vector_store %arg13[%swap3A_1428, %swap3A_1429, %swap3A_1430], %get3A_1425 {add = true, strides = array<i32>} : memref<6x8x1024xf32, #tpu.memory_space<vmem>>, vector<16xf32>,
      %get3A_1432 = arith.constant 2 : i32
      %get3A_1433 = arith.constant 6 : i32
      %get3A_1434 = arith.index_cast %get3A_1432 : i32 to index
      %get3A_1435 = arith.index_cast %get3A_1433 : i32 to index
      %get3A_1436 = arith.index_cast %mul3A_1361 : i32 to index
      %get3A_1437 = tpu.vector_load %arg14[%get3A_1434, %get3A_1435, %get3A_1436] {strides = array<i32>} : memref<4x8x1024xf32, #tpu.memory_space<vmem>>, vector<16xf32>,
      %swap3A_1438 = arith.constant 4 : i32
      %swap3A_1439 = arith.constant 6 : i32
      %swap3A_1440 = arith.index_cast %swap3A_1438 : i32 to index
      %swap3A_1441 = arith.index_cast %swap3A_1439 : i32 to index
      %swap3A_1442 = arith.index_cast %mul3A_1361 : i32 to index
      %swap3A_1443 = tpu.vector_load %arg13[%swap3A_1440, %swap3A_1441, %swap3A_1442] {strides = array<i32>} : memref<6x8x1024xf32, #tpu.memory_space<vmem>>, vector<16xf32>,
      tpu.vector_store %arg13[%swap3A_1440, %swap3A_1441, %swap3A_1442], %get3A_1437 {add = true, strides = array<i32>} : memref<6x8x1024xf32, #tpu.memory_space<vmem>>, vector<16xf32>,
      %get3A_1444 = arith.constant 2 : i32
      %get3A_1445 = arith.constant 7 : i32
      %get3A_1446 = arith.index_cast %get3A_1444 : i32 to index
      %get3A_1447 = arith.index_cast %get3A_1445 : i32 to index
      %get3A_1448 = arith.index_cast %mul3A_1361 : i32 to index
      %get3A_1449 = tpu.vector_load %arg14[%get3A_1446, %get3A_1447, %get3A_1448] {strides = array<i32>} : memref<4x8x1024xf32, #tpu.memory_space<vmem>>, vector<16xf32>,
      %swap3A_1450 = arith.constant 4 : i32
      %swap3A_1451 = arith.constant 7 : i32
      %swap3A_1452 = arith.index_cast %swap3A_1450 : i32 to index
      %swap3A_1453 = arith.index_cast %swap3A_1451 : i32 to index
      %swap3A_1454 = arith.index_cast %mul3A_1361 : i32 to index
      %swap3A_1455 = tpu.vector_load %arg13[%swap3A_1452, %swap3A_1453, %swap3A_1454] {strides = array<i32>} : memref<6x8x1024xf32, #tpu.memory_space<vmem>>, vector<16xf32>,
      tpu.vector_store %arg13[%swap3A_1452, %swap3A_1453, %swap3A_1454], %get3A_1449 {add = true, strides = array<i32>} : memref<6x8x1024xf32, #tpu.memory_space<vmem>>, vector<16xf32>,
      %scan3A_1456 = arith.constant 0 : i32
      scf.yield %scan3A_1456 : i32
    }
    %scan3A_948 = arith.constant 64 : i32
    %add3A_949 = arith.constant 80 : i32
    %add3A_950 = arith.addi %mul3A_2, %add3A_949 : i32
    %dma_start3A_951 = arith.constant 4 : i32
    %dma_start3A_952 = arith.constant 0 : i32
    %dma_start3A_953 = arith.constant 0 : i32
    %dma_start3A_954 = tpu.memref_slice %arg13[%dma_start3A_951, %dma_start3A_952, %dma_start3A_953] : memref<6x8x1024xf32, #tpu.memory_space<vmem>> -> memref<1x8x1024xf32, #tpu.memory_space<vmem>>
    %dma_start3A_955 = tpu.memref_squeeze %dma_start3A_954 : memref<1x8x1024xf32, #tpu.memory_space<vmem>> -> memref<8x1024xf32, #tpu.memory_space<vmem>>
    %dma_start3A_956 = arith.constant 0 : i32
    %dma_start3A_957 = tpu.memref_slice %arg5[%add3A_950, %dma_start3A_956] : memref<4096x1024xf32, #tpu.memory_space<hbm>> -> memref<8x1024xf32, #tpu.memory_space<hbm>>
    %dma_start3A_958 = arith.constant 0 : i32
    %dma_start3A_959 = tpu.memref_slice %arg5[%add3A_950, %dma_start3A_958] : memref<4096x1024xf32, #tpu.memory_space<hbm>> -> memref<8x1024xf32, #tpu.memory_space<hbm>>
    %dma_start3A_960 = arith.constant 0 : i32
    %dma_start3A_961 = arith.constant 0 : i32
    %dma_start3A_962 = tpu.memref_slice %arg13[%dma_start3A_951, %dma_start3A_960, %dma_start3A_961] : memref<6x8x1024xf32, #tpu.memory_space<vmem>> -> memref<1x8x1024xf32, #tpu.memory_space<vmem>>
    %dma_start3A_963 = tpu.memref_squeeze %dma_start3A_962 : memref<1x8x1024xf32, #tpu.memory_space<vmem>> -> memref<8x1024xf32, #tpu.memory_space<vmem>>
    tpu.enqueue_dma source(%dma_start3A_963 : memref<8x1024xf32, #tpu.memory_space<vmem>>) target(%dma_start3A_959 : memref<8x1024xf32, #tpu.memory_space<hbm>>) target_semaphore(%arg19 : memref<!tpu.dma_semaphore, #tpu.memory_space<semaphore_mem>>)
    %add3A_964 = arith.constant 104 : i32
    %add3A_965 = arith.addi %mul3A_2, %add3A_964 : i32
    %dma_start3A_966 = arith.constant 1 : i32
    %dma_start3A_967 = arith.constant 0 : i32
    %dma_start3A_968 = arith.constant 0 : i32
    %dma_start3A_969 = tpu.memref_slice %arg14[%dma_start3A_966, %dma_start3A_967, %dma_start3A_968] : memref<4x8x1024xf32, #tpu.memory_space<vmem>> -> memref<1x8x1024xf32, #tpu.memory_space<vmem>>
    %dma_start3A_970 = tpu.memref_squeeze %dma_start3A_969 : memref<1x8x1024xf32, #tpu.memory_space<vmem>> -> memref<8x1024xf32, #tpu.memory_space<vmem>>
    %dma_start3A_971 = arith.constant 0 : i32
    %dma_start3A_972 = tpu.memref_slice %arg3[%add3A_965, %dma_start3A_971] : memref<4096x1024xf32, #tpu.memory_space<hbm>> -> memref<8x1024xf32, #tpu.memory_space<hbm>>
    %dma_start3A_973 = arith.constant 0 : i32
    %dma_start3A_974 = arith.constant 0 : i32
    %dma_start3A_975 = tpu.memref_slice %arg14[%dma_start3A_966, %dma_start3A_973, %dma_start3A_974] : memref<4x8x1024xf32, #tpu.memory_space<vmem>> -> memref<1x8x1024xf32, #tpu.memory_space<vmem>>
    %dma_start3A_976 = tpu.memref_squeeze %dma_start3A_975 : memref<1x8x1024xf32, #tpu.memory_space<vmem>> -> memref<8x1024xf32, #tpu.memory_space<vmem>>
    %dma_start3A_977 = arith.constant 0 : i32
    %dma_start3A_978 = tpu.memref_slice %arg3[%add3A_965, %dma_start3A_977] : memref<4096x1024xf32, #tpu.memory_space<hbm>> -> memref<8x1024xf32, #tpu.memory_space<hbm>>
    tpu.enqueue_dma source(%dma_start3A_978 : memref<8x1024xf32, #tpu.memory_space<hbm>>) target(%dma_start3A_976 : memref<8x1024xf32, #tpu.memory_space<vmem>>) target_semaphore(%arg18 : memref<!tpu.dma_semaphore, #tpu.memory_space<semaphore_mem>>)
    %dma_wait3A_979 = arith.constant 2 : i32
    %dma_wait3A_980 = arith.constant 0 : i32
    %dma_wait3A_981 = arith.constant 0 : i32
    %dma_wait3A_982 = tpu.memref_slice %arg13[%dma_wait3A_979, %dma_wait3A_980, %dma_wait3A_981] : memref<6x8x1024xf32, #tpu.memory_space<vmem>> -> memref<1x8x1024xf32, #tpu.memory_space<vmem>>
    %dma_wait3A_983 = tpu.memref_squeeze %dma_wait3A_982 : memref<1x8x1024xf32, #tpu.memory_space<vmem>> -> memref<8x1024xf32, #tpu.memory_space<vmem>>
    %dma_wait3A_984 = arith.constant 0 : i32
    %dma_wait3A_985 = tpu.memref_slice %arg5[%add3A_784, %dma_wait3A_984] : memref<4096x1024xf32, #tpu.memory_space<hbm>> -> memref<8x1024xf32, #tpu.memory_space<hbm>>
    %dma_wait3A_986 = arith.constant 0 : i32
    %dma_wait3A_987 = tpu.memref_slice %arg5[%add3A_784, %dma_wait3A_986] : memref<4096x1024xf32, #tpu.memory_space<hbm>> -> memref<8x1024xf32, #tpu.memory_space<hbm>>
    %dma_wait3A_988 = arith.constant 0 : i32
    %dma_wait3A_989 = arith.constant 0 : i32
    %dma_wait3A_990 = tpu.memref_slice %arg13[%dma_wait3A_979, %dma_wait3A_988, %dma_wait3A_989] : memref<6x8x1024xf32, #tpu.memory_space<vmem>> -> memref<1x8x1024xf32, #tpu.memory_space<vmem>>
    %dma_wait3A_991 = tpu.memref_squeeze %dma_wait3A_990 : memref<1x8x1024xf32, #tpu.memory_space<vmem>> -> memref<8x1024xf32, #tpu.memory_space<vmem>>
    tpu.wait_dma2 semaphore(%arg19 : memref<!tpu.dma_semaphore, #tpu.memory_space<semaphore_mem>>) src(%dma_wait3A_991 : memref<8x1024xf32, #tpu.memory_space<vmem>>) dst(%dma_wait3A_987 : memref<8x1024xf32, #tpu.memory_space<hbm>>)
    %dma_start3A_992 = arith.constant 2 : i32
    %dma_start3A_993 = arith.constant 0 : i32
    %dma_start3A_994 = arith.constant 0 : i32
    %dma_start3A_995 = tpu.memref_slice %arg13[%dma_start3A_992, %dma_start3A_993, %dma_start3A_994] : memref<6x8x1024xf32, #tpu.memory_space<vmem>> -> memref<1x8x1024xf32, #tpu.memory_space<vmem>>
    %dma_start3A_996 = tpu.memref_squeeze %dma_start3A_995 : memref<1x8x1024xf32, #tpu.memory_space<vmem>> -> memref<8x1024xf32, #tpu.memory_space<vmem>>
    %dma_start3A_997 = arith.constant 112 : i32
    %dma_start3A_998 = tpu.memref_slice %arg12[%dma_start3A_997] : memref<128xi32, #tpu.memory_space<vmem>> -> memref<8xi32, #tpu.memory_space<vmem>>
    %dma_start3A_999 = arith.constant 0 : i32
    %dma_start3A_1000 = arith.constant 0 : i32
    %dma_start3A_1001 = tpu.memref_slice %arg4[%dma_start3A_999, %dma_start3A_1000] : memref<5000x1024xf32, #tpu.memory_space<hbm>> -> memref<5000x1024xf32, #tpu.memory_space<hbm>>
    tpu.enqueue_indirect_dma source(%dma_start3A_1001 : memref<5000x1024xf32, #tpu.memory_space<hbm>>) target(%dma_start3A_996 : memref<8x1024xf32, #tpu.memory_space<vmem>>) offsets(%dma_start3A_998 : memref<8xi32, #tpu.memory_space<vmem>>) semaphore(%arg17 : memref<!tpu.dma_semaphore, #tpu.memory_space<semaphore_mem>>)
    %dma_wait3A_1002 = arith.constant 5 : i32
    %dma_wait3A_1003 = arith.constant 0 : i32
    %dma_wait3A_1004 = arith.constant 0 : i32
    %dma_wait3A_1005 = tpu.memref_slice %arg13[%dma_wait3A_1002, %dma_wait3A_1003, %dma_wait3A_1004] : memref<6x8x1024xf32, #tpu.memory_space<vmem>> -> memref<1x8x1024xf32, #tpu.memory_space<vmem>>
    %dma_wait3A_1006 = tpu.memref_squeeze %dma_wait3A_1005 : memref<1x8x1024xf32, #tpu.memory_space<vmem>> -> memref<8x1024xf32, #tpu.memory_space<vmem>>
    %dma_wait3A_1007 = arith.constant 88 : i32
    %dma_wait3A_1008 = tpu.memref_slice %arg12[%dma_wait3A_1007] : memref<128xi32, #tpu.memory_space<vmem>> -> memref<8xi32, #tpu.memory_space<vmem>>
    %dma_wait3A_1009 = arith.constant 0 : i32
    %dma_wait3A_1010 = arith.constant 0 : i32
    %dma_wait3A_1011 = tpu.memref_slice %arg4[%dma_wait3A_1009, %dma_wait3A_1010] : memref<5000x1024xf32, #tpu.memory_space<hbm>> -> memref<5000x1024xf32, #tpu.memory_space<hbm>>
    tpu.wait_indirect_dma semaphore(%arg17 : memref<!tpu.dma_semaphore, #tpu.memory_space<semaphore_mem>>) src(%dma_wait3A_1011 : memref<5000x1024xf32, #tpu.memory_space<hbm>>) dst(%dma_wait3A_1006 : memref<8x1024xf32, #tpu.memory_space<vmem>>)
    %dma_wait3A_1012 = arith.constant 3 : i32
    %dma_wait3A_1013 = arith.constant 0 : i32
    %dma_wait3A_1014 = arith.constant 0 : i32
    %dma_wait3A_1015 = tpu.memref_slice %arg14[%dma_wait3A_1012, %dma_wait3A_1013, %dma_wait3A_1014] : memref<4x8x1024xf32, #tpu.memory_space<vmem>> -> memref<1x8x1024xf32, #tpu.memory_space<vmem>>
    %dma_wait3A_1016 = tpu.memref_squeeze %dma_wait3A_1015 : memref<1x8x1024xf32, #tpu.memory_space<vmem>> -> memref<8x1024xf32, #tpu.memory_space<vmem>>
    %dma_wait3A_1017 = arith.constant 0 : i32
    %dma_wait3A_1018 = tpu.memref_slice %arg3[%add3A_799, %dma_wait3A_1017] : memref<4096x1024xf32, #tpu.memory_space<hbm>> -> memref<8x1024xf32, #tpu.memory_space<hbm>>
    %dma_wait3A_1019 = arith.constant 0 : i32
    %dma_wait3A_1020 = arith.constant 0 : i32
    %dma_wait3A_1021 = tpu.memref_slice %arg14[%dma_wait3A_1012, %dma_wait3A_1019, %dma_wait3A_1020] : memref<4x8x1024xf32, #tpu.memory_space<vmem>> -> memref<1x8x1024xf32, #tpu.memory_space<vmem>>
    %dma_wait3A_1022 = tpu.memref_squeeze %dma_wait3A_1021 : memref<1x8x1024xf32, #tpu.memory_space<vmem>> -> memref<8x1024xf32, #tpu.memory_space<vmem>>
    %dma_wait3A_1023 = arith.constant 0 : i32
    %dma_wait3A_1024 = tpu.memref_slice %arg3[%add3A_799, %dma_wait3A_1023] : memref<4096x1024xf32, #tpu.memory_space<hbm>> -> memref<8x1024xf32, #tpu.memory_space<hbm>>
    tpu.wait_dma2 semaphore(%arg18 : memref<!tpu.dma_semaphore, #tpu.memory_space<semaphore_mem>>) src(%dma_wait3A_1024 : memref<8x1024xf32, #tpu.memory_space<hbm>>) dst(%dma_wait3A_1022 : memref<8x1024xf32, #tpu.memory_space<vmem>>)
    %scan3A_1025 = arith.constant 0 : i32
    %scan3A_1026 = arith.constant 0 : i32
    %scan3A_1027 = arith.constant 64 : i32
    %scan3A_1028 = arith.addi %scan3A_1026, %scan3A_1027 : i32
    %scan3A_1029 = arith.constant 1 : i32
    %scan3A_1030 = scf.for %scan3A_1358 = %scan3A_1026 to %scan3A_1028 step %scan3A_1029 iter_args(%scan3A_1359 = %scan3A_1025) -> (i32)  : i32 {
      %mul3A_1360 = arith.constant 16 : i32
      %mul3A_1361 = arith.muli %scan3A_1358, %mul3A_1360 : i32
      %get3A = arith.constant 3 : i32
      %get3A_1362 = arith.constant 0 : i32
      %get3A_1363 = arith.index_cast %get3A : i32 to index
      %get3A_1364 = arith.index_cast %get3A_1362 : i32 to index
      %get3A_1365 = arith.index_cast %mul3A_1361 : i32 to index
      %get3A_1366 = tpu.vector_load %arg14[%get3A_1363, %get3A_1364, %get3A_1365] {strides = array<i32>} : memref<4x8x1024xf32, #tpu.memory_space<vmem>>, vector<16xf32>,
      %swap3A = arith.constant 5 : i32
      %swap3A_1367 = arith.constant 0 : i32
      %swap3A_1368 = arith.index_cast %swap3A : i32 to index
      %swap3A_1369 = arith.index_cast %swap3A_1367 : i32 to index
      %swap3A_1370 = arith.index_cast %mul3A_1361 : i32 to index
      %swap3A_1371 = tpu.vector_load %arg13[%swap3A_1368, %swap3A_1369, %swap3A_1370] {strides = array<i32>} : memref<6x8x1024xf32, #tpu.memory_space<vmem>>, vector<16xf32>,
      tpu.vector_store %arg13[%swap3A_1368, %swap3A_1369, %swap3A_1370], %get3A_1366 {add = true, strides = array<i32>} : memref<6x8x1024xf32, #tpu.memory_space<vmem>>, vector<16xf32>,
      %get3A_1372 = arith.constant 3 : i32
      %get3A_1373 = arith.constant 1 : i32
      %get3A_1374 = arith.index_cast %get3A_1372 : i32 to index
      %get3A_1375 = arith.index_cast %get3A_1373 : i32 to index
      %get3A_1376 = arith.index_cast %mul3A_1361 : i32 to index
      %get3A_1377 = tpu.vector_load %arg14[%get3A_1374, %get3A_1375, %get3A_1376] {strides = array<i32>} : memref<4x8x1024xf32, #tpu.memory_space<vmem>>, vector<16xf32>,
      %swap3A_1378 = arith.constant 5 : i32
      %swap3A_1379 = arith.constant 1 : i32
      %swap3A_1380 = arith.index_cast %swap3A_1378 : i32 to index
      %swap3A_1381 = arith.index_cast %swap3A_1379 : i32 to index
      %swap3A_1382 = arith.index_cast %mul3A_1361 : i32 to index
      %swap3A_1383 = tpu.vector_load %arg13[%swap3A_1380, %swap3A_1381, %swap3A_1382] {strides = array<i32>} : memref<6x8x1024xf32, #tpu.memory_space<vmem>>, vector<16xf32>,
      tpu.vector_store %arg13[%swap3A_1380, %swap3A_1381, %swap3A_1382], %get3A_1377 {add = true, strides = array<i32>} : memref<6x8x1024xf32, #tpu.memory_space<vmem>>, vector<16xf32>,
      %get3A_1384 = arith.constant 3 : i32
      %get3A_1385 = arith.constant 2 : i32
      %get3A_1386 = arith.index_cast %get3A_1384 : i32 to index
      %get3A_1387 = arith.index_cast %get3A_1385 : i32 to index
      %get3A_1388 = arith.index_cast %mul3A_1361 : i32 to index
      %get3A_1389 = tpu.vector_load %arg14[%get3A_1386, %get3A_1387, %get3A_1388] {strides = array<i32>} : memref<4x8x1024xf32, #tpu.memory_space<vmem>>, vector<16xf32>,
      %swap3A_1390 = arith.constant 5 : i32
      %swap3A_1391 = arith.constant 2 : i32
      %swap3A_1392 = arith.index_cast %swap3A_1390 : i32 to index
      %swap3A_1393 = arith.index_cast %swap3A_1391 : i32 to index
      %swap3A_1394 = arith.index_cast %mul3A_1361 : i32 to index
      %swap3A_1395 = tpu.vector_load %arg13[%swap3A_1392, %swap3A_1393, %swap3A_1394] {strides = array<i32>} : memref<6x8x1024xf32, #tpu.memory_space<vmem>>, vector<16xf32>,
      tpu.vector_store %arg13[%swap3A_1392, %swap3A_1393, %swap3A_1394], %get3A_1389 {add = true, strides = array<i32>} : memref<6x8x1024xf32, #tpu.memory_space<vmem>>, vector<16xf32>,
      %get3A_1396 = arith.constant 3 : i32
      %get3A_1397 = arith.constant 3 : i32
      %get3A_1398 = arith.index_cast %get3A_1396 : i32 to index
      %get3A_1399 = arith.index_cast %get3A_1397 : i32 to index
      %get3A_1400 = arith.index_cast %mul3A_1361 : i32 to index
      %get3A_1401 = tpu.vector_load %arg14[%get3A_1398, %get3A_1399, %get3A_1400] {strides = array<i32>} : memref<4x8x1024xf32, #tpu.memory_space<vmem>>, vector<16xf32>,
      %swap3A_1402 = arith.constant 5 : i32
      %swap3A_1403 = arith.constant 3 : i32
      %swap3A_1404 = arith.index_cast %swap3A_1402 : i32 to index
      %swap3A_1405 = arith.index_cast %swap3A_1403 : i32 to index
      %swap3A_1406 = arith.index_cast %mul3A_1361 : i32 to index
      %swap3A_1407 = tpu.vector_load %arg13[%swap3A_1404, %swap3A_1405, %swap3A_1406] {strides = array<i32>} : memref<6x8x1024xf32, #tpu.memory_space<vmem>>, vector<16xf32>,
      tpu.vector_store %arg13[%swap3A_1404, %swap3A_1405, %swap3A_1406], %get3A_1401 {add = true, strides = array<i32>} : memref<6x8x1024xf32, #tpu.memory_space<vmem>>, vector<16xf32>,
      %get3A_1408 = arith.constant 3 : i32
      %get3A_1409 = arith.constant 4 : i32
      %get3A_1410 = arith.index_cast %get3A_1408 : i32 to index
      %get3A_1411 = arith.index_cast %get3A_1409 : i32 to index
      %get3A_1412 = arith.index_cast %mul3A_1361 : i32 to index
      %get3A_1413 = tpu.vector_load %arg14[%get3A_1410, %get3A_1411, %get3A_1412] {strides = array<i32>} : memref<4x8x1024xf32, #tpu.memory_space<vmem>>, vector<16xf32>,
      %swap3A_1414 = arith.constant 5 : i32
      %swap3A_1415 = arith.constant 4 : i32
      %swap3A_1416 = arith.index_cast %swap3A_1414 : i32 to index
      %swap3A_1417 = arith.index_cast %swap3A_1415 : i32 to index
      %swap3A_1418 = arith.index_cast %mul3A_1361 : i32 to index
      %swap3A_1419 = tpu.vector_load %arg13[%swap3A_1416, %swap3A_1417, %swap3A_1418] {strides = array<i32>} : memref<6x8x1024xf32, #tpu.memory_space<vmem>>, vector<16xf32>,
      tpu.vector_store %arg13[%swap3A_1416, %swap3A_1417, %swap3A_1418], %get3A_1413 {add = true, strides = array<i32>} : memref<6x8x1024xf32, #tpu.memory_space<vmem>>, vector<16xf32>,
      %get3A_1420 = arith.constant 3 : i32
      %get3A_1421 = arith.constant 5 : i32
      %get3A_1422 = arith.index_cast %get3A_1420 : i32 to index
      %get3A_1423 = arith.index_cast %get3A_1421 : i32 to index
      %get3A_1424 = arith.index_cast %mul3A_1361 : i32 to index
      %get3A_1425 = tpu.vector_load %arg14[%get3A_1422, %get3A_1423, %get3A_1424] {strides = array<i32>} : memref<4x8x1024xf32, #tpu.memory_space<vmem>>, vector<16xf32>,
      %swap3A_1426 = arith.constant 5 : i32
      %swap3A_1427 = arith.constant 5 : i32
      %swap3A_1428 = arith.index_cast %swap3A_1426 : i32 to index
      %swap3A_1429 = arith.index_cast %swap3A_1427 : i32 to index
      %swap3A_1430 = arith.index_cast %mul3A_1361 : i32 to index
      %swap3A_1431 = tpu.vector_load %arg13[%swap3A_1428, %swap3A_1429, %swap3A_1430] {strides = array<i32>} : memref<6x8x1024xf32, #tpu.memory_space<vmem>>, vector<16xf32>,
      tpu.vector_store %arg13[%swap3A_1428, %swap3A_1429, %swap3A_1430], %get3A_1425 {add = true, strides = array<i32>} : memref<6x8x1024xf32, #tpu.memory_space<vmem>>, vector<16xf32>,
      %get3A_1432 = arith.constant 3 : i32
      %get3A_1433 = arith.constant 6 : i32
      %get3A_1434 = arith.index_cast %get3A_1432 : i32 to index
      %get3A_1435 = arith.index_cast %get3A_1433 : i32 to index
      %get3A_1436 = arith.index_cast %mul3A_1361 : i32 to index
      %get3A_1437 = tpu.vector_load %arg14[%get3A_1434, %get3A_1435, %get3A_1436] {strides = array<i32>} : memref<4x8x1024xf32, #tpu.memory_space<vmem>>, vector<16xf32>,
      %swap3A_1438 = arith.constant 5 : i32
      %swap3A_1439 = arith.constant 6 : i32
      %swap3A_1440 = arith.index_cast %swap3A_1438 : i32 to index
      %swap3A_1441 = arith.index_cast %swap3A_1439 : i32 to index
      %swap3A_1442 = arith.index_cast %mul3A_1361 : i32 to index
      %swap3A_1443 = tpu.vector_load %arg13[%swap3A_1440, %swap3A_1441, %swap3A_1442] {strides = array<i32>} : memref<6x8x1024xf32, #tpu.memory_space<vmem>>, vector<16xf32>,
      tpu.vector_store %arg13[%swap3A_1440, %swap3A_1441, %swap3A_1442], %get3A_1437 {add = true, strides = array<i32>} : memref<6x8x1024xf32, #tpu.memory_space<vmem>>, vector<16xf32>,
      %get3A_1444 = arith.constant 3 : i32
      %get3A_1445 = arith.constant 7 : i32
      %get3A_1446 = arith.index_cast %get3A_1444 : i32 to index
      %get3A_1447 = arith.index_cast %get3A_1445 : i32 to index
      %get3A_1448 = arith.index_cast %mul3A_1361 : i32 to index
      %get3A_1449 = tpu.vector_load %arg14[%get3A_1446, %get3A_1447, %get3A_1448] {strides = array<i32>} : memref<4x8x1024xf32, #tpu.memory_space<vmem>>, vector<16xf32>,
      %swap3A_1450 = arith.constant 5 : i32
      %swap3A_1451 = arith.constant 7 : i32
      %swap3A_1452 = arith.index_cast %swap3A_1450 : i32 to index
      %swap3A_1453 = arith.index_cast %swap3A_1451 : i32 to index
      %swap3A_1454 = arith.index_cast %mul3A_1361 : i32 to index
      %swap3A_1455 = tpu.vector_load %arg13[%swap3A_1452, %swap3A_1453, %swap3A_1454] {strides = array<i32>} : memref<6x8x1024xf32, #tpu.memory_space<vmem>>, vector<16xf32>,
      tpu.vector_store %arg13[%swap3A_1452, %swap3A_1453, %swap3A_1454], %get3A_1449 {add = true, strides = array<i32>} : memref<6x8x1024xf32, #tpu.memory_space<vmem>>, vector<16xf32>,
      %scan3A_1456 = arith.constant 0 : i32
      scf.yield %scan3A_1456 : i32
    }
    %scan3A_1031 = arith.constant 64 : i32
    %add3A_1032 = arith.constant 88 : i32
    %add3A_1033 = arith.addi %mul3A_2, %add3A_1032 : i32
    %dma_start3A_1034 = arith.constant 5 : i32
    %dma_start3A_1035 = arith.constant 0 : i32
    %dma_start3A_1036 = arith.constant 0 : i32
    %dma_start3A_1037 = tpu.memref_slice %arg13[%dma_start3A_1034, %dma_start3A_1035, %dma_start3A_1036] : memref<6x8x1024xf32, #tpu.memory_space<vmem>> -> memref<1x8x1024xf32, #tpu.memory_space<vmem>>
    %dma_start3A_1038 = tpu.memref_squeeze %dma_start3A_1037 : memref<1x8x1024xf32, #tpu.memory_space<vmem>> -> memref<8x1024xf32, #tpu.memory_space<vmem>>
    %dma_start3A_1039 = arith.constant 0 : i32
    %dma_start3A_1040 = tpu.memref_slice %arg5[%add3A_1033, %dma_start3A_1039] : memref<4096x1024xf32, #tpu.memory_space<hbm>> -> memref<8x1024xf32, #tpu.memory_space<hbm>>
    %dma_start3A_1041 = arith.constant 0 : i32
    %dma_start3A_1042 = tpu.memref_slice %arg5[%add3A_1033, %dma_start3A_1041] : memref<4096x1024xf32, #tpu.memory_space<hbm>> -> memref<8x1024xf32, #tpu.memory_space<hbm>>
    %dma_start3A_1043 = arith.constant 0 : i32
    %dma_start3A_1044 = arith.constant 0 : i32
    %dma_start3A_1045 = tpu.memref_slice %arg13[%dma_start3A_1034, %dma_start3A_1043, %dma_start3A_1044] : memref<6x8x1024xf32, #tpu.memory_space<vmem>> -> memref<1x8x1024xf32, #tpu.memory_space<vmem>>
    %dma_start3A_1046 = tpu.memref_squeeze %dma_start3A_1045 : memref<1x8x1024xf32, #tpu.memory_space<vmem>> -> memref<8x1024xf32, #tpu.memory_space<vmem>>
    tpu.enqueue_dma source(%dma_start3A_1046 : memref<8x1024xf32, #tpu.memory_space<vmem>>) target(%dma_start3A_1042 : memref<8x1024xf32, #tpu.memory_space<hbm>>) target_semaphore(%arg19 : memref<!tpu.dma_semaphore, #tpu.memory_space<semaphore_mem>>)
    %add3A_1047 = arith.constant 112 : i32
    %add3A_1048 = arith.addi %mul3A_2, %add3A_1047 : i32
    %dma_start3A_1049 = arith.constant 2 : i32
    %dma_start3A_1050 = arith.constant 0 : i32
    %dma_start3A_1051 = arith.constant 0 : i32
    %dma_start3A_1052 = tpu.memref_slice %arg14[%dma_start3A_1049, %dma_start3A_1050, %dma_start3A_1051] : memref<4x8x1024xf32, #tpu.memory_space<vmem>> -> memref<1x8x1024xf32, #tpu.memory_space<vmem>>
    %dma_start3A_1053 = tpu.memref_squeeze %dma_start3A_1052 : memref<1x8x1024xf32, #tpu.memory_space<vmem>> -> memref<8x1024xf32, #tpu.memory_space<vmem>>
    %dma_start3A_1054 = arith.constant 0 : i32
    %dma_start3A_1055 = tpu.memref_slice %arg3[%add3A_1048, %dma_start3A_1054] : memref<4096x1024xf32, #tpu.memory_space<hbm>> -> memref<8x1024xf32, #tpu.memory_space<hbm>>
    %dma_start3A_1056 = arith.constant 0 : i32
    %dma_start3A_1057 = arith.constant 0 : i32
    %dma_start3A_1058 = tpu.memref_slice %arg14[%dma_start3A_1049, %dma_start3A_1056, %dma_start3A_1057] : memref<4x8x1024xf32, #tpu.memory_space<vmem>> -> memref<1x8x1024xf32, #tpu.memory_space<vmem>>
    %dma_start3A_1059 = tpu.memref_squeeze %dma_start3A_1058 : memref<1x8x1024xf32, #tpu.memory_space<vmem>> -> memref<8x1024xf32, #tpu.memory_space<vmem>>
    %dma_start3A_1060 = arith.constant 0 : i32
    %dma_start3A_1061 = tpu.memref_slice %arg3[%add3A_1048, %dma_start3A_1060] : memref<4096x1024xf32, #tpu.memory_space<hbm>> -> memref<8x1024xf32, #tpu.memory_space<hbm>>
    tpu.enqueue_dma source(%dma_start3A_1061 : memref<8x1024xf32, #tpu.memory_space<hbm>>) target(%dma_start3A_1059 : memref<8x1024xf32, #tpu.memory_space<vmem>>) target_semaphore(%arg18 : memref<!tpu.dma_semaphore, #tpu.memory_space<semaphore_mem>>)
    %dma_wait3A_1062 = arith.constant 3 : i32
    %dma_wait3A_1063 = arith.constant 0 : i32
    %dma_wait3A_1064 = arith.constant 0 : i32
    %dma_wait3A_1065 = tpu.memref_slice %arg13[%dma_wait3A_1062, %dma_wait3A_1063, %dma_wait3A_1064] : memref<6x8x1024xf32, #tpu.memory_space<vmem>> -> memref<1x8x1024xf32, #tpu.memory_space<vmem>>
    %dma_wait3A_1066 = tpu.memref_squeeze %dma_wait3A_1065 : memref<1x8x1024xf32, #tpu.memory_space<vmem>> -> memref<8x1024xf32, #tpu.memory_space<vmem>>
    %dma_wait3A_1067 = arith.constant 0 : i32
    %dma_wait3A_1068 = tpu.memref_slice %arg5[%add3A_867, %dma_wait3A_1067] : memref<4096x1024xf32, #tpu.memory_space<hbm>> -> memref<8x1024xf32, #tpu.memory_space<hbm>>
    %dma_wait3A_1069 = arith.constant 0 : i32
    %dma_wait3A_1070 = tpu.memref_slice %arg5[%add3A_867, %dma_wait3A_1069] : memref<4096x1024xf32, #tpu.memory_space<hbm>> -> memref<8x1024xf32, #tpu.memory_space<hbm>>
    %dma_wait3A_1071 = arith.constant 0 : i32
    %dma_wait3A_1072 = arith.constant 0 : i32
    %dma_wait3A_1073 = tpu.memref_slice %arg13[%dma_wait3A_1062, %dma_wait3A_1071, %dma_wait3A_1072] : memref<6x8x1024xf32, #tpu.memory_space<vmem>> -> memref<1x8x1024xf32, #tpu.memory_space<vmem>>
    %dma_wait3A_1074 = tpu.memref_squeeze %dma_wait3A_1073 : memref<1x8x1024xf32, #tpu.memory_space<vmem>> -> memref<8x1024xf32, #tpu.memory_space<vmem>>
    tpu.wait_dma2 semaphore(%arg19 : memref<!tpu.dma_semaphore, #tpu.memory_space<semaphore_mem>>) src(%dma_wait3A_1074 : memref<8x1024xf32, #tpu.memory_space<vmem>>) dst(%dma_wait3A_1070 : memref<8x1024xf32, #tpu.memory_space<hbm>>)
    %dma_start3A_1075 = arith.constant 3 : i32
    %dma_start3A_1076 = arith.constant 0 : i32
    %dma_start3A_1077 = arith.constant 0 : i32
    %dma_start3A_1078 = tpu.memref_slice %arg13[%dma_start3A_1075, %dma_start3A_1076, %dma_start3A_1077] : memref<6x8x1024xf32, #tpu.memory_space<vmem>> -> memref<1x8x1024xf32, #tpu.memory_space<vmem>>
    %dma_start3A_1079 = tpu.memref_squeeze %dma_start3A_1078 : memref<1x8x1024xf32, #tpu.memory_space<vmem>> -> memref<8x1024xf32, #tpu.memory_space<vmem>>
    %dma_start3A_1080 = arith.constant 120 : i32
    %dma_start3A_1081 = tpu.memref_slice %arg12[%dma_start3A_1080] : memref<128xi32, #tpu.memory_space<vmem>> -> memref<8xi32, #tpu.memory_space<vmem>>
    %dma_start3A_1082 = arith.constant 0 : i32
    %dma_start3A_1083 = arith.constant 0 : i32
    %dma_start3A_1084 = tpu.memref_slice %arg4[%dma_start3A_1082, %dma_start3A_1083] : memref<5000x1024xf32, #tpu.memory_space<hbm>> -> memref<5000x1024xf32, #tpu.memory_space<hbm>>
    tpu.enqueue_indirect_dma source(%dma_start3A_1084 : memref<5000x1024xf32, #tpu.memory_space<hbm>>) target(%dma_start3A_1079 : memref<8x1024xf32, #tpu.memory_space<vmem>>) offsets(%dma_start3A_1081 : memref<8xi32, #tpu.memory_space<vmem>>) semaphore(%arg17 : memref<!tpu.dma_semaphore, #tpu.memory_space<semaphore_mem>>)
    %dma_wait3A_1085 = arith.constant 0 : i32
    %dma_wait3A_1086 = arith.constant 0 : i32
    %dma_wait3A_1087 = arith.constant 0 : i32
    %dma_wait3A_1088 = tpu.memref_slice %arg13[%dma_wait3A_1085, %dma_wait3A_1086, %dma_wait3A_1087] : memref<6x8x1024xf32, #tpu.memory_space<vmem>> -> memref<1x8x1024xf32, #tpu.memory_space<vmem>>
    %dma_wait3A_1089 = tpu.memref_squeeze %dma_wait3A_1088 : memref<1x8x1024xf32, #tpu.memory_space<vmem>> -> memref<8x1024xf32, #tpu.memory_space<vmem>>
    %dma_wait3A_1090 = arith.constant 96 : i32
    %dma_wait3A_1091 = tpu.memref_slice %arg12[%dma_wait3A_1090] : memref<128xi32, #tpu.memory_space<vmem>> -> memref<8xi32, #tpu.memory_space<vmem>>
    %dma_wait3A_1092 = arith.constant 0 : i32
    %dma_wait3A_1093 = arith.constant 0 : i32
    %dma_wait3A_1094 = tpu.memref_slice %arg4[%dma_wait3A_1092, %dma_wait3A_1093] : memref<5000x1024xf32, #tpu.memory_space<hbm>> -> memref<5000x1024xf32, #tpu.memory_space<hbm>>
    tpu.wait_indirect_dma semaphore(%arg17 : memref<!tpu.dma_semaphore, #tpu.memory_space<semaphore_mem>>) src(%dma_wait3A_1094 : memref<5000x1024xf32, #tpu.memory_space<hbm>>) dst(%dma_wait3A_1089 : memref<8x1024xf32, #tpu.memory_space<vmem>>)
    %dma_wait3A_1095 = arith.constant 0 : i32
    %dma_wait3A_1096 = arith.constant 0 : i32
    %dma_wait3A_1097 = arith.constant 0 : i32
    %dma_wait3A_1098 = tpu.memref_slice %arg14[%dma_wait3A_1095, %dma_wait3A_1096, %dma_wait3A_1097] : memref<4x8x1024xf32, #tpu.memory_space<vmem>> -> memref<1x8x1024xf32, #tpu.memory_space<vmem>>
    %dma_wait3A_1099 = tpu.memref_squeeze %dma_wait3A_1098 : memref<1x8x1024xf32, #tpu.memory_space<vmem>> -> memref<8x1024xf32, #tpu.memory_space<vmem>>
    %dma_wait3A_1100 = arith.constant 0 : i32
    %dma_wait3A_1101 = tpu.memref_slice %arg3[%add3A_882, %dma_wait3A_1100] : memref<4096x1024xf32, #tpu.memory_space<hbm>> -> memref<8x1024xf32, #tpu.memory_space<hbm>>
    %dma_wait3A_1102 = arith.constant 0 : i32
    %dma_wait3A_1103 = arith.constant 0 : i32
    %dma_wait3A_1104 = tpu.memref_slice %arg14[%dma_wait3A_1095, %dma_wait3A_1102, %dma_wait3A_1103] : memref<4x8x1024xf32, #tpu.memory_space<vmem>> -> memref<1x8x1024xf32, #tpu.memory_space<vmem>>
    %dma_wait3A_1105 = tpu.memref_squeeze %dma_wait3A_1104 : memref<1x8x1024xf32, #tpu.memory_space<vmem>> -> memref<8x1024xf32, #tpu.memory_space<vmem>>
    %dma_wait3A_1106 = arith.constant 0 : i32
    %dma_wait3A_1107 = tpu.memref_slice %arg3[%add3A_882, %dma_wait3A_1106] : memref<4096x1024xf32, #tpu.memory_space<hbm>> -> memref<8x1024xf32, #tpu.memory_space<hbm>>
    tpu.wait_dma2 semaphore(%arg18 : memref<!tpu.dma_semaphore, #tpu.memory_space<semaphore_mem>>) src(%dma_wait3A_1107 : memref<8x1024xf32, #tpu.memory_space<hbm>>) dst(%dma_wait3A_1105 : memref<8x1024xf32, #tpu.memory_space<vmem>>)
    %scan3A_1108 = arith.constant 0 : i32
    %scan3A_1109 = arith.constant 0 : i32
    %scan3A_1110 = arith.constant 64 : i32
    %scan3A_1111 = arith.addi %scan3A_1109, %scan3A_1110 : i32
    %scan3A_1112 = arith.constant 1 : i32
    %scan3A_1113 = scf.for %scan3A_1358 = %scan3A_1109 to %scan3A_1111 step %scan3A_1112 iter_args(%scan3A_1359 = %scan3A_1108) -> (i32)  : i32 {
      %mul3A_1360 = arith.constant 16 : i32
      %mul3A_1361 = arith.muli %scan3A_1358, %mul3A_1360 : i32
      %get3A = arith.constant 0 : i32
      %get3A_1362 = arith.constant 0 : i32
      %get3A_1363 = arith.index_cast %get3A : i32 to index
      %get3A_1364 = arith.index_cast %get3A_1362 : i32 to index
      %get3A_1365 = arith.index_cast %mul3A_1361 : i32 to index
      %get3A_1366 = tpu.vector_load %arg14[%get3A_1363, %get3A_1364, %get3A_1365] {strides = array<i32>} : memref<4x8x1024xf32, #tpu.memory_space<vmem>>, vector<16xf32>,
      %swap3A = arith.constant 0 : i32
      %swap3A_1367 = arith.constant 0 : i32
      %swap3A_1368 = arith.index_cast %swap3A : i32 to index
      %swap3A_1369 = arith.index_cast %swap3A_1367 : i32 to index
      %swap3A_1370 = arith.index_cast %mul3A_1361 : i32 to index
      %swap3A_1371 = tpu.vector_load %arg13[%swap3A_1368, %swap3A_1369, %swap3A_1370] {strides = array<i32>} : memref<6x8x1024xf32, #tpu.memory_space<vmem>>, vector<16xf32>,
      tpu.vector_store %arg13[%swap3A_1368, %swap3A_1369, %swap3A_1370], %get3A_1366 {add = true, strides = array<i32>} : memref<6x8x1024xf32, #tpu.memory_space<vmem>>, vector<16xf32>,
      %get3A_1372 = arith.constant 0 : i32
      %get3A_1373 = arith.constant 1 : i32
      %get3A_1374 = arith.index_cast %get3A_1372 : i32 to index
      %get3A_1375 = arith.index_cast %get3A_1373 : i32 to index
      %get3A_1376 = arith.index_cast %mul3A_1361 : i32 to index
      %get3A_1377 = tpu.vector_load %arg14[%get3A_1374, %get3A_1375, %get3A_1376] {strides = array<i32>} : memref<4x8x1024xf32, #tpu.memory_space<vmem>>, vector<16xf32>,
      %swap3A_1378 = arith.constant 0 : i32
      %swap3A_1379 = arith.constant 1 : i32
      %swap3A_1380 = arith.index_cast %swap3A_1378 : i32 to index
      %swap3A_1381 = arith.index_cast %swap3A_1379 : i32 to index
      %swap3A_1382 = arith.index_cast %mul3A_1361 : i32 to index
      %swap3A_1383 = tpu.vector_load %arg13[%swap3A_1380, %swap3A_1381, %swap3A_1382] {strides = array<i32>} : memref<6x8x1024xf32, #tpu.memory_space<vmem>>, vector<16xf32>,
      tpu.vector_store %arg13[%swap3A_1380, %swap3A_1381, %swap3A_1382], %get3A_1377 {add = true, strides = array<i32>} : memref<6x8x1024xf32, #tpu.memory_space<vmem>>, vector<16xf32>,
      %get3A_1384 = arith.constant 0 : i32
      %get3A_1385 = arith.constant 2 : i32
      %get3A_1386 = arith.index_cast %get3A_1384 : i32 to index
      %get3A_1387 = arith.index_cast %get3A_1385 : i32 to index
      %get3A_1388 = arith.index_cast %mul3A_1361 : i32 to index
      %get3A_1389 = tpu.vector_load %arg14[%get3A_1386, %get3A_1387, %get3A_1388] {strides = array<i32>} : memref<4x8x1024xf32, #tpu.memory_space<vmem>>, vector<16xf32>,
      %swap3A_1390 = arith.constant 0 : i32
      %swap3A_1391 = arith.constant 2 : i32
      %swap3A_1392 = arith.index_cast %swap3A_1390 : i32 to index
      %swap3A_1393 = arith.index_cast %swap3A_1391 : i32 to index
      %swap3A_1394 = arith.index_cast %mul3A_1361 : i32 to index
      %swap3A_1395 = tpu.vector_load %arg13[%swap3A_1392, %swap3A_1393, %swap3A_1394] {strides = array<i32>} : memref<6x8x1024xf32, #tpu.memory_space<vmem>>, vector<16xf32>,
      tpu.vector_store %arg13[%swap3A_1392, %swap3A_1393, %swap3A_1394], %get3A_1389 {add = true, strides = array<i32>} : memref<6x8x1024xf32, #tpu.memory_space<vmem>>, vector<16xf32>,
      %get3A_1396 = arith.constant 0 : i32
      %get3A_1397 = arith.constant 3 : i32
      %get3A_1398 = arith.index_cast %get3A_1396 : i32 to index
      %get3A_1399 = arith.index_cast %get3A_1397 : i32 to index
      %get3A_1400 = arith.index_cast %mul3A_1361 : i32 to index
      %get3A_1401 = tpu.vector_load %arg14[%get3A_1398, %get3A_1399, %get3A_1400] {strides = array<i32>} : memref<4x8x1024xf32, #tpu.memory_space<vmem>>, vector<16xf32>,
      %swap3A_1402 = arith.constant 0 : i32
      %swap3A_1403 = arith.constant 3 : i32
      %swap3A_1404 = arith.index_cast %swap3A_1402 : i32 to index
      %swap3A_1405 = arith.index_cast %swap3A_1403 : i32 to index
      %swap3A_1406 = arith.index_cast %mul3A_1361 : i32 to index
      %swap3A_1407 = tpu.vector_load %arg13[%swap3A_1404, %swap3A_1405, %swap3A_1406] {strides = array<i32>} : memref<6x8x1024xf32, #tpu.memory_space<vmem>>, vector<16xf32>,
      tpu.vector_store %arg13[%swap3A_1404, %swap3A_1405, %swap3A_1406], %get3A_1401 {add = true, strides = array<i32>} : memref<6x8x1024xf32, #tpu.memory_space<vmem>>, vector<16xf32>,
      %get3A_1408 = arith.constant 0 : i32
      %get3A_1409 = arith.constant 4 : i32
      %get3A_1410 = arith.index_cast %get3A_1408 : i32 to index
      %get3A_1411 = arith.index_cast %get3A_1409 : i32 to index
      %get3A_1412 = arith.index_cast %mul3A_1361 : i32 to index
      %get3A_1413 = tpu.vector_load %arg14[%get3A_1410, %get3A_1411, %get3A_1412] {strides = array<i32>} : memref<4x8x1024xf32, #tpu.memory_space<vmem>>, vector<16xf32>,
      %swap3A_1414 = arith.constant 0 : i32
      %swap3A_1415 = arith.constant 4 : i32
      %swap3A_1416 = arith.index_cast %swap3A_1414 : i32 to index
      %swap3A_1417 = arith.index_cast %swap3A_1415 : i32 to index
      %swap3A_1418 = arith.index_cast %mul3A_1361 : i32 to index
      %swap3A_1419 = tpu.vector_load %arg13[%swap3A_1416, %swap3A_1417, %swap3A_1418] {strides = array<i32>} : memref<6x8x1024xf32, #tpu.memory_space<vmem>>, vector<16xf32>,
      tpu.vector_store %arg13[%swap3A_1416, %swap3A_1417, %swap3A_1418], %get3A_1413 {add = true, strides = array<i32>} : memref<6x8x1024xf32, #tpu.memory_space<vmem>>, vector<16xf32>,
      %get3A_1420 = arith.constant 0 : i32
      %get3A_1421 = arith.constant 5 : i32
      %get3A_1422 = arith.index_cast %get3A_1420 : i32 to index
      %get3A_1423 = arith.index_cast %get3A_1421 : i32 to index
      %get3A_1424 = arith.index_cast %mul3A_1361 : i32 to index
      %get3A_1425 = tpu.vector_load %arg14[%get3A_1422, %get3A_1423, %get3A_1424] {strides = array<i32>} : memref<4x8x1024xf32, #tpu.memory_space<vmem>>, vector<16xf32>,
      %swap3A_1426 = arith.constant 0 : i32
      %swap3A_1427 = arith.constant 5 : i32
      %swap3A_1428 = arith.index_cast %swap3A_1426 : i32 to index
      %swap3A_1429 = arith.index_cast %swap3A_1427 : i32 to index
      %swap3A_1430 = arith.index_cast %mul3A_1361 : i32 to index
      %swap3A_1431 = tpu.vector_load %arg13[%swap3A_1428, %swap3A_1429, %swap3A_1430] {strides = array<i32>} : memref<6x8x1024xf32, #tpu.memory_space<vmem>>, vector<16xf32>,
      tpu.vector_store %arg13[%swap3A_1428, %swap3A_1429, %swap3A_1430], %get3A_1425 {add = true, strides = array<i32>} : memref<6x8x1024xf32, #tpu.memory_space<vmem>>, vector<16xf32>,
      %get3A_1432 = arith.constant 0 : i32
      %get3A_1433 = arith.constant 6 : i32
      %get3A_1434 = arith.index_cast %get3A_1432 : i32 to index
      %get3A_1435 = arith.index_cast %get3A_1433 : i32 to index
      %get3A_1436 = arith.index_cast %mul3A_1361 : i32 to index
      %get3A_1437 = tpu.vector_load %arg14[%get3A_1434, %get3A_1435, %get3A_1436] {strides = array<i32>} : memref<4x8x1024xf32, #tpu.memory_space<vmem>>, vector<16xf32>,
      %swap3A_1438 = arith.constant 0 : i32
      %swap3A_1439 = arith.constant 6 : i32
      %swap3A_1440 = arith.index_cast %swap3A_1438 : i32 to index
      %swap3A_1441 = arith.index_cast %swap3A_1439 : i32 to index
      %swap3A_1442 = arith.index_cast %mul3A_1361 : i32 to index
      %swap3A_1443 = tpu.vector_load %arg13[%swap3A_1440, %swap3A_1441, %swap3A_1442] {strides = array<i32>} : memref<6x8x1024xf32, #tpu.memory_space<vmem>>, vector<16xf32>,
      tpu.vector_store %arg13[%swap3A_1440, %swap3A_1441, %swap3A_1442], %get3A_1437 {add = true, strides = array<i32>} : memref<6x8x1024xf32, #tpu.memory_space<vmem>>, vector<16xf32>,
      %get3A_1444 = arith.constant 0 : i32
      %get3A_1445 = arith.constant 7 : i32
      %get3A_1446 = arith.index_cast %get3A_1444 : i32 to index
      %get3A_1447 = arith.index_cast %get3A_1445 : i32 to index
      %get3A_1448 = arith.index_cast %mul3A_1361 : i32 to index
      %get3A_1449 = tpu.vector_load %arg14[%get3A_1446, %get3A_1447, %get3A_1448] {strides = array<i32>} : memref<4x8x1024xf32, #tpu.memory_space<vmem>>, vector<16xf32>,
      %swap3A_1450 = arith.constant 0 : i32
      %swap3A_1451 = arith.constant 7 : i32
      %swap3A_1452 = arith.index_cast %swap3A_1450 : i32 to index
      %swap3A_1453 = arith.index_cast %swap3A_1451 : i32 to index
      %swap3A_1454 = arith.index_cast %mul3A_1361 : i32 to index
      %swap3A_1455 = tpu.vector_load %arg13[%swap3A_1452, %swap3A_1453, %swap3A_1454] {strides = array<i32>} : memref<6x8x1024xf32, #tpu.memory_space<vmem>>, vector<16xf32>,
      tpu.vector_store %arg13[%swap3A_1452, %swap3A_1453, %swap3A_1454], %get3A_1449 {add = true, strides = array<i32>} : memref<6x8x1024xf32, #tpu.memory_space<vmem>>, vector<16xf32>,
      %scan3A_1456 = arith.constant 0 : i32
      scf.yield %scan3A_1456 : i32
    }
    %scan3A_1114 = arith.constant 64 : i32
    %add3A_1115 = arith.constant 96 : i32
    %add3A_1116 = arith.addi %mul3A_2, %add3A_1115 : i32
    %dma_start3A_1117 = arith.constant 0 : i32
    %dma_start3A_1118 = arith.constant 0 : i32
    %dma_start3A_1119 = arith.constant 0 : i32
    %dma_start3A_1120 = tpu.memref_slice %arg13[%dma_start3A_1117, %dma_start3A_1118, %dma_start3A_1119] : memref<6x8x1024xf32, #tpu.memory_space<vmem>> -> memref<1x8x1024xf32, #tpu.memory_space<vmem>>
    %dma_start3A_1121 = tpu.memref_squeeze %dma_start3A_1120 : memref<1x8x1024xf32, #tpu.memory_space<vmem>> -> memref<8x1024xf32, #tpu.memory_space<vmem>>
    %dma_start3A_1122 = arith.constant 0 : i32
    %dma_start3A_1123 = tpu.memref_slice %arg5[%add3A_1116, %dma_start3A_1122] : memref<4096x1024xf32, #tpu.memory_space<hbm>> -> memref<8x1024xf32, #tpu.memory_space<hbm>>
    %dma_start3A_1124 = arith.constant 0 : i32
    %dma_start3A_1125 = tpu.memref_slice %arg5[%add3A_1116, %dma_start3A_1124] : memref<4096x1024xf32, #tpu.memory_space<hbm>> -> memref<8x1024xf32, #tpu.memory_space<hbm>>
    %dma_start3A_1126 = arith.constant 0 : i32
    %dma_start3A_1127 = arith.constant 0 : i32
    %dma_start3A_1128 = tpu.memref_slice %arg13[%dma_start3A_1117, %dma_start3A_1126, %dma_start3A_1127] : memref<6x8x1024xf32, #tpu.memory_space<vmem>> -> memref<1x8x1024xf32, #tpu.memory_space<vmem>>
    %dma_start3A_1129 = tpu.memref_squeeze %dma_start3A_1128 : memref<1x8x1024xf32, #tpu.memory_space<vmem>> -> memref<8x1024xf32, #tpu.memory_space<vmem>>
    tpu.enqueue_dma source(%dma_start3A_1129 : memref<8x1024xf32, #tpu.memory_space<vmem>>) target(%dma_start3A_1125 : memref<8x1024xf32, #tpu.memory_space<hbm>>) target_semaphore(%arg19 : memref<!tpu.dma_semaphore, #tpu.memory_space<semaphore_mem>>)
    %add3A_1130 = arith.constant 120 : i32
    %add3A_1131 = arith.addi %mul3A_2, %add3A_1130 : i32
    %dma_start3A_1132 = arith.constant 3 : i32
    %dma_start3A_1133 = arith.constant 0 : i32
    %dma_start3A_1134 = arith.constant 0 : i32
    %dma_start3A_1135 = tpu.memref_slice %arg14[%dma_start3A_1132, %dma_start3A_1133, %dma_start3A_1134] : memref<4x8x1024xf32, #tpu.memory_space<vmem>> -> memref<1x8x1024xf32, #tpu.memory_space<vmem>>
    %dma_start3A_1136 = tpu.memref_squeeze %dma_start3A_1135 : memref<1x8x1024xf32, #tpu.memory_space<vmem>> -> memref<8x1024xf32, #tpu.memory_space<vmem>>
    %dma_start3A_1137 = arith.constant 0 : i32
    %dma_start3A_1138 = tpu.memref_slice %arg3[%add3A_1131, %dma_start3A_1137] : memref<4096x1024xf32, #tpu.memory_space<hbm>> -> memref<8x1024xf32, #tpu.memory_space<hbm>>
    %dma_start3A_1139 = arith.constant 0 : i32
    %dma_start3A_1140 = arith.constant 0 : i32
    %dma_start3A_1141 = tpu.memref_slice %arg14[%dma_start3A_1132, %dma_start3A_1139, %dma_start3A_1140] : memref<4x8x1024xf32, #tpu.memory_space<vmem>> -> memref<1x8x1024xf32, #tpu.memory_space<vmem>>
    %dma_start3A_1142 = tpu.memref_squeeze %dma_start3A_1141 : memref<1x8x1024xf32, #tpu.memory_space<vmem>> -> memref<8x1024xf32, #tpu.memory_space<vmem>>
    %dma_start3A_1143 = arith.constant 0 : i32
    %dma_start3A_1144 = tpu.memref_slice %arg3[%add3A_1131, %dma_start3A_1143] : memref<4096x1024xf32, #tpu.memory_space<hbm>> -> memref<8x1024xf32, #tpu.memory_space<hbm>>
    tpu.enqueue_dma source(%dma_start3A_1144 : memref<8x1024xf32, #tpu.memory_space<hbm>>) target(%dma_start3A_1142 : memref<8x1024xf32, #tpu.memory_space<vmem>>) target_semaphore(%arg18 : memref<!tpu.dma_semaphore, #tpu.memory_space<semaphore_mem>>)
    %dma_wait3A_1145 = arith.constant 1 : i32
    %dma_wait3A_1146 = arith.constant 0 : i32
    %dma_wait3A_1147 = arith.constant 0 : i32
    %dma_wait3A_1148 = tpu.memref_slice %arg13[%dma_wait3A_1145, %dma_wait3A_1146, %dma_wait3A_1147] : memref<6x8x1024xf32, #tpu.memory_space<vmem>> -> memref<1x8x1024xf32, #tpu.memory_space<vmem>>
    %dma_wait3A_1149 = tpu.memref_squeeze %dma_wait3A_1148 : memref<1x8x1024xf32, #tpu.memory_space<vmem>> -> memref<8x1024xf32, #tpu.memory_space<vmem>>
    %dma_wait3A_1150 = arith.constant 104 : i32
    %dma_wait3A_1151 = tpu.memref_slice %arg12[%dma_wait3A_1150] : memref<128xi32, #tpu.memory_space<vmem>> -> memref<8xi32, #tpu.memory_space<vmem>>
    %dma_wait3A_1152 = arith.constant 0 : i32
    %dma_wait3A_1153 = arith.constant 0 : i32
    %dma_wait3A_1154 = tpu.memref_slice %arg4[%dma_wait3A_1152, %dma_wait3A_1153] : memref<5000x1024xf32, #tpu.memory_space<hbm>> -> memref<5000x1024xf32, #tpu.memory_space<hbm>>
    tpu.wait_indirect_dma semaphore(%arg17 : memref<!tpu.dma_semaphore, #tpu.memory_space<semaphore_mem>>) src(%dma_wait3A_1154 : memref<5000x1024xf32, #tpu.memory_space<hbm>>) dst(%dma_wait3A_1149 : memref<8x1024xf32, #tpu.memory_space<vmem>>)
    %dma_wait3A_1155 = arith.constant 1 : i32
    %dma_wait3A_1156 = arith.constant 0 : i32
    %dma_wait3A_1157 = arith.constant 0 : i32
    %dma_wait3A_1158 = tpu.memref_slice %arg14[%dma_wait3A_1155, %dma_wait3A_1156, %dma_wait3A_1157] : memref<4x8x1024xf32, #tpu.memory_space<vmem>> -> memref<1x8x1024xf32, #tpu.memory_space<vmem>>
    %dma_wait3A_1159 = tpu.memref_squeeze %dma_wait3A_1158 : memref<1x8x1024xf32, #tpu.memory_space<vmem>> -> memref<8x1024xf32, #tpu.memory_space<vmem>>
    %dma_wait3A_1160 = arith.constant 0 : i32
    %dma_wait3A_1161 = tpu.memref_slice %arg3[%add3A_965, %dma_wait3A_1160] : memref<4096x1024xf32, #tpu.memory_space<hbm>> -> memref<8x1024xf32, #tpu.memory_space<hbm>>
    %dma_wait3A_1162 = arith.constant 0 : i32
    %dma_wait3A_1163 = arith.constant 0 : i32
    %dma_wait3A_1164 = tpu.memref_slice %arg14[%dma_wait3A_1155, %dma_wait3A_1162, %dma_wait3A_1163] : memref<4x8x1024xf32, #tpu.memory_space<vmem>> -> memref<1x8x1024xf32, #tpu.memory_space<vmem>>
    %dma_wait3A_1165 = tpu.memref_squeeze %dma_wait3A_1164 : memref<1x8x1024xf32, #tpu.memory_space<vmem>> -> memref<8x1024xf32, #tpu.memory_space<vmem>>
    %dma_wait3A_1166 = arith.constant 0 : i32
    %dma_wait3A_1167 = tpu.memref_slice %arg3[%add3A_965, %dma_wait3A_1166] : memref<4096x1024xf32, #tpu.memory_space<hbm>> -> memref<8x1024xf32, #tpu.memory_space<hbm>>
    tpu.wait_dma2 semaphore(%arg18 : memref<!tpu.dma_semaphore, #tpu.memory_space<semaphore_mem>>) src(%dma_wait3A_1167 : memref<8x1024xf32, #tpu.memory_space<hbm>>) dst(%dma_wait3A_1165 : memref<8x1024xf32, #tpu.memory_space<vmem>>)
    %scan3A_1168 = arith.constant 0 : i32
    %scan3A_1169 = arith.constant 0 : i32
    %scan3A_1170 = arith.constant 64 : i32
    %scan3A_1171 = arith.addi %scan3A_1169, %scan3A_1170 : i32
    %scan3A_1172 = arith.constant 1 : i32
    %scan3A_1173 = scf.for %scan3A_1358 = %scan3A_1169 to %scan3A_1171 step %scan3A_1172 iter_args(%scan3A_1359 = %scan3A_1168) -> (i32)  : i32 {
      %mul3A_1360 = arith.constant 16 : i32
      %mul3A_1361 = arith.muli %scan3A_1358, %mul3A_1360 : i32
      %get3A = arith.constant 1 : i32
      %get3A_1362 = arith.constant 0 : i32
      %get3A_1363 = arith.index_cast %get3A : i32 to index
      %get3A_1364 = arith.index_cast %get3A_1362 : i32 to index
      %get3A_1365 = arith.index_cast %mul3A_1361 : i32 to index
      %get3A_1366 = tpu.vector_load %arg14[%get3A_1363, %get3A_1364, %get3A_1365] {strides = array<i32>} : memref<4x8x1024xf32, #tpu.memory_space<vmem>>, vector<16xf32>,
      %swap3A = arith.constant 1 : i32
      %swap3A_1367 = arith.constant 0 : i32
      %swap3A_1368 = arith.index_cast %swap3A : i32 to index
      %swap3A_1369 = arith.index_cast %swap3A_1367 : i32 to index
      %swap3A_1370 = arith.index_cast %mul3A_1361 : i32 to index
      %swap3A_1371 = tpu.vector_load %arg13[%swap3A_1368, %swap3A_1369, %swap3A_1370] {strides = array<i32>} : memref<6x8x1024xf32, #tpu.memory_space<vmem>>, vector<16xf32>,
      tpu.vector_store %arg13[%swap3A_1368, %swap3A_1369, %swap3A_1370], %get3A_1366 {add = true, strides = array<i32>} : memref<6x8x1024xf32, #tpu.memory_space<vmem>>, vector<16xf32>,
      %get3A_1372 = arith.constant 1 : i32
      %get3A_1373 = arith.constant 1 : i32
      %get3A_1374 = arith.index_cast %get3A_1372 : i32 to index
      %get3A_1375 = arith.index_cast %get3A_1373 : i32 to index
      %get3A_1376 = arith.index_cast %mul3A_1361 : i32 to index
      %get3A_1377 = tpu.vector_load %arg14[%get3A_1374, %get3A_1375, %get3A_1376] {strides = array<i32>} : memref<4x8x1024xf32, #tpu.memory_space<vmem>>, vector<16xf32>,
      %swap3A_1378 = arith.constant 1 : i32
      %swap3A_1379 = arith.constant 1 : i32
      %swap3A_1380 = arith.index_cast %swap3A_1378 : i32 to index
      %swap3A_1381 = arith.index_cast %swap3A_1379 : i32 to index
      %swap3A_1382 = arith.index_cast %mul3A_1361 : i32 to index
      %swap3A_1383 = tpu.vector_load %arg13[%swap3A_1380, %swap3A_1381, %swap3A_1382] {strides = array<i32>} : memref<6x8x1024xf32, #tpu.memory_space<vmem>>, vector<16xf32>,
      tpu.vector_store %arg13[%swap3A_1380, %swap3A_1381, %swap3A_1382], %get3A_1377 {add = true, strides = array<i32>} : memref<6x8x1024xf32, #tpu.memory_space<vmem>>, vector<16xf32>,
      %get3A_1384 = arith.constant 1 : i32
      %get3A_1385 = arith.constant 2 : i32
      %get3A_1386 = arith.index_cast %get3A_1384 : i32 to index
      %get3A_1387 = arith.index_cast %get3A_1385 : i32 to index
      %get3A_1388 = arith.index_cast %mul3A_1361 : i32 to index
      %get3A_1389 = tpu.vector_load %arg14[%get3A_1386, %get3A_1387, %get3A_1388] {strides = array<i32>} : memref<4x8x1024xf32, #tpu.memory_space<vmem>>, vector<16xf32>,
      %swap3A_1390 = arith.constant 1 : i32
      %swap3A_1391 = arith.constant 2 : i32
      %swap3A_1392 = arith.index_cast %swap3A_1390 : i32 to index
      %swap3A_1393 = arith.index_cast %swap3A_1391 : i32 to index
      %swap3A_1394 = arith.index_cast %mul3A_1361 : i32 to index
      %swap3A_1395 = tpu.vector_load %arg13[%swap3A_1392, %swap3A_1393, %swap3A_1394] {strides = array<i32>} : memref<6x8x1024xf32, #tpu.memory_space<vmem>>, vector<16xf32>,
      tpu.vector_store %arg13[%swap3A_1392, %swap3A_1393, %swap3A_1394], %get3A_1389 {add = true, strides = array<i32>} : memref<6x8x1024xf32, #tpu.memory_space<vmem>>, vector<16xf32>,
      %get3A_1396 = arith.constant 1 : i32
      %get3A_1397 = arith.constant 3 : i32
      %get3A_1398 = arith.index_cast %get3A_1396 : i32 to index
      %get3A_1399 = arith.index_cast %get3A_1397 : i32 to index
      %get3A_1400 = arith.index_cast %mul3A_1361 : i32 to index
      %get3A_1401 = tpu.vector_load %arg14[%get3A_1398, %get3A_1399, %get3A_1400] {strides = array<i32>} : memref<4x8x1024xf32, #tpu.memory_space<vmem>>, vector<16xf32>,
      %swap3A_1402 = arith.constant 1 : i32
      %swap3A_1403 = arith.constant 3 : i32
      %swap3A_1404 = arith.index_cast %swap3A_1402 : i32 to index
      %swap3A_1405 = arith.index_cast %swap3A_1403 : i32 to index
      %swap3A_1406 = arith.index_cast %mul3A_1361 : i32 to index
      %swap3A_1407 = tpu.vector_load %arg13[%swap3A_1404, %swap3A_1405, %swap3A_1406] {strides = array<i32>} : memref<6x8x1024xf32, #tpu.memory_space<vmem>>, vector<16xf32>,
      tpu.vector_store %arg13[%swap3A_1404, %swap3A_1405, %swap3A_1406], %get3A_1401 {add = true, strides = array<i32>} : memref<6x8x1024xf32, #tpu.memory_space<vmem>>, vector<16xf32>,
      %get3A_1408 = arith.constant 1 : i32
      %get3A_1409 = arith.constant 4 : i32
      %get3A_1410 = arith.index_cast %get3A_1408 : i32 to index
      %get3A_1411 = arith.index_cast %get3A_1409 : i32 to index
      %get3A_1412 = arith.index_cast %mul3A_1361 : i32 to index
      %get3A_1413 = tpu.vector_load %arg14[%get3A_1410, %get3A_1411, %get3A_1412] {strides = array<i32>} : memref<4x8x1024xf32, #tpu.memory_space<vmem>>, vector<16xf32>,
      %swap3A_1414 = arith.constant 1 : i32
      %swap3A_1415 = arith.constant 4 : i32
      %swap3A_1416 = arith.index_cast %swap3A_1414 : i32 to index
      %swap3A_1417 = arith.index_cast %swap3A_1415 : i32 to index
      %swap3A_1418 = arith.index_cast %mul3A_1361 : i32 to index
      %swap3A_1419 = tpu.vector_load %arg13[%swap3A_1416, %swap3A_1417, %swap3A_1418] {strides = array<i32>} : memref<6x8x1024xf32, #tpu.memory_space<vmem>>, vector<16xf32>,
      tpu.vector_store %arg13[%swap3A_1416, %swap3A_1417, %swap3A_1418], %get3A_1413 {add = true, strides = array<i32>} : memref<6x8x1024xf32, #tpu.memory_space<vmem>>, vector<16xf32>,
      %get3A_1420 = arith.constant 1 : i32
      %get3A_1421 = arith.constant 5 : i32
      %get3A_1422 = arith.index_cast %get3A_1420 : i32 to index
      %get3A_1423 = arith.index_cast %get3A_1421 : i32 to index
      %get3A_1424 = arith.index_cast %mul3A_1361 : i32 to index
      %get3A_1425 = tpu.vector_load %arg14[%get3A_1422, %get3A_1423, %get3A_1424] {strides = array<i32>} : memref<4x8x1024xf32, #tpu.memory_space<vmem>>, vector<16xf32>,
      %swap3A_1426 = arith.constant 1 : i32
      %swap3A_1427 = arith.constant 5 : i32
      %swap3A_1428 = arith.index_cast %swap3A_1426 : i32 to index
      %swap3A_1429 = arith.index_cast %swap3A_1427 : i32 to index
      %swap3A_1430 = arith.index_cast %mul3A_1361 : i32 to index
      %swap3A_1431 = tpu.vector_load %arg13[%swap3A_1428, %swap3A_1429, %swap3A_1430] {strides = array<i32>} : memref<6x8x1024xf32, #tpu.memory_space<vmem>>, vector<16xf32>,
      tpu.vector_store %arg13[%swap3A_1428, %swap3A_1429, %swap3A_1430], %get3A_1425 {add = true, strides = array<i32>} : memref<6x8x1024xf32, #tpu.memory_space<vmem>>, vector<16xf32>,
      %get3A_1432 = arith.constant 1 : i32
      %get3A_1433 = arith.constant 6 : i32
      %get3A_1434 = arith.index_cast %get3A_1432 : i32 to index
      %get3A_1435 = arith.index_cast %get3A_1433 : i32 to index
      %get3A_1436 = arith.index_cast %mul3A_1361 : i32 to index
      %get3A_1437 = tpu.vector_load %arg14[%get3A_1434, %get3A_1435, %get3A_1436] {strides = array<i32>} : memref<4x8x1024xf32, #tpu.memory_space<vmem>>, vector<16xf32>,
      %swap3A_1438 = arith.constant 1 : i32
      %swap3A_1439 = arith.constant 6 : i32
      %swap3A_1440 = arith.index_cast %swap3A_1438 : i32 to index
      %swap3A_1441 = arith.index_cast %swap3A_1439 : i32 to index
      %swap3A_1442 = arith.index_cast %mul3A_1361 : i32 to index
      %swap3A_1443 = tpu.vector_load %arg13[%swap3A_1440, %swap3A_1441, %swap3A_1442] {strides = array<i32>} : memref<6x8x1024xf32, #tpu.memory_space<vmem>>, vector<16xf32>,
      tpu.vector_store %arg13[%swap3A_1440, %swap3A_1441, %swap3A_1442], %get3A_1437 {add = true, strides = array<i32>} : memref<6x8x1024xf32, #tpu.memory_space<vmem>>, vector<16xf32>,
      %get3A_1444 = arith.constant 1 : i32
      %get3A_1445 = arith.constant 7 : i32
      %get3A_1446 = arith.index_cast %get3A_1444 : i32 to index
      %get3A_1447 = arith.index_cast %get3A_1445 : i32 to index
      %get3A_1448 = arith.index_cast %mul3A_1361 : i32 to index
      %get3A_1449 = tpu.vector_load %arg14[%get3A_1446, %get3A_1447, %get3A_1448] {strides = array<i32>} : memref<4x8x1024xf32, #tpu.memory_space<vmem>>, vector<16xf32>,
      %swap3A_1450 = arith.constant 1 : i32
      %swap3A_1451 = arith.constant 7 : i32
      %swap3A_1452 = arith.index_cast %swap3A_1450 : i32 to index
      %swap3A_1453 = arith.index_cast %swap3A_1451 : i32 to index
      %swap3A_1454 = arith.index_cast %mul3A_1361 : i32 to index
      %swap3A_1455 = tpu.vector_load %arg13[%swap3A_1452, %swap3A_1453, %swap3A_1454] {strides = array<i32>} : memref<6x8x1024xf32, #tpu.memory_space<vmem>>, vector<16xf32>,
      tpu.vector_store %arg13[%swap3A_1452, %swap3A_1453, %swap3A_1454], %get3A_1449 {add = true, strides = array<i32>} : memref<6x8x1024xf32, #tpu.memory_space<vmem>>, vector<16xf32>,
      %scan3A_1456 = arith.constant 0 : i32
      scf.yield %scan3A_1456 : i32
    }
    %scan3A_1174 = arith.constant 64 : i32
    %add3A_1175 = arith.constant 104 : i32
    %add3A_1176 = arith.addi %mul3A_2, %add3A_1175 : i32
    %dma_start3A_1177 = arith.constant 1 : i32
    %dma_start3A_1178 = arith.constant 0 : i32
    %dma_start3A_1179 = arith.constant 0 : i32
    %dma_start3A_1180 = tpu.memref_slice %arg13[%dma_start3A_1177, %dma_start3A_1178, %dma_start3A_1179] : memref<6x8x1024xf32, #tpu.memory_space<vmem>> -> memref<1x8x1024xf32, #tpu.memory_space<vmem>>
    %dma_start3A_1181 = tpu.memref_squeeze %dma_start3A_1180 : memref<1x8x1024xf32, #tpu.memory_space<vmem>> -> memref<8x1024xf32, #tpu.memory_space<vmem>>
    %dma_start3A_1182 = arith.constant 0 : i32
    %dma_start3A_1183 = tpu.memref_slice %arg5[%add3A_1176, %dma_start3A_1182] : memref<4096x1024xf32, #tpu.memory_space<hbm>> -> memref<8x1024xf32, #tpu.memory_space<hbm>>
    %dma_start3A_1184 = arith.constant 0 : i32
    %dma_start3A_1185 = tpu.memref_slice %arg5[%add3A_1176, %dma_start3A_1184] : memref<4096x1024xf32, #tpu.memory_space<hbm>> -> memref<8x1024xf32, #tpu.memory_space<hbm>>
    %dma_start3A_1186 = arith.constant 0 : i32
    %dma_start3A_1187 = arith.constant 0 : i32
    %dma_start3A_1188 = tpu.memref_slice %arg13[%dma_start3A_1177, %dma_start3A_1186, %dma_start3A_1187] : memref<6x8x1024xf32, #tpu.memory_space<vmem>> -> memref<1x8x1024xf32, #tpu.memory_space<vmem>>
    %dma_start3A_1189 = tpu.memref_squeeze %dma_start3A_1188 : memref<1x8x1024xf32, #tpu.memory_space<vmem>> -> memref<8x1024xf32, #tpu.memory_space<vmem>>
    tpu.enqueue_dma source(%dma_start3A_1189 : memref<8x1024xf32, #tpu.memory_space<vmem>>) target(%dma_start3A_1185 : memref<8x1024xf32, #tpu.memory_space<hbm>>) target_semaphore(%arg19 : memref<!tpu.dma_semaphore, #tpu.memory_space<semaphore_mem>>)
    %dma_wait3A_1190 = arith.constant 2 : i32
    %dma_wait3A_1191 = arith.constant 0 : i32
    %dma_wait3A_1192 = arith.constant 0 : i32
    %dma_wait3A_1193 = tpu.memref_slice %arg13[%dma_wait3A_1190, %dma_wait3A_1191, %dma_wait3A_1192] : memref<6x8x1024xf32, #tpu.memory_space<vmem>> -> memref<1x8x1024xf32, #tpu.memory_space<vmem>>
    %dma_wait3A_1194 = tpu.memref_squeeze %dma_wait3A_1193 : memref<1x8x1024xf32, #tpu.memory_space<vmem>> -> memref<8x1024xf32, #tpu.memory_space<vmem>>
    %dma_wait3A_1195 = arith.constant 112 : i32
    %dma_wait3A_1196 = tpu.memref_slice %arg12[%dma_wait3A_1195] : memref<128xi32, #tpu.memory_space<vmem>> -> memref<8xi32, #tpu.memory_space<vmem>>
    %dma_wait3A_1197 = arith.constant 0 : i32
    %dma_wait3A_1198 = arith.constant 0 : i32
    %dma_wait3A_1199 = tpu.memref_slice %arg4[%dma_wait3A_1197, %dma_wait3A_1198] : memref<5000x1024xf32, #tpu.memory_space<hbm>> -> memref<5000x1024xf32, #tpu.memory_space<hbm>>
    tpu.wait_indirect_dma semaphore(%arg17 : memref<!tpu.dma_semaphore, #tpu.memory_space<semaphore_mem>>) src(%dma_wait3A_1199 : memref<5000x1024xf32, #tpu.memory_space<hbm>>) dst(%dma_wait3A_1194 : memref<8x1024xf32, #tpu.memory_space<vmem>>)
    %dma_wait3A_1200 = arith.constant 2 : i32
    %dma_wait3A_1201 = arith.constant 0 : i32
    %dma_wait3A_1202 = arith.constant 0 : i32
    %dma_wait3A_1203 = tpu.memref_slice %arg14[%dma_wait3A_1200, %dma_wait3A_1201, %dma_wait3A_1202] : memref<4x8x1024xf32, #tpu.memory_space<vmem>> -> memref<1x8x1024xf32, #tpu.memory_space<vmem>>
    %dma_wait3A_1204 = tpu.memref_squeeze %dma_wait3A_1203 : memref<1x8x1024xf32, #tpu.memory_space<vmem>> -> memref<8x1024xf32, #tpu.memory_space<vmem>>
    %dma_wait3A_1205 = arith.constant 0 : i32
    %dma_wait3A_1206 = tpu.memref_slice %arg3[%add3A_1048, %dma_wait3A_1205] : memref<4096x1024xf32, #tpu.memory_space<hbm>> -> memref<8x1024xf32, #tpu.memory_space<hbm>>
    %dma_wait3A_1207 = arith.constant 0 : i32
    %dma_wait3A_1208 = arith.constant 0 : i32
    %dma_wait3A_1209 = tpu.memref_slice %arg14[%dma_wait3A_1200, %dma_wait3A_1207, %dma_wait3A_1208] : memref<4x8x1024xf32, #tpu.memory_space<vmem>> -> memref<1x8x1024xf32, #tpu.memory_space<vmem>>
    %dma_wait3A_1210 = tpu.memref_squeeze %dma_wait3A_1209 : memref<1x8x1024xf32, #tpu.memory_space<vmem>> -> memref<8x1024xf32, #tpu.memory_space<vmem>>
    %dma_wait3A_1211 = arith.constant 0 : i32
    %dma_wait3A_1212 = tpu.memref_slice %arg3[%add3A_1048, %dma_wait3A_1211] : memref<4096x1024xf32, #tpu.memory_space<hbm>> -> memref<8x1024xf32, #tpu.memory_space<hbm>>
    tpu.wait_dma2 semaphore(%arg18 : memref<!tpu.dma_semaphore, #tpu.memory_space<semaphore_mem>>) src(%dma_wait3A_1212 : memref<8x1024xf32, #tpu.memory_space<hbm>>) dst(%dma_wait3A_1210 : memref<8x1024xf32, #tpu.memory_space<vmem>>)
    %scan3A_1213 = arith.constant 0 : i32
    %scan3A_1214 = arith.constant 0 : i32
    %scan3A_1215 = arith.constant 64 : i32
    %scan3A_1216 = arith.addi %scan3A_1214, %scan3A_1215 : i32
    %scan3A_1217 = arith.constant 1 : i32
    %scan3A_1218 = scf.for %scan3A_1358 = %scan3A_1214 to %scan3A_1216 step %scan3A_1217 iter_args(%scan3A_1359 = %scan3A_1213) -> (i32)  : i32 {
      %mul3A_1360 = arith.constant 16 : i32
      %mul3A_1361 = arith.muli %scan3A_1358, %mul3A_1360 : i32
      %get3A = arith.constant 2 : i32
      %get3A_1362 = arith.constant 0 : i32
      %get3A_1363 = arith.index_cast %get3A : i32 to index
      %get3A_1364 = arith.index_cast %get3A_1362 : i32 to index
      %get3A_1365 = arith.index_cast %mul3A_1361 : i32 to index
      %get3A_1366 = tpu.vector_load %arg14[%get3A_1363, %get3A_1364, %get3A_1365] {strides = array<i32>} : memref<4x8x1024xf32, #tpu.memory_space<vmem>>, vector<16xf32>,
      %swap3A = arith.constant 2 : i32
      %swap3A_1367 = arith.constant 0 : i32
      %swap3A_1368 = arith.index_cast %swap3A : i32 to index
      %swap3A_1369 = arith.index_cast %swap3A_1367 : i32 to index
      %swap3A_1370 = arith.index_cast %mul3A_1361 : i32 to index
      %swap3A_1371 = tpu.vector_load %arg13[%swap3A_1368, %swap3A_1369, %swap3A_1370] {strides = array<i32>} : memref<6x8x1024xf32, #tpu.memory_space<vmem>>, vector<16xf32>,
      tpu.vector_store %arg13[%swap3A_1368, %swap3A_1369, %swap3A_1370], %get3A_1366 {add = true, strides = array<i32>} : memref<6x8x1024xf32, #tpu.memory_space<vmem>>, vector<16xf32>,
      %get3A_1372 = arith.constant 2 : i32
      %get3A_1373 = arith.constant 1 : i32
      %get3A_1374 = arith.index_cast %get3A_1372 : i32 to index
      %get3A_1375 = arith.index_cast %get3A_1373 : i32 to index
      %get3A_1376 = arith.index_cast %mul3A_1361 : i32 to index
      %get3A_1377 = tpu.vector_load %arg14[%get3A_1374, %get3A_1375, %get3A_1376] {strides = array<i32>} : memref<4x8x1024xf32, #tpu.memory_space<vmem>>, vector<16xf32>,
      %swap3A_1378 = arith.constant 2 : i32
      %swap3A_1379 = arith.constant 1 : i32
      %swap3A_1380 = arith.index_cast %swap3A_1378 : i32 to index
      %swap3A_1381 = arith.index_cast %swap3A_1379 : i32 to index
      %swap3A_1382 = arith.index_cast %mul3A_1361 : i32 to index
      %swap3A_1383 = tpu.vector_load %arg13[%swap3A_1380, %swap3A_1381, %swap3A_1382] {strides = array<i32>} : memref<6x8x1024xf32, #tpu.memory_space<vmem>>, vector<16xf32>,
      tpu.vector_store %arg13[%swap3A_1380, %swap3A_1381, %swap3A_1382], %get3A_1377 {add = true, strides = array<i32>} : memref<6x8x1024xf32, #tpu.memory_space<vmem>>, vector<16xf32>,
      %get3A_1384 = arith.constant 2 : i32
      %get3A_1385 = arith.constant 2 : i32
      %get3A_1386 = arith.index_cast %get3A_1384 : i32 to index
      %get3A_1387 = arith.index_cast %get3A_1385 : i32 to index
      %get3A_1388 = arith.index_cast %mul3A_1361 : i32 to index
      %get3A_1389 = tpu.vector_load %arg14[%get3A_1386, %get3A_1387, %get3A_1388] {strides = array<i32>} : memref<4x8x1024xf32, #tpu.memory_space<vmem>>, vector<16xf32>,
      %swap3A_1390 = arith.constant 2 : i32
      %swap3A_1391 = arith.constant 2 : i32
      %swap3A_1392 = arith.index_cast %swap3A_1390 : i32 to index
      %swap3A_1393 = arith.index_cast %swap3A_1391 : i32 to index
      %swap3A_1394 = arith.index_cast %mul3A_1361 : i32 to index
      %swap3A_1395 = tpu.vector_load %arg13[%swap3A_1392, %swap3A_1393, %swap3A_1394] {strides = array<i32>} : memref<6x8x1024xf32, #tpu.memory_space<vmem>>, vector<16xf32>,
      tpu.vector_store %arg13[%swap3A_1392, %swap3A_1393, %swap3A_1394], %get3A_1389 {add = true, strides = array<i32>} : memref<6x8x1024xf32, #tpu.memory_space<vmem>>, vector<16xf32>,
      %get3A_1396 = arith.constant 2 : i32
      %get3A_1397 = arith.constant 3 : i32
      %get3A_1398 = arith.index_cast %get3A_1396 : i32 to index
      %get3A_1399 = arith.index_cast %get3A_1397 : i32 to index
      %get3A_1400 = arith.index_cast %mul3A_1361 : i32 to index
      %get3A_1401 = tpu.vector_load %arg14[%get3A_1398, %get3A_1399, %get3A_1400] {strides = array<i32>} : memref<4x8x1024xf32, #tpu.memory_space<vmem>>, vector<16xf32>,
      %swap3A_1402 = arith.constant 2 : i32
      %swap3A_1403 = arith.constant 3 : i32
      %swap3A_1404 = arith.index_cast %swap3A_1402 : i32 to index
      %swap3A_1405 = arith.index_cast %swap3A_1403 : i32 to index
      %swap3A_1406 = arith.index_cast %mul3A_1361 : i32 to index
      %swap3A_1407 = tpu.vector_load %arg13[%swap3A_1404, %swap3A_1405, %swap3A_1406] {strides = array<i32>} : memref<6x8x1024xf32, #tpu.memory_space<vmem>>, vector<16xf32>,
      tpu.vector_store %arg13[%swap3A_1404, %swap3A_1405, %swap3A_1406], %get3A_1401 {add = true, strides = array<i32>} : memref<6x8x1024xf32, #tpu.memory_space<vmem>>, vector<16xf32>,
      %get3A_1408 = arith.constant 2 : i32
      %get3A_1409 = arith.constant 4 : i32
      %get3A_1410 = arith.index_cast %get3A_1408 : i32 to index
      %get3A_1411 = arith.index_cast %get3A_1409 : i32 to index
      %get3A_1412 = arith.index_cast %mul3A_1361 : i32 to index
      %get3A_1413 = tpu.vector_load %arg14[%get3A_1410, %get3A_1411, %get3A_1412] {strides = array<i32>} : memref<4x8x1024xf32, #tpu.memory_space<vmem>>, vector<16xf32>,
      %swap3A_1414 = arith.constant 2 : i32
      %swap3A_1415 = arith.constant 4 : i32
      %swap3A_1416 = arith.index_cast %swap3A_1414 : i32 to index
      %swap3A_1417 = arith.index_cast %swap3A_1415 : i32 to index
      %swap3A_1418 = arith.index_cast %mul3A_1361 : i32 to index
      %swap3A_1419 = tpu.vector_load %arg13[%swap3A_1416, %swap3A_1417, %swap3A_1418] {strides = array<i32>} : memref<6x8x1024xf32, #tpu.memory_space<vmem>>, vector<16xf32>,
      tpu.vector_store %arg13[%swap3A_1416, %swap3A_1417, %swap3A_1418], %get3A_1413 {add = true, strides = array<i32>} : memref<6x8x1024xf32, #tpu.memory_space<vmem>>, vector<16xf32>,
      %get3A_1420 = arith.constant 2 : i32
      %get3A_1421 = arith.constant 5 : i32
      %get3A_1422 = arith.index_cast %get3A_1420 : i32 to index
      %get3A_1423 = arith.index_cast %get3A_1421 : i32 to index
      %get3A_1424 = arith.index_cast %mul3A_1361 : i32 to index
      %get3A_1425 = tpu.vector_load %arg14[%get3A_1422, %get3A_1423, %get3A_1424] {strides = array<i32>} : memref<4x8x1024xf32, #tpu.memory_space<vmem>>, vector<16xf32>,
      %swap3A_1426 = arith.constant 2 : i32
      %swap3A_1427 = arith.constant 5 : i32
      %swap3A_1428 = arith.index_cast %swap3A_1426 : i32 to index
      %swap3A_1429 = arith.index_cast %swap3A_1427 : i32 to index
      %swap3A_1430 = arith.index_cast %mul3A_1361 : i32 to index
      %swap3A_1431 = tpu.vector_load %arg13[%swap3A_1428, %swap3A_1429, %swap3A_1430] {strides = array<i32>} : memref<6x8x1024xf32, #tpu.memory_space<vmem>>, vector<16xf32>,
      tpu.vector_store %arg13[%swap3A_1428, %swap3A_1429, %swap3A_1430], %get3A_1425 {add = true, strides = array<i32>} : memref<6x8x1024xf32, #tpu.memory_space<vmem>>, vector<16xf32>,
      %get3A_1432 = arith.constant 2 : i32
      %get3A_1433 = arith.constant 6 : i32
      %get3A_1434 = arith.index_cast %get3A_1432 : i32 to index
      %get3A_1435 = arith.index_cast %get3A_1433 : i32 to index
      %get3A_1436 = arith.index_cast %mul3A_1361 : i32 to index
      %get3A_1437 = tpu.vector_load %arg14[%get3A_1434, %get3A_1435, %get3A_1436] {strides = array<i32>} : memref<4x8x1024xf32, #tpu.memory_space<vmem>>, vector<16xf32>,
      %swap3A_1438 = arith.constant 2 : i32
      %swap3A_1439 = arith.constant 6 : i32
      %swap3A_1440 = arith.index_cast %swap3A_1438 : i32 to index
      %swap3A_1441 = arith.index_cast %swap3A_1439 : i32 to index
      %swap3A_1442 = arith.index_cast %mul3A_1361 : i32 to index
      %swap3A_1443 = tpu.vector_load %arg13[%swap3A_1440, %swap3A_1441, %swap3A_1442] {strides = array<i32>} : memref<6x8x1024xf32, #tpu.memory_space<vmem>>, vector<16xf32>,
      tpu.vector_store %arg13[%swap3A_1440, %swap3A_1441, %swap3A_1442], %get3A_1437 {add = true, strides = array<i32>} : memref<6x8x1024xf32, #tpu.memory_space<vmem>>, vector<16xf32>,
      %get3A_1444 = arith.constant 2 : i32
      %get3A_1445 = arith.constant 7 : i32
      %get3A_1446 = arith.index_cast %get3A_1444 : i32 to index
      %get3A_1447 = arith.index_cast %get3A_1445 : i32 to index
      %get3A_1448 = arith.index_cast %mul3A_1361 : i32 to index
      %get3A_1449 = tpu.vector_load %arg14[%get3A_1446, %get3A_1447, %get3A_1448] {strides = array<i32>} : memref<4x8x1024xf32, #tpu.memory_space<vmem>>, vector<16xf32>,
      %swap3A_1450 = arith.constant 2 : i32
      %swap3A_1451 = arith.constant 7 : i32
      %swap3A_1452 = arith.index_cast %swap3A_1450 : i32 to index
      %swap3A_1453 = arith.index_cast %swap3A_1451 : i32 to index
      %swap3A_1454 = arith.index_cast %mul3A_1361 : i32 to index
      %swap3A_1455 = tpu.vector_load %arg13[%swap3A_1452, %swap3A_1453, %swap3A_1454] {strides = array<i32>} : memref<6x8x1024xf32, #tpu.memory_space<vmem>>, vector<16xf32>,
      tpu.vector_store %arg13[%swap3A_1452, %swap3A_1453, %swap3A_1454], %get3A_1449 {add = true, strides = array<i32>} : memref<6x8x1024xf32, #tpu.memory_space<vmem>>, vector<16xf32>,
      %scan3A_1456 = arith.constant 0 : i32
      scf.yield %scan3A_1456 : i32
    }
    %scan3A_1219 = arith.constant 64 : i32
    %add3A_1220 = arith.constant 112 : i32
    %add3A_1221 = arith.addi %mul3A_2, %add3A_1220 : i32
    %dma_start3A_1222 = arith.constant 2 : i32
    %dma_start3A_1223 = arith.constant 0 : i32
    %dma_start3A_1224 = arith.constant 0 : i32
    %dma_start3A_1225 = tpu.memref_slice %arg13[%dma_start3A_1222, %dma_start3A_1223, %dma_start3A_1224] : memref<6x8x1024xf32, #tpu.memory_space<vmem>> -> memref<1x8x1024xf32, #tpu.memory_space<vmem>>
    %dma_start3A_1226 = tpu.memref_squeeze %dma_start3A_1225 : memref<1x8x1024xf32, #tpu.memory_space<vmem>> -> memref<8x1024xf32, #tpu.memory_space<vmem>>
    %dma_start3A_1227 = arith.constant 0 : i32
    %dma_start3A_1228 = tpu.memref_slice %arg5[%add3A_1221, %dma_start3A_1227] : memref<4096x1024xf32, #tpu.memory_space<hbm>> -> memref<8x1024xf32, #tpu.memory_space<hbm>>
    %dma_start3A_1229 = arith.constant 0 : i32
    %dma_start3A_1230 = tpu.memref_slice %arg5[%add3A_1221, %dma_start3A_1229] : memref<4096x1024xf32, #tpu.memory_space<hbm>> -> memref<8x1024xf32, #tpu.memory_space<hbm>>
    %dma_start3A_1231 = arith.constant 0 : i32
    %dma_start3A_1232 = arith.constant 0 : i32
    %dma_start3A_1233 = tpu.memref_slice %arg13[%dma_start3A_1222, %dma_start3A_1231, %dma_start3A_1232] : memref<6x8x1024xf32, #tpu.memory_space<vmem>> -> memref<1x8x1024xf32, #tpu.memory_space<vmem>>
    %dma_start3A_1234 = tpu.memref_squeeze %dma_start3A_1233 : memref<1x8x1024xf32, #tpu.memory_space<vmem>> -> memref<8x1024xf32, #tpu.memory_space<vmem>>
    tpu.enqueue_dma source(%dma_start3A_1234 : memref<8x1024xf32, #tpu.memory_space<vmem>>) target(%dma_start3A_1230 : memref<8x1024xf32, #tpu.memory_space<hbm>>) target_semaphore(%arg19 : memref<!tpu.dma_semaphore, #tpu.memory_space<semaphore_mem>>)
    %dma_wait3A_1235 = arith.constant 3 : i32
    %dma_wait3A_1236 = arith.constant 0 : i32
    %dma_wait3A_1237 = arith.constant 0 : i32
    %dma_wait3A_1238 = tpu.memref_slice %arg13[%dma_wait3A_1235, %dma_wait3A_1236, %dma_wait3A_1237] : memref<6x8x1024xf32, #tpu.memory_space<vmem>> -> memref<1x8x1024xf32, #tpu.memory_space<vmem>>
    %dma_wait3A_1239 = tpu.memref_squeeze %dma_wait3A_1238 : memref<1x8x1024xf32, #tpu.memory_space<vmem>> -> memref<8x1024xf32, #tpu.memory_space<vmem>>
    %dma_wait3A_1240 = arith.constant 120 : i32
    %dma_wait3A_1241 = tpu.memref_slice %arg12[%dma_wait3A_1240] : memref<128xi32, #tpu.memory_space<vmem>> -> memref<8xi32, #tpu.memory_space<vmem>>
    %dma_wait3A_1242 = arith.constant 0 : i32
    %dma_wait3A_1243 = arith.constant 0 : i32
    %dma_wait3A_1244 = tpu.memref_slice %arg4[%dma_wait3A_1242, %dma_wait3A_1243] : memref<5000x1024xf32, #tpu.memory_space<hbm>> -> memref<5000x1024xf32, #tpu.memory_space<hbm>>
    tpu.wait_indirect_dma semaphore(%arg17 : memref<!tpu.dma_semaphore, #tpu.memory_space<semaphore_mem>>) src(%dma_wait3A_1244 : memref<5000x1024xf32, #tpu.memory_space<hbm>>) dst(%dma_wait3A_1239 : memref<8x1024xf32, #tpu.memory_space<vmem>>)
    %dma_wait3A_1245 = arith.constant 3 : i32
    %dma_wait3A_1246 = arith.constant 0 : i32
    %dma_wait3A_1247 = arith.constant 0 : i32
    %dma_wait3A_1248 = tpu.memref_slice %arg14[%dma_wait3A_1245, %dma_wait3A_1246, %dma_wait3A_1247] : memref<4x8x1024xf32, #tpu.memory_space<vmem>> -> memref<1x8x1024xf32, #tpu.memory_space<vmem>>
    %dma_wait3A_1249 = tpu.memref_squeeze %dma_wait3A_1248 : memref<1x8x1024xf32, #tpu.memory_space<vmem>> -> memref<8x1024xf32, #tpu.memory_space<vmem>>
    %dma_wait3A_1250 = arith.constant 0 : i32
    %dma_wait3A_1251 = tpu.memref_slice %arg3[%add3A_1131, %dma_wait3A_1250] : memref<4096x1024xf32, #tpu.memory_space<hbm>> -> memref<8x1024xf32, #tpu.memory_space<hbm>>
    %dma_wait3A_1252 = arith.constant 0 : i32
    %dma_wait3A_1253 = arith.constant 0 : i32
    %dma_wait3A_1254 = tpu.memref_slice %arg14[%dma_wait3A_1245, %dma_wait3A_1252, %dma_wait3A_1253] : memref<4x8x1024xf32, #tpu.memory_space<vmem>> -> memref<1x8x1024xf32, #tpu.memory_space<vmem>>
    %dma_wait3A_1255 = tpu.memref_squeeze %dma_wait3A_1254 : memref<1x8x1024xf32, #tpu.memory_space<vmem>> -> memref<8x1024xf32, #tpu.memory_space<vmem>>
    %dma_wait3A_1256 = arith.constant 0 : i32
    %dma_wait3A_1257 = tpu.memref_slice %arg3[%add3A_1131, %dma_wait3A_1256] : memref<4096x1024xf32, #tpu.memory_space<hbm>> -> memref<8x1024xf32, #tpu.memory_space<hbm>>
    tpu.wait_dma2 semaphore(%arg18 : memref<!tpu.dma_semaphore, #tpu.memory_space<semaphore_mem>>) src(%dma_wait3A_1257 : memref<8x1024xf32, #tpu.memory_space<hbm>>) dst(%dma_wait3A_1255 : memref<8x1024xf32, #tpu.memory_space<vmem>>)
    %scan3A_1258 = arith.constant 0 : i32
    %scan3A_1259 = arith.constant 0 : i32
    %scan3A_1260 = arith.constant 64 : i32
    %scan3A_1261 = arith.addi %scan3A_1259, %scan3A_1260 : i32
    %scan3A_1262 = arith.constant 1 : i32
    %scan3A_1263 = scf.for %scan3A_1358 = %scan3A_1259 to %scan3A_1261 step %scan3A_1262 iter_args(%scan3A_1359 = %scan3A_1258) -> (i32)  : i32 {
      %mul3A_1360 = arith.constant 16 : i32
      %mul3A_1361 = arith.muli %scan3A_1358, %mul3A_1360 : i32
      %get3A = arith.constant 3 : i32
      %get3A_1362 = arith.constant 0 : i32
      %get3A_1363 = arith.index_cast %get3A : i32 to index
      %get3A_1364 = arith.index_cast %get3A_1362 : i32 to index
      %get3A_1365 = arith.index_cast %mul3A_1361 : i32 to index
      %get3A_1366 = tpu.vector_load %arg14[%get3A_1363, %get3A_1364, %get3A_1365] {strides = array<i32>} : memref<4x8x1024xf32, #tpu.memory_space<vmem>>, vector<16xf32>,
      %swap3A = arith.constant 3 : i32
      %swap3A_1367 = arith.constant 0 : i32
      %swap3A_1368 = arith.index_cast %swap3A : i32 to index
      %swap3A_1369 = arith.index_cast %swap3A_1367 : i32 to index
      %swap3A_1370 = arith.index_cast %mul3A_1361 : i32 to index
      %swap3A_1371 = tpu.vector_load %arg13[%swap3A_1368, %swap3A_1369, %swap3A_1370] {strides = array<i32>} : memref<6x8x1024xf32, #tpu.memory_space<vmem>>, vector<16xf32>,
      tpu.vector_store %arg13[%swap3A_1368, %swap3A_1369, %swap3A_1370], %get3A_1366 {add = true, strides = array<i32>} : memref<6x8x1024xf32, #tpu.memory_space<vmem>>, vector<16xf32>,
      %get3A_1372 = arith.constant 3 : i32
      %get3A_1373 = arith.constant 1 : i32
      %get3A_1374 = arith.index_cast %get3A_1372 : i32 to index
      %get3A_1375 = arith.index_cast %get3A_1373 : i32 to index
      %get3A_1376 = arith.index_cast %mul3A_1361 : i32 to index
      %get3A_1377 = tpu.vector_load %arg14[%get3A_1374, %get3A_1375, %get3A_1376] {strides = array<i32>} : memref<4x8x1024xf32, #tpu.memory_space<vmem>>, vector<16xf32>,
      %swap3A_1378 = arith.constant 3 : i32
      %swap3A_1379 = arith.constant 1 : i32
      %swap3A_1380 = arith.index_cast %swap3A_1378 : i32 to index
      %swap3A_1381 = arith.index_cast %swap3A_1379 : i32 to index
      %swap3A_1382 = arith.index_cast %mul3A_1361 : i32 to index
      %swap3A_1383 = tpu.vector_load %arg13[%swap3A_1380, %swap3A_1381, %swap3A_1382] {strides = array<i32>} : memref<6x8x1024xf32, #tpu.memory_space<vmem>>, vector<16xf32>,
      tpu.vector_store %arg13[%swap3A_1380, %swap3A_1381, %swap3A_1382], %get3A_1377 {add = true, strides = array<i32>} : memref<6x8x1024xf32, #tpu.memory_space<vmem>>, vector<16xf32>,
      %get3A_1384 = arith.constant 3 : i32
      %get3A_1385 = arith.constant 2 : i32
      %get3A_1386 = arith.index_cast %get3A_1384 : i32 to index
      %get3A_1387 = arith.index_cast %get3A_1385 : i32 to index
      %get3A_1388 = arith.index_cast %mul3A_1361 : i32 to index
      %get3A_1389 = tpu.vector_load %arg14[%get3A_1386, %get3A_1387, %get3A_1388] {strides = array<i32>} : memref<4x8x1024xf32, #tpu.memory_space<vmem>>, vector<16xf32>,
      %swap3A_1390 = arith.constant 3 : i32
      %swap3A_1391 = arith.constant 2 : i32
      %swap3A_1392 = arith.index_cast %swap3A_1390 : i32 to index
      %swap3A_1393 = arith.index_cast %swap3A_1391 : i32 to index
      %swap3A_1394 = arith.index_cast %mul3A_1361 : i32 to index
      %swap3A_1395 = tpu.vector_load %arg13[%swap3A_1392, %swap3A_1393, %swap3A_1394] {strides = array<i32>} : memref<6x8x1024xf32, #tpu.memory_space<vmem>>, vector<16xf32>,
      tpu.vector_store %arg13[%swap3A_1392, %swap3A_1393, %swap3A_1394], %get3A_1389 {add = true, strides = array<i32>} : memref<6x8x1024xf32, #tpu.memory_space<vmem>>, vector<16xf32>,
      %get3A_1396 = arith.constant 3 : i32
      %get3A_1397 = arith.constant 3 : i32
      %get3A_1398 = arith.index_cast %get3A_1396 : i32 to index
      %get3A_1399 = arith.index_cast %get3A_1397 : i32 to index
      %get3A_1400 = arith.index_cast %mul3A_1361 : i32 to index
      %get3A_1401 = tpu.vector_load %arg14[%get3A_1398, %get3A_1399, %get3A_1400] {strides = array<i32>} : memref<4x8x1024xf32, #tpu.memory_space<vmem>>, vector<16xf32>,
      %swap3A_1402 = arith.constant 3 : i32
      %swap3A_1403 = arith.constant 3 : i32
      %swap3A_1404 = arith.index_cast %swap3A_1402 : i32 to index
      %swap3A_1405 = arith.index_cast %swap3A_1403 : i32 to index
      %swap3A_1406 = arith.index_cast %mul3A_1361 : i32 to index
      %swap3A_1407 = tpu.vector_load %arg13[%swap3A_1404, %swap3A_1405, %swap3A_1406] {strides = array<i32>} : memref<6x8x1024xf32, #tpu.memory_space<vmem>>, vector<16xf32>,
      tpu.vector_store %arg13[%swap3A_1404, %swap3A_1405, %swap3A_1406], %get3A_1401 {add = true, strides = array<i32>} : memref<6x8x1024xf32, #tpu.memory_space<vmem>>, vector<16xf32>,
      %get3A_1408 = arith.constant 3 : i32
      %get3A_1409 = arith.constant 4 : i32
      %get3A_1410 = arith.index_cast %get3A_1408 : i32 to index
      %get3A_1411 = arith.index_cast %get3A_1409 : i32 to index
      %get3A_1412 = arith.index_cast %mul3A_1361 : i32 to index
      %get3A_1413 = tpu.vector_load %arg14[%get3A_1410, %get3A_1411, %get3A_1412] {strides = array<i32>} : memref<4x8x1024xf32, #tpu.memory_space<vmem>>, vector<16xf32>,
      %swap3A_1414 = arith.constant 3 : i32
      %swap3A_1415 = arith.constant 4 : i32
      %swap3A_1416 = arith.index_cast %swap3A_1414 : i32 to index
      %swap3A_1417 = arith.index_cast %swap3A_1415 : i32 to index
      %swap3A_1418 = arith.index_cast %mul3A_1361 : i32 to index
      %swap3A_1419 = tpu.vector_load %arg13[%swap3A_1416, %swap3A_1417, %swap3A_1418] {strides = array<i32>} : memref<6x8x1024xf32, #tpu.memory_space<vmem>>, vector<16xf32>,
      tpu.vector_store %arg13[%swap3A_1416, %swap3A_1417, %swap3A_1418], %get3A_1413 {add = true, strides = array<i32>} : memref<6x8x1024xf32, #tpu.memory_space<vmem>>, vector<16xf32>,
      %get3A_1420 = arith.constant 3 : i32
      %get3A_1421 = arith.constant 5 : i32
      %get3A_1422 = arith.index_cast %get3A_1420 : i32 to index
      %get3A_1423 = arith.index_cast %get3A_1421 : i32 to index
      %get3A_1424 = arith.index_cast %mul3A_1361 : i32 to index
      %get3A_1425 = tpu.vector_load %arg14[%get3A_1422, %get3A_1423, %get3A_1424] {strides = array<i32>} : memref<4x8x1024xf32, #tpu.memory_space<vmem>>, vector<16xf32>,
      %swap3A_1426 = arith.constant 3 : i32
      %swap3A_1427 = arith.constant 5 : i32
      %swap3A_1428 = arith.index_cast %swap3A_1426 : i32 to index
      %swap3A_1429 = arith.index_cast %swap3A_1427 : i32 to index
      %swap3A_1430 = arith.index_cast %mul3A_1361 : i32 to index
      %swap3A_1431 = tpu.vector_load %arg13[%swap3A_1428, %swap3A_1429, %swap3A_1430] {strides = array<i32>} : memref<6x8x1024xf32, #tpu.memory_space<vmem>>, vector<16xf32>,
      tpu.vector_store %arg13[%swap3A_1428, %swap3A_1429, %swap3A_1430], %get3A_1425 {add = true, strides = array<i32>} : memref<6x8x1024xf32, #tpu.memory_space<vmem>>, vector<16xf32>,
      %get3A_1432 = arith.constant 3 : i32
      %get3A_1433 = arith.constant 6 : i32
      %get3A_1434 = arith.index_cast %get3A_1432 : i32 to index
      %get3A_1435 = arith.index_cast %get3A_1433 : i32 to index
      %get3A_1436 = arith.index_cast %mul3A_1361 : i32 to index
      %get3A_1437 = tpu.vector_load %arg14[%get3A_1434, %get3A_1435, %get3A_1436] {strides = array<i32>} : memref<4x8x1024xf32, #tpu.memory_space<vmem>>, vector<16xf32>,
      %swap3A_1438 = arith.constant 3 : i32
      %swap3A_1439 = arith.constant 6 : i32
      %swap3A_1440 = arith.index_cast %swap3A_1438 : i32 to index
      %swap3A_1441 = arith.index_cast %swap3A_1439 : i32 to index
      %swap3A_1442 = arith.index_cast %mul3A_1361 : i32 to index
      %swap3A_1443 = tpu.vector_load %arg13[%swap3A_1440, %swap3A_1441, %swap3A_1442] {strides = array<i32>} : memref<6x8x1024xf32, #tpu.memory_space<vmem>>, vector<16xf32>,
      tpu.vector_store %arg13[%swap3A_1440, %swap3A_1441, %swap3A_1442], %get3A_1437 {add = true, strides = array<i32>} : memref<6x8x1024xf32, #tpu.memory_space<vmem>>, vector<16xf32>,
      %get3A_1444 = arith.constant 3 : i32
      %get3A_1445 = arith.constant 7 : i32
      %get3A_1446 = arith.index_cast %get3A_1444 : i32 to index
      %get3A_1447 = arith.index_cast %get3A_1445 : i32 to index
      %get3A_1448 = arith.index_cast %mul3A_1361 : i32 to index
      %get3A_1449 = tpu.vector_load %arg14[%get3A_1446, %get3A_1447, %get3A_1448] {strides = array<i32>} : memref<4x8x1024xf32, #tpu.memory_space<vmem>>, vector<16xf32>,
      %swap3A_1450 = arith.constant 3 : i32
      %swap3A_1451 = arith.constant 7 : i32
      %swap3A_1452 = arith.index_cast %swap3A_1450 : i32 to index
      %swap3A_1453 = arith.index_cast %swap3A_1451 : i32 to index
      %swap3A_1454 = arith.index_cast %mul3A_1361 : i32 to index
      %swap3A_1455 = tpu.vector_load %arg13[%swap3A_1452, %swap3A_1453, %swap3A_1454] {strides = array<i32>} : memref<6x8x1024xf32, #tpu.memory_space<vmem>>, vector<16xf32>,
      tpu.vector_store %arg13[%swap3A_1452, %swap3A_1453, %swap3A_1454], %get3A_1449 {add = true, strides = array<i32>} : memref<6x8x1024xf32, #tpu.memory_space<vmem>>, vector<16xf32>,
      %scan3A_1456 = arith.constant 0 : i32
      scf.yield %scan3A_1456 : i32
    }
    %scan3A_1264 = arith.constant 64 : i32
    %add3A_1265 = arith.constant 120 : i32
    %add3A_1266 = arith.addi %mul3A_2, %add3A_1265 : i32
    %dma_start3A_1267 = arith.constant 3 : i32
    %dma_start3A_1268 = arith.constant 0 : i32
    %dma_start3A_1269 = arith.constant 0 : i32
    %dma_start3A_1270 = tpu.memref_slice %arg13[%dma_start3A_1267, %dma_start3A_1268, %dma_start3A_1269] : memref<6x8x1024xf32, #tpu.memory_space<vmem>> -> memref<1x8x1024xf32, #tpu.memory_space<vmem>>
    %dma_start3A_1271 = tpu.memref_squeeze %dma_start3A_1270 : memref<1x8x1024xf32, #tpu.memory_space<vmem>> -> memref<8x1024xf32, #tpu.memory_space<vmem>>
    %dma_start3A_1272 = arith.constant 0 : i32
    %dma_start3A_1273 = tpu.memref_slice %arg5[%add3A_1266, %dma_start3A_1272] : memref<4096x1024xf32, #tpu.memory_space<hbm>> -> memref<8x1024xf32, #tpu.memory_space<hbm>>
    %dma_start3A_1274 = arith.constant 0 : i32
    %dma_start3A_1275 = tpu.memref_slice %arg5[%add3A_1266, %dma_start3A_1274] : memref<4096x1024xf32, #tpu.memory_space<hbm>> -> memref<8x1024xf32, #tpu.memory_space<hbm>>
    %dma_start3A_1276 = arith.constant 0 : i32
    %dma_start3A_1277 = arith.constant 0 : i32
    %dma_start3A_1278 = tpu.memref_slice %arg13[%dma_start3A_1267, %dma_start3A_1276, %dma_start3A_1277] : memref<6x8x1024xf32, #tpu.memory_space<vmem>> -> memref<1x8x1024xf32, #tpu.memory_space<vmem>>
    %dma_start3A_1279 = tpu.memref_squeeze %dma_start3A_1278 : memref<1x8x1024xf32, #tpu.memory_space<vmem>> -> memref<8x1024xf32, #tpu.memory_space<vmem>>
    tpu.enqueue_dma source(%dma_start3A_1279 : memref<8x1024xf32, #tpu.memory_space<vmem>>) target(%dma_start3A_1275 : memref<8x1024xf32, #tpu.memory_space<hbm>>) target_semaphore(%arg19 : memref<!tpu.dma_semaphore, #tpu.memory_space<semaphore_mem>>)
    %dma_wait3A_1280 = arith.constant 4 : i32
    %dma_wait3A_1281 = arith.constant 0 : i32
    %dma_wait3A_1282 = arith.constant 0 : i32
    %dma_wait3A_1283 = tpu.memref_slice %arg13[%dma_wait3A_1280, %dma_wait3A_1281, %dma_wait3A_1282] : memref<6x8x1024xf32, #tpu.memory_space<vmem>> -> memref<1x8x1024xf32, #tpu.memory_space<vmem>>
    %dma_wait3A_1284 = tpu.memref_squeeze %dma_wait3A_1283 : memref<1x8x1024xf32, #tpu.memory_space<vmem>> -> memref<8x1024xf32, #tpu.memory_space<vmem>>
    %dma_wait3A_1285 = arith.constant 0 : i32
    %dma_wait3A_1286 = tpu.memref_slice %arg5[%add3A_950, %dma_wait3A_1285] : memref<4096x1024xf32, #tpu.memory_space<hbm>> -> memref<8x1024xf32, #tpu.memory_space<hbm>>
    %dma_wait3A_1287 = arith.constant 0 : i32
    %dma_wait3A_1288 = tpu.memref_slice %arg5[%add3A_950, %dma_wait3A_1287] : memref<4096x1024xf32, #tpu.memory_space<hbm>> -> memref<8x1024xf32, #tpu.memory_space<hbm>>
    %dma_wait3A_1289 = arith.constant 0 : i32
    %dma_wait3A_1290 = arith.constant 0 : i32
    %dma_wait3A_1291 = tpu.memref_slice %arg13[%dma_wait3A_1280, %dma_wait3A_1289, %dma_wait3A_1290] : memref<6x8x1024xf32, #tpu.memory_space<vmem>> -> memref<1x8x1024xf32, #tpu.memory_space<vmem>>
    %dma_wait3A_1292 = tpu.memref_squeeze %dma_wait3A_1291 : memref<1x8x1024xf32, #tpu.memory_space<vmem>> -> memref<8x1024xf32, #tpu.memory_space<vmem>>
    tpu.wait_dma2 semaphore(%arg19 : memref<!tpu.dma_semaphore, #tpu.memory_space<semaphore_mem>>) src(%dma_wait3A_1292 : memref<8x1024xf32, #tpu.memory_space<vmem>>) dst(%dma_wait3A_1288 : memref<8x1024xf32, #tpu.memory_space<hbm>>)
    %dma_wait3A_1293 = arith.constant 5 : i32
    %dma_wait3A_1294 = arith.constant 0 : i32
    %dma_wait3A_1295 = arith.constant 0 : i32
    %dma_wait3A_1296 = tpu.memref_slice %arg13[%dma_wait3A_1293, %dma_wait3A_1294, %dma_wait3A_1295] : memref<6x8x1024xf32, #tpu.memory_space<vmem>> -> memref<1x8x1024xf32, #tpu.memory_space<vmem>>
    %dma_wait3A_1297 = tpu.memref_squeeze %dma_wait3A_1296 : memref<1x8x1024xf32, #tpu.memory_space<vmem>> -> memref<8x1024xf32, #tpu.memory_space<vmem>>
    %dma_wait3A_1298 = arith.constant 0 : i32
    %dma_wait3A_1299 = tpu.memref_slice %arg5[%add3A_1033, %dma_wait3A_1298] : memref<4096x1024xf32, #tpu.memory_space<hbm>> -> memref<8x1024xf32, #tpu.memory_space<hbm>>
    %dma_wait3A_1300 = arith.constant 0 : i32
    %dma_wait3A_1301 = tpu.memref_slice %arg5[%add3A_1033, %dma_wait3A_1300] : memref<4096x1024xf32, #tpu.memory_space<hbm>> -> memref<8x1024xf32, #tpu.memory_space<hbm>>
    %dma_wait3A_1302 = arith.constant 0 : i32
    %dma_wait3A_1303 = arith.constant 0 : i32
    %dma_wait3A_1304 = tpu.memref_slice %arg13[%dma_wait3A_1293, %dma_wait3A_1302, %dma_wait3A_1303] : memref<6x8x1024xf32, #tpu.memory_space<vmem>> -> memref<1x8x1024xf32, #tpu.memory_space<vmem>>
    %dma_wait3A_1305 = tpu.memref_squeeze %dma_wait3A_1304 : memref<1x8x1024xf32, #tpu.memory_space<vmem>> -> memref<8x1024xf32, #tpu.memory_space<vmem>>
    tpu.wait_dma2 semaphore(%arg19 : memref<!tpu.dma_semaphore, #tpu.memory_space<semaphore_mem>>) src(%dma_wait3A_1305 : memref<8x1024xf32, #tpu.memory_space<vmem>>) dst(%dma_wait3A_1301 : memref<8x1024xf32, #tpu.memory_space<hbm>>)
    %dma_wait3A_1306 = arith.constant 0 : i32
    %dma_wait3A_1307 = arith.constant 0 : i32
    %dma_wait3A_1308 = arith.constant 0 : i32
    %dma_wait3A_1309 = tpu.memref_slice %arg13[%dma_wait3A_1306, %dma_wait3A_1307, %dma_wait3A_1308] : memref<6x8x1024xf32, #tpu.memory_space<vmem>> -> memref<1x8x1024xf32, #tpu.memory_space<vmem>>
    %dma_wait3A_1310 = tpu.memref_squeeze %dma_wait3A_1309 : memref<1x8x1024xf32, #tpu.memory_space<vmem>> -> memref<8x1024xf32, #tpu.memory_space<vmem>>
    %dma_wait3A_1311 = arith.constant 0 : i32
    %dma_wait3A_1312 = tpu.memref_slice %arg5[%add3A_1116, %dma_wait3A_1311] : memref<4096x1024xf32, #tpu.memory_space<hbm>> -> memref<8x1024xf32, #tpu.memory_space<hbm>>
    %dma_wait3A_1313 = arith.constant 0 : i32
    %dma_wait3A_1314 = tpu.memref_slice %arg5[%add3A_1116, %dma_wait3A_1313] : memref<4096x1024xf32, #tpu.memory_space<hbm>> -> memref<8x1024xf32, #tpu.memory_space<hbm>>
    %dma_wait3A_1315 = arith.constant 0 : i32
    %dma_wait3A_1316 = arith.constant 0 : i32
    %dma_wait3A_1317 = tpu.memref_slice %arg13[%dma_wait3A_1306, %dma_wait3A_1315, %dma_wait3A_1316] : memref<6x8x1024xf32, #tpu.memory_space<vmem>> -> memref<1x8x1024xf32, #tpu.memory_space<vmem>>
    %dma_wait3A_1318 = tpu.memref_squeeze %dma_wait3A_1317 : memref<1x8x1024xf32, #tpu.memory_space<vmem>> -> memref<8x1024xf32, #tpu.memory_space<vmem>>
    tpu.wait_dma2 semaphore(%arg19 : memref<!tpu.dma_semaphore, #tpu.memory_space<semaphore_mem>>) src(%dma_wait3A_1318 : memref<8x1024xf32, #tpu.memory_space<vmem>>) dst(%dma_wait3A_1314 : memref<8x1024xf32, #tpu.memory_space<hbm>>)
    %dma_wait3A_1319 = arith.constant 1 : i32
    %dma_wait3A_1320 = arith.constant 0 : i32
    %dma_wait3A_1321 = arith.constant 0 : i32
    %dma_wait3A_1322 = tpu.memref_slice %arg13[%dma_wait3A_1319, %dma_wait3A_1320, %dma_wait3A_1321] : memref<6x8x1024xf32, #tpu.memory_space<vmem>> -> memref<1x8x1024xf32, #tpu.memory_space<vmem>>
    %dma_wait3A_1323 = tpu.memref_squeeze %dma_wait3A_1322 : memref<1x8x1024xf32, #tpu.memory_space<vmem>> -> memref<8x1024xf32, #tpu.memory_space<vmem>>
    %dma_wait3A_1324 = arith.constant 0 : i32
    %dma_wait3A_1325 = tpu.memref_slice %arg5[%add3A_1176, %dma_wait3A_1324] : memref<4096x1024xf32, #tpu.memory_space<hbm>> -> memref<8x1024xf32, #tpu.memory_space<hbm>>
    %dma_wait3A_1326 = arith.constant 0 : i32
    %dma_wait3A_1327 = tpu.memref_slice %arg5[%add3A_1176, %dma_wait3A_1326] : memref<4096x1024xf32, #tpu.memory_space<hbm>> -> memref<8x1024xf32, #tpu.memory_space<hbm>>
    %dma_wait3A_1328 = arith.constant 0 : i32
    %dma_wait3A_1329 = arith.constant 0 : i32
    %dma_wait3A_1330 = tpu.memref_slice %arg13[%dma_wait3A_1319, %dma_wait3A_1328, %dma_wait3A_1329] : memref<6x8x1024xf32, #tpu.memory_space<vmem>> -> memref<1x8x1024xf32, #tpu.memory_space<vmem>>
    %dma_wait3A_1331 = tpu.memref_squeeze %dma_wait3A_1330 : memref<1x8x1024xf32, #tpu.memory_space<vmem>> -> memref<8x1024xf32, #tpu.memory_space<vmem>>
    tpu.wait_dma2 semaphore(%arg19 : memref<!tpu.dma_semaphore, #tpu.memory_space<semaphore_mem>>) src(%dma_wait3A_1331 : memref<8x1024xf32, #tpu.memory_space<vmem>>) dst(%dma_wait3A_1327 : memref<8x1024xf32, #tpu.memory_space<hbm>>)
    %dma_wait3A_1332 = arith.constant 2 : i32
    %dma_wait3A_1333 = arith.constant 0 : i32
    %dma_wait3A_1334 = arith.constant 0 : i32
    %dma_wait3A_1335 = tpu.memref_slice %arg13[%dma_wait3A_1332, %dma_wait3A_1333, %dma_wait3A_1334] : memref<6x8x1024xf32, #tpu.memory_space<vmem>> -> memref<1x8x1024xf32, #tpu.memory_space<vmem>>
    %dma_wait3A_1336 = tpu.memref_squeeze %dma_wait3A_1335 : memref<1x8x1024xf32, #tpu.memory_space<vmem>> -> memref<8x1024xf32, #tpu.memory_space<vmem>>
    %dma_wait3A_1337 = arith.constant 0 : i32
    %dma_wait3A_1338 = tpu.memref_slice %arg5[%add3A_1221, %dma_wait3A_1337] : memref<4096x1024xf32, #tpu.memory_space<hbm>> -> memref<8x1024xf32, #tpu.memory_space<hbm>>
    %dma_wait3A_1339 = arith.constant 0 : i32
    %dma_wait3A_1340 = tpu.memref_slice %arg5[%add3A_1221, %dma_wait3A_1339] : memref<4096x1024xf32, #tpu.memory_space<hbm>> -> memref<8x1024xf32, #tpu.memory_space<hbm>>
    %dma_wait3A_1341 = arith.constant 0 : i32
    %dma_wait3A_1342 = arith.constant 0 : i32
    %dma_wait3A_1343 = tpu.memref_slice %arg13[%dma_wait3A_1332, %dma_wait3A_1341, %dma_wait3A_1342] : memref<6x8x1024xf32, #tpu.memory_space<vmem>> -> memref<1x8x1024xf32, #tpu.memory_space<vmem>>
    %dma_wait3A_1344 = tpu.memref_squeeze %dma_wait3A_1343 : memref<1x8x1024xf32, #tpu.memory_space<vmem>> -> memref<8x1024xf32, #tpu.memory_space<vmem>>
    tpu.wait_dma2 semaphore(%arg19 : memref<!tpu.dma_semaphore, #tpu.memory_space<semaphore_mem>>) src(%dma_wait3A_1344 : memref<8x1024xf32, #tpu.memory_space<vmem>>) dst(%dma_wait3A_1340 : memref<8x1024xf32, #tpu.memory_space<hbm>>)
    %dma_wait3A_1345 = arith.constant 3 : i32
    %dma_wait3A_1346 = arith.constant 0 : i32
    %dma_wait3A_1347 = arith.constant 0 : i32
    %dma_wait3A_1348 = tpu.memref_slice %arg13[%dma_wait3A_1345, %dma_wait3A_1346, %dma_wait3A_1347] : memref<6x8x1024xf32, #tpu.memory_space<vmem>> -> memref<1x8x1024xf32, #tpu.memory_space<vmem>>
    %dma_wait3A_1349 = tpu.memref_squeeze %dma_wait3A_1348 : memref<1x8x1024xf32, #tpu.memory_space<vmem>> -> memref<8x1024xf32, #tpu.memory_space<vmem>>
    %dma_wait3A_1350 = arith.constant 0 : i32
    %dma_wait3A_1351 = tpu.memref_slice %arg5[%add3A_1266, %dma_wait3A_1350] : memref<4096x1024xf32, #tpu.memory_space<hbm>> -> memref<8x1024xf32, #tpu.memory_space<hbm>>
    %dma_wait3A_1352 = arith.constant 0 : i32
    %dma_wait3A_1353 = tpu.memref_slice %arg5[%add3A_1266, %dma_wait3A_1352] : memref<4096x1024xf32, #tpu.memory_space<hbm>> -> memref<8x1024xf32, #tpu.memory_space<hbm>>
    %dma_wait3A_1354 = arith.constant 0 : i32
    %dma_wait3A_1355 = arith.constant 0 : i32
    %dma_wait3A_1356 = tpu.memref_slice %arg13[%dma_wait3A_1345, %dma_wait3A_1354, %dma_wait3A_1355] : memref<6x8x1024xf32, #tpu.memory_space<vmem>> -> memref<1x8x1024xf32, #tpu.memory_space<vmem>>
    %dma_wait3A_1357 = tpu.memref_squeeze %dma_wait3A_1356 : memref<1x8x1024xf32, #tpu.memory_space<vmem>> -> memref<8x1024xf32, #tpu.memory_space<vmem>>
    tpu.wait_dma2 semaphore(%arg19 : memref<!tpu.dma_semaphore, #tpu.memory_space<semaphore_mem>>) src(%dma_wait3A_1357 : memref<8x1024xf32, #tpu.memory_space<vmem>>) dst(%dma_wait3A_1353 : memref<8x1024xf32, #tpu.memory_space<hbm>>)
    "tpu.trace_stop"() : () -> ()
    return
  }
}

</mosaic_0001>

<sc_bundles>
// kernel: kernel.3.cloned.1.call-start
scs
__scs_entry_jumppad:
0x0: {  	(pc) =	sbr.rel $0x88, $3  }
0x1: {  	(tag) =	ssettag $0x0;
	lr =	simm.s32 $0x1  }
0x2: {  	[smem:$0x3F9E] =	sst lr;
	_ =	strace $0xD0000000  }
0x3: {  	_ = 	snop  }
0x4: {  	_ = 	snop  }
0x5: {  	_ = 	snop  }
0x6: {  	_ = 	snop  }
0x7: {  	_ = 	snop  }
__scs_overlays_trampoline_lowered:
0x8: {  	[smem:$0x3FAD] =	sst s0  }
0x9: {  	[smem:$0x3FAE] =	sst s1  }
0xa: {  	[smem:$0x3FAF] =	sst s2  }
0xb: {  	[smem:$0x3FB0] =	sst s3  }
0xc: {  	[smem:$0x3FB1] =	sst s4  }
0xd: {  	[smem:$0x3FB2] =	sst s5  }
0xe: {  	[smem:$0x3FB3] =	sst s6  }
0xf: {  	[smem:$0x3FB4] =	sst s7  }
0x10: {  	[smem:$0x3FB5] =	sst s8  }
0x11: {  	[smem:$0x3FB6] =	sst s9;
	s0 =	simm.s32 @!p0 $0x0  }
0x12: {  	s1 =	sld [smem:$0x3F9C];
	s0 =	simm.s32 @p0 $0x1  }
0x13: {  	[smem:$0x3FB7] =	sst s0;
	s0 =	simm.s32 @!p1 $0x0  }
0x14: {  	s2 =	sld [smem:$0x3F9B];
	s0 =	simm.s32 @p1 $0x1  }
0x15: {  	[smem:$0x3FB8] =	sst s0;
	s0 =	simm.s32 @!p2 $0x0  }
0x16: {  	s3 =	sld [smem:$0x3FDB];
	s0 =	simm.s32 @p2 $0x1  }
0x17: {  	s4 =	simm.s32 $0x1BF5;
	[smem:$0x3FBA] =	sst s0  }
0x18: {  	s0 =	sld [smem:$0x3F9D];
	_ =	swait.ge [sflag:s4], $0x0  }
0x19: {  	s7 =	sld [smem:$0x3F9E]  }
0x1a: {  	s8 =	sadd.s32 $0xFFFFE003, lr  }
0x1b: {  	s9 =	sadd.s32 $0xFFFFFEF7, lr;
	s5 =	simm.s32 $0xFFFFFFFF;
	p2 =	slt.u32 s8, $0xFFFFF086  }
0x1c: {  	p1 =	slt.u32 s9, $0xF7A;
	s5 =	simm.s32 @!p2 $0x0  }
0x1d: {  	s5 =	simm.s32 @p1 $0x1;
	p0 =	seq.s32 s7, s2  }
0x1e: {  	s7 =	smul.u32 @!p0 $0xF7A, s2;
	p2 =	seq.s32 @!p0 s5, $0x0  }
0x1f: {  	s9 =	smul.u32 $0xF7A, s1;
	s8 =	simm.s32 @!p0 $0x1BF5;
	p2 =	por !p2, p0  }
0x20: {  	[sflag:s8] =	ssyncset.s32 @!p0 $0xFFFFF086;
	s6 =	sadd.s32 @!p0 s3, s7;
	s7 =	simm.s32 @!p0 $0x108  }
0x21: {  	s3 =	sadd.s32 s3, s9;
	s6 =	sadd.s32 @!p0 $0x88, s6;
	s7 =	simm.s32 @p2 $0x1082  }
0x22: {  	[simem:s7], [sflag:s8] =	dma.local @!p0 [hbm:s6], $0xF7A  }
0x23: {  	s9 =	sor.u32 $0xD0000000, s2;
	s6 =	simm.s32 $0x108;
	_ =	swait.ge @!p0 [sflag:s8], $0x0  }
0x24: {  	s3 =	sadd.s32 $0x88, s3;
	s6 =	simm.s32 @!p1 $0x1082;
	[sflag:s4] =	ssyncset.s32 $0xFFFFF086  }
0x25: {  	[simem:s6], [sflag:s4] =	dma.local [hbm:s3], $0xF7A  }
0x26: {  	[smem:$0x3F9E] =	sst s1;
	(tag) =	ssettag s2;
	_ =	strace s9  }
0x27: {  	s1 =	sld [smem:$0x3FAE]  }
0x28: {  	s2 =	sld [smem:$0x3FAF]  }
0x29: {  	s4 =	sld [smem:$0x3FB1]  }
0x2a: {  	p0 =	seq.s32 s5, $0x0;
	s5 =	sld [smem:$0x3FB2]  }
0x2b: {  	s6 =	sld [smem:$0x3FB3]  }
0x2c: {  	s7 =	sld [smem:$0x3FB4]  }
0x2d: {  	s3 =	simm.s32 $0x108;
	s8 =	sld [smem:$0x3FB5]  }
0x2e: {  	s3 =	simm.s32 @!p0 $0x1082;
	s9 =	sld [smem:$0x3FB6]  }
0x2f: {  	lr =	sadd.s32 s0, s3;
	s0 =	sld [smem:$0x3FAD]  }
0x30: {  	s3 =	sld [smem:$0x3FB0]  }
0x31: {  	[smem:$0x3FB9] =	sst s10  }
0x32: {  	s10 =	sld [smem:$0x3FB7];
	_ =	sdelay $0x3  }
0x33: {  	p0 =	seq.s32 s10, $0x1;
	s10 =	sld [smem:$0x3FB9];
	_ =	sdelay $0x3  }
0x34: {  	[smem:$0x3FB9] =	sst s10  }
0x35: {  	s10 =	sld [smem:$0x3FB8];
	_ =	sdelay $0x3  }
0x36: {  	p1 =	seq.s32 s10, $0x1;
	s10 =	sld [smem:$0x3FB9];
	_ =	sdelay $0x3  }
0x37: {  	[smem:$0x3FB9] =	sst s10  }
0x38: {  	s10 =	sld [smem:$0x3FBA]  }
0x39: {  	_ = 	snop;
	(pc) =	sbr.ind lr, $3  }
0x3a: {  	_ = 	snop  }
0x3b: {  	_ = 	snop  }
0x3c: {  	p2 =	seq.s32 s10, $0x1;
	s10 =	sld [smem:$0x3FB9]  }
0x3d: {  	_ =	shalt  }
0x3e: {  	_ =	shalt  }
0x3f: {  	_ =	shalt  }
0x40: {  	_ =	shalt  }
0x41: {  	_ =	shalt  }
0x42: {  	_ =	shalt  }
0x43: {  	_ =	shalt  }
0x44: {  	_ =	shalt  }
0x45: {  	_ =	shalt  }
0x46: {  	_ =	shalt  }
0x47: {  	_ =	shalt  }
0x48: {  	_ =	shalt  }
0x49: {  	_ =	shalt  }
0x4a: {  	_ =	shalt  }
0x4b: {  	_ =	shalt  }
0x4c: {  	_ =	shalt  }
0x4d: {  	_ =	shalt  }
0x4e: {  	_ =	shalt  }
0x4f: {  	_ =	shalt  }
0x50: {  	_ =	shalt  }
0x51: {  	_ =	shalt  }
0x52: {  	_ =	shalt  }
0x53: {  	_ =	shalt  }
0x54: {  	_ =	shalt  }
0x55: {  	_ =	shalt  }
0x56: {  	_ =	shalt  }
0x57: {  	_ =	shalt  }
0x58: {  	_ =	shalt  }
0x59: {  	_ =	shalt  }
0x5a: {  	_ =	shalt  }
0x5b: {  	_ =	shalt  }
0x5c: {  	_ =	shalt  }
0x5d: {  	_ =	shalt  }
0x5e: {  	_ =	shalt  }
0x5f: {  	_ =	shalt  }
0x60: {  	_ =	shalt  }
0x61: {  	_ =	shalt  }
0x62: {  	_ =	shalt  }
0x63: {  	_ =	shalt  }
0x64: {  	_ =	shalt  }
0x65: {  	_ =	shalt  }
0x66: {  	_ =	shalt  }
0x67: {  	_ =	shalt  }
0x68: {  	_ =	shalt  }
0x69: {  	_ =	shalt  }
0x6a: {  	_ =	shalt  }
0x6b: {  	_ =	shalt  }
0x6c: {  	_ =	shalt  }
0x6d: {  	_ =	shalt  }
0x6e: {  	_ =	shalt  }
0x6f: {  	_ =	shalt  }
0x70: {  	_ =	shalt  }
0x71: {  	_ =	shalt  }
0x72: {  	_ =	shalt  }
0x73: {  	_ =	shalt  }
0x74: {  	_ =	shalt  }
0x75: {  	_ =	shalt  }
0x76: {  	_ =	shalt  }
0x77: {  	_ =	shalt  }
0x78: {  	_ =	shalt  }
0x79: {  	_ =	shalt  }
0x7a: {  	_ =	shalt  }
0x7b: {  	_ =	shalt  }
0x7c: {  	_ =	shalt  }
0x7d: {  	_ =	shalt  }
0x7e: {  	_ =	shalt  }
0x7f: {  	_ =	shalt  }
0x80: {  	_ =	shalt  }
0x81: {  	_ =	shalt  }
0x82: {  	_ =	shalt  }
0x83: {  	_ =	shalt  }
0x84: {  	_ =	shalt  }
0x85: {  	_ =	shalt  }
0x86: {  	_ =	shalt  }
0x87: {  	_ =	shalt  }
.Lfunc_end0:
.L_simem_size_0:
called_computation_lowered:
.L_overlay_start_0:
0x88: {  	s2 =	sld [smem:$0x3FD9]  }
0x89: {  	s3 =	sld [smem:$0x3FFE];
	_ =	sdelay $0x1  }
0x8a: {  	s1 =	srdreg.scid  }
0x8b: {  	s0 =	sand.u32 $0x1, s1  }
0x8c: {  	s18 =	sshll.u32 s0, $0xA;
	s2 =	sadd.s32 s3, s2  }
0x8d: {  	s2 =	sadd.s32 s2, s18  }
0x8e: {  	[smem:$0x3FC5] =	sst s2  }
0x8f: {  	_ = 	snop  }
0x90: {  	s2 =	sld [smem:$0x3FC9]  }
0x91: {  	s19 =	sld [smem:$0x3FC8]  }
0x92: {  	s4 =	sld [smem:$0x3FC7]  }
0x93: {  	s5 =	sld [smem:$0x3FD0];
	(tm) =	ssettm $0x1  }
0x94: {  	s6 =	sld [smem:$0x3FFB];
	_ =	sdelay $0x3  }
0x95: {  	_ =	strace s6  }
0x96: {  	s6 =	sld [smem:$0x3FFC];
	_ =	sdelay $0x3  }
0x97: {  	_ =	strace s6  }
0x98: {  	s6 =	sld [smem:$0x3FFD];
	_ =	sdelay $0x3  }
0x99: {  	_ =	strace s6  }
0x9a: {  	_ =	strace $0x8FFFFFFF  }
0x9b: {  	s20 =	sld [smem:$0x3FDB];
	_ =	sdelay $0x1  }
0x9c: {  	s7 =	simm.s32 $_scs_section_size  }
0x9d: {  	s8 =	simm.s32 $_size__tile_overlayer_lowered;
	s9 =	simm.s32 $_tile_overlayer_lowered  }
0x9e: {  	s23 =	simm.s32 $0x1BFF;
	s22 =	sshll.u32 s9, $0x1;
	s6 =	sadd.s32 s7, s20  }
0x9f: {  	s10 =	simm.s32 $0x0;
	s21 =	sshll.u32 s8, $0x1;
	s8 =	sadd.s32 s22, s6  }
0xa0: {  	[timem:s10], [sflag:s23] =	dma.local [hbm:s8], s21  }
0xa1: {  	_ =	swait.ge [sflag:s23], s21  }
0xa2: {  	s7 =	ssub.s32 $0x0, s21;
	[sflag:s23] =	ssyncset.done $0x0  }
0xa3: {  	[sflag:s23] =	ssyncadd.s32 s7;
	_ =	sdelay $0x1  }
0xa4: {  	s24 =	simm.s32 $0x1B8B  }
0xa5: {  	_ =	swait.ge [sflag:s24], $0x1  }
0xa6: {  	[sflag:s24] =	ssyncset.done $0x0  }
0xa7: {  	s25 =	simm.s32 $0x1B8E;
	[sflag:s24] =	ssyncadd.s32 $0xFFFFFFFF  }
0xa8: {  	s26 =	simm.s32 $execute0_lowered;
	[smem:$0x3FD2] =	sst s25  }
0xa9: {  	s7 =	sshll.u32 s26, $0x1;
	_ =	strace $0x80000046;
	[dreg:$0x1] =	wrdreg $0xFFFFFFFF  }
0xaa: {  	s28 =	simm.s32 $_size_execute0_lowered;
	s6 =	sadd.s32 s6, s7;
	[dreg:$0x0] =	wrdreg $0x0  }
0xab: {  	s7 =	sshll.u32 s28, $0x1;
	[dreg:$0x2] =	wrdreg s6  }
0xac: {  	[dreg:$0x3] =	wrdreg s7  }
0xad: {  	[dreg:$0x4] =	wrdreg $0xC0  }
0xae: {  	_ =	task [dreg:s10], $0x5FFFF  }
0xaf: {  	[dreg:$0x1] =	wrdreg $0xFFFFFFFF  }
0xb0: {  	[dreg:$0x0] =	wrdreg $0x60  }
0xb1: {  	[dreg:$0x2] =	wrdreg s2  }
0xb2: {  	[dreg:$0x3] =	wrdreg s19  }
0xb3: {  	[dreg:$0x4] =	wrdreg s4  }
0xb4: {  	[dreg:$0x5] =	wrdreg s5  }
0xb5: {  	[dreg:$0x6] =	wrdreg $0x1F2000  }
0xb6: {  	[dreg:$0x7] =	wrdreg $0x1F3000  }
0xb7: {  	[dreg:$0x8] =	wrdreg $0x9  }
0xb8: {  	_ =	task.clear_ibuf [dreg:s10], $0x9FFFF;
	_ =	strace $0x90000046  }
0xb9: {  	s29 =	simm.s32 $0x9;
	_ =	strace $0x8000004B  }
0xba: {  	_ =	swait.ge [sflag:s29], $0x1  }
0xbb: {  	[sflag:s29] =	ssyncadd.s32 $0xFFFFFFFF  }
0xbc: {  	_ =	strace $0x9000004B  }
0xbd: {  	_ =	sfence  }
0xbe: {  	s30 =	sld [smem:$0x0];
	_ =	sdelay $0x2  }
0xbf: {  	s31 =	sshll.u32 s1, $0xD;
	s1 =	sshrl.u32 s1, $0x2  }
0xc0: {  	s3 =	sand.u32 $0x4000, s31;
	s1 =	sadd.s32 s1, s30  }
0xc1: {  	s0 =	sor.u32 s3, s0;
	s1 =	sshll.u32 s1, $0x11  }
0xc2: {  	s0 =	sor.u32 s1, s0  }
0xc3: {  	s0 =	sadd.s32 $0x8F2B, s0  }
0xc4: {  	[sflag:s0] =	ssyncadd.remote.s32 $0x1  }
0xc5: {  	_ =	sfence.sel $0xFFFF  }
0xc6: {  	[dreg:$0x0] =	wrdreg $0xFFFFFFFF;
	(pc) =	sbr.abs _section_cstart, $3  }
0xc7: {  	[dreg:$0x1] =	wrdreg $0xFFFFFFFF  }
0xc8: {  	_ =	task.clear_ibuf [dreg:s10], $0x2FFFF;
	_ =	strace $0x9FFFFFFF  }
0xc9: {  	(tm) =	ssettm $0x7FFFFFFF  }
tec
execute0_lowered:
.L_overlay_start_1:
0x0: {  	(tag) =	ssettag $0x1  }
0x1: {  	s0 =	srdreg.scid  }
0x2: {  	s2 =	stileid.u32;
	s3 =	sand.u32 $0x1, s0  }
0x3: {  	s4 =	rddreg [dreg:$0x1];
	s1 =	sshll.u32 s2, $0x8;
	s6 =	sshll.u32 s3, $0x7  }
0x4: {  	s5 =	rddreg [dreg:$0x3];
	s7 =	ssub.s32 $0x2, s3;
	s3 =	sor.u32 s6, s1  }
0x5: {  	s29 =	rddreg [dreg:$0x2];
	s0 =	simm.s32 $0x0;
	s8 =	sshll.u32 s3, $0x7  }
0x6: {  	[smem:$0x7FF] =	sst s0;
	s25 =	sor.u32 $0x400, s8  }
0x7: {  	s24 =	sshrl.u32 s7, $0x1;
	s9 =	sor.u32 $0x800, s8;
	s10 =	sadd.s32 s4, s25  }
0x8: {  	s28 =	sor.u32 $0xC00, s8;
	s26 =	sadd.s32 s4, s9;
	[dreg:$0x7] =	wrdreg s10  }
0x9: {  	s6 =	ssub.s32 s7, s24;
	s11 =	sadd.s32 s4, s28;
	[dreg:$0x8] =	wrdreg s26  }
0xa: {  	s31 =	sor.u32 $0x1000, s8;
	s7 =	sadd.s32 s5, s25;
	[dreg:$0x9] =	wrdreg s11  }
0xb: {  	s12 =	sadd.s32 s4, s31;
	[dreg:$0xa] =	wrdreg s7  }
0xc: {  	s13 =	sor.u32 $0x1400, s8;
	s9 =	sadd.s32 s5, s9;
	[dreg:$0xb] =	wrdreg s12  }
0xd: {  	s15 =	sor.u32 $0x1800, s8;
	s14 =	sadd.s32 s4, s13;
	[dreg:$0xc] =	wrdreg s9  }
0xe: {  	s17 =	sor.u32 $0x1C00, s8;
	s16 =	sadd.s32 s4, s15;
	[dreg:$0xd] =	wrdreg s14  }
0xf: {  	s19 =	sor.u32 $0x2000, s8;
	s18 =	sadd.s32 s4, s17;
	[dreg:$0xf] =	wrdreg s16  }
0x10: {  	s21 =	sor.u32 $0x2400, s8;
	s20 =	sadd.s32 s4, s19;
	[dreg:$0x11] =	wrdreg s18  }
0x11: {  	s23 =	sadd.s32 s4, s21;
	[dreg:$0x13] =	wrdreg s20  }
0x12: {  	s22 =	sor.u32 $0x2800, s8;
	s24 =	sadd.s32 s5, s21;
	[dreg:$0x17] =	wrdreg s23  }
0x13: {  	s25 =	sadd.s32 s4, s22;
	[dreg:$0x18] =	wrdreg s24  }
0x14: {  	[dreg:$0x19] =	wrdreg s25  }
0x15: {  	s9 =	sadd.s32 s5, s13;
	s13 =	rddreg [dreg:$0x0]  }
0x16: {  	s30 =	simm.s32 $0xF200;
	s20 =	rddreg [dreg:$0x4]  }
0x17: {  	p0 =	sne.s32 s2, $0x0;
	s10 =	sadd.s32 s5, s28;
	s23 =	rddreg [dreg:$0x5]  }
0x18: {  	s7 =	sadd.s32 s5, s31;
	s26 =	sor.u32 $0x2C00, s8;
	[dreg:$0xe] =	wrdreg s10  }
0x19: {  	s28 =	sor.u32 $0x3000, s8;
	s14 =	sadd.s32 s4, s8;
	[dreg:$0x10] =	wrdreg s7  }
0x1a: {  	s16 =	sor.u32 $0x3400, s8;
	s25 =	sshll.u32 s2, $0x5;
	[dreg:$0x12] =	wrdreg s9  }
0x1b: {  	s2 =	simm.s32 $0x11200;
	s10 =	sadd.s32 s5, s15;
	[dreg:$0x1f] =	wrdreg s14  }
0x1c: {  	s7 =	sadd.s32 s5, s17;
	s9 =	sadd.s32 s5, s19;
	[dreg:$0x14] =	wrdreg s10  }
0x1d: {  	s31 =	sadd.s32 s4, s26;
	s11 =	sadd.s32 s4, s28;
	[dreg:$0x15] =	wrdreg s7  }
0x1e: {  	s12 =	sadd.s32 s5, s28;
	s15 =	sadd.s32 s5, s8;
	[dreg:$0x16] =	wrdreg s9  }
0x1f: {  	s17 =	sor.u32 $0x3800, s8;
	s8 =	sor.u32 $0x3C00, s8;
	[dreg:$0x1b] =	wrdreg s31  }
0x20: {  	s18 =	sadd.s32 s4, s16;
	s21 =	sadd.s32 s5, s16;
	[dreg:$0x1d] =	wrdreg s11  }
0x21: {  	s28 =	sadd.s32 s3, s23;
	s14 =	simm.s32 $0x1B200;
	[dreg:$0x1e] =	wrdreg s12  }
0x22: {  	s16 =	simm.s32 $0xB100;
	s23 =	simm.s32 $0xD200;
	[smem:$0x7F3] =	sst s15  }
0x23: {  	s7 =	sadd.s32 s5, s22;
	[smem:$0x7F4] =	sst s18;
	s19 =	sadd.s32 s4, s17  }
0x24: {  	s4 =	sadd.s32 s4, s8;
	[smem:$0x7F7] =	sst s21;
	s22 =	sadd.s32 s5, s17  }
0x25: {  	s24 =	sadd.s32 s5, s8;
	s31 =	smax.u32 s6, $0x1;
	s9 =	sadd.s32 $0x100, s29  }
0x26: {  	s10 =	sadd.s32 $0x200, s29;
	s11 =	sadd.s32 $0x300, s29;
	[dreg:$0x1a] =	wrdreg s7  }
0x27: {  	s12 =	simm.s32 $0x17200;
	s15 =	simm.s32 $0x1D200;
	[smem:$0x7F5] =	sst s19  }
0x28: {  	s17 =	simm.s32 $0xB000;
	s18 =	simm.s32 $0x4;
	[smem:$0x7F6] =	sst s4  }
0x29: {  	v0 =	vimm.s32 $0xEDCBA987;
	s6 =	simm.s32 $0xBA00;
	s8 =	simm.s32 $0x2;
	[smem:$0x7F8] =	sst s22  }
0x2a: {  	v1 =	vimm.s32 $0x65432100;
	v0 =	vunpack.c.l.s4.s8 v0;
	s21 =	simm.s32 $0x15200;
	s7 =	sadd.s32 s5, s26;
	[smem:$0x7F9] =	sst s24  }
0x2b: {  	vm0 =	vmmov $0x1;
	v1 =	vunpack.c.l.s4.s8 v1;
	s26 =	sadd.s32 s13, s25;
	s5 =	sor.u32 $0x8000, s1;
	[dreg:$0x1c] =	wrdreg s7  }
0x2c: {  	v4 =	vimm.s32 $0xFFFFFFFF;
	v2 =	vunpack.c.0.s8.s32 v0;
	v0 =	vlaneseq.u32;
	s1 =	sadd.s32 s1, s20;
	_ =	strace $0x80000047;
	[smem:$0x7FA] =	sst s26  }
0x2d: {  	vm1 =	vmmov $0xffff;
	v3 =	vunpack.c.0.s8.s32 v1;
	v1 =	vor.u32 $0x80000000, v0;
	s13 =	simm.s32 $0x19200;
	s19 =	simm.s32 $0xB200;
	[smem:$0x7FB] =	sst s1  }
0x2e: {  	v6 =	vshrl.u32 v0, $0x3;
	v5 =	vand.u32 $0x7, v0;
	v2 =	vand.u32 $0xF, v2;
	s20 =	simm.s32 $0x13200;
	s22 =	simm.s32 $0x3;
	[smem:$0x7FC] =	sst s28  }
0x2f: {  	v6 =	vmul.u32 $0x8, v6;
	v2 =	vcombine.low v3, v2;
	v3 =	vimm.s32 $0x0;
	s24 =	simm.s32 $0x0;
	s7 =	simm.s32 $0x1;
	[smem:$0x7FD] =	sst s31  }
.LBB2_1:
0x30: {  	s1 =	rddreg [dreg:$0x1f]  }
0x31: {  	s3 =	rddreg [dreg:$0x7]  }
0x32: {  	[tilespmem:s12], [sflag:$0x2] =	stream.linear.gather [hbm4b:s1+s0], $0x2000, $0x38;
	[tilespmem:$0x1F400] =	vst v63  }
0x33: {  	s4 =	rddreg [dreg:$0x8]  }
0x34: {  	[tilespmem:s13], [sflag:$0x2] =	stream.linear.gather [hbm4b:s3+s0], $0x2000, $0x38;
	[tilespmem:$0x1F400] =	vst v63  }
0x35: {  	s25 =	rddreg [dreg:$0x9]  }
0x36: {  	[tilespmem:s14], [sflag:$0x2] =	stream.linear.gather [hbm4b:s4+s0], $0x2000, $0x38;
	[tilespmem:$0x1F400] =	vst v63  }
0x37: {  	s3 =	sld [smem:$0x7FA]  }
0x38: {  	[tilespmem:s15], [sflag:$0x2] =	stream.linear.gather [hbm4b:s25+s0], $0x2000, $0x38;
	[tilespmem:$0x1F400] =	vst v63  }
0x39: {  	s1 =	simm.s32 @p0 $0x0  }
0x3a: {  	[tilespmem:s5], [sflag:$0x4] =	stream.linear.gather @p0 [hbm4b:s3+s1], $0x100, $0x38;
	[tilespmem:$0x1F400] =	vst v63  }
0x3b: {  	s1 =	simm.s32 @p0 $0x4  }
0x3c: {  	_ =	swait.ge @p0 [sflag:s1], $0x100  }
0x3d: {  	[sflag:s1] =	ssyncset.done @p0 $0x0  }
0x3e: {  	[sflag:s1] =	ssyncadd.s32 @p0 $0xFFFFFF00  }
0x3f: {  	s25 =	simm.s32 @!p0 $0x8000;
	s1 =	simm.s32 @!p0 $0x0;
	s3 =	rddreg [dreg:$0x0]  }
0x40: {  	[tilespmem:s25], [sflag:$0x4] =	stream.linear.gather @!p0 [hbm4b:s3+s1], $0x1000, $0x38;
	[tilespmem:$0x1F400] =	vst v63  }
0x41: {  	s1 =	simm.s32 @!p0 $0x4  }
0x42: {  	_ =	swait.ge @!p0 [sflag:s1], $0x1000  }
0x43: {  	s26 =	sand.u32 $0x80, s0;
	[sflag:s1] =	ssyncset.done @!p0 $0x0  }
0x44: {  	s31 =	sand.u32 $0x70, s0;
	s25 =	sadd.s32 s26, s5;
	[sflag:s1] =	ssyncadd.s32 @!p0 $0xFFFFF000  }
0x45: {  	s1 =	sadd.s32 s31, s25;
	_ =	strace $0x80000048  }
0x46: {  	v7 =	vld [tilespmem:s1+$0x0];
	_ =	sdelay $0x4  }
0x47: {  	v7 =	vshll.u32 v7, $0x4  }
0x48: {  	v7 =	vxor.u32 v1, v7  }
0x49: {  	(xrf1) =	vsort.ascd.msk.u32 $0xffff, v7, v0;
	_ =	sdelay $0xd  }
0x4a: {  	v7, v8, _ =	vpop (xrf1)  }
0x4b: {  	v7 =	vxor.u32 $0x80000000, v7  }
0x4c: {  	[tilespmem:$0xB100] =	vst v7  }
0x4d: {  	v9 =	vld.idx.msk [tilespmem:v2+s16+$0x0], $0xffff;
	_ =	sdelay $0x4  }
0x4e: {  	v7 =	vxor.u32 v9, v7  }
0x4f: {  	vm2 =	vgt.u32 v7, $0xF;
	v7 =	vadd.s32 s0, v8  }
0x50: {  	s26 =	simm.s32 $0x10  }
0x51: {  	s28 =	sand.u32 $0x80, s26;
	vm2 =	vmor vm2, vm0  }
0x52: {  	s28 =	sadd.s32 s28, s5;
	s25 =	simm.s32 $0x20;
	s1 =	sand.u32 $0x70, s26;
	v8 =	vsel vm2, $0x1, v3  }
.LBB2_2:
0x53: {  	p1 =	sne.s32 s25, $0xF0  }
0x54: {  	s1 =	sadd.s32 s1, s28;
	[tilespmem:v7+s17+$0x0] =	vst.idx.msk $0xffff, v8;
	s28 =	smov.u32 s25;
	s25 =	sadd.s32 $0x10, s25  }
0x55: {  	v7 =	vld [tilespmem:s1+$0x0];
	_ =	sdelay $0x4  }
0x56: {  	v7 =	vshll.u32 v7, $0x4  }
0x57: {  	v7 =	vxor.u32 v1, v7  }
0x58: {  	(xrf1) =	vsort.ascd.msk.u32 $0xffff, v7, v0;
	_ =	sdelay $0xd  }
0x59: {  	v7, v8, _ =	vpop (xrf1)  }
0x5a: {  	v9 =	vxor.u32 $0x80000000, v7  }
0x5b: {  	[tilespmem:$0xB100] =	vst v9  }
0x5c: {  	v10 =	vld.idx.msk [tilespmem:v2+s16+$0x0], $0xffff;
	_ =	sdelay $0x4  }
.Ltmp0:
0x5d: {  	v7 =	vadd.s32 s26, v8;
	s26 =	smov.u32 s28;
	(pc) =	sbr.rel @p1 .LBB2_2-.Ltmp0, $4  }
0x5e: {  	v8 =	vxor.u32 v10, v9  }
0x5f: {  	vm2 =	vgt.u32 v8, $0xF  }
0x60: {  	s28 =	sand.u32 $0x80, s26;
	vm2 =	vmor vm2, vm0  }
0x61: {  	s1 =	sand.u32 $0x70, s26;
	s28 =	sadd.s32 s28, s5;
	v8 =	vsel vm2, $0x1, v3  }
0x62: {  	_ =	sdelay $0x3  }
0x63: {  	s1 =	sadd.s32 s1, s28;
	[tilespmem:v7+s17+$0x0] =	vst.idx.msk $0xffff, v8  }
0x64: {  	v7 =	vld [tilespmem:s1+$0x0];
	_ =	sdelay $0x4  }
0x65: {  	v7 =	vshll.u32 v7, $0x4  }
0x66: {  	v7 =	vxor.u32 v1, v7  }
0x67: {  	(xrf1) =	vsort.ascd.msk.u32 $0xffff, v7, v0;
	_ =	sdelay $0xd  }
0x68: {  	v7, v8, _ =	vpop (xrf1)  }
0x69: {  	v7 =	vxor.u32 $0x80000000, v7  }
0x6a: {  	[tilespmem:$0xB100] =	vst v7  }
0x6b: {  	v9 =	vld.idx.msk [tilespmem:v2+s16+$0x0], $0xffff;
	_ =	sdelay $0x3  }
0x6c: {  	v8 =	vadd.s32 s26, v8  }
0x6d: {  	v7 =	vxor.u32 v9, v7  }
0x6e: {  	vm2 =	vgt.u32 v7, $0xF  }
0x6f: {  	s31 =	sld [smem:$0x7FB];
	vm2 =	vmor vm2, vm0  }
0x70: {  	v7 =	vsel vm2, $0x1, v3  }
0x71: {  	[tilespmem:v8+s17+$0x0] =	vst.idx.msk $0xffff, v7  }
0x72: {  	[spmem:s31] =	stream.linear.scatter [tilespmem:s17], [sflag:$0x4], $0x100, $0x200038;
	[tilespmem:$0x1F400] =	vst v63  }
.Ltmp1:
0x73: {  	_ = 	snop;
	(pc) =	sbr.rel @!p0 .LBB2_4-.Ltmp1, $4  }
0x74: {  	_ =	swait.ge [sflag:s18], $0x100  }
0x75: {  	[sflag:s18] =	ssyncset.done $0x0  }
0x76: {  	[sflag:s18] =	ssyncadd.s32 $0xFFFFFF00  }
0x77: {  	_ =	strace $0x90000048  }
.Ltmp2:
0x78: {  	(pc) =	sbr.rel .LBB2_10-.Ltmp2, $2  }
0x79: {  	_ =	sdelay $0x1  }
0x7a: {  	[bflag:$0x0] =	sbarrier.arrive $0xFFFF;
	_ =	sdelay $0x1  }
.LBB2_4:
0x7b: {  	s1 =	simm.s32 $0x40  }
0x7c: {  	[tilespmem:s1+$0xFFFFFFC0] =	vst v4  }
0x7d: {  	[tilespmem:s1+$0x30] =	vst v4  }
0x7e: {  	[tilespmem:s1+$0x20] =	vst v4  }
0x7f: {  	[tilespmem:s1+$0x10] =	vst v4  }
0x80: {  	[tilespmem:s1+$0x0] =	vst v4  }
0x81: {  	[tilespmem:s1+$0xFFFFFFF0] =	vst v4  }
0x82: {  	s25 =	simm.s32 $0x0;
	[tilespmem:s1+$0xFFFFFFE0] =	vst v4  }
.LBB2_5:
0x83: {  	s25 =	sadd.s32 $0x8, s25;
	[tilespmem:s1+$0xFFFFFFD0] =	vst v4;
	s1 =	sadd.s32 $0x80, s1  }
0x84: {  	[tilespmem:s1+$0xFFFFFFC0] =	vst v4;
	p1 =	slt.u32 s25, $0x7F8  }
0x85: {  	[tilespmem:s1+$0x30] =	vst v4  }
.Ltmp3:
0x86: {  	[tilespmem:s1+$0x20] =	vst v4;
	(pc) =	sbr.rel @p1 .LBB2_5-.Ltmp3, $4  }
0x87: {  	[tilespmem:s1+$0x10] =	vst v4  }
0x88: {  	[tilespmem:s1+$0x0] =	vst v4  }
0x89: {  	[tilespmem:s1+$0xFFFFFFF0] =	vst v4  }
0x8a: {  	[tilespmem:s1+$0xFFFFFFE0] =	vst v4  }
0x8b: {  	[tilespmem:s1+$0xFFFFFFD0] =	vst v4  }
0x8c: {  	[bflag:$0x0] =	sbarrier.arrive $0xFFFF  }
0x8d: {  	_ =	strace $0x80000049  }
0x8e: {  	s3 =	simm.s32 $0xA000;
	s31 =	rddreg [dreg:$0x4]  }
0x8f: {  	[tilespmem:s3], [sflag:$0x4] =	stream.linear.gather [spmem:s31], $0x1000, $0x200038;
	[tilespmem:$0x1F400] =	vst v63  }
0x90: {  	_ =	swait.ge [sflag:s18], $0x1000  }
0x91: {  	[sflag:s18] =	ssyncset.done $0x0  }
0x92: {  	s26 =	simm.s32 $0x0;
	[sflag:s18] =	ssyncadd.s32 $0xFFFFF000  }
0x93: {  	v7 =	vld [tilespmem:s26+$0x8000];
	_ =	sdelay $0x6  }
0x94: {  	v9 =	vld [tilespmem:s26+$0xA000]  }
0x95: {  	v8 =	vld.idx.msk [tilespmem:v7+s0+$0x0], $0xffff;
	_ =	sdelay $0x4  }
0x96: {  	vm3 =	vgt.s32 v9, $0x0;
	vm2 =	vlt.s32 v8, $0x0  }
0x97: {  	vm2 =	vmand vm2, vm3  }
0x98: {  	v8 =	vsel vm2, $0x1, v3  }
0x99: {  	(xrf0) =	vadd.scan.msk.s32 $0xffff, v8;
	_ =	sdelay $0x4  }
0x9a: {  	v9 =	vsel vm2, $0xFFFFFFFF, v3;
	v8 =	vimm.s32 $0x0  }
0x9b: {  	v9 =	vadd.s32 v9, v8;
	v10, _, _ =	vpop (xrf0)  }
0x9c: {  	v9 =	vadd.s32 v10, v9  }
0x9d: {  	s1 =	simm.s32 $0x10;
	[tilespmem:v7+s0+$0x0] =	vst.idx.msk vm2, v9  }
0x9e: {  	v10 =	vld [tilespmem:s1+$0x8000];
	_ =	sdelay $0x1  }
0x9f: {  	v9 =	vmpcnt.ones.xlane vm2;
	v11 =	vld.idx.msk [tilespmem:v7+s0+$0x0], $0xffff;
	_ =	sdelay $0x1  }
0xa0: {  	v9 =	vadd.s32 v8, v9  }
0xa1: {  	s25 =	simm.s32 $0x80;
	v7 =	vmov v9;
	v8 =	vmov v10  }
.LBB2_7:
0xa2: {  	p1 =	sne.s32 s25, $0x3FC0;
	s28 =	smov.u32 s25;
	s25 =	sadd.s32 $0x40, s25  }
0xa3: {  	[tilespmem:s26+$0x9000] =	vst v11;
	s26 =	smov.u32 s1  }
0xa4: {  	v10 =	vld.idx.msk [tilespmem:v10+s0+$0x0], $0xffff  }
0xa5: {  	v11 =	vld [tilespmem:s26+$0xA000];
	_ =	sdelay $0x4  }
0xa6: {  	vm2 =	vlt.s32 v10, $0x0;
	vm3 =	vgt.s32 v11, $0x0  }
0xa7: {  	vm2 =	vmand vm2, vm3  }
0xa8: {  	v10 =	vsel vm2, $0xFFFFFFFF, v3;
	v11 =	vsel vm2, $0x1, v3;
	v12 =	vmpcnt.ones.xlane vm2  }
0xa9: {  	(xrf0) =	vadd.scan.msk.s32 $0xffff, v11  }
0xaa: {  	v9 =	vadd.s32 v9, v12;
	_ =	sdelay $0x4  }
0xab: {  	v10 =	vadd.s32 v10, v7;
	v7 =	vmov v9;
	v11, _, _ =	vpop (xrf0)  }
0xac: {  	v10 =	vadd.s32 v11, v10  }
0xad: {  	s1 =	sshra.s32 s28, $0x2;
	[tilespmem:v8+s0+$0x0] =	vst.idx.msk vm2, v10  }
0xae: {  	v10 =	vld [tilespmem:s1+$0x8000]  }
.Ltmp4:
0xaf: {  	v11 =	vld.idx.msk [tilespmem:v8+s0+$0x0], $0xffff;
	(pc) =	sbr.rel @p1 .LBB2_7-.Ltmp4, $2  }
0xb0: {  	_ =	sdelay $0x2  }
0xb1: {  	v8 =	vmov v10  }
0xb2: {  	_ =	sdelay $0x2  }
0xb3: {  	[tilespmem:s26+$0x9000] =	vst v11  }
0xb4: {  	v9 =	vld.idx.msk [tilespmem:v10+s0+$0x0], $0xffff  }
0xb5: {  	v60 =	vld [tilespmem:s1+$0xA000];
	_ =	sdelay $0x4  }
0xb6: {  	vm2 =	vlt.s32 v9, $0x0;
	vm3 =	vgt.s32 v60, $0x0  }
0xb7: {  	vm2 =	vmand vm2, vm3  }
0xb8: {  	v61 =	vsel vm2, $0x1, v3  }
0xb9: {  	(xrf0) =	vadd.scan.msk.s32 $0xffff, v61;
	_ =	sdelay $0x4  }
0xba: {  	v62 =	vsel vm2, $0xFFFFFFFF, v3  }
0xbb: {  	v7 =	vadd.s32 v62, v7;
	v63, _, _ =	vpop (xrf0)  }
0xbc: {  	v7 =	vadd.s32 v63, v7  }
0xbd: {  	[tilespmem:v8+s0+$0x0] =	vst.idx.msk vm2, v7  }
0xbe: {  	v7 =	vld.idx.msk [tilespmem:v8+s0+$0x0], $0xffff;
	_ =	sdelay $0x4  }
0xbf: {  	s31 =	rddreg [dreg:$0x5];
	s3 =	simm.s32 $0x9000;
	[tilespmem:s1+$0x9000] =	vst v7  }
0xc0: {  	[spmem:s31] =	stream.linear.scatter [tilespmem:s3], [sflag:$0x4], $0x1000, $0x200038;
	[tilespmem:$0x1F400] =	vst v63  }
0xc1: {  	_ =	swait.ge [sflag:s18], $0x1000  }
0xc2: {  	[sflag:s18] =	ssyncset.done $0x0  }
0xc3: {  	[sflag:s18] =	ssyncadd.s32 $0xFFFFF000  }
0xc4: {  	_ =	strace $0x90000049  }
.LBB2_10:
0xc5: {  	[bflag:$0x0] =	sbarrier.arrive $0xFFFF  }
0xc6: {  	_ =	strace $0x8000004A  }
0xc7: {  	s1 =	sld [smem:$0x7FC];
	_ =	sdelay $0x1  }
0xc8: {  	s3 =	simm.s32 $0xB180  }
0xc9: {  	[tilespmem:s3], [sflag:$0x4] =	stream.linear.gather [spmem:s1], $0x80, $0x200038;
	[tilespmem:$0x1F400] =	vst v63  }
0xca: {  	_ =	swait.ge [sflag:s18], $0x80  }
0xcb: {  	[sflag:s18] =	ssyncset.done $0x0  }
0xcc: {  	[sflag:s18] =	ssyncadd.s32 $0xFFFFFF80  }
0xcd: {  	v7 =	vld.msk [tilespmem:$0xB180], $0xff;
	_ =	sdelay $0x4  }
0xce: {  	v8 =	vshll.u32 v7, $0x3  }
0xcf: {  	v7 =	vand.u32 $0x7, v7;
	v8 =	vand.u32 $0xFFFFFFC0, v8  }
0xd0: {  	v7 =	vor.u32 v7, v8  }
0xd1: {  	v7 =	vperm.xlane v7, v5;
	_ =	sdelay $0x1  }
0xd2: {  	v7 =	vadd.s32 v6, v7;
	_ =	sdelay $0x3  }
0xd3: {  	s26 =	simm.s32 $0x0  }
0xd4: {  	[tilespmem:s19], [sflag:$0x1] =	stream.indirect_vreg.gather [hbm4b:s29+s26], $0x80, v7, vm1, $0x2000b8;
	[tilespmem:$0x1F400] =	vst v63  }
0xd5: {  	_ = 	snop  }
0xd6: {  	[tilespmem:s6], [sflag:$0x1] =	stream.indirect_vreg.gather [hbm4b:s9+s26], $0x80, v7, vm1, $0x2000b8;
	[tilespmem:$0x1F400] =	vst v63  }
0xd7: {  	s25 =	simm.s32 $0xC200  }
0xd8: {  	[tilespmem:s25], [sflag:$0x1] =	stream.indirect_vreg.gather [hbm4b:s10+s26], $0x80, v7, vm1, $0x2000b8;
	[tilespmem:$0x1F400] =	vst v63  }
0xd9: {  	s3 =	simm.s32 $0xCA00  }
0xda: {  	[tilespmem:s3], [sflag:$0x1] =	stream.indirect_vreg.gather [hbm4b:s11+s26], $0x80, v7, vm1, $0x2000b8;
	[tilespmem:$0x1F400] =	vst v63  }
0xdb: {  	v7 =	vld.msk [tilespmem:$0xB188], $0xff;
	_ =	sdelay $0x4  }
0xdc: {  	v8 =	vshll.u32 v7, $0x3  }
0xdd: {  	v7 =	vand.u32 $0x7, v7;
	v8 =	vand.u32 $0xFFFFFFC0, v8  }
0xde: {  	v7 =	vor.u32 v7, v8  }
0xdf: {  	v7 =	vperm.xlane v7, v5;
	_ =	sdelay $0x1  }
0xe0: {  	v7 =	vadd.s32 v6, v7;
	_ =	sdelay $0x4  }
0xe1: {  	[tilespmem:s23], [sflag:$0x1] =	stream.indirect_vreg.gather [hbm4b:s29+s26], $0x80, v7, vm1, $0x2000b8;
	[tilespmem:$0x1F400] =	vst v63  }
0xe2: {  	s4 =	simm.s32 $0xDA00  }
0xe3: {  	[tilespmem:s4], [sflag:$0x1] =	stream.indirect_vreg.gather [hbm4b:s9+s26], $0x80, v7, vm1, $0x2000b8;
	[tilespmem:$0x1F400] =	vst v63  }
0xe4: {  	s25 =	simm.s32 $0xE200  }
0xe5: {  	[tilespmem:s25], [sflag:$0x1] =	stream.indirect_vreg.gather [hbm4b:s10+s26], $0x80, v7, vm1, $0x2000b8;
	[tilespmem:$0x1F400] =	vst v63  }
0xe6: {  	s3 =	simm.s32 $0xEA00  }
0xe7: {  	[tilespmem:s3], [sflag:$0x1] =	stream.indirect_vreg.gather [hbm4b:s11+s26], $0x80, v7, vm1, $0x2000b8;
	[tilespmem:$0x1F400] =	vst v63  }
0xe8: {  	v7 =	vld.msk [tilespmem:$0xB190], $0xff;
	_ =	sdelay $0x4  }
0xe9: {  	v8 =	vshll.u32 v7, $0x3  }
0xea: {  	v7 =	vand.u32 $0x7, v7;
	v8 =	vand.u32 $0xFFFFFFC0, v8  }
0xeb: {  	v7 =	vor.u32 v7, v8  }
0xec: {  	v7 =	vperm.xlane v7, v5;
	_ =	sdelay $0x1  }
0xed: {  	v7 =	vadd.s32 v6, v7;
	_ =	sdelay $0x4  }
0xee: {  	[tilespmem:s30], [sflag:$0x1] =	stream.indirect_vreg.gather [hbm4b:s29+s26], $0x80, v7, vm1, $0x2000b8;
	[tilespmem:$0x1F400] =	vst v63  }
0xef: {  	s4 =	simm.s32 $0xFA00  }
0xf0: {  	[tilespmem:s4], [sflag:$0x1] =	stream.indirect_vreg.gather [hbm4b:s9+s26], $0x80, v7, vm1, $0x2000b8;
	[tilespmem:$0x1F400] =	vst v63  }
0xf1: {  	s25 =	simm.s32 $0x10200  }
0xf2: {  	[tilespmem:s25], [sflag:$0x1] =	stream.indirect_vreg.gather [hbm4b:s10+s26], $0x80, v7, vm1, $0x2000b8;
	[tilespmem:$0x1F400] =	vst v63  }
0xf3: {  	s3 =	simm.s32 $0x10A00  }
0xf4: {  	[tilespmem:s3], [sflag:$0x1] =	stream.indirect_vreg.gather [hbm4b:s11+s26], $0x80, v7, vm1, $0x2000b8;
	[tilespmem:$0x1F400] =	vst v63  }
0xf5: {  	v7 =	vld.msk [tilespmem:$0xB198], $0xff;
	_ =	sdelay $0x4  }
0xf6: {  	v8 =	vshll.u32 v7, $0x3  }
0xf7: {  	v7 =	vand.u32 $0x7, v7;
	v8 =	vand.u32 $0xFFFFFFC0, v8  }
0xf8: {  	v7 =	vor.u32 v7, v8  }
0xf9: {  	v7 =	vperm.xlane v7, v5;
	_ =	sdelay $0x1  }
0xfa: {  	v7 =	vadd.s32 v6, v7;
	_ =	sdelay $0x4  }
0xfb: {  	[tilespmem:s2], [sflag:$0x1] =	stream.indirect_vreg.gather [hbm4b:s29+s26], $0x80, v7, vm1, $0x2000b8;
	[tilespmem:$0x1F400] =	vst v63  }
0xfc: {  	s4 =	simm.s32 $0x11A00  }
0xfd: {  	[tilespmem:s4], [sflag:$0x1] =	stream.indirect_vreg.gather [hbm4b:s9+s26], $0x80, v7, vm1, $0x2000b8;
	[tilespmem:$0x1F400] =	vst v63  }
0xfe: {  	s25 =	simm.s32 $0x12200  }
0xff: {  	[tilespmem:s25], [sflag:$0x1] =	stream.indirect_vreg.gather [hbm4b:s10+s26], $0x80, v7, vm1, $0x2000b8;
	[tilespmem:$0x1F400] =	vst v63  }
0x100: {  	s3 =	simm.s32 $0x12A00  }
0x101: {  	[tilespmem:s3], [sflag:$0x1] =	stream.indirect_vreg.gather [hbm4b:s11+s26], $0x80, v7, vm1, $0x2000b8;
	[tilespmem:$0x1F400] =	vst v63  }
0x102: {  	_ =	swait.ge [sflag:s7], $0x2000  }
0x103: {  	[sflag:s7] =	ssyncset.done $0x0  }
0x104: {  	[sflag:s7] =	ssyncadd.s32 $0xFFFFE000  }
0x105: {  	_ =	swait.ge [sflag:s8], $0x2000  }
0x106: {  	s4 =	sand.u32 $0x70, s26;
	s25 =	sand.u32 $0x1C00, s26;
	[sflag:s8] =	ssyncset.done $0x0  }
0x107: {  	s25 =	sor.u32 s4, s25;
	[sflag:s8] =	ssyncadd.s32 $0xFFFFE000  }
0x108: {  	v9 =	vld [tilespmem:s25+$0x17500]  }
0x109: {  	v10 =	vld [tilespmem:s25+$0x17380]  }
0x10a: {  	v8 =	vld [tilespmem:s25+$0x17480]  }
0x10b: {  	v7 =	vld [tilespmem:s25+$0x17400]  }
0x10c: {  	v11 =	vld [tilespmem:s25+$0x17280]  }
0x10d: {  	v12 =	vld [tilespmem:s25+$0x17300]  }
0x10e: {  	[tilespmem:s25+$0xB500] =	vst.add.f32.msk $0xffff, v9  }
0x10f: {  	[tilespmem:s25+$0xB380] =	vst.add.f32.msk $0xffff, v10  }
0x110: {  	v9 =	vld [tilespmem:s25+$0x17200]  }
0x111: {  	[tilespmem:s25+$0xB280] =	vst.add.f32.msk $0xffff, v11  }
0x112: {  	s31 =	simm.s32 $0x10;
	s28 =	simm.s32 $0x0;
	[tilespmem:s25+$0xB300] =	vst.add.f32.msk $0xffff, v12  }
.LBB2_11:
0x113: {  	p1 =	sne.s32 s31, $0x3F0;
	[tilespmem:s25+$0xB480] =	vst.add.f32.msk $0xffff, v8;
	s1 =	sor.u32 s28, s26;
	s28 =	sadd.s32 $0x80, s28  }
0x114: {  	s26 =	smov.u32 s31;
	s31 =	sadd.s32 $0x10, s31;
	[tilespmem:s25+$0xB400] =	vst.add.f32.msk $0xffff, v7;
	s1 =	sor.u32 $0x380, s1  }
0x115: {  	[tilespmem:s25+$0xB200] =	vst.add.f32.msk $0xffff, v9  }
0x116: {  	v7 =	vld [tilespmem:s1+$0x17200];
	_ =	sdelay $0x3  }
0x117: {  	s3 =	sand.u32 $0x1C00, s28;
	s25 =	sand.u32 $0x70, s26  }
0x118: {  	s25 =	sor.u32 s25, s3;
	[tilespmem:s1+$0xB200] =	vst.add.f32.msk $0xffff, v7  }
0x119: {  	v9 =	vld [tilespmem:s25+$0x17500]  }
0x11a: {  	v10 =	vld [tilespmem:s25+$0x17380]  }
0x11b: {  	v8 =	vld [tilespmem:s25+$0x17480]  }
0x11c: {  	v7 =	vld [tilespmem:s25+$0x17400]  }
0x11d: {  	v11 =	vld [tilespmem:s25+$0x17280]  }
0x11e: {  	v12 =	vld [tilespmem:s25+$0x17300]  }
.Ltmp5:
0x11f: {  	[tilespmem:s25+$0xB500] =	vst.add.f32.msk $0xffff, v9;
	(pc) =	sbr.rel @p1 .LBB2_11-.Ltmp5, $4  }
0x120: {  	[tilespmem:s25+$0xB380] =	vst.add.f32.msk $0xffff, v10  }
0x121: {  	v9 =	vld [tilespmem:s25+$0x17200]  }
0x122: {  	[tilespmem:s25+$0xB280] =	vst.add.f32.msk $0xffff, v11  }
0x123: {  	[tilespmem:s25+$0xB300] =	vst.add.f32.msk $0xffff, v12  }
0x124: {  	[tilespmem:s25+$0xB480] =	vst.add.f32.msk $0xffff, v8  }
0x125: {  	s1 =	sor.u32 s28, s26;
	[tilespmem:s25+$0xB400] =	vst.add.f32.msk $0xffff, v7  }
0x126: {  	s1 =	sor.u32 $0x380, s1;
	[tilespmem:s25+$0xB200] =	vst.add.f32.msk $0xffff, v9  }
0x127: {  	v7 =	vld [tilespmem:s1+$0x17200];
	_ =	sdelay $0x2  }
0x128: {  	s4 =	sld [smem:$0x7F3];
	_ =	sdelay $0x1  }
0x129: {  	s26 =	simm.s32 $0x0;
	[tilespmem:s1+$0xB200] =	vst.add.f32.msk $0xffff, v7  }
0x12a: {  	[hbm4b:s4+s26] =	stream.linear.scatter [tilespmem:s19], [sflag:$0x3], $0x2000, $0x200038;
	[tilespmem:$0x1F400] =	vst v63  }
0x12b: {  	v7 =	vld.msk [tilespmem:$0xB1A0], $0xff;
	_ =	sdelay $0x4  }
0x12c: {  	v8 =	vshll.u32 v7, $0x3  }
0x12d: {  	v7 =	vand.u32 $0x7, v7;
	v8 =	vand.u32 $0xFFFFFFC0, v8  }
0x12e: {  	v7 =	vor.u32 v7, v8  }
0x12f: {  	v7 =	vperm.xlane v7, v5;
	_ =	sdelay $0x1  }
0x130: {  	v7 =	vadd.s32 v6, v7;
	_ =	sdelay $0x4  }
0x131: {  	[tilespmem:s20], [sflag:$0x1] =	stream.indirect_vreg.gather [hbm4b:s29+s26], $0x80, v7, vm1, $0x2000b8;
	[tilespmem:$0x1F400] =	vst v63  }
0x132: {  	s25 =	simm.s32 $0x13A00  }
0x133: {  	[tilespmem:s25], [sflag:$0x1] =	stream.indirect_vreg.gather [hbm4b:s9+s26], $0x80, v7, vm1, $0x2000b8;
	[tilespmem:$0x1F400] =	vst v63  }
0x134: {  	s3 =	simm.s32 $0x14200  }
0x135: {  	[tilespmem:s3], [sflag:$0x1] =	stream.indirect_vreg.gather [hbm4b:s10+s26], $0x80, v7, vm1, $0x2000b8;
	[tilespmem:$0x1F400] =	vst v63  }
0x136: {  	s4 =	simm.s32 $0x14A00  }
0x137: {  	[tilespmem:s4], [sflag:$0x1] =	stream.indirect_vreg.gather [hbm4b:s11+s26], $0x80, v7, vm1, $0x2000b8;
	[tilespmem:$0x1F400] =	vst v63  }
0x138: {  	_ =	swait.ge [sflag:s7], $0x2000  }
0x139: {  	[sflag:s7] =	ssyncset.done $0x0  }
0x13a: {  	[sflag:s7] =	ssyncadd.s32 $0xFFFFE000  }
0x13b: {  	_ =	swait.ge [sflag:s8], $0x2000  }
0x13c: {  	s25 =	sand.u32 $0x70, s26;
	s3 =	sand.u32 $0x1C00, s26;
	[sflag:s8] =	ssyncset.done $0x0  }
0x13d: {  	s25 =	sor.u32 s25, s3;
	[sflag:s8] =	ssyncadd.s32 $0xFFFFE000  }
0x13e: {  	v9 =	vld [tilespmem:s25+$0x19500]  }
0x13f: {  	v10 =	vld [tilespmem:s25+$0x19380]  }
0x140: {  	v8 =	vld [tilespmem:s25+$0x19480]  }
0x141: {  	v7 =	vld [tilespmem:s25+$0x19400]  }
0x142: {  	v11 =	vld [tilespmem:s25+$0x19280]  }
0x143: {  	v12 =	vld [tilespmem:s25+$0x19300]  }
0x144: {  	[tilespmem:s25+$0xD500] =	vst.add.f32.msk $0xffff, v9  }
0x145: {  	[tilespmem:s25+$0xD380] =	vst.add.f32.msk $0xffff, v10  }
0x146: {  	v9 =	vld [tilespmem:s25+$0x19200]  }
0x147: {  	[tilespmem:s25+$0xD280] =	vst.add.f32.msk $0xffff, v11  }
0x148: {  	s31 =	simm.s32 $0x10;
	s28 =	simm.s32 $0x0;
	[tilespmem:s25+$0xD300] =	vst.add.f32.msk $0xffff, v12  }
.LBB2_13:
0x149: {  	p1 =	sne.s32 s31, $0x3F0;
	[tilespmem:s25+$0xD480] =	vst.add.f32.msk $0xffff, v8;
	s1 =	sor.u32 s28, s26;
	s28 =	sadd.s32 $0x80, s28  }
0x14a: {  	s26 =	smov.u32 s31;
	s31 =	sadd.s32 $0x10, s31;
	[tilespmem:s25+$0xD400] =	vst.add.f32.msk $0xffff, v7;
	s1 =	sor.u32 $0x2380, s1  }
0x14b: {  	[tilespmem:s25+$0xD200] =	vst.add.f32.msk $0xffff, v9  }
0x14c: {  	v7 =	vld [tilespmem:s1+$0x17200];
	_ =	sdelay $0x3  }
0x14d: {  	s3 =	sand.u32 $0x70, s26;
	s25 =	sand.u32 $0x1C00, s28  }
0x14e: {  	s25 =	sor.u32 s3, s25;
	[tilespmem:s1+$0xB200] =	vst.add.f32.msk $0xffff, v7  }
0x14f: {  	v9 =	vld [tilespmem:s25+$0x19500]  }
0x150: {  	v10 =	vld [tilespmem:s25+$0x19380]  }
0x151: {  	v8 =	vld [tilespmem:s25+$0x19480]  }
0x152: {  	v7 =	vld [tilespmem:s25+$0x19400]  }
0x153: {  	v11 =	vld [tilespmem:s25+$0x19280]  }
0x154: {  	v12 =	vld [tilespmem:s25+$0x19300]  }
.Ltmp6:
0x155: {  	[tilespmem:s25+$0xD500] =	vst.add.f32.msk $0xffff, v9;
	(pc) =	sbr.rel @p1 .LBB2_13-.Ltmp6, $4  }
0x156: {  	[tilespmem:s25+$0xD380] =	vst.add.f32.msk $0xffff, v10  }
0x157: {  	v9 =	vld [tilespmem:s25+$0x19200]  }
0x158: {  	[tilespmem:s25+$0xD280] =	vst.add.f32.msk $0xffff, v11  }
0x159: {  	[tilespmem:s25+$0xD300] =	vst.add.f32.msk $0xffff, v12  }
0x15a: {  	[tilespmem:s25+$0xD480] =	vst.add.f32.msk $0xffff, v8  }
0x15b: {  	s1 =	sor.u32 s28, s26;
	[tilespmem:s25+$0xD400] =	vst.add.f32.msk $0xffff, v7  }
0x15c: {  	s1 =	sor.u32 $0x2380, s1;
	[tilespmem:s25+$0xD200] =	vst.add.f32.msk $0xffff, v9  }
0x15d: {  	v7 =	vld [tilespmem:s1+$0x17200];
	_ =	sdelay $0x4  }
0x15e: {  	s26 =	simm.s32 $0x0;
	s3 =	rddreg [dreg:$0xa];
	[tilespmem:s1+$0xB200] =	vst.add.f32.msk $0xffff, v7  }
0x15f: {  	[hbm4b:s3+s26] =	stream.linear.scatter [tilespmem:s23], [sflag:$0x3], $0x2000, $0x200038;
	[tilespmem:$0x1F400] =	vst v63  }
0x160: {  	s4 =	rddreg [dreg:$0xb]  }
0x161: {  	[tilespmem:s12], [sflag:$0x2] =	stream.linear.gather [hbm4b:s4+s26], $0x2000, $0x200038;
	[tilespmem:$0x1F400] =	vst v63  }
0x162: {  	v7 =	vld.msk [tilespmem:$0xB1A8], $0xff;
	_ =	sdelay $0x4  }
0x163: {  	v8 =	vshll.u32 v7, $0x3  }
0x164: {  	v7 =	vand.u32 $0x7, v7;
	v8 =	vand.u32 $0xFFFFFFC0, v8  }
0x165: {  	v7 =	vor.u32 v7, v8  }
0x166: {  	v7 =	vperm.xlane v7, v5;
	_ =	sdelay $0x1  }
0x167: {  	v7 =	vadd.s32 v6, v7;
	_ =	sdelay $0x4  }
0x168: {  	[tilespmem:s21], [sflag:$0x1] =	stream.indirect_vreg.gather [hbm4b:s29+s26], $0x80, v7, vm1, $0x2000b8;
	[tilespmem:$0x1F400] =	vst v63  }
0x169: {  	s25 =	simm.s32 $0x15A00  }
0x16a: {  	[tilespmem:s25], [sflag:$0x1] =	stream.indirect_vreg.gather [hbm4b:s9+s26], $0x80, v7, vm1, $0x2000b8;
	[tilespmem:$0x1F400] =	vst v63  }
0x16b: {  	s3 =	simm.s32 $0x16200  }
0x16c: {  	[tilespmem:s3], [sflag:$0x1] =	stream.indirect_vreg.gather [hbm4b:s10+s26], $0x80, v7, vm1, $0x2000b8;
	[tilespmem:$0x1F400] =	vst v63  }
0x16d: {  	s4 =	simm.s32 $0x16A00  }
0x16e: {  	[tilespmem:s4], [sflag:$0x1] =	stream.indirect_vreg.gather [hbm4b:s11+s26], $0x80, v7, vm1, $0x2000b8;
	[tilespmem:$0x1F400] =	vst v63  }
0x16f: {  	_ =	swait.ge [sflag:s7], $0x2000  }
0x170: {  	[sflag:s7] =	ssyncset.done $0x0  }
0x171: {  	[sflag:s7] =	ssyncadd.s32 $0xFFFFE000  }
0x172: {  	_ =	swait.ge [sflag:s8], $0x2000  }
0x173: {  	s25 =	sand.u32 $0x70, s26;
	s3 =	sand.u32 $0x1C00, s26;
	[sflag:s8] =	ssyncset.done $0x0  }
0x174: {  	s25 =	sor.u32 s25, s3;
	[sflag:s8] =	ssyncadd.s32 $0xFFFFE000  }
0x175: {  	v9 =	vld [tilespmem:s25+$0x1B500]  }
0x176: {  	v10 =	vld [tilespmem:s25+$0x1B380]  }
0x177: {  	v8 =	vld [tilespmem:s25+$0x1B480]  }
0x178: {  	v7 =	vld [tilespmem:s25+$0x1B400]  }
0x179: {  	v11 =	vld [tilespmem:s25+$0x1B280]  }
0x17a: {  	v12 =	vld [tilespmem:s25+$0x1B300]  }
0x17b: {  	[tilespmem:s25+$0xF500] =	vst.add.f32.msk $0xffff, v9  }
0x17c: {  	[tilespmem:s25+$0xF380] =	vst.add.f32.msk $0xffff, v10  }
0x17d: {  	v9 =	vld [tilespmem:s25+$0x1B200]  }
0x17e: {  	[tilespmem:s25+$0xF280] =	vst.add.f32.msk $0xffff, v11  }
0x17f: {  	s31 =	simm.s32 $0x10;
	s28 =	simm.s32 $0x0;
	[tilespmem:s25+$0xF300] =	vst.add.f32.msk $0xffff, v12  }
.LBB2_15:
0x180: {  	p1 =	sne.s32 s31, $0x3F0;
	[tilespmem:s25+$0xF480] =	vst.add.f32.msk $0xffff, v8;
	s1 =	sor.u32 s28, s26;
	s28 =	sadd.s32 $0x80, s28  }
0x181: {  	s26 =	smov.u32 s31;
	s31 =	sadd.s32 $0x10, s31;
	[tilespmem:s25+$0xF400] =	vst.add.f32.msk $0xffff, v7;
	s1 =	sor.u32 $0x4380, s1  }
0x182: {  	[tilespmem:s25+$0xF200] =	vst.add.f32.msk $0xffff, v9  }
0x183: {  	v7 =	vld [tilespmem:s1+$0x17200];
	_ =	sdelay $0x3  }
0x184: {  	s3 =	sand.u32 $0x70, s26;
	s25 =	sand.u32 $0x1C00, s28  }
0x185: {  	s25 =	sor.u32 s3, s25;
	[tilespmem:s1+$0xB200] =	vst.add.f32.msk $0xffff, v7  }
0x186: {  	v9 =	vld [tilespmem:s25+$0x1B500]  }
0x187: {  	v10 =	vld [tilespmem:s25+$0x1B380]  }
0x188: {  	v8 =	vld [tilespmem:s25+$0x1B480]  }
0x189: {  	v7 =	vld [tilespmem:s25+$0x1B400]  }
0x18a: {  	v11 =	vld [tilespmem:s25+$0x1B280]  }
0x18b: {  	v12 =	vld [tilespmem:s25+$0x1B300]  }
.Ltmp7:
0x18c: {  	[tilespmem:s25+$0xF500] =	vst.add.f32.msk $0xffff, v9;
	(pc) =	sbr.rel @p1 .LBB2_15-.Ltmp7, $4  }
0x18d: {  	[tilespmem:s25+$0xF380] =	vst.add.f32.msk $0xffff, v10  }
0x18e: {  	v9 =	vld [tilespmem:s25+$0x1B200]  }
0x18f: {  	[tilespmem:s25+$0xF280] =	vst.add.f32.msk $0xffff, v11  }
0x190: {  	[tilespmem:s25+$0xF300] =	vst.add.f32.msk $0xffff, v12  }
0x191: {  	[tilespmem:s25+$0xF480] =	vst.add.f32.msk $0xffff, v8  }
0x192: {  	s1 =	sor.u32 s28, s26;
	[tilespmem:s25+$0xF400] =	vst.add.f32.msk $0xffff, v7  }
0x193: {  	s1 =	sor.u32 $0x4380, s1;
	[tilespmem:s25+$0xF200] =	vst.add.f32.msk $0xffff, v9  }
0x194: {  	v7 =	vld [tilespmem:s1+$0x17200];
	_ =	sdelay $0x4  }
0x195: {  	s26 =	simm.s32 $0x0;
	s25 =	rddreg [dreg:$0xc];
	[tilespmem:s1+$0xB200] =	vst.add.f32.msk $0xffff, v7  }
0x196: {  	[hbm4b:s25+s26] =	stream.linear.scatter [tilespmem:s30], [sflag:$0x3], $0x2000, $0x200038;
	[tilespmem:$0x1F400] =	vst v63  }
0x197: {  	s3 =	rddreg [dreg:$0xd]  }
0x198: {  	[tilespmem:s13], [sflag:$0x2] =	stream.linear.gather [hbm4b:s3+s26], $0x2000, $0x200038;
	[tilespmem:$0x1F400] =	vst v63  }
0x199: {  	_ =	swait.ge [sflag:s22], $0x2000  }
0x19a: {  	[sflag:s22] =	ssyncset.done $0x0  }
0x19b: {  	[sflag:s22] =	ssyncadd.s32 $0xFFFFE000  }
0x19c: {  	v7 =	vld.msk [tilespmem:$0xB1B0], $0xff;
	_ =	sdelay $0x4  }
0x19d: {  	v8 =	vshll.u32 v7, $0x3  }
0x19e: {  	v7 =	vand.u32 $0x7, v7;
	v8 =	vand.u32 $0xFFFFFFC0, v8  }
0x19f: {  	v7 =	vor.u32 v7, v8  }
0x1a0: {  	v7 =	vperm.xlane v7, v5;
	_ =	sdelay $0x1  }
0x1a1: {  	v7 =	vadd.s32 v6, v7;
	_ =	sdelay $0x4  }
0x1a2: {  	[tilespmem:s19], [sflag:$0x1] =	stream.indirect_vreg.gather [hbm4b:s29+s26], $0x80, v7, vm1, $0x2000b8;
	[tilespmem:$0x1F400] =	vst v63  }
0x1a3: {  	_ = 	snop  }
0x1a4: {  	[tilespmem:s6], [sflag:$0x1] =	stream.indirect_vreg.gather [hbm4b:s9+s26], $0x80, v7, vm1, $0x2000b8;
	[tilespmem:$0x1F400] =	vst v63  }
0x1a5: {  	s4 =	simm.s32 $0xC200  }
0x1a6: {  	[tilespmem:s4], [sflag:$0x1] =	stream.indirect_vreg.gather [hbm4b:s10+s26], $0x80, v7, vm1, $0x2000b8;
	[tilespmem:$0x1F400] =	vst v63  }
0x1a7: {  	s6 =	simm.s32 $0xCA00  }
0x1a8: {  	[tilespmem:s6], [sflag:$0x1] =	stream.indirect_vreg.gather [hbm4b:s11+s26], $0x80, v7, vm1, $0x2000b8;
	[tilespmem:$0x1F400] =	vst v63  }
0x1a9: {  	_ =	swait.ge [sflag:s7], $0x2000  }
0x1aa: {  	[sflag:s7] =	ssyncset.done $0x0  }
0x1ab: {  	[sflag:s7] =	ssyncadd.s32 $0xFFFFE000  }
0x1ac: {  	_ =	swait.ge [sflag:s8], $0x2000  }
0x1ad: {  	s25 =	sand.u32 $0x70, s26;
	s3 =	sand.u32 $0x1C00, s26;
	[sflag:s8] =	ssyncset.done $0x0  }
0x1ae: {  	s25 =	sor.u32 s25, s3;
	[sflag:s8] =	ssyncadd.s32 $0xFFFFE000  }
0x1af: {  	v9 =	vld [tilespmem:s25+$0x1D500]  }
0x1b0: {  	v10 =	vld [tilespmem:s25+$0x1D380]  }
0x1b1: {  	v8 =	vld [tilespmem:s25+$0x1D480]  }
0x1b2: {  	v7 =	vld [tilespmem:s25+$0x1D400]  }
0x1b3: {  	v11 =	vld [tilespmem:s25+$0x1D280]  }
0x1b4: {  	v12 =	vld [tilespmem:s25+$0x1D300]  }
0x1b5: {  	[tilespmem:s25+$0x11500] =	vst.add.f32.msk $0xffff, v9  }
0x1b6: {  	[tilespmem:s25+$0x11380] =	vst.add.f32.msk $0xffff, v10  }
0x1b7: {  	v9 =	vld [tilespmem:s25+$0x1D200]  }
0x1b8: {  	[tilespmem:s25+$0x11280] =	vst.add.f32.msk $0xffff, v11  }
0x1b9: {  	s31 =	simm.s32 $0x10;
	s28 =	simm.s32 $0x0;
	[tilespmem:s25+$0x11300] =	vst.add.f32.msk $0xffff, v12  }
.LBB2_17:
0x1ba: {  	p1 =	sne.s32 s31, $0x3F0;
	[tilespmem:s25+$0x11480] =	vst.add.f32.msk $0xffff, v8;
	s1 =	sor.u32 s28, s26;
	s28 =	sadd.s32 $0x80, s28  }
0x1bb: {  	s26 =	smov.u32 s31;
	s31 =	sadd.s32 $0x10, s31;
	[tilespmem:s25+$0x11400] =	vst.add.f32.msk $0xffff, v7;
	s1 =	sor.u32 $0x6380, s1  }
0x1bc: {  	[tilespmem:s25+$0x11200] =	vst.add.f32.msk $0xffff, v9  }
0x1bd: {  	v7 =	vld [tilespmem:s1+$0x17200];
	_ =	sdelay $0x3  }
0x1be: {  	s3 =	sand.u32 $0x70, s26;
	s25 =	sand.u32 $0x1C00, s28  }
0x1bf: {  	s25 =	sor.u32 s3, s25;
	[tilespmem:s1+$0xB200] =	vst.add.f32.msk $0xffff, v7  }
0x1c0: {  	v9 =	vld [tilespmem:s25+$0x1D500]  }
0x1c1: {  	v10 =	vld [tilespmem:s25+$0x1D380]  }
0x1c2: {  	v8 =	vld [tilespmem:s25+$0x1D480]  }
0x1c3: {  	v7 =	vld [tilespmem:s25+$0x1D400]  }
0x1c4: {  	v11 =	vld [tilespmem:s25+$0x1D280]  }
0x1c5: {  	v12 =	vld [tilespmem:s25+$0x1D300]  }
.Ltmp8:
0x1c6: {  	[tilespmem:s25+$0x11500] =	vst.add.f32.msk $0xffff, v9;
	(pc) =	sbr.rel @p1 .LBB2_17-.Ltmp8, $4  }
0x1c7: {  	[tilespmem:s25+$0x11380] =	vst.add.f32.msk $0xffff, v10  }
0x1c8: {  	v9 =	vld [tilespmem:s25+$0x1D200]  }
0x1c9: {  	[tilespmem:s25+$0x11280] =	vst.add.f32.msk $0xffff, v11  }
0x1ca: {  	[tilespmem:s25+$0x11300] =	vst.add.f32.msk $0xffff, v12  }
0x1cb: {  	[tilespmem:s25+$0x11480] =	vst.add.f32.msk $0xffff, v8  }
0x1cc: {  	s1 =	sor.u32 s28, s26;
	[tilespmem:s25+$0x11400] =	vst.add.f32.msk $0xffff, v7  }
0x1cd: {  	s1 =	sor.u32 $0x6380, s1;
	[tilespmem:s25+$0x11200] =	vst.add.f32.msk $0xffff, v9  }
0x1ce: {  	v7 =	vld [tilespmem:s1+$0x17200];
	_ =	sdelay $0x4  }
0x1cf: {  	s3 =	simm.s32 $0x0;
	s6 =	rddreg [dreg:$0xe];
	[tilespmem:s1+$0xB200] =	vst.add.f32.msk $0xffff, v7  }
0x1d0: {  	[hbm4b:s6+s3] =	stream.linear.scatter [tilespmem:s2], [sflag:$0x3], $0x2000, $0x200038;
	[tilespmem:$0x1F400] =	vst v63  }
0x1d1: {  	s25 =	rddreg [dreg:$0xf]  }
0x1d2: {  	[tilespmem:s14], [sflag:$0x2] =	stream.linear.gather [hbm4b:s25+s3], $0x2000, $0x200038;
	[tilespmem:$0x1F400] =	vst v63  }
0x1d3: {  	_ =	swait.ge [sflag:s22], $0x2000  }
0x1d4: {  	[sflag:s22] =	ssyncset.done $0x0  }
0x1d5: {  	[sflag:s22] =	ssyncadd.s32 $0xFFFFE000  }
0x1d6: {  	v7 =	vld.msk [tilespmem:$0xB1B8], $0xff;
	_ =	sdelay $0x4  }
0x1d7: {  	v8 =	vshll.u32 v7, $0x3  }
0x1d8: {  	v7 =	vand.u32 $0x7, v7;
	v8 =	vand.u32 $0xFFFFFFC0, v8  }
0x1d9: {  	v7 =	vor.u32 v7, v8  }
0x1da: {  	v7 =	vperm.xlane v7, v5;
	_ =	sdelay $0x1  }
0x1db: {  	v7 =	vadd.s32 v6, v7;
	_ =	sdelay $0x4  }
0x1dc: {  	[tilespmem:s23], [sflag:$0x1] =	stream.indirect_vreg.gather [hbm4b:s29+s3], $0x80, v7, vm1, $0x2000b8;
	[tilespmem:$0x1F400] =	vst v63  }
0x1dd: {  	s26 =	simm.s32 $0xDA00  }
0x1de: {  	[tilespmem:s26], [sflag:$0x1] =	stream.indirect_vreg.gather [hbm4b:s9+s3], $0x80, v7, vm1, $0x2000b8;
	[tilespmem:$0x1F400] =	vst v63  }
0x1df: {  	s4 =	simm.s32 $0xE200  }
0x1e0: {  	[tilespmem:s4], [sflag:$0x1] =	stream.indirect_vreg.gather [hbm4b:s10+s3], $0x80, v7, vm1, $0x2000b8;
	[tilespmem:$0x1F400] =	vst v63  }
0x1e1: {  	s6 =	simm.s32 $0xEA00  }
0x1e2: {  	[tilespmem:s6], [sflag:$0x1] =	stream.indirect_vreg.gather [hbm4b:s11+s3], $0x80, v7, vm1, $0x2000b8;
	[tilespmem:$0x1F400] =	vst v63  }
0x1e3: {  	_ =	swait.ge [sflag:s7], $0x2000  }
0x1e4: {  	[sflag:s7] =	ssyncset.done $0x0  }
0x1e5: {  	[sflag:s7] =	ssyncadd.s32 $0xFFFFE000  }
0x1e6: {  	_ =	swait.ge [sflag:s8], $0x2000  }
0x1e7: {  	s25 =	sand.u32 $0x70, s3;
	s26 =	sand.u32 $0x1C00, s3;
	[sflag:s8] =	ssyncset.done $0x0  }
0x1e8: {  	s26 =	sor.u32 s25, s26;
	[sflag:s8] =	ssyncadd.s32 $0xFFFFE000  }
0x1e9: {  	v7 =	vld [tilespmem:s26+$0x17200];
	_ =	sdelay $0x4  }
0x1ea: {  	s1 =	sadd.s32 $0x17200, s26;
	[tilespmem:s26+$0x13200] =	vst.add.f32.msk $0xffff, v7  }
0x1eb: {  	v7 =	vld [tilespmem:s1+$0x80];
	_ =	sdelay $0x4  }
0x1ec: {  	[tilespmem:s26+$0x13280] =	vst.add.f32.msk $0xffff, v7  }
0x1ed: {  	v7 =	vld [tilespmem:s1+$0x100];
	_ =	sdelay $0x4  }
0x1ee: {  	[tilespmem:s26+$0x13300] =	vst.add.f32.msk $0xffff, v7  }
0x1ef: {  	v7 =	vld [tilespmem:s1+$0x180];
	_ =	sdelay $0x4  }
0x1f0: {  	[tilespmem:s26+$0x13380] =	vst.add.f32.msk $0xffff, v7  }
0x1f1: {  	v7 =	vld [tilespmem:s1+$0x200];
	_ =	sdelay $0x4  }
0x1f2: {  	[tilespmem:s26+$0x13400] =	vst.add.f32.msk $0xffff, v7  }
0x1f3: {  	v7 =	vld [tilespmem:s1+$0x280];
	_ =	sdelay $0x4  }
0x1f4: {  	[tilespmem:s26+$0x13480] =	vst.add.f32.msk $0xffff, v7  }
0x1f5: {  	v8 =	vld [tilespmem:s1+$0x300]  }
0x1f6: {  	s28 =	simm.s32 $0x10;
	s31 =	simm.s32 $0x80  }
0x1f7: {  	s4 =	sand.u32 $0x70, s28;
	s6 =	sand.u32 $0x1C00, s31  }
0x1f8: {  	s1 =	sor.u32 s4, s6  }
0x1f9: {  	s3 =	sor.u32 s3, s3;
	v7 =	vld [tilespmem:s1+$0x17200]  }
0x1fa: {  	s3 =	sor.u32 $0x380, s3;
	[tilespmem:s26+$0x13500] =	vst.add.f32.msk $0xffff, v8  }
0x1fb: {  	s25 =	simm.s32 $0x20;
	s28 =	sor.u32 s31, s28;
	v8 =	vld [tilespmem:s3+$0x17200]  }
.LBB2_19:
0x1fc: {  	_ =	sdelay $0x1  }
0x1fd: {  	p1 =	sne.s32 s25, $0x3F0;
	s3 =	smov.u32 s25;
	s25 =	sadd.s32 $0x10, s25  }
0x1fe: {  	s4 =	sadd.s32 $0x17200, s1;
	[tilespmem:s1+$0x13200] =	vst.add.f32.msk $0xffff, v7  }
0x1ff: {  	[tilespmem:s26+$0x13580] =	vst.add.f32.msk $0xffff, v8;
	s26 =	smov.u32 s1  }
0x200: {  	v7 =	vld [tilespmem:s4+$0x80];
	_ =	sdelay $0x4  }
0x201: {  	[tilespmem:s26+$0x13280] =	vst.add.f32.msk $0xffff, v7  }
0x202: {  	v7 =	vld [tilespmem:s4+$0x100];
	_ =	sdelay $0x4  }
0x203: {  	[tilespmem:s26+$0x13300] =	vst.add.f32.msk $0xffff, v7  }
0x204: {  	v7 =	vld [tilespmem:s4+$0x180];
	_ =	sdelay $0x4  }
0x205: {  	[tilespmem:s26+$0x13380] =	vst.add.f32.msk $0xffff, v7  }
0x206: {  	v7 =	vld [tilespmem:s4+$0x200];
	_ =	sdelay $0x4  }
0x207: {  	[tilespmem:s26+$0x13400] =	vst.add.f32.msk $0xffff, v7  }
0x208: {  	v7 =	vld [tilespmem:s4+$0x280];
	_ =	sdelay $0x4  }
0x209: {  	[tilespmem:s26+$0x13480] =	vst.add.f32.msk $0xffff, v7  }
0x20a: {  	v8 =	vld [tilespmem:s4+$0x300]  }
0x20b: {  	s31 =	sadd.s32 $0x80, s31;
	s1 =	sand.u32 $0x70, s3  }
.Ltmp9:
0x20c: {  	s3 =	sor.u32 s31, s3;
	s4 =	sand.u32 $0x1C00, s31;
	(pc) =	sbr.rel @p1 .LBB2_19-.Ltmp9, $4  }
0x20d: {  	s1 =	sor.u32 s1, s4  }
0x20e: {  	s4 =	sor.u32 $0x380, s28;
	s28 =	smov.u32 s3;
	v7 =	vld [tilespmem:s1+$0x17200]  }
0x20f: {  	[tilespmem:s26+$0x13500] =	vst.add.f32.msk $0xffff, v8  }
0x210: {  	v8 =	vld [tilespmem:s4+$0x17200]  }
0x211: {  	_ =	sdelay $0x2  }
0x212: {  	[tilespmem:s1+$0x13200] =	vst.add.f32.msk $0xffff, v7  }
0x213: {  	s3 =	sadd.s32 $0x17200, s1;
	[tilespmem:s26+$0x13580] =	vst.add.f32.msk $0xffff, v8  }
0x214: {  	v7 =	vld [tilespmem:s3+$0x80];
	_ =	sdelay $0x4  }
0x215: {  	[tilespmem:s1+$0x13280] =	vst.add.f32.msk $0xffff, v7  }
0x216: {  	v7 =	vld [tilespmem:s3+$0x100];
	_ =	sdelay $0x4  }
0x217: {  	[tilespmem:s1+$0x13300] =	vst.add.f32.msk $0xffff, v7  }
0x218: {  	v7 =	vld [tilespmem:s3+$0x180];
	_ =	sdelay $0x4  }
0x219: {  	[tilespmem:s1+$0x13380] =	vst.add.f32.msk $0xffff, v7  }
0x21a: {  	v7 =	vld [tilespmem:s3+$0x200];
	_ =	sdelay $0x4  }
0x21b: {  	[tilespmem:s1+$0x13400] =	vst.add.f32.msk $0xffff, v7  }
0x21c: {  	v7 =	vld [tilespmem:s3+$0x280];
	_ =	sdelay $0x4  }
0x21d: {  	[tilespmem:s1+$0x13480] =	vst.add.f32.msk $0xffff, v7  }
0x21e: {  	v7 =	vld [tilespmem:s3+$0x300];
	_ =	sdelay $0x4  }
0x21f: {  	s4 =	sor.u32 $0x380, s28;
	[tilespmem:s1+$0x13500] =	vst.add.f32.msk $0xffff, v7  }
0x220: {  	v7 =	vld [tilespmem:s4+$0x17200];
	_ =	sdelay $0x4  }
0x221: {  	s6 =	rddreg [dreg:$0x10];
	[tilespmem:s1+$0x13580] =	vst.add.f32.msk $0xffff, v7;
	s1 =	simm.s32 $0x0  }
0x222: {  	[hbm4b:s6+s1] =	stream.linear.scatter [tilespmem:s20], [sflag:$0x3], $0x2000, $0x200038;
	[tilespmem:$0x1F400] =	vst v63  }
0x223: {  	s25 =	rddreg [dreg:$0x11]  }
0x224: {  	[tilespmem:s15], [sflag:$0x2] =	stream.linear.gather [hbm4b:s25+s1], $0x2000, $0x200038;
	[tilespmem:$0x1F400] =	vst v63  }
0x225: {  	_ =	swait.ge [sflag:s22], $0x2000  }
0x226: {  	[sflag:s22] =	ssyncset.done $0x0  }
0x227: {  	[sflag:s22] =	ssyncadd.s32 $0xFFFFE000  }
0x228: {  	v7 =	vld.msk [tilespmem:$0xB1C0], $0xff;
	_ =	sdelay $0x4  }
0x229: {  	v8 =	vshll.u32 v7, $0x3  }
0x22a: {  	v7 =	vand.u32 $0x7, v7;
	v8 =	vand.u32 $0xFFFFFFC0, v8  }
0x22b: {  	v7 =	vor.u32 v7, v8  }
0x22c: {  	v7 =	vperm.xlane v7, v5;
	_ =	sdelay $0x1  }
0x22d: {  	v7 =	vadd.s32 v6, v7;
	_ =	sdelay $0x4  }
0x22e: {  	[tilespmem:s30], [sflag:$0x1] =	stream.indirect_vreg.gather [hbm4b:s29+s1], $0x80, v7, vm1, $0x2000b8;
	[tilespmem:$0x1F400] =	vst v63  }
0x22f: {  	s26 =	simm.s32 $0xFA00  }
0x230: {  	[tilespmem:s26], [sflag:$0x1] =	stream.indirect_vreg.gather [hbm4b:s9+s1], $0x80, v7, vm1, $0x2000b8;
	[tilespmem:$0x1F400] =	vst v63  }
0x231: {  	s4 =	simm.s32 $0x10200  }
0x232: {  	[tilespmem:s4], [sflag:$0x1] =	stream.indirect_vreg.gather [hbm4b:s10+s1], $0x80, v7, vm1, $0x2000b8;
	[tilespmem:$0x1F400] =	vst v63  }
0x233: {  	s6 =	simm.s32 $0x10A00  }
0x234: {  	[tilespmem:s6], [sflag:$0x1] =	stream.indirect_vreg.gather [hbm4b:s11+s1], $0x80, v7, vm1, $0x2000b8;
	[tilespmem:$0x1F400] =	vst v63  }
0x235: {  	_ =	swait.ge [sflag:s7], $0x2000  }
0x236: {  	[sflag:s7] =	ssyncset.done $0x0  }
0x237: {  	[sflag:s7] =	ssyncadd.s32 $0xFFFFE000  }
0x238: {  	_ =	swait.ge [sflag:s8], $0x2000  }
0x239: {  	s25 =	sand.u32 $0x70, s1;
	s1 =	sand.u32 $0x1C00, s1;
	[sflag:s8] =	ssyncset.done $0x0  }
0x23a: {  	s25 =	sor.u32 s25, s1;
	[sflag:s8] =	ssyncadd.s32 $0xFFFFE000  }
0x23b: {  	v7 =	vld [tilespmem:s25+$0x19580]  }
0x23c: {  	v8 =	vld [tilespmem:s25+$0x19200]  }
0x23d: {  	v9 =	vld [tilespmem:s25+$0x19280]  }
0x23e: {  	v10 =	vld [tilespmem:s25+$0x19300]  }
0x23f: {  	v11 =	vld [tilespmem:s25+$0x19380]  }
0x240: {  	v12 =	vld [tilespmem:s25+$0x19400]  }
0x241: {  	v13 =	vld [tilespmem:s25+$0x19480]  }
0x242: {  	[tilespmem:s25+$0x15580] =	vst.add.f32.msk $0xffff, v7  }
0x243: {  	v7 =	vld [tilespmem:s25+$0x19500]  }
0x244: {  	[tilespmem:s25+$0x15200] =	vst.add.f32.msk $0xffff, v8  }
0x245: {  	[tilespmem:s25+$0x15280] =	vst.add.f32.msk $0xffff, v9  }
0x246: {  	[tilespmem:s25+$0x15300] =	vst.add.f32.msk $0xffff, v10  }
0x247: {  	[tilespmem:s25+$0x15380] =	vst.add.f32.msk $0xffff, v11  }
0x248: {  	s26 =	simm.s32 $0x10;
	s1 =	simm.s32 $0x80;
	[tilespmem:s25+$0x15400] =	vst.add.f32.msk $0xffff, v12  }
0x249: {  	s28 =	sand.u32 $0x70, s26;
	s26 =	simm.s32 $0x20;
	s31 =	sand.u32 $0x1C00, s1;
	[tilespmem:s25+$0x15480] =	vst.add.f32.msk $0xffff, v13  }
.LBB2_21:
0x24a: {  	p1 =	sne.s32 s26, $0x3F0;
	[tilespmem:s25+$0x15500] =	vst.add.f32.msk $0xffff, v7;
	s25 =	sor.u32 s28, s31  }
0x24b: {  	v7 =	vld [tilespmem:s25+$0x19580]  }
0x24c: {  	v8 =	vld [tilespmem:s25+$0x19200]  }
0x24d: {  	v9 =	vld [tilespmem:s25+$0x19280]  }
0x24e: {  	v10 =	vld [tilespmem:s25+$0x19300]  }
0x24f: {  	v11 =	vld [tilespmem:s25+$0x19380]  }
0x250: {  	[tilespmem:s25+$0x15580] =	vst.add.f32.msk $0xffff, v7  }
0x251: {  	v12 =	vld [tilespmem:s25+$0x19400]  }
0x252: {  	v13 =	vld [tilespmem:s25+$0x19480]  }
0x253: {  	v7 =	vld [tilespmem:s25+$0x19500]  }
0x254: {  	[tilespmem:s25+$0x15200] =	vst.add.f32.msk $0xffff, v8  }
.Ltmp10:
0x255: {  	[tilespmem:s25+$0x15280] =	vst.add.f32.msk $0xffff, v9;
	(pc) =	sbr.rel @p1 .LBB2_21-.Ltmp10, $4  }
0x256: {  	[tilespmem:s25+$0x15300] =	vst.add.f32.msk $0xffff, v10  }
0x257: {  	[tilespmem:s25+$0x15380] =	vst.add.f32.msk $0xffff, v11  }
0x258: {  	s1 =	sadd.s32 $0x80, s1;
	[tilespmem:s25+$0x15400] =	vst.add.f32.msk $0xffff, v12  }
0x259: {  	s28 =	sand.u32 $0x70, s26;
	s26 =	sadd.s32 $0x10, s26;
	s31 =	sand.u32 $0x1C00, s1;
	[tilespmem:s25+$0x15480] =	vst.add.f32.msk $0xffff, v13  }
0x25a: {  	s1 =	sor.u32 s28, s31;
	[tilespmem:s25+$0x15500] =	vst.add.f32.msk $0xffff, v7  }
0x25b: {  	v7 =	vld [tilespmem:s1+$0x19580]  }
0x25c: {  	v8 =	vld [tilespmem:s1+$0x19200]  }
0x25d: {  	v9 =	vld [tilespmem:s1+$0x19280]  }
0x25e: {  	v10 =	vld [tilespmem:s1+$0x19300]  }
0x25f: {  	v11 =	vld [tilespmem:s1+$0x19380]  }
0x260: {  	v12 =	vld [tilespmem:s1+$0x19480]  }
0x261: {  	v13 =	vld [tilespmem:s1+$0x19500]  }
0x262: {  	[tilespmem:s1+$0x15580] =	vst.add.f32.msk $0xffff, v7  }
0x263: {  	v7 =	vld [tilespmem:s1+$0x19400]  }
0x264: {  	[tilespmem:s1+$0x15200] =	vst.add.f32.msk $0xffff, v8  }
0x265: {  	[tilespmem:s1+$0x15280] =	vst.add.f32.msk $0xffff, v9  }
0x266: {  	[tilespmem:s1+$0x15300] =	vst.add.f32.msk $0xffff, v10  }
0x267: {  	[tilespmem:s1+$0x15380] =	vst.add.f32.msk $0xffff, v11  }
0x268: {  	[tilespmem:s1+$0x15480] =	vst.add.f32.msk $0xffff, v12  }
0x269: {  	[tilespmem:s1+$0x15500] =	vst.add.f32.msk $0xffff, v13  }
0x26a: {  	s3 =	rddreg [dreg:$0x12];
	[tilespmem:s1+$0x15400] =	vst.add.f32.msk $0xffff, v7;
	s1 =	simm.s32 $0x0  }
0x26b: {  	[hbm4b:s3+s1] =	stream.linear.scatter [tilespmem:s21], [sflag:$0x3], $0x2000, $0x200038;
	[tilespmem:$0x1F400] =	vst v63  }
0x26c: {  	s4 =	rddreg [dreg:$0x13]  }
0x26d: {  	[tilespmem:s12], [sflag:$0x2] =	stream.linear.gather [hbm4b:s4+s1], $0x2000, $0x200038;
	[tilespmem:$0x1F400] =	vst v63  }
0x26e: {  	_ =	swait.ge [sflag:s22], $0x2000  }
0x26f: {  	[sflag:s22] =	ssyncset.done $0x0  }
0x270: {  	[sflag:s22] =	ssyncadd.s32 $0xFFFFE000  }
0x271: {  	v7 =	vld.msk [tilespmem:$0xB1C8], $0xff;
	_ =	sdelay $0x4  }
0x272: {  	v8 =	vshll.u32 v7, $0x3  }
0x273: {  	v7 =	vand.u32 $0x7, v7;
	v8 =	vand.u32 $0xFFFFFFC0, v8  }
0x274: {  	v7 =	vor.u32 v7, v8  }
0x275: {  	v7 =	vperm.xlane v7, v5;
	_ =	sdelay $0x1  }
0x276: {  	v7 =	vadd.s32 v6, v7;
	_ =	sdelay $0x4  }
0x277: {  	[tilespmem:s2], [sflag:$0x1] =	stream.indirect_vreg.gather [hbm4b:s29+s1], $0x80, v7, vm1, $0x2000b8;
	[tilespmem:$0x1F400] =	vst v63  }
0x278: {  	s6 =	simm.s32 $0x11A00  }
0x279: {  	[tilespmem:s6], [sflag:$0x1] =	stream.indirect_vreg.gather [hbm4b:s9+s1], $0x80, v7, vm1, $0x2000b8;
	[tilespmem:$0x1F400] =	vst v63  }
0x27a: {  	s25 =	simm.s32 $0x12200  }
0x27b: {  	[tilespmem:s25], [sflag:$0x1] =	stream.indirect_vreg.gather [hbm4b:s10+s1], $0x80, v7, vm1, $0x2000b8;
	[tilespmem:$0x1F400] =	vst v63  }
0x27c: {  	s26 =	simm.s32 $0x12A00  }
0x27d: {  	[tilespmem:s26], [sflag:$0x1] =	stream.indirect_vreg.gather [hbm4b:s11+s1], $0x80, v7, vm1, $0x2000b8;
	[tilespmem:$0x1F400] =	vst v63  }
0x27e: {  	_ =	swait.ge [sflag:s7], $0x2000  }
0x27f: {  	[sflag:s7] =	ssyncset.done $0x0  }
0x280: {  	[sflag:s7] =	ssyncadd.s32 $0xFFFFE000  }
0x281: {  	_ =	swait.ge [sflag:s8], $0x2000  }
0x282: {  	s31 =	sand.u32 $0x70, s1;
	s4 =	sand.u32 $0x1C00, s1;
	[sflag:s8] =	ssyncset.done $0x0  }
0x283: {  	s25 =	sor.u32 s31, s4;
	[sflag:s8] =	ssyncadd.s32 $0xFFFFE000  }
0x284: {  	v7 =	vld [tilespmem:s25+$0x1B580]  }
0x285: {  	v8 =	vld [tilespmem:s25+$0x1B500]  }
0x286: {  	v9 =	vld [tilespmem:s25+$0x1B380]  }
0x287: {  	v10 =	vld [tilespmem:s25+$0x1B300]  }
0x288: {  	v11 =	vld [tilespmem:s25+$0x1B280]  }
0x289: {  	v62 =	vld [tilespmem:s25+$0x1B480]  }
0x28a: {  	v63 =	vld [tilespmem:s25+$0x1B200]  }
0x28b: {  	[tilespmem:s25+$0xB500] =	vst.add.f32.msk $0xffff, v8  }
0x28c: {  	[tilespmem:s25+$0xB380] =	vst.add.f32.msk $0xffff, v9  }
0x28d: {  	v8 =	vld [tilespmem:s25+$0x1B400]  }
0x28e: {  	[tilespmem:s25+$0xB480] =	vst.add.f32.msk $0xffff, v62  }
0x28f: {  	[tilespmem:s25+$0xB300] =	vst.add.f32.msk $0xffff, v10  }
0x290: {  	s1 =	sor.u32 s1, s1;
	[tilespmem:s25+$0xB200] =	vst.add.f32.msk $0xffff, v63  }
0x291: {  	s28 =	simm.s32 $0x10;
	s26 =	sor.u32 $0x380, s1;
	s1 =	simm.s32 $0x80;
	[tilespmem:s25+$0xB280] =	vst.add.f32.msk $0xffff, v11  }
.LBB2_23:
0x292: {  	s3 =	sand.u32 $0x70, s28  }
0x293: {  	s4 =	sand.u32 $0x1C00, s1;
	[tilespmem:s25+$0xB400] =	vst.add.f32.msk $0xffff, v8;
	s31 =	smov.u32 s28;
	s6 =	sadd.s32 $0x10, s28  }
0x294: {  	p1 =	sne.s32 s28, $0x3F0;
	s25 =	sor.u32 s3, s4;
	[tilespmem:s26+$0xB200] =	vst.add.f32.msk $0xffff, v7  }
0x295: {  	v7 =	vld [tilespmem:s25+$0x1B580]  }
0x296: {  	v8 =	vld [tilespmem:s25+$0x1B500]  }
0x297: {  	v9 =	vld [tilespmem:s25+$0x1B380]  }
0x298: {  	v10 =	vld [tilespmem:s25+$0x1B300]  }
0x299: {  	v11 =	vld [tilespmem:s25+$0x1B280]  }
0x29a: {  	v12 =	vld [tilespmem:s25+$0x1B480]  }
0x29b: {  	[tilespmem:s25+$0xB500] =	vst.add.f32.msk $0xffff, v8  }
0x29c: {  	v13 =	vld [tilespmem:s25+$0x1B200]  }
0x29d: {  	[tilespmem:s25+$0xB380] =	vst.add.f32.msk $0xffff, v9  }
.Ltmp11:
0x29e: {  	v8 =	vld [tilespmem:s25+$0x1B400];
	(pc) =	sbr.rel @p1 .LBB2_23-.Ltmp11, $4  }
0x29f: {  	[tilespmem:s25+$0xB480] =	vst.add.f32.msk $0xffff, v12  }
0x2a0: {  	[tilespmem:s25+$0xB300] =	vst.add.f32.msk $0xffff, v10  }
0x2a1: {  	s3 =	sor.u32 s1, s31;
	[tilespmem:s25+$0xB200] =	vst.add.f32.msk $0xffff, v13  }
0x2a2: {  	s1 =	sadd.s32 $0x80, s1;
	s28 =	smov.u32 s6;
	s26 =	sor.u32 $0x380, s3;
	[tilespmem:s25+$0xB280] =	vst.add.f32.msk $0xffff, v11  }
0x2a3: {  	[tilespmem:s25+$0xB400] =	vst.add.f32.msk $0xffff, v8  }
0x2a4: {  	s1 =	simm.s32 $0x0;
	s3 =	rddreg [dreg:$0x14];
	[tilespmem:s26+$0xB200] =	vst.add.f32.msk $0xffff, v7  }
0x2a5: {  	[hbm4b:s3+s1] =	stream.linear.scatter [tilespmem:s19], [sflag:$0x3], $0x2000, $0x200038;
	[tilespmem:$0x1F400] =	vst v63  }
0x2a6: {  	s25 =	rddreg [dreg:$0x17]  }
0x2a7: {  	[tilespmem:s13], [sflag:$0x2] =	stream.linear.gather [hbm4b:s25+s1], $0x2000, $0x200038;
	[tilespmem:$0x1F400] =	vst v63  }
0x2a8: {  	_ =	swait.ge [sflag:s22], $0x2000  }
0x2a9: {  	[sflag:s22] =	ssyncset.done $0x0  }
0x2aa: {  	[sflag:s22] =	ssyncadd.s32 $0xFFFFE000  }
0x2ab: {  	v7 =	vld.msk [tilespmem:$0xB1D0], $0xff;
	_ =	sdelay $0x4  }
0x2ac: {  	v8 =	vshll.u32 v7, $0x3  }
0x2ad: {  	v7 =	vand.u32 $0x7, v7;
	v8 =	vand.u32 $0xFFFFFFC0, v8  }
0x2ae: {  	v7 =	vor.u32 v7, v8  }
0x2af: {  	v7 =	vperm.xlane v7, v5;
	_ =	sdelay $0x1  }
0x2b0: {  	v7 =	vadd.s32 v6, v7;
	_ =	sdelay $0x4  }
0x2b1: {  	[tilespmem:s20], [sflag:$0x1] =	stream.indirect_vreg.gather [hbm4b:s29+s1], $0x80, v7, vm1, $0x2000b8;
	[tilespmem:$0x1F400] =	vst v63  }
0x2b2: {  	s26 =	simm.s32 $0x13A00  }
0x2b3: {  	[tilespmem:s26], [sflag:$0x1] =	stream.indirect_vreg.gather [hbm4b:s9+s1], $0x80, v7, vm1, $0x2000b8;
	[tilespmem:$0x1F400] =	vst v63  }
0x2b4: {  	s4 =	simm.s32 $0x14200  }
0x2b5: {  	[tilespmem:s4], [sflag:$0x1] =	stream.indirect_vreg.gather [hbm4b:s10+s1], $0x80, v7, vm1, $0x2000b8;
	[tilespmem:$0x1F400] =	vst v63  }
0x2b6: {  	s6 =	simm.s32 $0x14A00  }
0x2b7: {  	[tilespmem:s6], [sflag:$0x1] =	stream.indirect_vreg.gather [hbm4b:s11+s1], $0x80, v7, vm1, $0x2000b8;
	[tilespmem:$0x1F400] =	vst v63  }
0x2b8: {  	_ =	swait.ge [sflag:s7], $0x2000  }
0x2b9: {  	[sflag:s7] =	ssyncset.done $0x0  }
0x2ba: {  	[sflag:s7] =	ssyncadd.s32 $0xFFFFE000  }
0x2bb: {  	_ =	swait.ge [sflag:s8], $0x2000  }
0x2bc: {  	s25 =	sand.u32 $0x70, s1;
	s1 =	sand.u32 $0x1C00, s1;
	[sflag:s8] =	ssyncset.done $0x0  }
0x2bd: {  	s25 =	sor.u32 s25, s1;
	[sflag:s8] =	ssyncadd.s32 $0xFFFFE000  }
0x2be: {  	v7 =	vld [tilespmem:s25+$0x1D580]  }
0x2bf: {  	v8 =	vld [tilespmem:s25+$0x1D200]  }
0x2c0: {  	v9 =	vld [tilespmem:s25+$0x1D280]  }
0x2c1: {  	v10 =	vld [tilespmem:s25+$0x1D300]  }
0x2c2: {  	v11 =	vld [tilespmem:s25+$0x1D380]  }
0x2c3: {  	v12 =	vld [tilespmem:s25+$0x1D400]  }
0x2c4: {  	v13 =	vld [tilespmem:s25+$0x1D480]  }
0x2c5: {  	[tilespmem:s25+$0xD580] =	vst.add.f32.msk $0xffff, v7  }
0x2c6: {  	v7 =	vld [tilespmem:s25+$0x1D500]  }
0x2c7: {  	[tilespmem:s25+$0xD200] =	vst.add.f32.msk $0xffff, v8  }
0x2c8: {  	[tilespmem:s25+$0xD280] =	vst.add.f32.msk $0xffff, v9  }
0x2c9: {  	[tilespmem:s25+$0xD300] =	vst.add.f32.msk $0xffff, v10  }
0x2ca: {  	[tilespmem:s25+$0xD380] =	vst.add.f32.msk $0xffff, v11  }
0x2cb: {  	s26 =	simm.s32 $0x10;
	s1 =	simm.s32 $0x80;
	[tilespmem:s25+$0xD400] =	vst.add.f32.msk $0xffff, v12  }
0x2cc: {  	s28 =	sand.u32 $0x70, s26;
	s26 =	simm.s32 $0x20;
	s31 =	sand.u32 $0x1C00, s1;
	[tilespmem:s25+$0xD480] =	vst.add.f32.msk $0xffff, v13  }
.LBB2_25:
0x2cd: {  	p1 =	sne.s32 s26, $0x3F0;
	[tilespmem:s25+$0xD500] =	vst.add.f32.msk $0xffff, v7;
	s25 =	sor.u32 s28, s31  }
0x2ce: {  	v7 =	vld [tilespmem:s25+$0x1D580]  }
0x2cf: {  	v8 =	vld [tilespmem:s25+$0x1D200]  }
0x2d0: {  	v9 =	vld [tilespmem:s25+$0x1D280]  }
0x2d1: {  	v10 =	vld [tilespmem:s25+$0x1D300]  }
0x2d2: {  	v11 =	vld [tilespmem:s25+$0x1D380]  }
0x2d3: {  	[tilespmem:s25+$0xD580] =	vst.add.f32.msk $0xffff, v7  }
0x2d4: {  	v12 =	vld [tilespmem:s25+$0x1D400]  }
0x2d5: {  	v13 =	vld [tilespmem:s25+$0x1D480]  }
0x2d6: {  	v7 =	vld [tilespmem:s25+$0x1D500]  }
0x2d7: {  	[tilespmem:s25+$0xD200] =	vst.add.f32.msk $0xffff, v8  }
.Ltmp12:
0x2d8: {  	[tilespmem:s25+$0xD280] =	vst.add.f32.msk $0xffff, v9;
	(pc) =	sbr.rel @p1 .LBB2_25-.Ltmp12, $4  }
0x2d9: {  	[tilespmem:s25+$0xD300] =	vst.add.f32.msk $0xffff, v10  }
0x2da: {  	[tilespmem:s25+$0xD380] =	vst.add.f32.msk $0xffff, v11  }
0x2db: {  	s1 =	sadd.s32 $0x80, s1;
	[tilespmem:s25+$0xD400] =	vst.add.f32.msk $0xffff, v12  }
0x2dc: {  	s28 =	sand.u32 $0x70, s26;
	s26 =	sadd.s32 $0x10, s26;
	s31 =	sand.u32 $0x1C00, s1;
	[tilespmem:s25+$0xD480] =	vst.add.f32.msk $0xffff, v13  }
0x2dd: {  	s1 =	sor.u32 s28, s31;
	[tilespmem:s25+$0xD500] =	vst.add.f32.msk $0xffff, v7  }
0x2de: {  	v7 =	vld [tilespmem:s1+$0x1D580]  }
0x2df: {  	v8 =	vld [tilespmem:s1+$0x1D200]  }
0x2e0: {  	v9 =	vld [tilespmem:s1+$0x1D280]  }
0x2e1: {  	v10 =	vld [tilespmem:s1+$0x1D300]  }
0x2e2: {  	v11 =	vld [tilespmem:s1+$0x1D380]  }
0x2e3: {  	v12 =	vld [tilespmem:s1+$0x1D480]  }
0x2e4: {  	v13 =	vld [tilespmem:s1+$0x1D500]  }
0x2e5: {  	[tilespmem:s1+$0xD580] =	vst.add.f32.msk $0xffff, v7  }
0x2e6: {  	v7 =	vld [tilespmem:s1+$0x1D400]  }
0x2e7: {  	[tilespmem:s1+$0xD200] =	vst.add.f32.msk $0xffff, v8  }
0x2e8: {  	[tilespmem:s1+$0xD280] =	vst.add.f32.msk $0xffff, v9  }
0x2e9: {  	[tilespmem:s1+$0xD300] =	vst.add.f32.msk $0xffff, v10  }
0x2ea: {  	[tilespmem:s1+$0xD380] =	vst.add.f32.msk $0xffff, v11  }
0x2eb: {  	[tilespmem:s1+$0xD480] =	vst.add.f32.msk $0xffff, v12  }
0x2ec: {  	[tilespmem:s1+$0xD500] =	vst.add.f32.msk $0xffff, v13  }
0x2ed: {  	s3 =	simm.s32 $0x0;
	s4 =	rddreg [dreg:$0x15];
	[tilespmem:s1+$0xD400] =	vst.add.f32.msk $0xffff, v7  }
0x2ee: {  	[hbm4b:s4+s3] =	stream.linear.scatter [tilespmem:s23], [sflag:$0x3], $0x2000, $0x200038;
	[tilespmem:$0x1F400] =	vst v63  }
0x2ef: {  	s6 =	rddreg [dreg:$0x19]  }
0x2f0: {  	[tilespmem:s14], [sflag:$0x2] =	stream.linear.gather [hbm4b:s6+s3], $0x2000, $0x200038;
	[tilespmem:$0x1F400] =	vst v63  }
0x2f1: {  	_ =	swait.ge [sflag:s22], $0x2000  }
0x2f2: {  	[sflag:s22] =	ssyncset.done $0x0  }
0x2f3: {  	[sflag:s22] =	ssyncadd.s32 $0xFFFFE000  }
0x2f4: {  	v7 =	vld.msk [tilespmem:$0xB1D8], $0xff;
	_ =	sdelay $0x4  }
0x2f5: {  	v8 =	vshll.u32 v7, $0x3  }
0x2f6: {  	v7 =	vand.u32 $0x7, v7;
	v8 =	vand.u32 $0xFFFFFFC0, v8  }
0x2f7: {  	v7 =	vor.u32 v7, v8  }
0x2f8: {  	v7 =	vperm.xlane v7, v5;
	_ =	sdelay $0x1  }
0x2f9: {  	v7 =	vadd.s32 v6, v7;
	_ =	sdelay $0x4  }
0x2fa: {  	[tilespmem:s21], [sflag:$0x1] =	stream.indirect_vreg.gather [hbm4b:s29+s3], $0x80, v7, vm1, $0x2000b8;
	[tilespmem:$0x1F400] =	vst v63  }
0x2fb: {  	s25 =	simm.s32 $0x15A00  }
0x2fc: {  	[tilespmem:s25], [sflag:$0x1] =	stream.indirect_vreg.gather [hbm4b:s9+s3], $0x80, v7, vm1, $0x2000b8;
	[tilespmem:$0x1F400] =	vst v63  }
0x2fd: {  	s26 =	simm.s32 $0x16200  }
0x2fe: {  	[tilespmem:s26], [sflag:$0x1] =	stream.indirect_vreg.gather [hbm4b:s10+s3], $0x80, v7, vm1, $0x2000b8;
	[tilespmem:$0x1F400] =	vst v63  }
0x2ff: {  	s4 =	simm.s32 $0x16A00  }
0x300: {  	[tilespmem:s4], [sflag:$0x1] =	stream.indirect_vreg.gather [hbm4b:s11+s3], $0x80, v7, vm1, $0x2000b8;
	[tilespmem:$0x1F400] =	vst v63  }
0x301: {  	_ =	swait.ge [sflag:s7], $0x2000  }
0x302: {  	[sflag:s7] =	ssyncset.done $0x0  }
0x303: {  	[sflag:s7] =	ssyncadd.s32 $0xFFFFE000  }
0x304: {  	_ =	swait.ge [sflag:s8], $0x2000  }
0x305: {  	s6 =	sand.u32 $0x70, s3;
	s4 =	sand.u32 $0x1C00, s3;
	[sflag:s8] =	ssyncset.done $0x0  }
0x306: {  	s26 =	sor.u32 s6, s4;
	[sflag:s8] =	ssyncadd.s32 $0xFFFFE000  }
0x307: {  	v7 =	vld [tilespmem:s26+$0x17200];
	_ =	sdelay $0x4  }
0x308: {  	s1 =	sadd.s32 $0x17200, s26;
	[tilespmem:s26+$0xF200] =	vst.add.f32.msk $0xffff, v7  }
0x309: {  	v7 =	vld [tilespmem:s1+$0x80];
	_ =	sdelay $0x4  }
0x30a: {  	[tilespmem:s26+$0xF280] =	vst.add.f32.msk $0xffff, v7  }
0x30b: {  	v7 =	vld [tilespmem:s1+$0x100];
	_ =	sdelay $0x4  }
0x30c: {  	[tilespmem:s26+$0xF300] =	vst.add.f32.msk $0xffff, v7  }
0x30d: {  	v7 =	vld [tilespmem:s1+$0x180];
	_ =	sdelay $0x4  }
0x30e: {  	[tilespmem:s26+$0xF380] =	vst.add.f32.msk $0xffff, v7  }
0x30f: {  	v7 =	vld [tilespmem:s1+$0x200];
	_ =	sdelay $0x4  }
0x310: {  	[tilespmem:s26+$0xF400] =	vst.add.f32.msk $0xffff, v7  }
0x311: {  	v7 =	vld [tilespmem:s1+$0x280];
	_ =	sdelay $0x4  }
0x312: {  	[tilespmem:s26+$0xF480] =	vst.add.f32.msk $0xffff, v7  }
0x313: {  	v8 =	vld [tilespmem:s1+$0x300]  }
0x314: {  	s31 =	simm.s32 $0x80;
	s4 =	simm.s32 $0x10  }
0x315: {  	s6 =	sand.u32 $0x1C00, s31;
	s25 =	sand.u32 $0x70, s4  }
0x316: {  	s1 =	sor.u32 s25, s6  }
0x317: {  	s3 =	sor.u32 s3, s3;
	v7 =	vld [tilespmem:s1+$0x17200]  }
0x318: {  	s3 =	sor.u32 $0x380, s3;
	[tilespmem:s26+$0xF500] =	vst.add.f32.msk $0xffff, v8  }
0x319: {  	s28 =	sor.u32 s31, s4;
	s25 =	simm.s32 $0x20;
	v8 =	vld [tilespmem:s3+$0x17200]  }
.LBB2_27:
0x31a: {  	_ =	sdelay $0x1  }
0x31b: {  	p1 =	sne.s32 s25, $0x3F0;
	s3 =	smov.u32 s25;
	s25 =	sadd.s32 $0x10, s25  }
0x31c: {  	s4 =	sadd.s32 $0x17200, s1;
	[tilespmem:s1+$0xF200] =	vst.add.f32.msk $0xffff, v7  }
0x31d: {  	[tilespmem:s26+$0xF580] =	vst.add.f32.msk $0xffff, v8;
	s26 =	smov.u32 s1  }
0x31e: {  	v7 =	vld [tilespmem:s4+$0x80];
	_ =	sdelay $0x4  }
0x31f: {  	[tilespmem:s26+$0xF280] =	vst.add.f32.msk $0xffff, v7  }
0x320: {  	v7 =	vld [tilespmem:s4+$0x100];
	_ =	sdelay $0x4  }
0x321: {  	[tilespmem:s26+$0xF300] =	vst.add.f32.msk $0xffff, v7  }
0x322: {  	v7 =	vld [tilespmem:s4+$0x180];
	_ =	sdelay $0x4  }
0x323: {  	[tilespmem:s26+$0xF380] =	vst.add.f32.msk $0xffff, v7  }
0x324: {  	v7 =	vld [tilespmem:s4+$0x200];
	_ =	sdelay $0x4  }
0x325: {  	[tilespmem:s26+$0xF400] =	vst.add.f32.msk $0xffff, v7  }
0x326: {  	v7 =	vld [tilespmem:s4+$0x280];
	_ =	sdelay $0x4  }
0x327: {  	[tilespmem:s26+$0xF480] =	vst.add.f32.msk $0xffff, v7  }
0x328: {  	v8 =	vld [tilespmem:s4+$0x300]  }
0x329: {  	s31 =	sadd.s32 $0x80, s31;
	s1 =	sand.u32 $0x70, s3  }
.Ltmp13:
0x32a: {  	s3 =	sor.u32 s31, s3;
	s4 =	sand.u32 $0x1C00, s31;
	(pc) =	sbr.rel @p1 .LBB2_27-.Ltmp13, $4  }
0x32b: {  	s1 =	sor.u32 s1, s4  }
0x32c: {  	s4 =	sor.u32 $0x380, s28;
	s28 =	smov.u32 s3;
	v7 =	vld [tilespmem:s1+$0x17200]  }
0x32d: {  	[tilespmem:s26+$0xF500] =	vst.add.f32.msk $0xffff, v8  }
0x32e: {  	v8 =	vld [tilespmem:s4+$0x17200]  }
0x32f: {  	_ =	sdelay $0x2  }
0x330: {  	[tilespmem:s1+$0xF200] =	vst.add.f32.msk $0xffff, v7  }
0x331: {  	s3 =	sadd.s32 $0x17200, s1;
	[tilespmem:s26+$0xF580] =	vst.add.f32.msk $0xffff, v8  }
0x332: {  	v7 =	vld [tilespmem:s3+$0x80];
	_ =	sdelay $0x4  }
0x333: {  	[tilespmem:s1+$0xF280] =	vst.add.f32.msk $0xffff, v7  }
0x334: {  	v7 =	vld [tilespmem:s3+$0x100];
	_ =	sdelay $0x4  }
0x335: {  	[tilespmem:s1+$0xF300] =	vst.add.f32.msk $0xffff, v7  }
0x336: {  	v7 =	vld [tilespmem:s3+$0x180];
	_ =	sdelay $0x4  }
0x337: {  	[tilespmem:s1+$0xF380] =	vst.add.f32.msk $0xffff, v7  }
0x338: {  	v7 =	vld [tilespmem:s3+$0x200];
	_ =	sdelay $0x4  }
0x339: {  	[tilespmem:s1+$0xF400] =	vst.add.f32.msk $0xffff, v7  }
0x33a: {  	v7 =	vld [tilespmem:s3+$0x280];
	_ =	sdelay $0x4  }
0x33b: {  	[tilespmem:s1+$0xF480] =	vst.add.f32.msk $0xffff, v7  }
0x33c: {  	v7 =	vld [tilespmem:s3+$0x300];
	_ =	sdelay $0x4  }
0x33d: {  	s4 =	sor.u32 $0x380, s28;
	[tilespmem:s1+$0xF500] =	vst.add.f32.msk $0xffff, v7  }
0x33e: {  	v7 =	vld [tilespmem:s4+$0x17200];
	_ =	sdelay $0x4  }
0x33f: {  	s6 =	rddreg [dreg:$0x16];
	[tilespmem:s1+$0xF580] =	vst.add.f32.msk $0xffff, v7;
	s1 =	simm.s32 $0x0  }
0x340: {  	[hbm4b:s6+s1] =	stream.linear.scatter [tilespmem:s30], [sflag:$0x3], $0x2000, $0x200038;
	[tilespmem:$0x1F400] =	vst v63  }
0x341: {  	s25 =	rddreg [dreg:$0x1b]  }
0x342: {  	[tilespmem:s15], [sflag:$0x2] =	stream.linear.gather [hbm4b:s25+s1], $0x2000, $0x200038;
	[tilespmem:$0x1F400] =	vst v63  }
0x343: {  	_ =	swait.ge [sflag:s22], $0x2000  }
0x344: {  	[sflag:s22] =	ssyncset.done $0x0  }
0x345: {  	[sflag:s22] =	ssyncadd.s32 $0xFFFFE000  }
0x346: {  	v7 =	vld.msk [tilespmem:$0xB1E0], $0xff;
	_ =	sdelay $0x4  }
0x347: {  	v8 =	vshll.u32 v7, $0x3  }
0x348: {  	v7 =	vand.u32 $0x7, v7;
	v8 =	vand.u32 $0xFFFFFFC0, v8  }
0x349: {  	v7 =	vor.u32 v7, v8  }
0x34a: {  	v7 =	vperm.xlane v7, v5;
	_ =	sdelay $0x1  }
0x34b: {  	v7 =	vadd.s32 v6, v7;
	_ =	sdelay $0x4  }
0x34c: {  	[tilespmem:s19], [sflag:$0x1] =	stream.indirect_vreg.gather [hbm4b:s29+s1], $0x80, v7, vm1, $0x2000b8;
	[tilespmem:$0x1F400] =	vst v63  }
0x34d: {  	s6 =	simm.s32 $0xBA00  }
0x34e: {  	[tilespmem:s6], [sflag:$0x1] =	stream.indirect_vreg.gather [hbm4b:s9+s1], $0x80, v7, vm1, $0x2000b8;
	[tilespmem:$0x1F400] =	vst v63  }
0x34f: {  	s26 =	simm.s32 $0xC200  }
0x350: {  	[tilespmem:s26], [sflag:$0x1] =	stream.indirect_vreg.gather [hbm4b:s10+s1], $0x80, v7, vm1, $0x2000b8;
	[tilespmem:$0x1F400] =	vst v63  }
0x351: {  	s4 =	simm.s32 $0xCA00  }
0x352: {  	[tilespmem:s4], [sflag:$0x1] =	stream.indirect_vreg.gather [hbm4b:s11+s1], $0x80, v7, vm1, $0x2000b8;
	[tilespmem:$0x1F400] =	vst v63  }
0x353: {  	_ =	swait.ge [sflag:s7], $0x2000  }
0x354: {  	[sflag:s7] =	ssyncset.done $0x0  }
0x355: {  	[sflag:s7] =	ssyncadd.s32 $0xFFFFE000  }
0x356: {  	_ =	swait.ge [sflag:s8], $0x2000  }
0x357: {  	s25 =	sand.u32 $0x70, s1;
	s1 =	sand.u32 $0x1C00, s1;
	[sflag:s8] =	ssyncset.done $0x0  }
0x358: {  	s25 =	sor.u32 s25, s1;
	[sflag:s8] =	ssyncadd.s32 $0xFFFFE000  }
0x359: {  	v7 =	vld [tilespmem:s25+$0x19580]  }
0x35a: {  	v8 =	vld [tilespmem:s25+$0x19200]  }
0x35b: {  	v9 =	vld [tilespmem:s25+$0x19280]  }
0x35c: {  	v10 =	vld [tilespmem:s25+$0x19300]  }
0x35d: {  	v11 =	vld [tilespmem:s25+$0x19380]  }
0x35e: {  	v12 =	vld [tilespmem:s25+$0x19400]  }
0x35f: {  	v13 =	vld [tilespmem:s25+$0x19480]  }
0x360: {  	[tilespmem:s25+$0x11580] =	vst.add.f32.msk $0xffff, v7  }
0x361: {  	v7 =	vld [tilespmem:s25+$0x19500]  }
0x362: {  	[tilespmem:s25+$0x11200] =	vst.add.f32.msk $0xffff, v8  }
0x363: {  	[tilespmem:s25+$0x11280] =	vst.add.f32.msk $0xffff, v9  }
0x364: {  	[tilespmem:s25+$0x11300] =	vst.add.f32.msk $0xffff, v10  }
0x365: {  	[tilespmem:s25+$0x11380] =	vst.add.f32.msk $0xffff, v11  }
0x366: {  	s26 =	simm.s32 $0x10;
	s1 =	simm.s32 $0x80;
	[tilespmem:s25+$0x11400] =	vst.add.f32.msk $0xffff, v12  }
0x367: {  	s28 =	sand.u32 $0x70, s26;
	s26 =	simm.s32 $0x20;
	s31 =	sand.u32 $0x1C00, s1;
	[tilespmem:s25+$0x11480] =	vst.add.f32.msk $0xffff, v13  }
.LBB2_29:
0x368: {  	p1 =	sne.s32 s26, $0x3F0;
	[tilespmem:s25+$0x11500] =	vst.add.f32.msk $0xffff, v7;
	s25 =	sor.u32 s28, s31  }
0x369: {  	v7 =	vld [tilespmem:s25+$0x19580]  }
0x36a: {  	v8 =	vld [tilespmem:s25+$0x19200]  }
0x36b: {  	v9 =	vld [tilespmem:s25+$0x19280]  }
0x36c: {  	v10 =	vld [tilespmem:s25+$0x19300]  }
0x36d: {  	v11 =	vld [tilespmem:s25+$0x19380]  }
0x36e: {  	[tilespmem:s25+$0x11580] =	vst.add.f32.msk $0xffff, v7  }
0x36f: {  	v12 =	vld [tilespmem:s25+$0x19400]  }
0x370: {  	v13 =	vld [tilespmem:s25+$0x19480]  }
0x371: {  	v7 =	vld [tilespmem:s25+$0x19500]  }
0x372: {  	[tilespmem:s25+$0x11200] =	vst.add.f32.msk $0xffff, v8  }
.Ltmp14:
0x373: {  	[tilespmem:s25+$0x11280] =	vst.add.f32.msk $0xffff, v9;
	(pc) =	sbr.rel @p1 .LBB2_29-.Ltmp14, $4  }
0x374: {  	[tilespmem:s25+$0x11300] =	vst.add.f32.msk $0xffff, v10  }
0x375: {  	[tilespmem:s25+$0x11380] =	vst.add.f32.msk $0xffff, v11  }
0x376: {  	s1 =	sadd.s32 $0x80, s1;
	[tilespmem:s25+$0x11400] =	vst.add.f32.msk $0xffff, v12  }
0x377: {  	s28 =	sand.u32 $0x70, s26;
	s26 =	sadd.s32 $0x10, s26;
	s31 =	sand.u32 $0x1C00, s1;
	[tilespmem:s25+$0x11480] =	vst.add.f32.msk $0xffff, v13  }
0x378: {  	s1 =	sor.u32 s28, s31;
	[tilespmem:s25+$0x11500] =	vst.add.f32.msk $0xffff, v7  }
0x379: {  	v7 =	vld [tilespmem:s1+$0x19580]  }
0x37a: {  	v8 =	vld [tilespmem:s1+$0x19200]  }
0x37b: {  	v9 =	vld [tilespmem:s1+$0x19280]  }
0x37c: {  	v10 =	vld [tilespmem:s1+$0x19300]  }
0x37d: {  	v11 =	vld [tilespmem:s1+$0x19380]  }
0x37e: {  	v12 =	vld [tilespmem:s1+$0x19480]  }
0x37f: {  	v13 =	vld [tilespmem:s1+$0x19500]  }
0x380: {  	[tilespmem:s1+$0x11580] =	vst.add.f32.msk $0xffff, v7  }
0x381: {  	v7 =	vld [tilespmem:s1+$0x19400]  }
0x382: {  	[tilespmem:s1+$0x11200] =	vst.add.f32.msk $0xffff, v8  }
0x383: {  	[tilespmem:s1+$0x11280] =	vst.add.f32.msk $0xffff, v9  }
0x384: {  	[tilespmem:s1+$0x11300] =	vst.add.f32.msk $0xffff, v10  }
0x385: {  	[tilespmem:s1+$0x11380] =	vst.add.f32.msk $0xffff, v11  }
0x386: {  	[tilespmem:s1+$0x11480] =	vst.add.f32.msk $0xffff, v12  }
0x387: {  	[tilespmem:s1+$0x11500] =	vst.add.f32.msk $0xffff, v13  }
0x388: {  	s3 =	rddreg [dreg:$0x18];
	[tilespmem:s1+$0x11400] =	vst.add.f32.msk $0xffff, v7;
	s1 =	simm.s32 $0x0  }
0x389: {  	[hbm4b:s3+s1] =	stream.linear.scatter [tilespmem:s2], [sflag:$0x3], $0x2000, $0x200038;
	[tilespmem:$0x1F400] =	vst v63  }
0x38a: {  	s4 =	rddreg [dreg:$0x1d]  }
0x38b: {  	[tilespmem:s12], [sflag:$0x2] =	stream.linear.gather [hbm4b:s4+s1], $0x2000, $0x200038;
	[tilespmem:$0x1F400] =	vst v63  }
0x38c: {  	_ =	swait.ge [sflag:s22], $0x2000  }
0x38d: {  	[sflag:s22] =	ssyncset.done $0x0  }
0x38e: {  	[sflag:s22] =	ssyncadd.s32 $0xFFFFE000  }
0x38f: {  	v7 =	vld.msk [tilespmem:$0xB1E8], $0xff;
	_ =	sdelay $0x4  }
0x390: {  	v8 =	vshll.u32 v7, $0x3  }
0x391: {  	v7 =	vand.u32 $0x7, v7;
	v8 =	vand.u32 $0xFFFFFFC0, v8  }
0x392: {  	v7 =	vor.u32 v7, v8  }
0x393: {  	v7 =	vperm.xlane v7, v5;
	_ =	sdelay $0x1  }
0x394: {  	v7 =	vadd.s32 v6, v7;
	_ =	sdelay $0x4  }
0x395: {  	[tilespmem:s23], [sflag:$0x1] =	stream.indirect_vreg.gather [hbm4b:s29+s1], $0x80, v7, vm1, $0x2000b8;
	[tilespmem:$0x1F400] =	vst v63  }
0x396: {  	s25 =	simm.s32 $0xDA00  }
0x397: {  	[tilespmem:s25], [sflag:$0x1] =	stream.indirect_vreg.gather [hbm4b:s9+s1], $0x80, v7, vm1, $0x2000b8;
	[tilespmem:$0x1F400] =	vst v63  }
0x398: {  	s26 =	simm.s32 $0xE200  }
0x399: {  	[tilespmem:s26], [sflag:$0x1] =	stream.indirect_vreg.gather [hbm4b:s10+s1], $0x80, v7, vm1, $0x2000b8;
	[tilespmem:$0x1F400] =	vst v63  }
0x39a: {  	s4 =	simm.s32 $0xEA00  }
0x39b: {  	[tilespmem:s4], [sflag:$0x1] =	stream.indirect_vreg.gather [hbm4b:s11+s1], $0x80, v7, vm1, $0x2000b8;
	[tilespmem:$0x1F400] =	vst v63  }
0x39c: {  	_ =	swait.ge [sflag:s7], $0x2000  }
0x39d: {  	[sflag:s7] =	ssyncset.done $0x0  }
0x39e: {  	[sflag:s7] =	ssyncadd.s32 $0xFFFFE000  }
0x39f: {  	_ =	swait.ge [sflag:s8], $0x2000  }
0x3a0: {  	s25 =	sand.u32 $0x70, s1;
	s1 =	sand.u32 $0x1C00, s1;
	[sflag:s8] =	ssyncset.done $0x0  }
0x3a1: {  	s25 =	sor.u32 s25, s1;
	[sflag:s8] =	ssyncadd.s32 $0xFFFFE000  }
0x3a2: {  	v7 =	vld [tilespmem:s25+$0x1B580]  }
0x3a3: {  	v8 =	vld [tilespmem:s25+$0x1B200]  }
0x3a4: {  	v59 =	vld [tilespmem:s25+$0x1B280]  }
0x3a5: {  	v60 =	vld [tilespmem:s25+$0x1B300]  }
0x3a6: {  	v61 =	vld [tilespmem:s25+$0x1B380]  }
0x3a7: {  	v62 =	vld [tilespmem:s25+$0x1B400]  }
0x3a8: {  	v63 =	vld [tilespmem:s25+$0x1B480]  }
0x3a9: {  	[tilespmem:s25+$0x13580] =	vst.add.f32.msk $0xffff, v7  }
0x3aa: {  	v7 =	vld [tilespmem:s25+$0x1B500]  }
0x3ab: {  	[tilespmem:s25+$0x13200] =	vst.add.f32.msk $0xffff, v8  }
0x3ac: {  	[tilespmem:s25+$0x13280] =	vst.add.f32.msk $0xffff, v59  }
0x3ad: {  	[tilespmem:s25+$0x13300] =	vst.add.f32.msk $0xffff, v60  }
0x3ae: {  	[tilespmem:s25+$0x13380] =	vst.add.f32.msk $0xffff, v61  }
0x3af: {  	s26 =	simm.s32 $0x10;
	s1 =	simm.s32 $0x80;
	[tilespmem:s25+$0x13400] =	vst.add.f32.msk $0xffff, v62  }
0x3b0: {  	s28 =	sand.u32 $0x70, s26;
	s26 =	simm.s32 $0x20;
	s31 =	sand.u32 $0x1C00, s1;
	[tilespmem:s25+$0x13480] =	vst.add.f32.msk $0xffff, v63  }
.LBB2_31:
0x3b1: {  	p1 =	sne.s32 s26, $0x3F0;
	[tilespmem:s25+$0x13500] =	vst.add.f32.msk $0xffff, v7;
	s25 =	sor.u32 s28, s31  }
0x3b2: {  	v7 =	vld [tilespmem:s25+$0x1B580]  }
0x3b3: {  	v8 =	vld [tilespmem:s25+$0x1B200]  }
0x3b4: {  	v9 =	vld [tilespmem:s25+$0x1B280]  }
0x3b5: {  	v10 =	vld [tilespmem:s25+$0x1B300]  }
0x3b6: {  	v11 =	vld [tilespmem:s25+$0x1B380]  }
0x3b7: {  	[tilespmem:s25+$0x13580] =	vst.add.f32.msk $0xffff, v7  }
0x3b8: {  	v12 =	vld [tilespmem:s25+$0x1B400]  }
0x3b9: {  	v13 =	vld [tilespmem:s25+$0x1B480]  }
0x3ba: {  	v7 =	vld [tilespmem:s25+$0x1B500]  }
0x3bb: {  	[tilespmem:s25+$0x13200] =	vst.add.f32.msk $0xffff, v8  }
.Ltmp15:
0x3bc: {  	[tilespmem:s25+$0x13280] =	vst.add.f32.msk $0xffff, v9;
	(pc) =	sbr.rel @p1 .LBB2_31-.Ltmp15, $4  }
0x3bd: {  	[tilespmem:s25+$0x13300] =	vst.add.f32.msk $0xffff, v10  }
0x3be: {  	[tilespmem:s25+$0x13380] =	vst.add.f32.msk $0xffff, v11  }
0x3bf: {  	s1 =	sadd.s32 $0x80, s1;
	[tilespmem:s25+$0x13400] =	vst.add.f32.msk $0xffff, v12  }
0x3c0: {  	s28 =	sand.u32 $0x70, s26;
	s26 =	sadd.s32 $0x10, s26;
	s31 =	sand.u32 $0x1C00, s1;
	[tilespmem:s25+$0x13480] =	vst.add.f32.msk $0xffff, v13  }
0x3c1: {  	s1 =	sor.u32 s28, s31;
	[tilespmem:s25+$0x13500] =	vst.add.f32.msk $0xffff, v7  }
0x3c2: {  	v7 =	vld [tilespmem:s1+$0x1B580]  }
0x3c3: {  	v8 =	vld [tilespmem:s1+$0x1B200]  }
0x3c4: {  	v9 =	vld [tilespmem:s1+$0x1B280]  }
0x3c5: {  	v10 =	vld [tilespmem:s1+$0x1B300]  }
0x3c6: {  	v11 =	vld [tilespmem:s1+$0x1B380]  }
0x3c7: {  	v12 =	vld [tilespmem:s1+$0x1B480]  }
0x3c8: {  	v13 =	vld [tilespmem:s1+$0x1B500]  }
0x3c9: {  	[tilespmem:s1+$0x13580] =	vst.add.f32.msk $0xffff, v7  }
0x3ca: {  	v7 =	vld [tilespmem:s1+$0x1B400]  }
0x3cb: {  	[tilespmem:s1+$0x13200] =	vst.add.f32.msk $0xffff, v8  }
0x3cc: {  	[tilespmem:s1+$0x13280] =	vst.add.f32.msk $0xffff, v9  }
0x3cd: {  	[tilespmem:s1+$0x13300] =	vst.add.f32.msk $0xffff, v10  }
0x3ce: {  	[tilespmem:s1+$0x13380] =	vst.add.f32.msk $0xffff, v11  }
0x3cf: {  	[tilespmem:s1+$0x13480] =	vst.add.f32.msk $0xffff, v12  }
0x3d0: {  	s3 =	rddreg [dreg:$0x1a];
	[tilespmem:s1+$0x13500] =	vst.add.f32.msk $0xffff, v13  }
0x3d1: {  	s4 =	sld [smem:$0x7F4];
	[tilespmem:s1+$0x13400] =	vst.add.f32.msk $0xffff, v7;
	s1 =	simm.s32 $0x0  }
0x3d2: {  	[hbm4b:s3+s1] =	stream.linear.scatter [tilespmem:s20], [sflag:$0x3], $0x2000, $0x200038;
	[tilespmem:$0x1F400] =	vst v63  }
0x3d3: {  	_ = 	snop  }
0x3d4: {  	[tilespmem:s13], [sflag:$0x2] =	stream.linear.gather [hbm4b:s4+s1], $0x2000, $0x200038;
	[tilespmem:$0x1F400] =	vst v63  }
0x3d5: {  	_ =	swait.ge [sflag:s22], $0x2000  }
0x3d6: {  	[sflag:s22] =	ssyncset.done $0x0  }
0x3d7: {  	[sflag:s22] =	ssyncadd.s32 $0xFFFFE000  }
0x3d8: {  	v7 =	vld.msk [tilespmem:$0xB1F0], $0xff;
	_ =	sdelay $0x4  }
0x3d9: {  	v8 =	vshll.u32 v7, $0x3  }
0x3da: {  	v7 =	vand.u32 $0x7, v7;
	v8 =	vand.u32 $0xFFFFFFC0, v8  }
0x3db: {  	v7 =	vor.u32 v7, v8  }
0x3dc: {  	v7 =	vperm.xlane v7, v5;
	_ =	sdelay $0x1  }
0x3dd: {  	v7 =	vadd.s32 v6, v7;
	_ =	sdelay $0x4  }
0x3de: {  	[tilespmem:s30], [sflag:$0x1] =	stream.indirect_vreg.gather [hbm4b:s29+s1], $0x80, v7, vm1, $0x2000b8;
	[tilespmem:$0x1F400] =	vst v63  }
0x3df: {  	s25 =	simm.s32 $0xFA00  }
0x3e0: {  	[tilespmem:s25], [sflag:$0x1] =	stream.indirect_vreg.gather [hbm4b:s9+s1], $0x80, v7, vm1, $0x2000b8;
	[tilespmem:$0x1F400] =	vst v63  }
0x3e1: {  	s26 =	simm.s32 $0x10200  }
0x3e2: {  	[tilespmem:s26], [sflag:$0x1] =	stream.indirect_vreg.gather [hbm4b:s10+s1], $0x80, v7, vm1, $0x2000b8;
	[tilespmem:$0x1F400] =	vst v63  }
0x3e3: {  	s4 =	simm.s32 $0x10A00  }
0x3e4: {  	[tilespmem:s4], [sflag:$0x1] =	stream.indirect_vreg.gather [hbm4b:s11+s1], $0x80, v7, vm1, $0x2000b8;
	[tilespmem:$0x1F400] =	vst v63  }
0x3e5: {  	_ =	swait.ge [sflag:s7], $0x2000  }
0x3e6: {  	[sflag:s7] =	ssyncset.done $0x0  }
0x3e7: {  	[sflag:s7] =	ssyncadd.s32 $0xFFFFE000  }
0x3e8: {  	_ =	swait.ge [sflag:s8], $0x2000  }
0x3e9: {  	s25 =	sand.u32 $0x70, s1;
	s1 =	sand.u32 $0x1C00, s1;
	[sflag:s8] =	ssyncset.done $0x0  }
0x3ea: {  	s25 =	sor.u32 s25, s1;
	[sflag:s8] =	ssyncadd.s32 $0xFFFFE000  }
0x3eb: {  	v7 =	vld [tilespmem:s25+$0x1D580]  }
0x3ec: {  	v8 =	vld [tilespmem:s25+$0x1D200]  }
0x3ed: {  	v59 =	vld [tilespmem:s25+$0x1D280]  }
0x3ee: {  	v60 =	vld [tilespmem:s25+$0x1D300]  }
0x3ef: {  	v61 =	vld [tilespmem:s25+$0x1D380]  }
0x3f0: {  	v62 =	vld [tilespmem:s25+$0x1D400]  }
0x3f1: {  	v63 =	vld [tilespmem:s25+$0x1D480]  }
0x3f2: {  	[tilespmem:s25+$0x15580] =	vst.add.f32.msk $0xffff, v7  }
0x3f3: {  	v7 =	vld [tilespmem:s25+$0x1D500]  }
0x3f4: {  	[tilespmem:s25+$0x15200] =	vst.add.f32.msk $0xffff, v8  }
0x3f5: {  	[tilespmem:s25+$0x15280] =	vst.add.f32.msk $0xffff, v59  }
0x3f6: {  	[tilespmem:s25+$0x15300] =	vst.add.f32.msk $0xffff, v60  }
0x3f7: {  	[tilespmem:s25+$0x15380] =	vst.add.f32.msk $0xffff, v61  }
0x3f8: {  	s26 =	simm.s32 $0x10;
	s1 =	simm.s32 $0x80;
	[tilespmem:s25+$0x15400] =	vst.add.f32.msk $0xffff, v62  }
0x3f9: {  	s28 =	sand.u32 $0x70, s26;
	s26 =	simm.s32 $0x20;
	s31 =	sand.u32 $0x1C00, s1;
	[tilespmem:s25+$0x15480] =	vst.add.f32.msk $0xffff, v63  }
.LBB2_33:
0x3fa: {  	p1 =	sne.s32 s26, $0x3F0;
	[tilespmem:s25+$0x15500] =	vst.add.f32.msk $0xffff, v7;
	s25 =	sor.u32 s28, s31  }
0x3fb: {  	v7 =	vld [tilespmem:s25+$0x1D580]  }
0x3fc: {  	v8 =	vld [tilespmem:s25+$0x1D200]  }
0x3fd: {  	v9 =	vld [tilespmem:s25+$0x1D280]  }
0x3fe: {  	v10 =	vld [tilespmem:s25+$0x1D300]  }
0x3ff: {  	v11 =	vld [tilespmem:s25+$0x1D380]  }
0x400: {  	[tilespmem:s25+$0x15580] =	vst.add.f32.msk $0xffff, v7  }
0x401: {  	v12 =	vld [tilespmem:s25+$0x1D400]  }
0x402: {  	v13 =	vld [tilespmem:s25+$0x1D480]  }
0x403: {  	v7 =	vld [tilespmem:s25+$0x1D500]  }
0x404: {  	[tilespmem:s25+$0x15200] =	vst.add.f32.msk $0xffff, v8  }
.Ltmp16:
0x405: {  	[tilespmem:s25+$0x15280] =	vst.add.f32.msk $0xffff, v9;
	(pc) =	sbr.rel @p1 .LBB2_33-.Ltmp16, $4  }
0x406: {  	[tilespmem:s25+$0x15300] =	vst.add.f32.msk $0xffff, v10  }
0x407: {  	[tilespmem:s25+$0x15380] =	vst.add.f32.msk $0xffff, v11  }
0x408: {  	s1 =	sadd.s32 $0x80, s1;
	[tilespmem:s25+$0x15400] =	vst.add.f32.msk $0xffff, v12  }
0x409: {  	s28 =	sand.u32 $0x70, s26;
	s26 =	sadd.s32 $0x10, s26;
	s31 =	sand.u32 $0x1C00, s1;
	[tilespmem:s25+$0x15480] =	vst.add.f32.msk $0xffff, v13  }
0x40a: {  	s1 =	sor.u32 s28, s31;
	[tilespmem:s25+$0x15500] =	vst.add.f32.msk $0xffff, v7  }
0x40b: {  	v7 =	vld [tilespmem:s1+$0x1D580]  }
0x40c: {  	v8 =	vld [tilespmem:s1+$0x1D200]  }
0x40d: {  	v9 =	vld [tilespmem:s1+$0x1D280]  }
0x40e: {  	v10 =	vld [tilespmem:s1+$0x1D300]  }
0x40f: {  	v11 =	vld [tilespmem:s1+$0x1D380]  }
0x410: {  	v12 =	vld [tilespmem:s1+$0x1D480]  }
0x411: {  	v13 =	vld [tilespmem:s1+$0x1D500]  }
0x412: {  	[tilespmem:s1+$0x15580] =	vst.add.f32.msk $0xffff, v7  }
0x413: {  	v7 =	vld [tilespmem:s1+$0x1D400]  }
0x414: {  	[tilespmem:s1+$0x15200] =	vst.add.f32.msk $0xffff, v8  }
0x415: {  	[tilespmem:s1+$0x15280] =	vst.add.f32.msk $0xffff, v9  }
0x416: {  	[tilespmem:s1+$0x15300] =	vst.add.f32.msk $0xffff, v10  }
0x417: {  	[tilespmem:s1+$0x15380] =	vst.add.f32.msk $0xffff, v11  }
0x418: {  	[tilespmem:s1+$0x15480] =	vst.add.f32.msk $0xffff, v12  }
0x419: {  	s3 =	rddreg [dreg:$0x1c];
	[tilespmem:s1+$0x15500] =	vst.add.f32.msk $0xffff, v13  }
0x41a: {  	s26 =	simm.s32 $0x0;
	s4 =	sld [smem:$0x7F5];
	[tilespmem:s1+$0x15400] =	vst.add.f32.msk $0xffff, v7  }
0x41b: {  	[hbm4b:s3+s26] =	stream.linear.scatter [tilespmem:s21], [sflag:$0x3], $0x2000, $0x200038;
	[tilespmem:$0x1F400] =	vst v63  }
0x41c: {  	_ = 	snop  }
0x41d: {  	[tilespmem:s14], [sflag:$0x2] =	stream.linear.gather [hbm4b:s4+s26], $0x2000, $0x200038;
	[tilespmem:$0x1F400] =	vst v63  }
0x41e: {  	_ =	swait.ge [sflag:s22], $0x2000  }
0x41f: {  	[sflag:s22] =	ssyncset.done $0x0  }
0x420: {  	[sflag:s22] =	ssyncadd.s32 $0xFFFFE000  }
0x421: {  	v7 =	vld.msk [tilespmem:$0xB1F8], $0xff;
	_ =	sdelay $0x4  }
0x422: {  	v8 =	vshll.u32 v7, $0x3  }
0x423: {  	v7 =	vand.u32 $0x7, v7;
	v8 =	vand.u32 $0xFFFFFFC0, v8  }
0x424: {  	v7 =	vor.u32 v7, v8  }
0x425: {  	v7 =	vperm.xlane v7, v5;
	_ =	sdelay $0x1  }
0x426: {  	v7 =	vadd.s32 v6, v7;
	_ =	sdelay $0x4  }
0x427: {  	[tilespmem:s2], [sflag:$0x1] =	stream.indirect_vreg.gather [hbm4b:s29+s26], $0x80, v7, vm1, $0x2000b8;
	[tilespmem:$0x1F400] =	vst v63  }
0x428: {  	s25 =	simm.s32 $0x11A00  }
0x429: {  	[tilespmem:s25], [sflag:$0x1] =	stream.indirect_vreg.gather [hbm4b:s9+s26], $0x80, v7, vm1, $0x2000b8;
	[tilespmem:$0x1F400] =	vst v63  }
0x42a: {  	s3 =	simm.s32 $0x12200  }
0x42b: {  	[tilespmem:s3], [sflag:$0x1] =	stream.indirect_vreg.gather [hbm4b:s10+s26], $0x80, v7, vm1, $0x2000b8;
	[tilespmem:$0x1F400] =	vst v63  }
0x42c: {  	s4 =	simm.s32 $0x12A00  }
0x42d: {  	[tilespmem:s4], [sflag:$0x1] =	stream.indirect_vreg.gather [hbm4b:s11+s26], $0x80, v7, vm1, $0x2000b8;
	[tilespmem:$0x1F400] =	vst v63  }
0x42e: {  	_ =	swait.ge [sflag:s7], $0x2000  }
0x42f: {  	[sflag:s7] =	ssyncset.done $0x0  }
0x430: {  	[sflag:s7] =	ssyncadd.s32 $0xFFFFE000  }
0x431: {  	_ =	swait.ge [sflag:s8], $0x2000  }
0x432: {  	s25 =	sand.u32 $0x70, s26;
	s3 =	sand.u32 $0x1C00, s26;
	[sflag:s8] =	ssyncset.done $0x0  }
0x433: {  	s25 =	sor.u32 s25, s3;
	[sflag:s8] =	ssyncadd.s32 $0xFFFFE000  }
0x434: {  	v9 =	vld [tilespmem:s25+$0x17500]  }
0x435: {  	v10 =	vld [tilespmem:s25+$0x17380]  }
0x436: {  	v8 =	vld [tilespmem:s25+$0x17480]  }
0x437: {  	v7 =	vld [tilespmem:s25+$0x17400]  }
0x438: {  	v11 =	vld [tilespmem:s25+$0x17280]  }
0x439: {  	v63 =	vld [tilespmem:s25+$0x17300]  }
0x43a: {  	[tilespmem:s25+$0xB500] =	vst.add.f32.msk $0xffff, v9  }
0x43b: {  	[tilespmem:s25+$0xB380] =	vst.add.f32.msk $0xffff, v10  }
0x43c: {  	v9 =	vld [tilespmem:s25+$0x17200]  }
0x43d: {  	[tilespmem:s25+$0xB280] =	vst.add.f32.msk $0xffff, v11  }
0x43e: {  	s31 =	simm.s32 $0x10;
	s28 =	simm.s32 $0x0;
	[tilespmem:s25+$0xB300] =	vst.add.f32.msk $0xffff, v63  }
.LBB2_35:
0x43f: {  	p1 =	sne.s32 s31, $0x3F0;
	[tilespmem:s25+$0xB480] =	vst.add.f32.msk $0xffff, v8;
	s1 =	sor.u32 s28, s26;
	s28 =	sadd.s32 $0x80, s28  }
0x440: {  	s26 =	smov.u32 s31;
	s31 =	sadd.s32 $0x10, s31;
	[tilespmem:s25+$0xB400] =	vst.add.f32.msk $0xffff, v7;
	s1 =	sor.u32 $0x380, s1  }
0x441: {  	[tilespmem:s25+$0xB200] =	vst.add.f32.msk $0xffff, v9  }
0x442: {  	v7 =	vld [tilespmem:s1+$0x17200];
	_ =	sdelay $0x3  }
0x443: {  	s3 =	sand.u32 $0x70, s26;
	s4 =	sand.u32 $0x1C00, s28  }
0x444: {  	s25 =	sor.u32 s3, s4;
	[tilespmem:s1+$0xB200] =	vst.add.f32.msk $0xffff, v7  }
0x445: {  	v9 =	vld [tilespmem:s25+$0x17500]  }
0x446: {  	v10 =	vld [tilespmem:s25+$0x17380]  }
0x447: {  	v8 =	vld [tilespmem:s25+$0x17480]  }
0x448: {  	v7 =	vld [tilespmem:s25+$0x17400]  }
0x449: {  	v11 =	vld [tilespmem:s25+$0x17280]  }
0x44a: {  	v12 =	vld [tilespmem:s25+$0x17300]  }
.Ltmp17:
0x44b: {  	[tilespmem:s25+$0xB500] =	vst.add.f32.msk $0xffff, v9;
	(pc) =	sbr.rel @p1 .LBB2_35-.Ltmp17, $4  }
0x44c: {  	[tilespmem:s25+$0xB380] =	vst.add.f32.msk $0xffff, v10  }
0x44d: {  	v9 =	vld [tilespmem:s25+$0x17200]  }
0x44e: {  	[tilespmem:s25+$0xB280] =	vst.add.f32.msk $0xffff, v11  }
0x44f: {  	[tilespmem:s25+$0xB300] =	vst.add.f32.msk $0xffff, v12  }
0x450: {  	[tilespmem:s25+$0xB480] =	vst.add.f32.msk $0xffff, v8  }
0x451: {  	s1 =	sor.u32 s28, s26;
	[tilespmem:s25+$0xB400] =	vst.add.f32.msk $0xffff, v7  }
0x452: {  	s1 =	sor.u32 $0x380, s1;
	[tilespmem:s25+$0xB200] =	vst.add.f32.msk $0xffff, v9  }
0x453: {  	v7 =	vld [tilespmem:s1+$0x17200];
	_ =	sdelay $0x3  }
0x454: {  	s3 =	rddreg [dreg:$0x1e]  }
0x455: {  	s4 =	sld [smem:$0x7F6];
	s25 =	simm.s32 $0x0;
	[tilespmem:s1+$0xB200] =	vst.add.f32.msk $0xffff, v7  }
0x456: {  	[hbm4b:s3+s25] =	stream.linear.scatter [tilespmem:s19], [sflag:$0x3], $0x2000, $0x200038;
	[tilespmem:$0x1F400] =	vst v63  }
0x457: {  	_ = 	snop  }
0x458: {  	[tilespmem:s15], [sflag:$0x2] =	stream.linear.gather [hbm4b:s4+s25], $0x2000, $0x200038;
	[tilespmem:$0x1F400] =	vst v63  }
0x459: {  	_ =	swait.ge [sflag:s7], $0x2000  }
0x45a: {  	[sflag:s7] =	ssyncset.done $0x0  }
0x45b: {  	[sflag:s7] =	ssyncadd.s32 $0xFFFFE000  }
0x45c: {  	_ =	swait.ge [sflag:s8], $0x2000  }
0x45d: {  	s26 =	sand.u32 $0x70, s25;
	s3 =	sand.u32 $0x1C00, s25;
	[sflag:s8] =	ssyncset.done $0x0  }
0x45e: {  	s26 =	sor.u32 s26, s3;
	[sflag:s8] =	ssyncadd.s32 $0xFFFFE000  }
0x45f: {  	v9 =	vld [tilespmem:s26+$0x19500]  }
0x460: {  	v10 =	vld [tilespmem:s26+$0x19380]  }
0x461: {  	v8 =	vld [tilespmem:s26+$0x19480]  }
0x462: {  	v7 =	vld [tilespmem:s26+$0x19400]  }
0x463: {  	v11 =	vld [tilespmem:s26+$0x19280]  }
0x464: {  	v12 =	vld [tilespmem:s26+$0x19300]  }
0x465: {  	[tilespmem:s26+$0xD500] =	vst.add.f32.msk $0xffff, v9  }
0x466: {  	[tilespmem:s26+$0xD380] =	vst.add.f32.msk $0xffff, v10  }
0x467: {  	v9 =	vld [tilespmem:s26+$0x19200]  }
0x468: {  	[tilespmem:s26+$0xD280] =	vst.add.f32.msk $0xffff, v11  }
0x469: {  	s31 =	simm.s32 $0x10;
	s28 =	simm.s32 $0x0;
	[tilespmem:s26+$0xD300] =	vst.add.f32.msk $0xffff, v12  }
.LBB2_37:
0x46a: {  	p1 =	sne.s32 s31, $0x3F0;
	[tilespmem:s26+$0xD480] =	vst.add.f32.msk $0xffff, v8;
	s1 =	sor.u32 s28, s25;
	s28 =	sadd.s32 $0x80, s28  }
0x46b: {  	s25 =	smov.u32 s31;
	s31 =	sadd.s32 $0x10, s31;
	[tilespmem:s26+$0xD400] =	vst.add.f32.msk $0xffff, v7;
	s1 =	sor.u32 $0x2380, s1  }
0x46c: {  	[tilespmem:s26+$0xD200] =	vst.add.f32.msk $0xffff, v9  }
0x46d: {  	v7 =	vld [tilespmem:s1+$0x17200];
	_ =	sdelay $0x3  }
0x46e: {  	s3 =	sand.u32 $0x70, s25;
	s4 =	sand.u32 $0x1C00, s28  }
0x46f: {  	s26 =	sor.u32 s3, s4;
	[tilespmem:s1+$0xB200] =	vst.add.f32.msk $0xffff, v7  }
0x470: {  	v9 =	vld [tilespmem:s26+$0x19500]  }
0x471: {  	v10 =	vld [tilespmem:s26+$0x19380]  }
0x472: {  	v8 =	vld [tilespmem:s26+$0x19480]  }
0x473: {  	v7 =	vld [tilespmem:s26+$0x19400]  }
0x474: {  	v11 =	vld [tilespmem:s26+$0x19280]  }
0x475: {  	v12 =	vld [tilespmem:s26+$0x19300]  }
.Ltmp18:
0x476: {  	[tilespmem:s26+$0xD500] =	vst.add.f32.msk $0xffff, v9;
	(pc) =	sbr.rel @p1 .LBB2_37-.Ltmp18, $4  }
0x477: {  	[tilespmem:s26+$0xD380] =	vst.add.f32.msk $0xffff, v10  }
0x478: {  	v9 =	vld [tilespmem:s26+$0x19200]  }
0x479: {  	[tilespmem:s26+$0xD280] =	vst.add.f32.msk $0xffff, v11  }
0x47a: {  	[tilespmem:s26+$0xD300] =	vst.add.f32.msk $0xffff, v12  }
0x47b: {  	[tilespmem:s26+$0xD480] =	vst.add.f32.msk $0xffff, v8  }
0x47c: {  	s1 =	sor.u32 s28, s25;
	[tilespmem:s26+$0xD400] =	vst.add.f32.msk $0xffff, v7  }
0x47d: {  	s1 =	sor.u32 $0x2380, s1;
	[tilespmem:s26+$0xD200] =	vst.add.f32.msk $0xffff, v9  }
0x47e: {  	v7 =	vld [tilespmem:s1+$0x17200];
	_ =	sdelay $0x2  }
0x47f: {  	s4 =	sld [smem:$0x7F7];
	_ =	sdelay $0x1  }
0x480: {  	s25 =	simm.s32 $0x0;
	[tilespmem:s1+$0xB200] =	vst.add.f32.msk $0xffff, v7  }
0x481: {  	[hbm4b:s4+s25] =	stream.linear.scatter [tilespmem:s23], [sflag:$0x3], $0x2000, $0x200038;
	[tilespmem:$0x1F400] =	vst v63  }
0x482: {  	_ =	swait.ge [sflag:s7], $0x2000  }
0x483: {  	[sflag:s7] =	ssyncset.done $0x0  }
0x484: {  	[sflag:s7] =	ssyncadd.s32 $0xFFFFE000  }
0x485: {  	_ =	swait.ge [sflag:s8], $0x2000  }
0x486: {  	s3 =	sand.u32 $0x1C00, s25;
	s26 =	sand.u32 $0x70, s25;
	[sflag:s8] =	ssyncset.done $0x0  }
0x487: {  	s26 =	sor.u32 s26, s3;
	[sflag:s8] =	ssyncadd.s32 $0xFFFFE000  }
0x488: {  	v9 =	vld [tilespmem:s26+$0x1B500]  }
0x489: {  	v10 =	vld [tilespmem:s26+$0x1B380]  }
0x48a: {  	v8 =	vld [tilespmem:s26+$0x1B480]  }
0x48b: {  	v7 =	vld [tilespmem:s26+$0x1B400]  }
0x48c: {  	v11 =	vld [tilespmem:s26+$0x1B280]  }
0x48d: {  	v12 =	vld [tilespmem:s26+$0x1B300]  }
0x48e: {  	[tilespmem:s26+$0xF500] =	vst.add.f32.msk $0xffff, v9  }
0x48f: {  	[tilespmem:s26+$0xF380] =	vst.add.f32.msk $0xffff, v10  }
0x490: {  	v9 =	vld [tilespmem:s26+$0x1B200]  }
0x491: {  	[tilespmem:s26+$0xF280] =	vst.add.f32.msk $0xffff, v11  }
0x492: {  	s31 =	simm.s32 $0x10;
	s28 =	simm.s32 $0x0;
	[tilespmem:s26+$0xF300] =	vst.add.f32.msk $0xffff, v12  }
.LBB2_39:
0x493: {  	p1 =	sne.s32 s31, $0x3F0;
	[tilespmem:s26+$0xF480] =	vst.add.f32.msk $0xffff, v8;
	s1 =	sor.u32 s28, s25;
	s28 =	sadd.s32 $0x80, s28  }
0x494: {  	s25 =	smov.u32 s31;
	s31 =	sadd.s32 $0x10, s31;
	[tilespmem:s26+$0xF400] =	vst.add.f32.msk $0xffff, v7;
	s1 =	sor.u32 $0x4380, s1  }
0x495: {  	[tilespmem:s26+$0xF200] =	vst.add.f32.msk $0xffff, v9  }
0x496: {  	v7 =	vld [tilespmem:s1+$0x17200];
	_ =	sdelay $0x3  }
0x497: {  	s3 =	sand.u32 $0x70, s25;
	s4 =	sand.u32 $0x1C00, s28  }
0x498: {  	s26 =	sor.u32 s3, s4;
	[tilespmem:s1+$0xB200] =	vst.add.f32.msk $0xffff, v7  }
0x499: {  	v9 =	vld [tilespmem:s26+$0x1B500]  }
0x49a: {  	v10 =	vld [tilespmem:s26+$0x1B380]  }
0x49b: {  	v8 =	vld [tilespmem:s26+$0x1B480]  }
0x49c: {  	v7 =	vld [tilespmem:s26+$0x1B400]  }
0x49d: {  	v11 =	vld [tilespmem:s26+$0x1B280]  }
0x49e: {  	v12 =	vld [tilespmem:s26+$0x1B300]  }
.Ltmp19:
0x49f: {  	[tilespmem:s26+$0xF500] =	vst.add.f32.msk $0xffff, v9;
	(pc) =	sbr.rel @p1 .LBB2_39-.Ltmp19, $4  }
0x4a0: {  	[tilespmem:s26+$0xF380] =	vst.add.f32.msk $0xffff, v10  }
0x4a1: {  	v9 =	vld [tilespmem:s26+$0x1B200]  }
0x4a2: {  	[tilespmem:s26+$0xF280] =	vst.add.f32.msk $0xffff, v11  }
0x4a3: {  	[tilespmem:s26+$0xF300] =	vst.add.f32.msk $0xffff, v12  }
0x4a4: {  	[tilespmem:s26+$0xF480] =	vst.add.f32.msk $0xffff, v8  }
0x4a5: {  	s1 =	sor.u32 s28, s25;
	[tilespmem:s26+$0xF400] =	vst.add.f32.msk $0xffff, v7  }
0x4a6: {  	s1 =	sor.u32 $0x4380, s1;
	[tilespmem:s26+$0xF200] =	vst.add.f32.msk $0xffff, v9  }
0x4a7: {  	v7 =	vld [tilespmem:s1+$0x17200];
	_ =	sdelay $0x2  }
0x4a8: {  	s4 =	sld [smem:$0x7F8];
	_ =	sdelay $0x1  }
0x4a9: {  	s25 =	simm.s32 $0x0;
	[tilespmem:s1+$0xB200] =	vst.add.f32.msk $0xffff, v7  }
0x4aa: {  	[hbm4b:s4+s25] =	stream.linear.scatter [tilespmem:s30], [sflag:$0x3], $0x2000, $0x200038;
	[tilespmem:$0x1F400] =	vst v63  }
0x4ab: {  	_ =	swait.ge [sflag:s7], $0x2000  }
0x4ac: {  	[sflag:s7] =	ssyncset.done $0x0  }
0x4ad: {  	[sflag:s7] =	ssyncadd.s32 $0xFFFFE000  }
0x4ae: {  	_ =	swait.ge [sflag:s8], $0x2000  }
0x4af: {  	s3 =	sand.u32 $0x1C00, s25;
	s26 =	sand.u32 $0x70, s25;
	[sflag:s8] =	ssyncset.done $0x0  }
0x4b0: {  	s26 =	sor.u32 s26, s3;
	[sflag:s8] =	ssyncadd.s32 $0xFFFFE000  }
0x4b1: {  	v9 =	vld [tilespmem:s26+$0x1D500]  }
0x4b2: {  	v10 =	vld [tilespmem:s26+$0x1D380]  }
0x4b3: {  	v8 =	vld [tilespmem:s26+$0x1D480]  }
0x4b4: {  	v7 =	vld [tilespmem:s26+$0x1D400]  }
0x4b5: {  	v11 =	vld [tilespmem:s26+$0x1D280]  }
0x4b6: {  	v12 =	vld [tilespmem:s26+$0x1D300]  }
0x4b7: {  	[tilespmem:s26+$0x11500] =	vst.add.f32.msk $0xffff, v9  }
0x4b8: {  	[tilespmem:s26+$0x11380] =	vst.add.f32.msk $0xffff, v10  }
0x4b9: {  	v9 =	vld [tilespmem:s26+$0x1D200]  }
0x4ba: {  	[tilespmem:s26+$0x11280] =	vst.add.f32.msk $0xffff, v11  }
0x4bb: {  	s31 =	simm.s32 $0x10;
	s28 =	simm.s32 $0x0;
	[tilespmem:s26+$0x11300] =	vst.add.f32.msk $0xffff, v12  }
.LBB2_41:
0x4bc: {  	p1 =	sne.s32 s31, $0x3F0;
	[tilespmem:s26+$0x11480] =	vst.add.f32.msk $0xffff, v8;
	s1 =	sor.u32 s28, s25;
	s28 =	sadd.s32 $0x80, s28  }
0x4bd: {  	s25 =	smov.u32 s31;
	s31 =	sadd.s32 $0x10, s31;
	[tilespmem:s26+$0x11400] =	vst.add.f32.msk $0xffff, v7;
	s1 =	sor.u32 $0x6380, s1  }
0x4be: {  	[tilespmem:s26+$0x11200] =	vst.add.f32.msk $0xffff, v9  }
0x4bf: {  	v7 =	vld [tilespmem:s1+$0x17200];
	_ =	sdelay $0x3  }
0x4c0: {  	s3 =	sand.u32 $0x70, s25;
	s4 =	sand.u32 $0x1C00, s28  }
0x4c1: {  	s26 =	sor.u32 s3, s4;
	[tilespmem:s1+$0xB200] =	vst.add.f32.msk $0xffff, v7  }
0x4c2: {  	v9 =	vld [tilespmem:s26+$0x1D500]  }
0x4c3: {  	v10 =	vld [tilespmem:s26+$0x1D380]  }
0x4c4: {  	v8 =	vld [tilespmem:s26+$0x1D480]  }
0x4c5: {  	v7 =	vld [tilespmem:s26+$0x1D400]  }
0x4c6: {  	v11 =	vld [tilespmem:s26+$0x1D280]  }
0x4c7: {  	v12 =	vld [tilespmem:s26+$0x1D300]  }
.Ltmp20:
0x4c8: {  	[tilespmem:s26+$0x11500] =	vst.add.f32.msk $0xffff, v9;
	(pc) =	sbr.rel @p1 .LBB2_41-.Ltmp20, $4  }
0x4c9: {  	[tilespmem:s26+$0x11380] =	vst.add.f32.msk $0xffff, v10  }
0x4ca: {  	v9 =	vld [tilespmem:s26+$0x1D200]  }
0x4cb: {  	[tilespmem:s26+$0x11280] =	vst.add.f32.msk $0xffff, v11  }
0x4cc: {  	[tilespmem:s26+$0x11300] =	vst.add.f32.msk $0xffff, v12  }
0x4cd: {  	[tilespmem:s26+$0x11480] =	vst.add.f32.msk $0xffff, v8  }
0x4ce: {  	s1 =	sor.u32 s28, s25;
	[tilespmem:s26+$0x11400] =	vst.add.f32.msk $0xffff, v7  }
0x4cf: {  	s1 =	sor.u32 $0x6380, s1;
	[tilespmem:s26+$0x11200] =	vst.add.f32.msk $0xffff, v9  }
0x4d0: {  	v7 =	vld [tilespmem:s1+$0x17200];
	_ =	sdelay $0x2  }
0x4d1: {  	s28 =	sld [smem:$0x7F9];
	_ =	sdelay $0x1  }
0x4d2: {  	[tilespmem:s1+$0xB200] =	vst.add.f32.msk $0xffff, v7  }
0x4d3: {  	[hbm4b:s28+s0] =	stream.linear.scatter [tilespmem:s2], [sflag:$0x3], $0x2000, $0x200038;
	[tilespmem:$0x1F400] =	vst v63  }
0x4d4: {  	_ =	swait.ge [sflag:s22], $0x2000  }
0x4d5: {  	[sflag:s22] =	ssyncset.done $0x0  }
0x4d6: {  	[sflag:s22] =	ssyncadd.s32 $0xFFFFE000  }
0x4d7: {  	_ =	swait.ge [sflag:s22], $0x2000  }
0x4d8: {  	[sflag:s22] =	ssyncset.done $0x0  }
0x4d9: {  	[sflag:s22] =	ssyncadd.s32 $0xFFFFE000  }
0x4da: {  	_ =	swait.ge [sflag:s22], $0x2000  }
0x4db: {  	[sflag:s22] =	ssyncset.done $0x0  }
0x4dc: {  	[sflag:s22] =	ssyncadd.s32 $0xFFFFE000  }
0x4dd: {  	_ =	swait.ge [sflag:s22], $0x2000  }
0x4de: {  	[sflag:s22] =	ssyncset.done $0x0  }
0x4df: {  	[sflag:s22] =	ssyncadd.s32 $0xFFFFE000  }
0x4e0: {  	_ =	swait.ge [sflag:s22], $0x2000  }
0x4e1: {  	[sflag:s22] =	ssyncset.done $0x0  }
0x4e2: {  	[sflag:s22] =	ssyncadd.s32 $0xFFFFE000  }
0x4e3: {  	_ =	swait.ge [sflag:s22], $0x2000  }
0x4e4: {  	s31 =	sld [smem:$0x7FD];
	_ =	sdelay $0x1  }
0x4e5: {  	s24 =	sadd.s32 $0x1, s24  }
0x4e6: {  	p1 =	sne.s32 s24, s31  }
.Ltmp21:
0x4e7: {  	_ = 	snop;
	(pc) =	sbr.rel @p1 .LBB2_1-.Ltmp21, $4  }
0x4e8: {  	_ = 	snop  }
0x4e9: {  	[sflag:s22] =	ssyncset.done $0x0  }
0x4ea: {  	[sflag:s22] =	ssyncadd.s32 $0xFFFFE000  }
0x4eb: {  	_ =	strace $0x9000004A  }
0x4ec: {  	_ =	sfence.sel $0x180000  }
0x4ed: {  	[bflag:$0x0] =	sbarrier.arrive $0xFFFF  }
0x4ee: {  	_ =	strace $0x90000047  }
0x4ef: {  	[bflag:$0x2] =	sbarrier.arrive $0xFFFF  }
0x4f0: {  	s0 =	rddreg [dreg:$0x6]  }
0x4f1: {  	s0 =	sadd.s32 @!p0 $0x100000, s0  }
0x4f2: {  	[sflag:s0] =	ssyncadd.tile.s32 @!p0 $0x1;
	_ =	shalt  }
.Lfunc_end2:
_tile_overlayer_lowered:
.L_overlay_start_2:
0x4f3: {  	(tag) =	ssettag $0x2  }
0x4f4: {  	s0 =	rddreg [dreg:$0x0];
	s2 =	stileid.u32  }
0x4f5: {  	s1 =	rddreg [dreg:$0x1];
	p0 =	sne.s32 s2, $0x0  }
0x4f6: {  	s3 =	rddreg [dreg:$0x2];
	[bflag:$0x3] =	sbarrier.arrive $0xFFFF;
	s2 =	simm.s32 @!p0 $0x1C04  }
0x4f7: {  	[timem:s3], [sflag:s2] =	dma.local @!p0 [hbm:s0], s1  }
0x4f8: {  	s0 =	simm.s32 @!p0 $0x4  }
0x4f9: {  	_ =	swait.ge @!p0 [sflag:s0], s1  }
0x4fa: {  	s1 =	ssub.s32 @!p0 $0x0, s1;
	[sflag:s0] =	ssyncset.done @!p0 $0x0  }
0x4fb: {  	[sflag:s0] =	ssyncadd.s32 @!p0 s1  }
0x4fc: {  	[bflag:$0x3] =	sbarrier.arrive $0xFFFF  }
0x4fd: {  	_ =	shalt  }

</sc_bundles>
